<compile_context>
chip_gen: v7x
topology: tpu7x:2x2x1
jax: 0.10.2.dev20260603
libtpu: 0.0.44.dev20260713+nightly
codegen_flags: <defaults>
</compile_context>

<pallas_src>
import jax
import jax.numpy as jnp
from jax import lax
from jax.experimental import pallas as pl
from jax.experimental.pallas import tpu as pltpu
from jax.experimental.pallas import tpu_sc as plsc

N = 10000
E = 320000
D = 128
HID = 128
OUT = 10
G = 64

NC = 2
NS = 16
NW = NC * NS

CHUNK = 128
TOT_CHUNKS = E // CHUNK
BLK = 4
TOT_BLKS = TOT_CHUNKS // BLK
BLKS_LO = TOT_BLKS // NW
EXTRA = TOT_BLKS - NW * BLKS_LO
AGG_ROWS = 10112
ROWS_PER_TILE = AGG_ROWS // NS


def _sc_agg_body(x_hbm, idx_hbm, zeros_hbm, out_hbm,
                 src_v, dst_v, rows_v, agg_sh, gsem, isem):
    c = lax.axis_index("c")
    s = lax.axis_index("s")
    wid = c * NS + s
    r0 = s * ROWS_PER_TILE
    nblk = BLKS_LO + jnp.where(wid < EXTRA, 1, 0)
    base = (wid * BLKS_LO + jnp.minimum(wid, EXTRA)) * BLK

    pltpu.sync_copy(idx_hbm.at[0, pl.ds(base, BLK)], src_v.at[0])
    pltpu.sync_copy(idx_hbm.at[1, pl.ds(base, BLK)], dst_v.at[0])
    pltpu.async_copy(idx_hbm.at[0, pl.ds(base + BLK, BLK)], src_v.at[1],
                     isem.at[1])
    pltpu.async_copy(idx_hbm.at[1, pl.ds(base + BLK, BLK)], dst_v.at[1],
                     isem.at[1])

    zdesc = pltpu.make_async_copy(zeros_hbm, rows_v.at[1], gsem.at[1])
    zdesc.start()
    pltpu.async_copy(x_hbm.at[src_v.at[0, 0]], rows_v.at[0], gsem.at[0])
    zdesc.wait()
    for k in range(4):
        pltpu.sync_copy(rows_v.at[1],
                        agg_sh.at[pl.ds(r0 + k * CHUNK, CHUNK)])
    pltpu.sync_copy(rows_v.at[1, pl.ds(0, ROWS_PER_TILE - 4 * CHUNK)],
                    agg_sh.at[pl.ds(r0 + 4 * CHUNK,
                                    ROWS_PER_TILE - 4 * CHUNK)])
    pltpu.async_copy(x_hbm.at[src_v.at[0, 1]], rows_v.at[1], gsem.at[1])
    plsc.subcore_barrier()

    def block(b, carry):
        p = b % 2
        q = 1 - p
        for r in range(BLK):
            rb = r % 2
            pltpu.make_async_copy(x_hbm.at[src_v.at[p, r]],
                                  rows_v.at[rb], gsem.at[rb]).wait()
            pltpu.sync_copy(rows_v.at[rb], agg_sh.at[dst_v.at[p, r]],
                            add=True)
            if r < BLK - 2:
                pltpu.async_copy(x_hbm.at[src_v.at[p, r + 2]],
                                 rows_v.at[rb], gsem.at[rb])
            else:
                @pl.when(b + 1 < nblk)
                def _():
                    if r == BLK - 2:
                        pltpu.make_async_copy(
                            idx_hbm.at[0, pl.ds(base + (b + 1) * BLK, BLK)],
                            src_v.at[q], isem.at[q]).wait()
                        pltpu.make_async_copy(
                            idx_hbm.at[1, pl.ds(base + (b + 1) * BLK, BLK)],
                            dst_v.at[q], isem.at[q]).wait()
                    pltpu.async_copy(x_hbm.at[src_v.at[q, r - BLK + 2]],
                                     rows_v.at[rb], gsem.at[rb])
                if r == BLK - 1:
                    @pl.when(b + 2 < nblk)
                    def _():
                        pltpu.async_copy(
                            idx_hbm.at[0, pl.ds(base + (b + 2) * BLK, BLK)],
                            src_v.at[p], isem.at[p])
                        pltpu.async_copy(
                            idx_hbm.at[1, pl.ds(base + (b + 2) * BLK, BLK)],
                            dst_v.at[p], isem.at[p])
        return carry

    lax.fori_loop(0, nblk, block, 0)
    plsc.subcore_barrier()

    pltpu.sync_copy(agg_sh.at[pl.ds(r0, ROWS_PER_TILE)],
                    out_hbm.at[c].at[pl.ds(r0, ROWS_PER_TILE)])


_sc_agg = pl.kernel(
    _sc_agg_body,
    out_type=jax.ShapeDtypeStruct((NC, AGG_ROWS, D), jnp.float32),
    mesh=plsc.VectorSubcoreMesh(core_axis_name="c", subcore_axis_name="s",
                                num_cores=NC, num_subcores=NS),
    scratch_types=[
        pltpu.VMEM((2, BLK, CHUNK), jnp.int32),
        pltpu.VMEM((2, BLK, CHUNK), jnp.int32),
        pltpu.VMEM((2, CHUNK, D), jnp.float32),
        pltpu.VMEM_SHARED((AGG_ROWS, D), jnp.float32),
        pltpu.SemaphoreType.DMA((2,)),
        pltpu.SemaphoreType.DMA((2,)),
    ],
)


def _dense1_body(aggp_ref, x_ref, wrel_ref, b_ref, wroot_ref, g_ref, be_ref,
                 out_ref):
    agg = aggp_ref[0, :N, :] + aggp_ref[1, :N, :]
    x = x_ref[...]
    y = lax.dot_general(agg, wrel_ref[...], (((1,), (1,)), ((), ())),
                        preferred_element_type=jnp.float32)
    y += lax.dot_general(x, wroot_ref[...], (((1,), (1,)), ((), ())),
                         preferred_element_type=jnp.float32)
    y += b_ref[...][None, :]
    mean = jnp.mean(y, axis=0, keepdims=True)
    var = jnp.mean((y - mean) * (y - mean), axis=0, keepdims=True)
    yn = (y - mean) * lax.rsqrt(var + 1e-5)
    yn = yn * g_ref[...][None, :] + be_ref[...][None, :]
    out_ref[...] = jnp.maximum(yn, 0.0)


_dense1 = pl.pallas_call(
    _dense1_body,
    out_shape=jax.ShapeDtypeStruct((N, HID), jnp.float32),
)


def _dense2_body(aggp_ref, h_ref, batch_ref, wrel_ref, b_ref, wroot_ref,
                 g_ref, be_ref, wc_ref, bc_ref, logits_ref, h2_ref):
    agg = aggp_ref[0, :N, :] + aggp_ref[1, :N, :]
    h = h_ref[...]
    y = lax.dot_general(agg, wrel_ref[...], (((1,), (1,)), ((), ())),
                        preferred_element_type=jnp.float32)
    y += lax.dot_general(h, wroot_ref[...], (((1,), (1,)), ((), ())),
                         preferred_element_type=jnp.float32)
    y += b_ref[...][None, :]
    mean = jnp.mean(y, axis=0, keepdims=True)
    var = jnp.mean((y - mean) * (y - mean), axis=0, keepdims=True)
    yn = (y - mean) * lax.rsqrt(var + 1e-5)
    yn = yn * g_ref[...][None, :] + be_ref[...][None, :]
    h2 = jnp.maximum(yn, 0.0)
    h2_ref[...] = h2

    gids = lax.broadcasted_iota(jnp.int32, (G, N), 0)
    onehot = jnp.where(batch_ref[...] == gids, 1.0, 0.0)
    pooled = lax.dot_general(onehot, h2, (((1,), (0,)), ((), ())),
                             preferred_element_type=jnp.float32)
    logits = lax.dot_general(pooled, wc_ref[...], (((1,), (1,)), ((), ())),
                             preferred_element_type=jnp.float32)
    logits_ref[...] = logits + bc_ref[...][None, :]


_dense2 = pl.pallas_call(
    _dense2_body,
    out_shape=[
        jax.ShapeDtypeStruct((G, OUT), jnp.float32),
        jax.ShapeDtypeStruct((N, HID), jnp.float32),
    ],
)


@jax.jit
def kernel(x, edge_index, batch, W1_rel, b1, W1_root, g1, be1,
           W2_rel, b2, W2_root, g2, be2, Wc, bc):
    idx_all = edge_index.reshape(2, TOT_CHUNKS, CHUNK)
    zeros = jnp.zeros((CHUNK, D), jnp.float32)

    aggp1 = _sc_agg(x, idx_all, zeros)
    h1 = _dense1(aggp1, x, W1_rel, b1, W1_root, g1, be1)
    aggp2 = _sc_agg(h1, idx_all, zeros)
    logits, h2 = _dense2(aggp2, h1, batch.reshape(1, N), W2_rel, b2,
                         W2_root, g2, be2, Wc, bc)
    return (logits, h2)

# --- scband reference (transcript-rebuilt; emitter-appended) ---
"""Pipeline reference for scband-baseline-gcn-58153857188497 (READ-ONLY COPY).

The authoritative reference and input builder live on the scoring server;
editing this copy changes nothing except your own understanding.
"""

import jax, jax.numpy as jnp
import numpy as np

N = 10000
E = 320000
D_IN = 128
HID = 128
OUT = 10
G = 64


def setup_inputs(seed: int = 0) -> dict:
    key = jax.random.key(seed)
    ks = jax.random.split(key, 16)
    x = jax.random.normal(ks[0], (N, D_IN), dtype=jnp.float32)
    edge_index = jax.random.randint(ks[1], (2, E), 0, N, dtype=jnp.int32)
    batch = jnp.sort(jax.random.randint(ks[2], (N,), 0, G, dtype=jnp.int32))
    s_in = 1.0 / np.sqrt(D_IN)
    s_h = 1.0 / np.sqrt(HID)
    params = {
        'W1_rel': jax.random.normal(ks[3], (HID, D_IN), jnp.float32) * s_in,
        'b1': jnp.zeros((HID,), jnp.float32),
        'W1_root': jax.random.normal(ks[4], (HID, D_IN), jnp.float32) * s_in,
        'g1': jnp.ones((HID,), jnp.float32),
        'be1': jnp.zeros((HID,), jnp.float32),
        'W2_rel': jax.random.normal(ks[5], (HID, HID), jnp.float32) * s_h,
        'b2': jnp.zeros((HID,), jnp.float32),
        'W2_root': jax.random.normal(ks[6], (HID, HID), jnp.float32) * s_h,
        'g2': jnp.ones((HID,), jnp.float32),
        'be2': jnp.zeros((HID,), jnp.float32),
        'Wc': jax.random.normal(ks[7], (OUT, HID), jnp.float32) * s_h,
        'bc': jnp.zeros((OUT,), jnp.float32),
    }
    inp = {'x': x, 'edge_index': edge_index, 'batch': batch}
    inp.update(params)
    return inp


def _graph_conv(x, edge_index, W_rel, b_rel, W_root):
    # PyG GraphConv: out = lin_rel(sum_{j->i} x_j) + lin_root(x_i)
    src = edge_index[0]
    dst = edge_index[1]
    msgs = jnp.take(x, src, axis=0)
    agg = jax.ops.segment_sum(msgs, dst, num_segments=N)
    return agg @ W_rel.T + b_rel + x @ W_root.T


def _batch_norm(x, gamma, beta, eps=1e-5):
    mean = jnp.mean(x, axis=0)
    var = jnp.var(x, axis=0)
    return (x - mean) / jnp.sqrt(var + eps) * gamma + beta


def reference(x, edge_index, batch, W1_rel, b1, W1_root, g1, be1, W2_rel, b2, W2_root, g2, be2, Wc, bc):
    h = _graph_conv(x, edge_index, W1_rel, b1, W1_root)
    h = jax.nn.relu(_batch_norm(h, g1, be1))
    # dropout: identity in deterministic reference (eval mode)
    h = _graph_conv(h, edge_index, W2_rel, b2, W2_root)
    h = jax.nn.relu(_batch_norm(h, g2, be2))
    pooled = jax.ops.segment_sum(h, batch, num_segments=G)  # global_add_pool
    logits = pooled @ Wc.T + bc
    return (logits, h)

if __name__ == "__main__":
    import jax
    _d = setup_inputs()
    print(jax.jit(kernel)(*tuple(_d.values())))

</pallas_src>

<mosaic_0001>
#map = affine_map<(d0, d1) -> (0, 0)>
#map1 = affine_map<(d0, d1) -> (0, 0, 0)>
module attributes {stable_mosaic.version = 14 : i64} {
  func.func @_sc_agg_body(%arg0: i32, %arg1: i32, %arg2: memref<10000x128xf32, #tpu.memory_space<hbm>>, %arg3: memref<2x2500x128xi32, #tpu.memory_space<hbm>>, %arg4: memref<128x128xf32, #tpu.memory_space<hbm>>, %arg5: memref<2x10112x128xf32, #tpu.memory_space<hbm>>, %arg6: memref<2x4x128xi32, #tpu.memory_space<vmem>>, %arg7: memref<2x4x128xi32, #tpu.memory_space<vmem>>, %arg8: memref<2x128x128xf32, #tpu.memory_space<vmem>>, %arg9: memref<10112x128xf32, #tpu.memory_space<vmem_shared>>, %arg10: memref<2x!tpu.dma_semaphore, #tpu.memory_space<semaphore_mem>>, %arg11: memref<2x!tpu.dma_semaphore, #tpu.memory_space<semaphore_mem>>) attributes {dimension_semantics = [#tpu.dimension_semantics<core_parallel>, #tpu.dimension_semantics<subcore_parallel>], iteration_bounds = array<i64: 2, 16>, scalar_prefetch = 0 : i64, scratch_operands = 6 : i64, tpu.core_type = #tpu.core_type<sc_vector_subcore>, window_params = [{transform_indices = #map}, {transform_indices = #map1}, {transform_indices = #map}, {transform_indices = #map1}]} {
    %mul3A = arith.constant 16 : i32
    %mul3A_0 = arith.muli %arg0, %mul3A : i32
    %add3A = arith.addi %mul3A_0, %arg1 : i32
    %mul3A_1 = arith.constant 632 : i32
    %mul3A_2 = arith.muli %arg1, %mul3A_1 : i32
    %lt3A = arith.constant 17 : i32
    %lt3A_3 = arith.cmpi slt, %add3A, %lt3A : i32
    %jit3A = arith.constant 1 : i32
    %jit3A_4 = arith.constant 0 : i32
    %select_n3A = arith.select %lt3A_3, %jit3A, %jit3A_4 : i32
    %add3A_5 = arith.constant 19 : i32
    %add3A_6 = arith.addi %add3A_5, %select_n3A : i32
    %mul3A_7 = arith.constant 19 : i32
    %mul3A_8 = arith.muli %add3A, %mul3A_7 : i32
    %min3A = arith.constant 17 : i32
    %min3A_9 = arith.minsi %add3A, %min3A : i32
    %add3A_10 = arith.addi %mul3A_8, %min3A_9 : i32
    %mul3A_11 = arith.constant 4 : i32
    %mul3A_12 = arith.muli %add3A_10, %mul3A_11 : i32
    %run_scoped3A = arith.constant 0 : i32
    %run_scoped3A_13 = arith.constant 0 : i32
    "tpu.region"() ({
      %run_scoped3A_137 = tpu.sem_alloc : memref<!tpu.dma_semaphore, #tpu.memory_space<semaphore_mem>>
      %dma_start3A_138 = arith.constant 0 : i32
      %dma_start3A_139 = arith.constant 0 : i32
      %dma_start3A_140 = tpu.memref_slice %arg6[%run_scoped3A_13, %dma_start3A_138, %dma_start3A_139] : memref<2x4x128xi32, #tpu.memory_space<vmem>> -> memref<1x4x128xi32, #tpu.memory_space<vmem>>
      %dma_start3A_141 = tpu.memref_squeeze %dma_start3A_140 : memref<1x4x128xi32, #tpu.memory_space<vmem>> -> memref<4x128xi32, #tpu.memory_space<vmem>>
      %dma_start3A_142 = arith.constant 0 : i32
      %dma_start3A_143 = tpu.memref_slice %arg3[%run_scoped3A, %mul3A_12, %dma_start3A_142] : memref<2x2500x128xi32, #tpu.memory_space<hbm>> -> memref<1x4x128xi32, #tpu.memory_space<hbm>>
      %dma_start3A_144 = tpu.memref_squeeze %dma_start3A_143 : memref<1x4x128xi32, #tpu.memory_space<hbm>> -> memref<4x128xi32, #tpu.memory_space<hbm>>
      %dma_start3A_145 = arith.constant 0 : i32
      %dma_start3A_146 = arith.constant 0 : i32
      %dma_start3A_147 = tpu.memref_slice %arg6[%run_scoped3A_13, %dma_start3A_145, %dma_start3A_146] : memref<2x4x128xi32, #tpu.memory_space<vmem>> -> memref<1x4x128xi32, #tpu.memory_space<vmem>>
      %dma_start3A_148 = tpu.memref_squeeze %dma_start3A_147 : memref<1x4x128xi32, #tpu.memory_space<vmem>> -> memref<4x128xi32, #tpu.memory_space<vmem>>
      %dma_start3A_149 = arith.constant 0 : i32
      %dma_start3A_150 = tpu.memref_slice %arg3[%run_scoped3A, %mul3A_12, %dma_start3A_149] : memref<2x2500x128xi32, #tpu.memory_space<hbm>> -> memref<1x4x128xi32, #tpu.memory_space<hbm>>
      %dma_start3A_151 = tpu.memref_squeeze %dma_start3A_150 : memref<1x4x128xi32, #tpu.memory_space<hbm>> -> memref<4x128xi32, #tpu.memory_space<hbm>>
      tpu.enqueue_dma source(%dma_start3A_151 : memref<4x128xi32, #tpu.memory_space<hbm>>) target(%dma_start3A_148 : memref<4x128xi32, #tpu.memory_space<vmem>>) target_semaphore(%run_scoped3A_137 : memref<!tpu.dma_semaphore, #tpu.memory_space<semaphore_mem>>)
      %dma_wait3A_152 = arith.constant 0 : i32
      %dma_wait3A_153 = arith.constant 0 : i32
      %dma_wait3A_154 = tpu.memref_slice %arg6[%run_scoped3A_13, %dma_wait3A_152, %dma_wait3A_153] : memref<2x4x128xi32, #tpu.memory_space<vmem>> -> memref<1x4x128xi32, #tpu.memory_space<vmem>>
      %dma_wait3A_155 = tpu.memref_squeeze %dma_wait3A_154 : memref<1x4x128xi32, #tpu.memory_space<vmem>> -> memref<4x128xi32, #tpu.memory_space<vmem>>
      %dma_wait3A_156 = arith.constant 0 : i32
      %dma_wait3A_157 = tpu.memref_slice %arg3[%run_scoped3A, %mul3A_12, %dma_wait3A_156] : memref<2x2500x128xi32, #tpu.memory_space<hbm>> -> memref<1x4x128xi32, #tpu.memory_space<hbm>>
      %dma_wait3A_158 = tpu.memref_squeeze %dma_wait3A_157 : memref<1x4x128xi32, #tpu.memory_space<hbm>> -> memref<4x128xi32, #tpu.memory_space<hbm>>
      %dma_wait3A_159 = arith.constant 0 : i32
      %dma_wait3A_160 = arith.constant 0 : i32
      %dma_wait3A_161 = tpu.memref_slice %arg6[%run_scoped3A_13, %dma_wait3A_159, %dma_wait3A_160] : memref<2x4x128xi32, #tpu.memory_space<vmem>> -> memref<1x4x128xi32, #tpu.memory_space<vmem>>
      %dma_wait3A_162 = tpu.memref_squeeze %dma_wait3A_161 : memref<1x4x128xi32, #tpu.memory_space<vmem>> -> memref<4x128xi32, #tpu.memory_space<vmem>>
      %dma_wait3A_163 = arith.constant 0 : i32
      %dma_wait3A_164 = tpu.memref_slice %arg3[%run_scoped3A, %mul3A_12, %dma_wait3A_163] : memref<2x2500x128xi32, #tpu.memory_space<hbm>> -> memref<1x4x128xi32, #tpu.memory_space<hbm>>
      %dma_wait3A_165 = tpu.memref_squeeze %dma_wait3A_164 : memref<1x4x128xi32, #tpu.memory_space<hbm>> -> memref<4x128xi32, #tpu.memory_space<hbm>>
      tpu.wait_dma2 semaphore(%run_scoped3A_137 : memref<!tpu.dma_semaphore, #tpu.memory_space<semaphore_mem>>) src(%dma_wait3A_165 : memref<4x128xi32, #tpu.memory_space<hbm>>) dst(%dma_wait3A_162 : memref<4x128xi32, #tpu.memory_space<vmem>>)
      tpu.yield
    }) : () -> ()
    %run_scoped3A_14 = arith.constant 1 : i32
    %run_scoped3A_15 = arith.constant 0 : i32
    "tpu.region"() ({
      %run_scoped3A_137 = tpu.sem_alloc : memref<!tpu.dma_semaphore, #tpu.memory_space<semaphore_mem>>
      %dma_start3A_138 = arith.constant 0 : i32
      %dma_start3A_139 = arith.constant 0 : i32
      %dma_start3A_140 = tpu.memref_slice %arg7[%run_scoped3A_15, %dma_start3A_138, %dma_start3A_139] : memref<2x4x128xi32, #tpu.memory_space<vmem>> -> memref<1x4x128xi32, #tpu.memory_space<vmem>>
      %dma_start3A_141 = tpu.memref_squeeze %dma_start3A_140 : memref<1x4x128xi32, #tpu.memory_space<vmem>> -> memref<4x128xi32, #tpu.memory_space<vmem>>
      %dma_start3A_142 = arith.constant 0 : i32
      %dma_start3A_143 = tpu.memref_slice %arg3[%run_scoped3A_14, %mul3A_12, %dma_start3A_142] : memref<2x2500x128xi32, #tpu.memory_space<hbm>> -> memref<1x4x128xi32, #tpu.memory_space<hbm>>
      %dma_start3A_144 = tpu.memref_squeeze %dma_start3A_143 : memref<1x4x128xi32, #tpu.memory_space<hbm>> -> memref<4x128xi32, #tpu.memory_space<hbm>>
      %dma_start3A_145 = arith.constant 0 : i32
      %dma_start3A_146 = arith.constant 0 : i32
      %dma_start3A_147 = tpu.memref_slice %arg7[%run_scoped3A_15, %dma_start3A_145, %dma_start3A_146] : memref<2x4x128xi32, #tpu.memory_space<vmem>> -> memref<1x4x128xi32, #tpu.memory_space<vmem>>
      %dma_start3A_148 = tpu.memref_squeeze %dma_start3A_147 : memref<1x4x128xi32, #tpu.memory_space<vmem>> -> memref<4x128xi32, #tpu.memory_space<vmem>>
      %dma_start3A_149 = arith.constant 0 : i32
      %dma_start3A_150 = tpu.memref_slice %arg3[%run_scoped3A_14, %mul3A_12, %dma_start3A_149] : memref<2x2500x128xi32, #tpu.memory_space<hbm>> -> memref<1x4x128xi32, #tpu.memory_space<hbm>>
      %dma_start3A_151 = tpu.memref_squeeze %dma_start3A_150 : memref<1x4x128xi32, #tpu.memory_space<hbm>> -> memref<4x128xi32, #tpu.memory_space<hbm>>
      tpu.enqueue_dma source(%dma_start3A_151 : memref<4x128xi32, #tpu.memory_space<hbm>>) target(%dma_start3A_148 : memref<4x128xi32, #tpu.memory_space<vmem>>) target_semaphore(%run_scoped3A_137 : memref<!tpu.dma_semaphore, #tpu.memory_space<semaphore_mem>>)
      %dma_wait3A_152 = arith.constant 0 : i32
      %dma_wait3A_153 = arith.constant 0 : i32
      %dma_wait3A_154 = tpu.memref_slice %arg7[%run_scoped3A_15, %dma_wait3A_152, %dma_wait3A_153] : memref<2x4x128xi32, #tpu.memory_space<vmem>> -> memref<1x4x128xi32, #tpu.memory_space<vmem>>
      %dma_wait3A_155 = tpu.memref_squeeze %dma_wait3A_154 : memref<1x4x128xi32, #tpu.memory_space<vmem>> -> memref<4x128xi32, #tpu.memory_space<vmem>>
      %dma_wait3A_156 = arith.constant 0 : i32
      %dma_wait3A_157 = tpu.memref_slice %arg3[%run_scoped3A_14, %mul3A_12, %dma_wait3A_156] : memref<2x2500x128xi32, #tpu.memory_space<hbm>> -> memref<1x4x128xi32, #tpu.memory_space<hbm>>
      %dma_wait3A_158 = tpu.memref_squeeze %dma_wait3A_157 : memref<1x4x128xi32, #tpu.memory_space<hbm>> -> memref<4x128xi32, #tpu.memory_space<hbm>>
      %dma_wait3A_159 = arith.constant 0 : i32
      %dma_wait3A_160 = arith.constant 0 : i32
      %dma_wait3A_161 = tpu.memref_slice %arg7[%run_scoped3A_15, %dma_wait3A_159, %dma_wait3A_160] : memref<2x4x128xi32, #tpu.memory_space<vmem>> -> memref<1x4x128xi32, #tpu.memory_space<vmem>>
      %dma_wait3A_162 = tpu.memref_squeeze %dma_wait3A_161 : memref<1x4x128xi32, #tpu.memory_space<vmem>> -> memref<4x128xi32, #tpu.memory_space<vmem>>
      %dma_wait3A_163 = arith.constant 0 : i32
      %dma_wait3A_164 = tpu.memref_slice %arg3[%run_scoped3A_14, %mul3A_12, %dma_wait3A_163] : memref<2x2500x128xi32, #tpu.memory_space<hbm>> -> memref<1x4x128xi32, #tpu.memory_space<hbm>>
      %dma_wait3A_165 = tpu.memref_squeeze %dma_wait3A_164 : memref<1x4x128xi32, #tpu.memory_space<hbm>> -> memref<4x128xi32, #tpu.memory_space<hbm>>
      tpu.wait_dma2 semaphore(%run_scoped3A_137 : memref<!tpu.dma_semaphore, #tpu.memory_space<semaphore_mem>>) src(%dma_wait3A_165 : memref<4x128xi32, #tpu.memory_space<hbm>>) dst(%dma_wait3A_162 : memref<4x128xi32, #tpu.memory_space<vmem>>)
      tpu.yield
    }) : () -> ()
    %add3A_16 = arith.constant 4 : i32
    %add3A_17 = arith.addi %mul3A_12, %add3A_16 : i32
    %dma_start3A = arith.constant 0 : i32
    %dma_start3A_18 = arith.constant 1 : i32
    %dma_start3A_19 = arith.constant 1 : i32
    %dma_start3A_20 = arith.constant 0 : i32
    %dma_start3A_21 = arith.constant 0 : i32
    %dma_start3A_22 = tpu.memref_slice %arg6[%dma_start3A_18, %dma_start3A_20, %dma_start3A_21] : memref<2x4x128xi32, #tpu.memory_space<vmem>> -> memref<1x4x128xi32, #tpu.memory_space<vmem>>
    %dma_start3A_23 = tpu.memref_squeeze %dma_start3A_22 : memref<1x4x128xi32, #tpu.memory_space<vmem>> -> memref<4x128xi32, #tpu.memory_space<vmem>>
    %dma_start3A_24 = arith.constant 0 : i32
    %dma_start3A_25 = tpu.memref_slice %arg3[%dma_start3A, %add3A_17, %dma_start3A_24] : memref<2x2500x128xi32, #tpu.memory_space<hbm>> -> memref<1x4x128xi32, #tpu.memory_space<hbm>>
    %dma_start3A_26 = tpu.memref_squeeze %dma_start3A_25 : memref<1x4x128xi32, #tpu.memory_space<hbm>> -> memref<4x128xi32, #tpu.memory_space<hbm>>
    %dma_start3A_27 = tpu.memref_slice %arg11[%dma_start3A_19] : memref<2x!tpu.dma_semaphore, #tpu.memory_space<semaphore_mem>> -> memref<1x!tpu.dma_semaphore, #tpu.memory_space<semaphore_mem>>
    %dma_start3A_28 = tpu.memref_squeeze %dma_start3A_27 : memref<1x!tpu.dma_semaphore, #tpu.memory_space<semaphore_mem>> -> memref<!tpu.dma_semaphore, #tpu.memory_space<semaphore_mem>>
    %dma_start3A_29 = arith.constant 0 : i32
    %dma_start3A_30 = arith.constant 0 : i32
    %dma_start3A_31 = tpu.memref_slice %arg6[%dma_start3A_18, %dma_start3A_29, %dma_start3A_30] : memref<2x4x128xi32, #tpu.memory_space<vmem>> -> memref<1x4x128xi32, #tpu.memory_space<vmem>>
    %dma_start3A_32 = tpu.memref_squeeze %dma_start3A_31 : memref<1x4x128xi32, #tpu.memory_space<vmem>> -> memref<4x128xi32, #tpu.memory_space<vmem>>
    %dma_start3A_33 = arith.constant 0 : i32
    %dma_start3A_34 = tpu.memref_slice %arg3[%dma_start3A, %add3A_17, %dma_start3A_33] : memref<2x2500x128xi32, #tpu.memory_space<hbm>> -> memref<1x4x128xi32, #tpu.memory_space<hbm>>
    %dma_start3A_35 = tpu.memref_squeeze %dma_start3A_34 : memref<1x4x128xi32, #tpu.memory_space<hbm>> -> memref<4x128xi32, #tpu.memory_space<hbm>>
    tpu.enqueue_dma source(%dma_start3A_35 : memref<4x128xi32, #tpu.memory_space<hbm>>) target(%dma_start3A_32 : memref<4x128xi32, #tpu.memory_space<vmem>>) target_semaphore(%dma_start3A_28 : memref<!tpu.dma_semaphore, #tpu.memory_space<semaphore_mem>>)
    %add3A_36 = arith.constant 4 : i32
    %add3A_37 = arith.addi %mul3A_12, %add3A_36 : i32
    %dma_start3A_38 = arith.constant 1 : i32
    %dma_start3A_39 = arith.constant 1 : i32
    %dma_start3A_40 = arith.constant 1 : i32
    %dma_start3A_41 = arith.constant 0 : i32
    %dma_start3A_42 = arith.constant 0 : i32
    %dma_start3A_43 = tpu.memref_slice %arg7[%dma_start3A_39, %dma_start3A_41, %dma_start3A_42] : memref<2x4x128xi32, #tpu.memory_space<vmem>> -> memref<1x4x128xi32, #tpu.memory_space<vmem>>
    %dma_start3A_44 = tpu.memref_squeeze %dma_start3A_43 : memref<1x4x128xi32, #tpu.memory_space<vmem>> -> memref<4x128xi32, #tpu.memory_space<vmem>>
    %dma_start3A_45 = arith.constant 0 : i32
    %dma_start3A_46 = tpu.memref_slice %arg3[%dma_start3A_38, %add3A_37, %dma_start3A_45] : memref<2x2500x128xi32, #tpu.memory_space<hbm>> -> memref<1x4x128xi32, #tpu.memory_space<hbm>>
    %dma_start3A_47 = tpu.memref_squeeze %dma_start3A_46 : memref<1x4x128xi32, #tpu.memory_space<hbm>> -> memref<4x128xi32, #tpu.memory_space<hbm>>
    %dma_start3A_48 = tpu.memref_slice %arg11[%dma_start3A_40] : memref<2x!tpu.dma_semaphore, #tpu.memory_space<semaphore_mem>> -> memref<1x!tpu.dma_semaphore, #tpu.memory_space<semaphore_mem>>
    %dma_start3A_49 = tpu.memref_squeeze %dma_start3A_48 : memref<1x!tpu.dma_semaphore, #tpu.memory_space<semaphore_mem>> -> memref<!tpu.dma_semaphore, #tpu.memory_space<semaphore_mem>>
    %dma_start3A_50 = arith.constant 0 : i32
    %dma_start3A_51 = arith.constant 0 : i32
    %dma_start3A_52 = tpu.memref_slice %arg7[%dma_start3A_39, %dma_start3A_50, %dma_start3A_51] : memref<2x4x128xi32, #tpu.memory_space<vmem>> -> memref<1x4x128xi32, #tpu.memory_space<vmem>>
    %dma_start3A_53 = tpu.memref_squeeze %dma_start3A_52 : memref<1x4x128xi32, #tpu.memory_space<vmem>> -> memref<4x128xi32, #tpu.memory_space<vmem>>
    %dma_start3A_54 = arith.constant 0 : i32
    %dma_start3A_55 = tpu.memref_slice %arg3[%dma_start3A_38, %add3A_37, %dma_start3A_54] : memref<2x2500x128xi32, #tpu.memory_space<hbm>> -> memref<1x4x128xi32, #tpu.memory_space<hbm>>
    %dma_start3A_56 = tpu.memref_squeeze %dma_start3A_55 : memref<1x4x128xi32, #tpu.memory_space<hbm>> -> memref<4x128xi32, #tpu.memory_space<hbm>>
    tpu.enqueue_dma source(%dma_start3A_56 : memref<4x128xi32, #tpu.memory_space<hbm>>) target(%dma_start3A_53 : memref<4x128xi32, #tpu.memory_space<vmem>>) target_semaphore(%dma_start3A_49 : memref<!tpu.dma_semaphore, #tpu.memory_space<semaphore_mem>>)
    %dma_start3A_57 = arith.constant 1 : i32
    %dma_start3A_58 = arith.constant 1 : i32
    %dma_start3A_59 = arith.constant 0 : i32
    %dma_start3A_60 = arith.constant 0 : i32
    %dma_start3A_61 = tpu.memref_slice %arg8[%dma_start3A_57, %dma_start3A_59, %dma_start3A_60] : memref<2x128x128xf32, #tpu.memory_space<vmem>> -> memref<1x128x128xf32, #tpu.memory_space<vmem>>
    %dma_start3A_62 = tpu.memref_squeeze %dma_start3A_61 : memref<1x128x128xf32, #tpu.memory_space<vmem>> -> memref<128x128xf32, #tpu.memory_space<vmem>>
    %dma_start3A_63 = tpu.memref_slice %arg10[%dma_start3A_58] : memref<2x!tpu.dma_semaphore, #tpu.memory_space<semaphore_mem>> -> memref<1x!tpu.dma_semaphore, #tpu.memory_space<semaphore_mem>>
    %dma_start3A_64 = tpu.memref_squeeze %dma_start3A_63 : memref<1x!tpu.dma_semaphore, #tpu.memory_space<semaphore_mem>> -> memref<!tpu.dma_semaphore, #tpu.memory_space<semaphore_mem>>
    %dma_start3A_65 = arith.constant 0 : i32
    %dma_start3A_66 = arith.constant 0 : i32
    %dma_start3A_67 = tpu.memref_slice %arg8[%dma_start3A_57, %dma_start3A_65, %dma_start3A_66] : memref<2x128x128xf32, #tpu.memory_space<vmem>> -> memref<1x128x128xf32, #tpu.memory_space<vmem>>
    %dma_start3A_68 = tpu.memref_squeeze %dma_start3A_67 : memref<1x128x128xf32, #tpu.memory_space<vmem>> -> memref<128x128xf32, #tpu.memory_space<vmem>>
    tpu.enqueue_dma source(%arg4 : memref<128x128xf32, #tpu.memory_space<hbm>>) target(%dma_start3A_68 : memref<128x128xf32, #tpu.memory_space<vmem>>) target_semaphore(%dma_start3A_64 : memref<!tpu.dma_semaphore, #tpu.memory_space<semaphore_mem>>)
    %dma_start3A_69 = arith.constant 0 : i32
    %dma_start3A_70 = arith.constant 0 : i32
    %dma_start3A_71 = arith.constant 0 : i32
    %dma_start3A_72 = arith.constant 0 : i32
    %dma_start3A_73 = arith.constant 0 : i32
    %dma_start3A_74 = arith.constant 0 : i32
    %dma_start3A_75 = tpu.memref_slice %arg8[%dma_start3A_71, %dma_start3A_73, %dma_start3A_74] : memref<2x128x128xf32, #tpu.memory_space<vmem>> -> memref<1x128x128xf32, #tpu.memory_space<vmem>>
    %dma_start3A_76 = tpu.memref_squeeze %dma_start3A_75 : memref<1x128x128xf32, #tpu.memory_space<vmem>> -> memref<128x128xf32, #tpu.memory_space<vmem>>
    %dma_start3A_77 = arith.constant 0 : i32
    %dma_start3A_78 = tpu.memref_slice %arg6[%dma_start3A_69, %dma_start3A_70, %dma_start3A_77] : memref<2x4x128xi32, #tpu.memory_space<vmem>> -> memref<1x1x128xi32, #tpu.memory_space<vmem>>
    %dma_start3A_79 = tpu.memref_squeeze %dma_start3A_78 : memref<1x1x128xi32, #tpu.memory_space<vmem>> -> memref<128xi32, #tpu.memory_space<vmem>>
    %dma_start3A_80 = arith.constant 0 : i32
    %dma_start3A_81 = arith.constant 0 : i32
    %dma_start3A_82 = tpu.memref_slice %arg2[%dma_start3A_80, %dma_start3A_81] : memref<10000x128xf32, #tpu.memory_space<hbm>> -> memref<10000x128xf32, #tpu.memory_space<hbm>>
    %dma_start3A_83 = tpu.memref_slice %arg10[%dma_start3A_72] : memref<2x!tpu.dma_semaphore, #tpu.memory_space<semaphore_mem>> -> memref<1x!tpu.dma_semaphore, #tpu.memory_space<semaphore_mem>>
    %dma_start3A_84 = tpu.memref_squeeze %dma_start3A_83 : memref<1x!tpu.dma_semaphore, #tpu.memory_space<semaphore_mem>> -> memref<!tpu.dma_semaphore, #tpu.memory_space<semaphore_mem>>
    tpu.enqueue_indirect_dma source(%dma_start3A_82 : memref<10000x128xf32, #tpu.memory_space<hbm>>) target(%dma_start3A_76 : memref<128x128xf32, #tpu.memory_space<vmem>>) offsets(%dma_start3A_79 : memref<128xi32, #tpu.memory_space<vmem>>) semaphore(%dma_start3A_84 : memref<!tpu.dma_semaphore, #tpu.memory_space<semaphore_mem>>)
    %dma_wait3A = arith.constant 1 : i32
    %dma_wait3A_85 = arith.constant 1 : i32
    %dma_wait3A_86 = arith.constant 0 : i32
    %dma_wait3A_87 = arith.constant 0 : i32
    %dma_wait3A_88 = tpu.memref_slice %arg8[%dma_wait3A, %dma_wait3A_86, %dma_wait3A_87] : memref<2x128x128xf32, #tpu.memory_space<vmem>> -> memref<1x128x128xf32, #tpu.memory_space<vmem>>
    %dma_wait3A_89 = tpu.memref_squeeze %dma_wait3A_88 : memref<1x128x128xf32, #tpu.memory_space<vmem>> -> memref<128x128xf32, #tpu.memory_space<vmem>>
    %dma_wait3A_90 = tpu.memref_slice %arg10[%dma_wait3A_85] : memref<2x!tpu.dma_semaphore, #tpu.memory_space<semaphore_mem>> -> memref<1x!tpu.dma_semaphore, #tpu.memory_space<semaphore_mem>>
    %dma_wait3A_91 = tpu.memref_squeeze %dma_wait3A_90 : memref<1x!tpu.dma_semaphore, #tpu.memory_space<semaphore_mem>> -> memref<!tpu.dma_semaphore, #tpu.memory_space<semaphore_mem>>
    %dma_wait3A_92 = arith.constant 0 : i32
    %dma_wait3A_93 = arith.constant 0 : i32
    %dma_wait3A_94 = tpu.memref_slice %arg8[%dma_wait3A, %dma_wait3A_92, %dma_wait3A_93] : memref<2x128x128xf32, #tpu.memory_space<vmem>> -> memref<1x128x128xf32, #tpu.memory_space<vmem>>
    %dma_wait3A_95 = tpu.memref_squeeze %dma_wait3A_94 : memref<1x128x128xf32, #tpu.memory_space<vmem>> -> memref<128x128xf32, #tpu.memory_space<vmem>>
    tpu.wait_dma2 semaphore(%dma_wait3A_91 : memref<!tpu.dma_semaphore, #tpu.memory_space<semaphore_mem>>) src(%arg4 : memref<128x128xf32, #tpu.memory_space<hbm>>) dst(%dma_wait3A_95 : memref<128x128xf32, #tpu.memory_space<vmem>>)
    %add3A_96 = arith.constant 0 : i32
    %add3A_97 = arith.addi %mul3A_2, %add3A_96 : i32
    %run_scoped3A_98 = arith.constant 1 : i32
    "tpu.region"() ({
      %run_scoped3A_137 = tpu.sem_alloc : memref<!tpu.dma_semaphore, #tpu.memory_space<semaphore_mem>>
      %dma_start3A_138 = arith.constant 0 : i32
      %dma_start3A_139 = arith.constant 0 : i32
      %dma_start3A_140 = tpu.memref_slice %arg8[%run_scoped3A_98, %dma_start3A_138, %dma_start3A_139] : memref<2x128x128xf32, #tpu.memory_space<vmem>> -> memref<1x128x128xf32, #tpu.memory_space<vmem>>
      %dma_start3A_141 = tpu.memref_squeeze %dma_start3A_140 : memref<1x128x128xf32, #tpu.memory_space<vmem>> -> memref<128x128xf32, #tpu.memory_space<vmem>>
      %dma_start3A_142 = arith.constant 0 : i32
      %dma_start3A_143 = tpu.memref_slice %arg9[%add3A_97, %dma_start3A_142] : memref<10112x128xf32, #tpu.memory_space<vmem_shared>> -> memref<128x128xf32, #tpu.memory_space<vmem_shared>>
      %dma_start3A_144 = arith.constant 0 : i32
      %dma_start3A_145 = tpu.memref_slice %arg9[%add3A_97, %dma_start3A_144] : memref<10112x128xf32, #tpu.memory_space<vmem_shared>> -> memref<128x128xf32, #tpu.memory_space<vmem_shared>>
      %dma_start3A_146 = arith.constant 0 : i32
      %dma_start3A_147 = arith.constant 0 : i32
      %dma_start3A_148 = tpu.memref_slice %arg8[%run_scoped3A_98, %dma_start3A_146, %dma_start3A_147] : memref<2x128x128xf32, #tpu.memory_space<vmem>> -> memref<1x128x128xf32, #tpu.memory_space<vmem>>
      %dma_start3A_149 = tpu.memref_squeeze %dma_start3A_148 : memref<1x128x128xf32, #tpu.memory_space<vmem>> -> memref<128x128xf32, #tpu.memory_space<vmem>>
      tpu.enqueue_dma source(%dma_start3A_149 : memref<128x128xf32, #tpu.memory_space<vmem>>) target(%dma_start3A_145 : memref<128x128xf32, #tpu.memory_space<vmem_shared>>) target_semaphore(%run_scoped3A_137 : memref<!tpu.dma_semaphore, #tpu.memory_space<semaphore_mem>>)
      %dma_wait3A_150 = arith.constant 0 : i32
      %dma_wait3A_151 = arith.constant 0 : i32
      %dma_wait3A_152 = tpu.memref_slice %arg8[%run_scoped3A_98, %dma_wait3A_150, %dma_wait3A_151] : memref<2x128x128xf32, #tpu.memory_space<vmem>> -> memref<1x128x128xf32, #tpu.memory_space<vmem>>
      %dma_wait3A_153 = tpu.memref_squeeze %dma_wait3A_152 : memref<1x128x128xf32, #tpu.memory_space<vmem>> -> memref<128x128xf32, #tpu.memory_space<vmem>>
      %dma_wait3A_154 = arith.constant 0 : i32
      %dma_wait3A_155 = tpu.memref_slice %arg9[%add3A_97, %dma_wait3A_154] : memref<10112x128xf32, #tpu.memory_space<vmem_shared>> -> memref<128x128xf32, #tpu.memory_space<vmem_shared>>
      %dma_wait3A_156 = arith.constant 0 : i32
      %dma_wait3A_157 = tpu.memref_slice %arg9[%add3A_97, %dma_wait3A_156] : memref<10112x128xf32, #tpu.memory_space<vmem_shared>> -> memref<128x128xf32, #tpu.memory_space<vmem_shared>>
      %dma_wait3A_158 = arith.constant 0 : i32
      %dma_wait3A_159 = arith.constant 0 : i32
      %dma_wait3A_160 = tpu.memref_slice %arg8[%run_scoped3A_98, %dma_wait3A_158, %dma_wait3A_159] : memref<2x128x128xf32, #tpu.memory_space<vmem>> -> memref<1x128x128xf32, #tpu.memory_space<vmem>>
      %dma_wait3A_161 = tpu.memref_squeeze %dma_wait3A_160 : memref<1x128x128xf32, #tpu.memory_space<vmem>> -> memref<128x128xf32, #tpu.memory_space<vmem>>
      tpu.wait_dma2 semaphore(%run_scoped3A_137 : memref<!tpu.dma_semaphore, #tpu.memory_space<semaphore_mem>>) src(%dma_wait3A_161 : memref<128x128xf32, #tpu.memory_space<vmem>>) dst(%dma_wait3A_157 : memref<128x128xf32, #tpu.memory_space<vmem_shared>>)
      tpu.yield
    }) : () -> ()
    %add3A_99 = arith.constant 128 : i32
    %add3A_100 = arith.addi %mul3A_2, %add3A_99 : i32
    %run_scoped3A_101 = arith.constant 1 : i32
    "tpu.region"() ({
      %run_scoped3A_137 = tpu.sem_alloc : memref<!tpu.dma_semaphore, #tpu.memory_space<semaphore_mem>>
      %dma_start3A_138 = arith.constant 0 : i32
      %dma_start3A_139 = arith.constant 0 : i32
      %dma_start3A_140 = tpu.memref_slice %arg8[%run_scoped3A_101, %dma_start3A_138, %dma_start3A_139] : memref<2x128x128xf32, #tpu.memory_space<vmem>> -> memref<1x128x128xf32, #tpu.memory_space<vmem>>
      %dma_start3A_141 = tpu.memref_squeeze %dma_start3A_140 : memref<1x128x128xf32, #tpu.memory_space<vmem>> -> memref<128x128xf32, #tpu.memory_space<vmem>>
      %dma_start3A_142 = arith.constant 0 : i32
      %dma_start3A_143 = tpu.memref_slice %arg9[%add3A_100, %dma_start3A_142] : memref<10112x128xf32, #tpu.memory_space<vmem_shared>> -> memref<128x128xf32, #tpu.memory_space<vmem_shared>>
      %dma_start3A_144 = arith.constant 0 : i32
      %dma_start3A_145 = tpu.memref_slice %arg9[%add3A_100, %dma_start3A_144] : memref<10112x128xf32, #tpu.memory_space<vmem_shared>> -> memref<128x128xf32, #tpu.memory_space<vmem_shared>>
      %dma_start3A_146 = arith.constant 0 : i32
      %dma_start3A_147 = arith.constant 0 : i32
      %dma_start3A_148 = tpu.memref_slice %arg8[%run_scoped3A_101, %dma_start3A_146, %dma_start3A_147] : memref<2x128x128xf32, #tpu.memory_space<vmem>> -> memref<1x128x128xf32, #tpu.memory_space<vmem>>
      %dma_start3A_149 = tpu.memref_squeeze %dma_start3A_148 : memref<1x128x128xf32, #tpu.memory_space<vmem>> -> memref<128x128xf32, #tpu.memory_space<vmem>>
      tpu.enqueue_dma source(%dma_start3A_149 : memref<128x128xf32, #tpu.memory_space<vmem>>) target(%dma_start3A_145 : memref<128x128xf32, #tpu.memory_space<vmem_shared>>) target_semaphore(%run_scoped3A_137 : memref<!tpu.dma_semaphore, #tpu.memory_space<semaphore_mem>>)
      %dma_wait3A_150 = arith.constant 0 : i32
      %dma_wait3A_151 = arith.constant 0 : i32
      %dma_wait3A_152 = tpu.memref_slice %arg8[%run_scoped3A_101, %dma_wait3A_150, %dma_wait3A_151] : memref<2x128x128xf32, #tpu.memory_space<vmem>> -> memref<1x128x128xf32, #tpu.memory_space<vmem>>
      %dma_wait3A_153 = tpu.memref_squeeze %dma_wait3A_152 : memref<1x128x128xf32, #tpu.memory_space<vmem>> -> memref<128x128xf32, #tpu.memory_space<vmem>>
      %dma_wait3A_154 = arith.constant 0 : i32
      %dma_wait3A_155 = tpu.memref_slice %arg9[%add3A_100, %dma_wait3A_154] : memref<10112x128xf32, #tpu.memory_space<vmem_shared>> -> memref<128x128xf32, #tpu.memory_space<vmem_shared>>
      %dma_wait3A_156 = arith.constant 0 : i32
      %dma_wait3A_157 = tpu.memref_slice %arg9[%add3A_100, %dma_wait3A_156] : memref<10112x128xf32, #tpu.memory_space<vmem_shared>> -> memref<128x128xf32, #tpu.memory_space<vmem_shared>>
      %dma_wait3A_158 = arith.constant 0 : i32
      %dma_wait3A_159 = arith.constant 0 : i32
      %dma_wait3A_160 = tpu.memref_slice %arg8[%run_scoped3A_101, %dma_wait3A_158, %dma_wait3A_159] : memref<2x128x128xf32, #tpu.memory_space<vmem>> -> memref<1x128x128xf32, #tpu.memory_space<vmem>>
      %dma_wait3A_161 = tpu.memref_squeeze %dma_wait3A_160 : memref<1x128x128xf32, #tpu.memory_space<vmem>> -> memref<128x128xf32, #tpu.memory_space<vmem>>
      tpu.wait_dma2 semaphore(%run_scoped3A_137 : memref<!tpu.dma_semaphore, #tpu.memory_space<semaphore_mem>>) src(%dma_wait3A_161 : memref<128x128xf32, #tpu.memory_space<vmem>>) dst(%dma_wait3A_157 : memref<128x128xf32, #tpu.memory_space<vmem_shared>>)
      tpu.yield
    }) : () -> ()
    %add3A_102 = arith.constant 256 : i32
    %add3A_103 = arith.addi %mul3A_2, %add3A_102 : i32
    %run_scoped3A_104 = arith.constant 1 : i32
    "tpu.region"() ({
      %run_scoped3A_137 = tpu.sem_alloc : memref<!tpu.dma_semaphore, #tpu.memory_space<semaphore_mem>>
      %dma_start3A_138 = arith.constant 0 : i32
      %dma_start3A_139 = arith.constant 0 : i32
      %dma_start3A_140 = tpu.memref_slice %arg8[%run_scoped3A_104, %dma_start3A_138, %dma_start3A_139] : memref<2x128x128xf32, #tpu.memory_space<vmem>> -> memref<1x128x128xf32, #tpu.memory_space<vmem>>
      %dma_start3A_141 = tpu.memref_squeeze %dma_start3A_140 : memref<1x128x128xf32, #tpu.memory_space<vmem>> -> memref<128x128xf32, #tpu.memory_space<vmem>>
      %dma_start3A_142 = arith.constant 0 : i32
      %dma_start3A_143 = tpu.memref_slice %arg9[%add3A_103, %dma_start3A_142] : memref<10112x128xf32, #tpu.memory_space<vmem_shared>> -> memref<128x128xf32, #tpu.memory_space<vmem_shared>>
      %dma_start3A_144 = arith.constant 0 : i32
      %dma_start3A_145 = tpu.memref_slice %arg9[%add3A_103, %dma_start3A_144] : memref<10112x128xf32, #tpu.memory_space<vmem_shared>> -> memref<128x128xf32, #tpu.memory_space<vmem_shared>>
      %dma_start3A_146 = arith.constant 0 : i32
      %dma_start3A_147 = arith.constant 0 : i32
      %dma_start3A_148 = tpu.memref_slice %arg8[%run_scoped3A_104, %dma_start3A_146, %dma_start3A_147] : memref<2x128x128xf32, #tpu.memory_space<vmem>> -> memref<1x128x128xf32, #tpu.memory_space<vmem>>
      %dma_start3A_149 = tpu.memref_squeeze %dma_start3A_148 : memref<1x128x128xf32, #tpu.memory_space<vmem>> -> memref<128x128xf32, #tpu.memory_space<vmem>>
      tpu.enqueue_dma source(%dma_start3A_149 : memref<128x128xf32, #tpu.memory_space<vmem>>) target(%dma_start3A_145 : memref<128x128xf32, #tpu.memory_space<vmem_shared>>) target_semaphore(%run_scoped3A_137 : memref<!tpu.dma_semaphore, #tpu.memory_space<semaphore_mem>>)
      %dma_wait3A_150 = arith.constant 0 : i32
      %dma_wait3A_151 = arith.constant 0 : i32
      %dma_wait3A_152 = tpu.memref_slice %arg8[%run_scoped3A_104, %dma_wait3A_150, %dma_wait3A_151] : memref<2x128x128xf32, #tpu.memory_space<vmem>> -> memref<1x128x128xf32, #tpu.memory_space<vmem>>
      %dma_wait3A_153 = tpu.memref_squeeze %dma_wait3A_152 : memref<1x128x128xf32, #tpu.memory_space<vmem>> -> memref<128x128xf32, #tpu.memory_space<vmem>>
      %dma_wait3A_154 = arith.constant 0 : i32
      %dma_wait3A_155 = tpu.memref_slice %arg9[%add3A_103, %dma_wait3A_154] : memref<10112x128xf32, #tpu.memory_space<vmem_shared>> -> memref<128x128xf32, #tpu.memory_space<vmem_shared>>
      %dma_wait3A_156 = arith.constant 0 : i32
      %dma_wait3A_157 = tpu.memref_slice %arg9[%add3A_103, %dma_wait3A_156] : memref<10112x128xf32, #tpu.memory_space<vmem_shared>> -> memref<128x128xf32, #tpu.memory_space<vmem_shared>>
      %dma_wait3A_158 = arith.constant 0 : i32
      %dma_wait3A_159 = arith.constant 0 : i32
      %dma_wait3A_160 = tpu.memref_slice %arg8[%run_scoped3A_104, %dma_wait3A_158, %dma_wait3A_159] : memref<2x128x128xf32, #tpu.memory_space<vmem>> -> memref<1x128x128xf32, #tpu.memory_space<vmem>>
      %dma_wait3A_161 = tpu.memref_squeeze %dma_wait3A_160 : memref<1x128x128xf32, #tpu.memory_space<vmem>> -> memref<128x128xf32, #tpu.memory_space<vmem>>
      tpu.wait_dma2 semaphore(%run_scoped3A_137 : memref<!tpu.dma_semaphore, #tpu.memory_space<semaphore_mem>>) src(%dma_wait3A_161 : memref<128x128xf32, #tpu.memory_space<vmem>>) dst(%dma_wait3A_157 : memref<128x128xf32, #tpu.memory_space<vmem_shared>>)
      tpu.yield
    }) : () -> ()
    %add3A_105 = arith.constant 384 : i32
    %add3A_106 = arith.addi %mul3A_2, %add3A_105 : i32
    %run_scoped3A_107 = arith.constant 1 : i32
    "tpu.region"() ({
      %run_scoped3A_137 = tpu.sem_alloc : memref<!tpu.dma_semaphore, #tpu.memory_space<semaphore_mem>>
      %dma_start3A_138 = arith.constant 0 : i32
      %dma_start3A_139 = arith.constant 0 : i32
      %dma_start3A_140 = tpu.memref_slice %arg8[%run_scoped3A_107, %dma_start3A_138, %dma_start3A_139] : memref<2x128x128xf32, #tpu.memory_space<vmem>> -> memref<1x128x128xf32, #tpu.memory_space<vmem>>
      %dma_start3A_141 = tpu.memref_squeeze %dma_start3A_140 : memref<1x128x128xf32, #tpu.memory_space<vmem>> -> memref<128x128xf32, #tpu.memory_space<vmem>>
      %dma_start3A_142 = arith.constant 0 : i32
      %dma_start3A_143 = tpu.memref_slice %arg9[%add3A_106, %dma_start3A_142] : memref<10112x128xf32, #tpu.memory_space<vmem_shared>> -> memref<128x128xf32, #tpu.memory_space<vmem_shared>>
      %dma_start3A_144 = arith.constant 0 : i32
      %dma_start3A_145 = tpu.memref_slice %arg9[%add3A_106, %dma_start3A_144] : memref<10112x128xf32, #tpu.memory_space<vmem_shared>> -> memref<128x128xf32, #tpu.memory_space<vmem_shared>>
      %dma_start3A_146 = arith.constant 0 : i32
      %dma_start3A_147 = arith.constant 0 : i32
      %dma_start3A_148 = tpu.memref_slice %arg8[%run_scoped3A_107, %dma_start3A_146, %dma_start3A_147] : memref<2x128x128xf32, #tpu.memory_space<vmem>> -> memref<1x128x128xf32, #tpu.memory_space<vmem>>
      %dma_start3A_149 = tpu.memref_squeeze %dma_start3A_148 : memref<1x128x128xf32, #tpu.memory_space<vmem>> -> memref<128x128xf32, #tpu.memory_space<vmem>>
      tpu.enqueue_dma source(%dma_start3A_149 : memref<128x128xf32, #tpu.memory_space<vmem>>) target(%dma_start3A_145 : memref<128x128xf32, #tpu.memory_space<vmem_shared>>) target_semaphore(%run_scoped3A_137 : memref<!tpu.dma_semaphore, #tpu.memory_space<semaphore_mem>>)
      %dma_wait3A_150 = arith.constant 0 : i32
      %dma_wait3A_151 = arith.constant 0 : i32
      %dma_wait3A_152 = tpu.memref_slice %arg8[%run_scoped3A_107, %dma_wait3A_150, %dma_wait3A_151] : memref<2x128x128xf32, #tpu.memory_space<vmem>> -> memref<1x128x128xf32, #tpu.memory_space<vmem>>
      %dma_wait3A_153 = tpu.memref_squeeze %dma_wait3A_152 : memref<1x128x128xf32, #tpu.memory_space<vmem>> -> memref<128x128xf32, #tpu.memory_space<vmem>>
      %dma_wait3A_154 = arith.constant 0 : i32
      %dma_wait3A_155 = tpu.memref_slice %arg9[%add3A_106, %dma_wait3A_154] : memref<10112x128xf32, #tpu.memory_space<vmem_shared>> -> memref<128x128xf32, #tpu.memory_space<vmem_shared>>
      %dma_wait3A_156 = arith.constant 0 : i32
      %dma_wait3A_157 = tpu.memref_slice %arg9[%add3A_106, %dma_wait3A_156] : memref<10112x128xf32, #tpu.memory_space<vmem_shared>> -> memref<128x128xf32, #tpu.memory_space<vmem_shared>>
      %dma_wait3A_158 = arith.constant 0 : i32
      %dma_wait3A_159 = arith.constant 0 : i32
      %dma_wait3A_160 = tpu.memref_slice %arg8[%run_scoped3A_107, %dma_wait3A_158, %dma_wait3A_159] : memref<2x128x128xf32, #tpu.memory_space<vmem>> -> memref<1x128x128xf32, #tpu.memory_space<vmem>>
      %dma_wait3A_161 = tpu.memref_squeeze %dma_wait3A_160 : memref<1x128x128xf32, #tpu.memory_space<vmem>> -> memref<128x128xf32, #tpu.memory_space<vmem>>
      tpu.wait_dma2 semaphore(%run_scoped3A_137 : memref<!tpu.dma_semaphore, #tpu.memory_space<semaphore_mem>>) src(%dma_wait3A_161 : memref<128x128xf32, #tpu.memory_space<vmem>>) dst(%dma_wait3A_157 : memref<128x128xf32, #tpu.memory_space<vmem_shared>>)
      tpu.yield
    }) : () -> ()
    %add3A_108 = arith.constant 512 : i32
    %add3A_109 = arith.addi %mul3A_2, %add3A_108 : i32
    %run_scoped3A_110 = arith.constant 1 : i32
    "tpu.region"() ({
      %run_scoped3A_137 = tpu.sem_alloc : memref<!tpu.dma_semaphore, #tpu.memory_space<semaphore_mem>>
      %dma_start3A_138 = arith.constant 0 : i32
      %dma_start3A_139 = arith.constant 0 : i32
      %dma_start3A_140 = tpu.memref_slice %arg8[%run_scoped3A_110, %dma_start3A_138, %dma_start3A_139] : memref<2x128x128xf32, #tpu.memory_space<vmem>> -> memref<1x120x128xf32, #tpu.memory_space<vmem>>
      %dma_start3A_141 = tpu.memref_squeeze %dma_start3A_140 : memref<1x120x128xf32, #tpu.memory_space<vmem>> -> memref<120x128xf32, #tpu.memory_space<vmem>>
      %dma_start3A_142 = arith.constant 0 : i32
      %dma_start3A_143 = tpu.memref_slice %arg9[%add3A_109, %dma_start3A_142] : memref<10112x128xf32, #tpu.memory_space<vmem_shared>> -> memref<120x128xf32, #tpu.memory_space<vmem_shared>>
      %dma_start3A_144 = arith.constant 0 : i32
      %dma_start3A_145 = tpu.memref_slice %arg9[%add3A_109, %dma_start3A_144] : memref<10112x128xf32, #tpu.memory_space<vmem_shared>> -> memref<120x128xf32, #tpu.memory_space<vmem_shared>>
      %dma_start3A_146 = arith.constant 0 : i32
      %dma_start3A_147 = arith.constant 0 : i32
      %dma_start3A_148 = tpu.memref_slice %arg8[%run_scoped3A_110, %dma_start3A_146, %dma_start3A_147] : memref<2x128x128xf32, #tpu.memory_space<vmem>> -> memref<1x120x128xf32, #tpu.memory_space<vmem>>
      %dma_start3A_149 = tpu.memref_squeeze %dma_start3A_148 : memref<1x120x128xf32, #tpu.memory_space<vmem>> -> memref<120x128xf32, #tpu.memory_space<vmem>>
      tpu.enqueue_dma source(%dma_start3A_149 : memref<120x128xf32, #tpu.memory_space<vmem>>) target(%dma_start3A_145 : memref<120x128xf32, #tpu.memory_space<vmem_shared>>) target_semaphore(%run_scoped3A_137 : memref<!tpu.dma_semaphore, #tpu.memory_space<semaphore_mem>>)
      %dma_wait3A_150 = arith.constant 0 : i32
      %dma_wait3A_151 = arith.constant 0 : i32
      %dma_wait3A_152 = tpu.memref_slice %arg8[%run_scoped3A_110, %dma_wait3A_150, %dma_wait3A_151] : memref<2x128x128xf32, #tpu.memory_space<vmem>> -> memref<1x120x128xf32, #tpu.memory_space<vmem>>
      %dma_wait3A_153 = tpu.memref_squeeze %dma_wait3A_152 : memref<1x120x128xf32, #tpu.memory_space<vmem>> -> memref<120x128xf32, #tpu.memory_space<vmem>>
      %dma_wait3A_154 = arith.constant 0 : i32
      %dma_wait3A_155 = tpu.memref_slice %arg9[%add3A_109, %dma_wait3A_154] : memref<10112x128xf32, #tpu.memory_space<vmem_shared>> -> memref<120x128xf32, #tpu.memory_space<vmem_shared>>
      %dma_wait3A_156 = arith.constant 0 : i32
      %dma_wait3A_157 = tpu.memref_slice %arg9[%add3A_109, %dma_wait3A_156] : memref<10112x128xf32, #tpu.memory_space<vmem_shared>> -> memref<120x128xf32, #tpu.memory_space<vmem_shared>>
      %dma_wait3A_158 = arith.constant 0 : i32
      %dma_wait3A_159 = arith.constant 0 : i32
      %dma_wait3A_160 = tpu.memref_slice %arg8[%run_scoped3A_110, %dma_wait3A_158, %dma_wait3A_159] : memref<2x128x128xf32, #tpu.memory_space<vmem>> -> memref<1x120x128xf32, #tpu.memory_space<vmem>>
      %dma_wait3A_161 = tpu.memref_squeeze %dma_wait3A_160 : memref<1x120x128xf32, #tpu.memory_space<vmem>> -> memref<120x128xf32, #tpu.memory_space<vmem>>
      tpu.wait_dma2 semaphore(%run_scoped3A_137 : memref<!tpu.dma_semaphore, #tpu.memory_space<semaphore_mem>>) src(%dma_wait3A_161 : memref<120x128xf32, #tpu.memory_space<vmem>>) dst(%dma_wait3A_157 : memref<120x128xf32, #tpu.memory_space<vmem_shared>>)
      tpu.yield
    }) : () -> ()
    %dma_start3A_111 = arith.constant 0 : i32
    %dma_start3A_112 = arith.constant 1 : i32
    %dma_start3A_113 = arith.constant 1 : i32
    %dma_start3A_114 = arith.constant 1 : i32
    %dma_start3A_115 = arith.constant 0 : i32
    %dma_start3A_116 = arith.constant 0 : i32
    %dma_start3A_117 = tpu.memref_slice %arg8[%dma_start3A_113, %dma_start3A_115, %dma_start3A_116] : memref<2x128x128xf32, #tpu.memory_space<vmem>> -> memref<1x128x128xf32, #tpu.memory_space<vmem>>
    %dma_start3A_118 = tpu.memref_squeeze %dma_start3A_117 : memref<1x128x128xf32, #tpu.memory_space<vmem>> -> memref<128x128xf32, #tpu.memory_space<vmem>>
    %dma_start3A_119 = arith.constant 0 : i32
    %dma_start3A_120 = tpu.memref_slice %arg6[%dma_start3A_111, %dma_start3A_112, %dma_start3A_119] : memref<2x4x128xi32, #tpu.memory_space<vmem>> -> memref<1x1x128xi32, #tpu.memory_space<vmem>>
    %dma_start3A_121 = tpu.memref_squeeze %dma_start3A_120 : memref<1x1x128xi32, #tpu.memory_space<vmem>> -> memref<128xi32, #tpu.memory_space<vmem>>
    %dma_start3A_122 = arith.constant 0 : i32
    %dma_start3A_123 = arith.constant 0 : i32
    %dma_start3A_124 = tpu.memref_slice %arg2[%dma_start3A_122, %dma_start3A_123] : memref<10000x128xf32, #tpu.memory_space<hbm>> -> memref<10000x128xf32, #tpu.memory_space<hbm>>
    %dma_start3A_125 = tpu.memref_slice %arg10[%dma_start3A_114] : memref<2x!tpu.dma_semaphore, #tpu.memory_space<semaphore_mem>> -> memref<1x!tpu.dma_semaphore, #tpu.memory_space<semaphore_mem>>
    %dma_start3A_126 = tpu.memref_squeeze %dma_start3A_125 : memref<1x!tpu.dma_semaphore, #tpu.memory_space<semaphore_mem>> -> memref<!tpu.dma_semaphore, #tpu.memory_space<semaphore_mem>>
    tpu.enqueue_indirect_dma source(%dma_start3A_124 : memref<10000x128xf32, #tpu.memory_space<hbm>>) target(%dma_start3A_118 : memref<128x128xf32, #tpu.memory_space<vmem>>) offsets(%dma_start3A_121 : memref<128xi32, #tpu.memory_space<vmem>>) semaphore(%dma_start3A_126 : memref<!tpu.dma_semaphore, #tpu.memory_space<semaphore_mem>>)
    %barrier3A = arith.constant 0 : index
    tpu.barrier barrier_id(%barrier3A)
    %while3A = arith.constant 0 : i32
    %while3A_127 = arith.constant 0 : i32
    %while3A_128 = arith.subi %add3A_6, %while3A_127 : i32
    %while3A_129 = arith.addi %while3A_127, %while3A_128 : i32
    %while3A_130 = arith.constant 1 : i32
    %while3A_131 = arith.divsi %while3A_128, %while3A_130 : i32
    %while3A_132 = arith.muli %while3A_131, %while3A_130 : i32
    %while3A_133 = arith.addi %while3A_127, %while3A_132 : i32
    %while3A_134 = arith.constant 1 : i32
    scf.for %while3A_137 = %while3A_127 to %while3A_133 step %while3A_134  : i32 {
      %jit3A_138 = arith.constant 2 : i32
      %eq3A = arith.constant 0 : i32
      %eq3A_139 = arith.cmpi eq, %jit3A_138, %eq3A : i32
      %jit3A_140 = arith.constant 1 : i32
      %select_n3A_141 = arith.select %eq3A_139, %jit3A_140, %jit3A_138 : i32
      %rem3A = arith.remsi %while3A_137, %select_n3A_141 : i32
      %ne3A = arith.constant 0 : i32
      %ne3A_142 = arith.cmpi ne, %rem3A, %ne3A : i32
      %lt3A_143 = arith.constant 0 : i32
      %lt3A_144 = arith.cmpi slt, %rem3A, %lt3A_143 : i32
      %lt3A_145 = arith.constant 0 : i32
      %lt3A_146 = arith.cmpi slt, %select_n3A_141, %lt3A_145 : i32
      %ne3A_147 = arith.xori %lt3A_144, %lt3A_146 : i1
      %and3A = arith.andi %ne3A_147, %ne3A_142 : i1
      %add3A_148 = arith.addi %rem3A, %select_n3A_141 : i32
      %select_n3A_149 = arith.select %and3A, %add3A_148, %rem3A : i32
      %sub3A = arith.constant 1 : i32
      %sub3A_150 = arith.subi %sub3A, %select_n3A_149 : i32
      %dma_wait3A_151 = arith.constant 0 : i32
      %dma_wait3A_152 = arith.constant 0 : i32
      %dma_wait3A_153 = arith.constant 0 : i32
      %dma_wait3A_154 = arith.constant 0 : i32
      %dma_wait3A_155 = arith.constant 0 : i32
      %dma_wait3A_156 = tpu.memref_slice %arg8[%dma_wait3A_152, %dma_wait3A_154, %dma_wait3A_155] : memref<2x128x128xf32, #tpu.memory_space<vmem>> -> memref<1x128x128xf32, #tpu.memory_space<vmem>>
      %dma_wait3A_157 = tpu.memref_squeeze %dma_wait3A_156 : memref<1x128x128xf32, #tpu.memory_space<vmem>> -> memref<128x128xf32, #tpu.memory_space<vmem>>
      %dma_wait3A_158 = arith.constant 0 : i32
      %dma_wait3A_159 = tpu.memref_slice %arg6[%select_n3A_149, %dma_wait3A_151, %dma_wait3A_158] : memref<2x4x128xi32, #tpu.memory_space<vmem>> -> memref<1x1x128xi32, #tpu.memory_space<vmem>>
      %dma_wait3A_160 = tpu.memref_squeeze %dma_wait3A_159 : memref<1x1x128xi32, #tpu.memory_space<vmem>> -> memref<128xi32, #tpu.memory_space<vmem>>
      %dma_wait3A_161 = arith.constant 0 : i32
      %dma_wait3A_162 = arith.constant 0 : i32
      %dma_wait3A_163 = tpu.memref_slice %arg2[%dma_wait3A_161, %dma_wait3A_162] : memref<10000x128xf32, #tpu.memory_space<hbm>> -> memref<10000x128xf32, #tpu.memory_space<hbm>>
      %dma_wait3A_164 = tpu.memref_slice %arg10[%dma_wait3A_153] : memref<2x!tpu.dma_semaphore, #tpu.memory_space<semaphore_mem>> -> memref<1x!tpu.dma_semaphore, #tpu.memory_space<semaphore_mem>>
      %dma_wait3A_165 = tpu.memref_squeeze %dma_wait3A_164 : memref<1x!tpu.dma_semaphore, #tpu.memory_space<semaphore_mem>> -> memref<!tpu.dma_semaphore, #tpu.memory_space<semaphore_mem>>
      tpu.wait_indirect_dma semaphore(%dma_wait3A_165 : memref<!tpu.dma_semaphore, #tpu.memory_space<semaphore_mem>>) src(%dma_wait3A_163 : memref<10000x128xf32, #tpu.memory_space<hbm>>) dst(%dma_wait3A_157 : memref<128x128xf32, #tpu.memory_space<vmem>>)
      %run_scoped3A_166 = arith.constant 0 : i32
      %run_scoped3A_167 = arith.constant 0 : i32
      "tpu.region"() ({
        %run_scoped3A_265 = tpu.sem_alloc : memref<!tpu.dma_semaphore, #tpu.memory_space<semaphore_mem>>
        %dma_start3A_266 = arith.constant 0 : i32
        %dma_start3A_267 = arith.constant 0 : i32
        %dma_start3A_268 = tpu.memref_slice %arg8[%run_scoped3A_166, %dma_start3A_266, %dma_start3A_267] : memref<2x128x128xf32, #tpu.memory_space<vmem>> -> memref<1x128x128xf32, #tpu.memory_space<vmem>>
        %dma_start3A_269 = tpu.memref_squeeze %dma_start3A_268 : memref<1x128x128xf32, #tpu.memory_space<vmem>> -> memref<128x128xf32, #tpu.memory_space<vmem>>
        %dma_start3A_270 = arith.constant 0 : i32
        %dma_start3A_271 = tpu.memref_slice %arg7[%select_n3A_149, %run_scoped3A_167, %dma_start3A_270] : memref<2x4x128xi32, #tpu.memory_space<vmem>> -> memref<1x1x128xi32, #tpu.memory_space<vmem>>
        %dma_start3A_272 = tpu.memref_squeeze %dma_start3A_271 : memref<1x1x128xi32, #tpu.memory_space<vmem>> -> memref<128xi32, #tpu.memory_space<vmem>>
        %dma_start3A_273 = arith.constant 0 : i32
        %dma_start3A_274 = arith.constant 0 : i32
        %dma_start3A_275 = tpu.memref_slice %arg9[%dma_start3A_273, %dma_start3A_274] : memref<10112x128xf32, #tpu.memory_space<vmem_shared>> -> memref<10112x128xf32, #tpu.memory_space<vmem_shared>>
        tpu.enqueue_indirect_dma source(%dma_start3A_269 : memref<128x128xf32, #tpu.memory_space<vmem>>) target(%dma_start3A_275 : memref<10112x128xf32, #tpu.memory_space<vmem_shared>>) offsets(%dma_start3A_272 : memref<128xi32, #tpu.memory_space<vmem>>) semaphore(%run_scoped3A_265 : memref<!tpu.dma_semaphore, #tpu.memory_space<semaphore_mem>>) {add = true}
        %dma_wait3A_276 = arith.constant 0 : i32
        %dma_wait3A_277 = arith.constant 0 : i32
        %dma_wait3A_278 = tpu.memref_slice %arg8[%run_scoped3A_166, %dma_wait3A_276, %dma_wait3A_277] : memref<2x128x128xf32, #tpu.memory_space<vmem>> -> memref<1x128x128xf32, #tpu.memory_space<vmem>>
        %dma_wait3A_279 = tpu.memref_squeeze %dma_wait3A_278 : memref<1x128x128xf32, #tpu.memory_space<vmem>> -> memref<128x128xf32, #tpu.memory_space<vmem>>
        %dma_wait3A_280 = arith.constant 0 : i32
        %dma_wait3A_281 = tpu.memref_slice %arg7[%select_n3A_149, %run_scoped3A_167, %dma_wait3A_280] : memref<2x4x128xi32, #tpu.memory_space<vmem>> -> memref<1x1x128xi32, #tpu.memory_space<vmem>>
        %dma_wait3A_282 = tpu.memref_squeeze %dma_wait3A_281 : memref<1x1x128xi32, #tpu.memory_space<vmem>> -> memref<128xi32, #tpu.memory_space<vmem>>
        %dma_wait3A_283 = arith.constant 0 : i32
        %dma_wait3A_284 = arith.constant 0 : i32
        %dma_wait3A_285 = tpu.memref_slice %arg9[%dma_wait3A_283, %dma_wait3A_284] : memref<10112x128xf32, #tpu.memory_space<vmem_shared>> -> memref<10112x128xf32, #tpu.memory_space<vmem_shared>>
        tpu.wait_indirect_dma semaphore(%run_scoped3A_265 : memref<!tpu.dma_semaphore, #tpu.memory_space<semaphore_mem>>) src(%dma_wait3A_279 : memref<128x128xf32, #tpu.memory_space<vmem>>) dst(%dma_wait3A_285 : memref<10112x128xf32, #tpu.memory_space<vmem_shared>>)
        tpu.yield
      }) : () -> ()
      %dma_start3A_168 = arith.constant 2 : i32
      %dma_start3A_169 = arith.constant 0 : i32
      %dma_start3A_170 = arith.constant 0 : i32
      %dma_start3A_171 = arith.constant 0 : i32
      %dma_start3A_172 = arith.constant 0 : i32
      %dma_start3A_173 = tpu.memref_slice %arg8[%dma_start3A_169, %dma_start3A_171, %dma_start3A_172] : memref<2x128x128xf32, #tpu.memory_space<vmem>> -> memref<1x128x128xf32, #tpu.memory_space<vmem>>
      %dma_start3A_174 = tpu.memref_squeeze %dma_start3A_173 : memref<1x128x128xf32, #tpu.memory_space<vmem>> -> memref<128x128xf32, #tpu.memory_space<vmem>>
      %dma_start3A_175 = arith.constant 0 : i32
      %dma_start3A_176 = tpu.memref_slice %arg6[%select_n3A_149, %dma_start3A_168, %dma_start3A_175] : memref<2x4x128xi32, #tpu.memory_space<vmem>> -> memref<1x1x128xi32, #tpu.memory_space<vmem>>
      %dma_start3A_177 = tpu.memref_squeeze %dma_start3A_176 : memref<1x1x128xi32, #tpu.memory_space<vmem>> -> memref<128xi32, #tpu.memory_space<vmem>>
      %dma_start3A_178 = arith.constant 0 : i32
      %dma_start3A_179 = arith.constant 0 : i32
      %dma_start3A_180 = tpu.memref_slice %arg2[%dma_start3A_178, %dma_start3A_179] : memref<10000x128xf32, #tpu.memory_space<hbm>> -> memref<10000x128xf32, #tpu.memory_space<hbm>>
      %dma_start3A_181 = tpu.memref_slice %arg10[%dma_start3A_170] : memref<2x!tpu.dma_semaphore, #tpu.memory_space<semaphore_mem>> -> memref<1x!tpu.dma_semaphore, #tpu.memory_space<semaphore_mem>>
      %dma_start3A_182 = tpu.memref_squeeze %dma_start3A_181 : memref<1x!tpu.dma_semaphore, #tpu.memory_space<semaphore_mem>> -> memref<!tpu.dma_semaphore, #tpu.memory_space<semaphore_mem>>
      tpu.enqueue_indirect_dma source(%dma_start3A_180 : memref<10000x128xf32, #tpu.memory_space<hbm>>) target(%dma_start3A_174 : memref<128x128xf32, #tpu.memory_space<vmem>>) offsets(%dma_start3A_177 : memref<128xi32, #tpu.memory_space<vmem>>) semaphore(%dma_start3A_182 : memref<!tpu.dma_semaphore, #tpu.memory_space<semaphore_mem>>)
      %dma_wait3A_183 = arith.constant 1 : i32
      %dma_wait3A_184 = arith.constant 1 : i32
      %dma_wait3A_185 = arith.constant 1 : i32
      %dma_wait3A_186 = arith.constant 0 : i32
      %dma_wait3A_187 = arith.constant 0 : i32
      %dma_wait3A_188 = tpu.memref_slice %arg8[%dma_wait3A_184, %dma_wait3A_186, %dma_wait3A_187] : memref<2x128x128xf32, #tpu.memory_space<vmem>> -> memref<1x128x128xf32, #tpu.memory_space<vmem>>
      %dma_wait3A_189 = tpu.memref_squeeze %dma_wait3A_188 : memref<1x128x128xf32, #tpu.memory_space<vmem>> -> memref<128x128xf32, #tpu.memory_space<vmem>>
      %dma_wait3A_190 = arith.constant 0 : i32
      %dma_wait3A_191 = tpu.memref_slice %arg6[%select_n3A_149, %dma_wait3A_183, %dma_wait3A_190] : memref<2x4x128xi32, #tpu.memory_space<vmem>> -> memref<1x1x128xi32, #tpu.memory_space<vmem>>
      %dma_wait3A_192 = tpu.memref_squeeze %dma_wait3A_191 : memref<1x1x128xi32, #tpu.memory_space<vmem>> -> memref<128xi32, #tpu.memory_space<vmem>>
      %dma_wait3A_193 = arith.constant 0 : i32
      %dma_wait3A_194 = arith.constant 0 : i32
      %dma_wait3A_195 = tpu.memref_slice %arg2[%dma_wait3A_193, %dma_wait3A_194] : memref<10000x128xf32, #tpu.memory_space<hbm>> -> memref<10000x128xf32, #tpu.memory_space<hbm>>
      %dma_wait3A_196 = tpu.memref_slice %arg10[%dma_wait3A_185] : memref<2x!tpu.dma_semaphore, #tpu.memory_space<semaphore_mem>> -> memref<1x!tpu.dma_semaphore, #tpu.memory_space<semaphore_mem>>
      %dma_wait3A_197 = tpu.memref_squeeze %dma_wait3A_196 : memref<1x!tpu.dma_semaphore, #tpu.memory_space<semaphore_mem>> -> memref<!tpu.dma_semaphore, #tpu.memory_space<semaphore_mem>>
      tpu.wait_indirect_dma semaphore(%dma_wait3A_197 : memref<!tpu.dma_semaphore, #tpu.memory_space<semaphore_mem>>) src(%dma_wait3A_195 : memref<10000x128xf32, #tpu.memory_space<hbm>>) dst(%dma_wait3A_189 : memref<128x128xf32, #tpu.memory_space<vmem>>)
      %run_scoped3A_198 = arith.constant 1 : i32
      %run_scoped3A_199 = arith.constant 1 : i32
      "tpu.region"() ({
        %run_scoped3A_265 = tpu.sem_alloc : memref<!tpu.dma_semaphore, #tpu.memory_space<semaphore_mem>>
        %dma_start3A_266 = arith.constant 0 : i32
        %dma_start3A_267 = arith.constant 0 : i32
        %dma_start3A_268 = tpu.memref_slice %arg8[%run_scoped3A_198, %dma_start3A_266, %dma_start3A_267] : memref<2x128x128xf32, #tpu.memory_space<vmem>> -> memref<1x128x128xf32, #tpu.memory_space<vmem>>
        %dma_start3A_269 = tpu.memref_squeeze %dma_start3A_268 : memref<1x128x128xf32, #tpu.memory_space<vmem>> -> memref<128x128xf32, #tpu.memory_space<vmem>>
        %dma_start3A_270 = arith.constant 0 : i32
        %dma_start3A_271 = tpu.memref_slice %arg7[%select_n3A_149, %run_scoped3A_199, %dma_start3A_270] : memref<2x4x128xi32, #tpu.memory_space<vmem>> -> memref<1x1x128xi32, #tpu.memory_space<vmem>>
        %dma_start3A_272 = tpu.memref_squeeze %dma_start3A_271 : memref<1x1x128xi32, #tpu.memory_space<vmem>> -> memref<128xi32, #tpu.memory_space<vmem>>
        %dma_start3A_273 = arith.constant 0 : i32
        %dma_start3A_274 = arith.constant 0 : i32
        %dma_start3A_275 = tpu.memref_slice %arg9[%dma_start3A_273, %dma_start3A_274] : memref<10112x128xf32, #tpu.memory_space<vmem_shared>> -> memref<10112x128xf32, #tpu.memory_space<vmem_shared>>
        tpu.enqueue_indirect_dma source(%dma_start3A_269 : memref<128x128xf32, #tpu.memory_space<vmem>>) target(%dma_start3A_275 : memref<10112x128xf32, #tpu.memory_space<vmem_shared>>) offsets(%dma_start3A_272 : memref<128xi32, #tpu.memory_space<vmem>>) semaphore(%run_scoped3A_265 : memref<!tpu.dma_semaphore, #tpu.memory_space<semaphore_mem>>) {add = true}
        %dma_wait3A_276 = arith.constant 0 : i32
        %dma_wait3A_277 = arith.constant 0 : i32
        %dma_wait3A_278 = tpu.memref_slice %arg8[%run_scoped3A_198, %dma_wait3A_276, %dma_wait3A_277] : memref<2x128x128xf32, #tpu.memory_space<vmem>> -> memref<1x128x128xf32, #tpu.memory_space<vmem>>
        %dma_wait3A_279 = tpu.memref_squeeze %dma_wait3A_278 : memref<1x128x128xf32, #tpu.memory_space<vmem>> -> memref<128x128xf32, #tpu.memory_space<vmem>>
        %dma_wait3A_280 = arith.constant 0 : i32
        %dma_wait3A_281 = tpu.memref_slice %arg7[%select_n3A_149, %run_scoped3A_199, %dma_wait3A_280] : memref<2x4x128xi32, #tpu.memory_space<vmem>> -> memref<1x1x128xi32, #tpu.memory_space<vmem>>
        %dma_wait3A_282 = tpu.memref_squeeze %dma_wait3A_281 : memref<1x1x128xi32, #tpu.memory_space<vmem>> -> memref<128xi32, #tpu.memory_space<vmem>>
        %dma_wait3A_283 = arith.constant 0 : i32
        %dma_wait3A_284 = arith.constant 0 : i32
        %dma_wait3A_285 = tpu.memref_slice %arg9[%dma_wait3A_283, %dma_wait3A_284] : memref<10112x128xf32, #tpu.memory_space<vmem_shared>> -> memref<10112x128xf32, #tpu.memory_space<vmem_shared>>
        tpu.wait_indirect_dma semaphore(%run_scoped3A_265 : memref<!tpu.dma_semaphore, #tpu.memory_space<semaphore_mem>>) src(%dma_wait3A_279 : memref<128x128xf32, #tpu.memory_space<vmem>>) dst(%dma_wait3A_285 : memref<10112x128xf32, #tpu.memory_space<vmem_shared>>)
        tpu.yield
      }) : () -> ()
      %dma_start3A_200 = arith.constant 3 : i32
      %dma_start3A_201 = arith.constant 1 : i32
      %dma_start3A_202 = arith.constant 1 : i32
      %dma_start3A_203 = arith.constant 0 : i32
      %dma_start3A_204 = arith.constant 0 : i32
      %dma_start3A_205 = tpu.memref_slice %arg8[%dma_start3A_201, %dma_start3A_203, %dma_start3A_204] : memref<2x128x128xf32, #tpu.memory_space<vmem>> -> memref<1x128x128xf32, #tpu.memory_space<vmem>>
      %dma_start3A_206 = tpu.memref_squeeze %dma_start3A_205 : memref<1x128x128xf32, #tpu.memory_space<vmem>> -> memref<128x128xf32, #tpu.memory_space<vmem>>
      %dma_start3A_207 = arith.constant 0 : i32
      %dma_start3A_208 = tpu.memref_slice %arg6[%select_n3A_149, %dma_start3A_200, %dma_start3A_207] : memref<2x4x128xi32, #tpu.memory_space<vmem>> -> memref<1x1x128xi32, #tpu.memory_space<vmem>>
      %dma_start3A_209 = tpu.memref_squeeze %dma_start3A_208 : memref<1x1x128xi32, #tpu.memory_space<vmem>> -> memref<128xi32, #tpu.memory_space<vmem>>
      %dma_start3A_210 = arith.constant 0 : i32
      %dma_start3A_211 = arith.constant 0 : i32
      %dma_start3A_212 = tpu.memref_slice %arg2[%dma_start3A_210, %dma_start3A_211] : memref<10000x128xf32, #tpu.memory_space<hbm>> -> memref<10000x128xf32, #tpu.memory_space<hbm>>
      %dma_start3A_213 = tpu.memref_slice %arg10[%dma_start3A_202] : memref<2x!tpu.dma_semaphore, #tpu.memory_space<semaphore_mem>> -> memref<1x!tpu.dma_semaphore, #tpu.memory_space<semaphore_mem>>
      %dma_start3A_214 = tpu.memref_squeeze %dma_start3A_213 : memref<1x!tpu.dma_semaphore, #tpu.memory_space<semaphore_mem>> -> memref<!tpu.dma_semaphore, #tpu.memory_space<semaphore_mem>>
      tpu.enqueue_indirect_dma source(%dma_start3A_212 : memref<10000x128xf32, #tpu.memory_space<hbm>>) target(%dma_start3A_206 : memref<128x128xf32, #tpu.memory_space<vmem>>) offsets(%dma_start3A_209 : memref<128xi32, #tpu.memory_space<vmem>>) semaphore(%dma_start3A_214 : memref<!tpu.dma_semaphore, #tpu.memory_space<semaphore_mem>>)
      %dma_wait3A_215 = arith.constant 2 : i32
      %dma_wait3A_216 = arith.constant 0 : i32
      %dma_wait3A_217 = arith.constant 0 : i32
      %dma_wait3A_218 = arith.constant 0 : i32
      %dma_wait3A_219 = arith.constant 0 : i32
      %dma_wait3A_220 = tpu.memref_slice %arg8[%dma_wait3A_216, %dma_wait3A_218, %dma_wait3A_219] : memref<2x128x128xf32, #tpu.memory_space<vmem>> -> memref<1x128x128xf32, #tpu.memory_space<vmem>>
      %dma_wait3A_221 = tpu.memref_squeeze %dma_wait3A_220 : memref<1x128x128xf32, #tpu.memory_space<vmem>> -> memref<128x128xf32, #tpu.memory_space<vmem>>
      %dma_wait3A_222 = arith.constant 0 : i32
      %dma_wait3A_223 = tpu.memref_slice %arg6[%select_n3A_149, %dma_wait3A_215, %dma_wait3A_222] : memref<2x4x128xi32, #tpu.memory_space<vmem>> -> memref<1x1x128xi32, #tpu.memory_space<vmem>>
      %dma_wait3A_224 = tpu.memref_squeeze %dma_wait3A_223 : memref<1x1x128xi32, #tpu.memory_space<vmem>> -> memref<128xi32, #tpu.memory_space<vmem>>
      %dma_wait3A_225 = arith.constant 0 : i32
      %dma_wait3A_226 = arith.constant 0 : i32
      %dma_wait3A_227 = tpu.memref_slice %arg2[%dma_wait3A_225, %dma_wait3A_226] : memref<10000x128xf32, #tpu.memory_space<hbm>> -> memref<10000x128xf32, #tpu.memory_space<hbm>>
      %dma_wait3A_228 = tpu.memref_slice %arg10[%dma_wait3A_217] : memref<2x!tpu.dma_semaphore, #tpu.memory_space<semaphore_mem>> -> memref<1x!tpu.dma_semaphore, #tpu.memory_space<semaphore_mem>>
      %dma_wait3A_229 = tpu.memref_squeeze %dma_wait3A_228 : memref<1x!tpu.dma_semaphore, #tpu.memory_space<semaphore_mem>> -> memref<!tpu.dma_semaphore, #tpu.memory_space<semaphore_mem>>
      tpu.wait_indirect_dma semaphore(%dma_wait3A_229 : memref<!tpu.dma_semaphore, #tpu.memory_space<semaphore_mem>>) src(%dma_wait3A_227 : memref<10000x128xf32, #tpu.memory_space<hbm>>) dst(%dma_wait3A_221 : memref<128x128xf32, #tpu.memory_space<vmem>>)
      %run_scoped3A_230 = arith.constant 0 : i32
      %run_scoped3A_231 = arith.constant 2 : i32
      "tpu.region"() ({
        %run_scoped3A_265 = tpu.sem_alloc : memref<!tpu.dma_semaphore, #tpu.memory_space<semaphore_mem>>
        %dma_start3A_266 = arith.constant 0 : i32
        %dma_start3A_267 = arith.constant 0 : i32
        %dma_start3A_268 = tpu.memref_slice %arg8[%run_scoped3A_230, %dma_start3A_266, %dma_start3A_267] : memref<2x128x128xf32, #tpu.memory_space<vmem>> -> memref<1x128x128xf32, #tpu.memory_space<vmem>>
        %dma_start3A_269 = tpu.memref_squeeze %dma_start3A_268 : memref<1x128x128xf32, #tpu.memory_space<vmem>> -> memref<128x128xf32, #tpu.memory_space<vmem>>
        %dma_start3A_270 = arith.constant 0 : i32
        %dma_start3A_271 = tpu.memref_slice %arg7[%select_n3A_149, %run_scoped3A_231, %dma_start3A_270] : memref<2x4x128xi32, #tpu.memory_space<vmem>> -> memref<1x1x128xi32, #tpu.memory_space<vmem>>
        %dma_start3A_272 = tpu.memref_squeeze %dma_start3A_271 : memref<1x1x128xi32, #tpu.memory_space<vmem>> -> memref<128xi32, #tpu.memory_space<vmem>>
        %dma_start3A_273 = arith.constant 0 : i32
        %dma_start3A_274 = arith.constant 0 : i32
        %dma_start3A_275 = tpu.memref_slice %arg9[%dma_start3A_273, %dma_start3A_274] : memref<10112x128xf32, #tpu.memory_space<vmem_shared>> -> memref<10112x128xf32, #tpu.memory_space<vmem_shared>>
        tpu.enqueue_indirect_dma source(%dma_start3A_269 : memref<128x128xf32, #tpu.memory_space<vmem>>) target(%dma_start3A_275 : memref<10112x128xf32, #tpu.memory_space<vmem_shared>>) offsets(%dma_start3A_272 : memref<128xi32, #tpu.memory_space<vmem>>) semaphore(%run_scoped3A_265 : memref<!tpu.dma_semaphore, #tpu.memory_space<semaphore_mem>>) {add = true}
        %dma_wait3A_276 = arith.constant 0 : i32
        %dma_wait3A_277 = arith.constant 0 : i32
        %dma_wait3A_278 = tpu.memref_slice %arg8[%run_scoped3A_230, %dma_wait3A_276, %dma_wait3A_277] : memref<2x128x128xf32, #tpu.memory_space<vmem>> -> memref<1x128x128xf32, #tpu.memory_space<vmem>>
        %dma_wait3A_279 = tpu.memref_squeeze %dma_wait3A_278 : memref<1x128x128xf32, #tpu.memory_space<vmem>> -> memref<128x128xf32, #tpu.memory_space<vmem>>
        %dma_wait3A_280 = arith.constant 0 : i32
        %dma_wait3A_281 = tpu.memref_slice %arg7[%select_n3A_149, %run_scoped3A_231, %dma_wait3A_280] : memref<2x4x128xi32, #tpu.memory_space<vmem>> -> memref<1x1x128xi32, #tpu.memory_space<vmem>>
        %dma_wait3A_282 = tpu.memref_squeeze %dma_wait3A_281 : memref<1x1x128xi32, #tpu.memory_space<vmem>> -> memref<128xi32, #tpu.memory_space<vmem>>
        %dma_wait3A_283 = arith.constant 0 : i32
        %dma_wait3A_284 = arith.constant 0 : i32
        %dma_wait3A_285 = tpu.memref_slice %arg9[%dma_wait3A_283, %dma_wait3A_284] : memref<10112x128xf32, #tpu.memory_space<vmem_shared>> -> memref<10112x128xf32, #tpu.memory_space<vmem_shared>>
        tpu.wait_indirect_dma semaphore(%run_scoped3A_265 : memref<!tpu.dma_semaphore, #tpu.memory_space<semaphore_mem>>) src(%dma_wait3A_279 : memref<128x128xf32, #tpu.memory_space<vmem>>) dst(%dma_wait3A_285 : memref<10112x128xf32, #tpu.memory_space<vmem_shared>>)
        tpu.yield
      }) : () -> ()
      %add3A_232 = arith.constant 1 : i32
      %add3A_233 = arith.addi %while3A_137, %add3A_232 : i32
      %lt3A_234 = arith.cmpi slt, %add3A_233, %add3A_6 : i32
      %convert_element_type3A = arith.extui %lt3A_234 : i1 to i32
      %cond3A = arith.constant 0 : i32
      %cond3A_235 = arith.cmpi ne, %convert_element_type3A, %cond3A : i32
      scf.if %cond3A_235 {
        %add3A_265 = arith.constant 1 : i32
        %add3A_266 = arith.addi %while3A_137, %add3A_265 : i32
        %mul3A_267 = arith.constant 4 : i32
        %mul3A_268 = arith.muli %add3A_266, %mul3A_267 : i32
        %add3A_269 = arith.addi %mul3A_12, %mul3A_268 : i32
        %dma_wait3A_270 = arith.constant 0 : i32
        %dma_wait3A_271 = arith.constant 0 : i32
        %dma_wait3A_272 = arith.constant 0 : i32
        %dma_wait3A_273 = tpu.memref_slice %arg6[%sub3A_150, %dma_wait3A_271, %dma_wait3A_272] : memref<2x4x128xi32, #tpu.memory_space<vmem>> -> memref<1x4x128xi32, #tpu.memory_space<vmem>>
        %dma_wait3A_274 = tpu.memref_squeeze %dma_wait3A_273 : memref<1x4x128xi32, #tpu.memory_space<vmem>> -> memref<4x128xi32, #tpu.memory_space<vmem>>
        %dma_wait3A_275 = arith.constant 0 : i32
        %dma_wait3A_276 = tpu.memref_slice %arg3[%dma_wait3A_270, %add3A_269, %dma_wait3A_275] : memref<2x2500x128xi32, #tpu.memory_space<hbm>> -> memref<1x4x128xi32, #tpu.memory_space<hbm>>
        %dma_wait3A_277 = tpu.memref_squeeze %dma_wait3A_276 : memref<1x4x128xi32, #tpu.memory_space<hbm>> -> memref<4x128xi32, #tpu.memory_space<hbm>>
        %dma_wait3A_278 = tpu.memref_slice %arg11[%sub3A_150] : memref<2x!tpu.dma_semaphore, #tpu.memory_space<semaphore_mem>> -> memref<1x!tpu.dma_semaphore, #tpu.memory_space<semaphore_mem>>
        %dma_wait3A_279 = tpu.memref_squeeze %dma_wait3A_278 : memref<1x!tpu.dma_semaphore, #tpu.memory_space<semaphore_mem>> -> memref<!tpu.dma_semaphore, #tpu.memory_space<semaphore_mem>>
        %dma_wait3A_280 = arith.constant 0 : i32
        %dma_wait3A_281 = arith.constant 0 : i32
        %dma_wait3A_282 = tpu.memref_slice %arg6[%sub3A_150, %dma_wait3A_280, %dma_wait3A_281] : memref<2x4x128xi32, #tpu.memory_space<vmem>> -> memref<1x4x128xi32, #tpu.memory_space<vmem>>
        %dma_wait3A_283 = tpu.memref_squeeze %dma_wait3A_282 : memref<1x4x128xi32, #tpu.memory_space<vmem>> -> memref<4x128xi32, #tpu.memory_space<vmem>>
        %dma_wait3A_284 = arith.constant 0 : i32
        %dma_wait3A_285 = tpu.memref_slice %arg3[%dma_wait3A_270, %add3A_269, %dma_wait3A_284] : memref<2x2500x128xi32, #tpu.memory_space<hbm>> -> memref<1x4x128xi32, #tpu.memory_space<hbm>>
        %dma_wait3A_286 = tpu.memref_squeeze %dma_wait3A_285 : memref<1x4x128xi32, #tpu.memory_space<hbm>> -> memref<4x128xi32, #tpu.memory_space<hbm>>
        tpu.wait_dma2 semaphore(%dma_wait3A_279 : memref<!tpu.dma_semaphore, #tpu.memory_space<semaphore_mem>>) src(%dma_wait3A_286 : memref<4x128xi32, #tpu.memory_space<hbm>>) dst(%dma_wait3A_283 : memref<4x128xi32, #tpu.memory_space<vmem>>)
        %add3A_287 = arith.constant 1 : i32
        %add3A_288 = arith.addi %while3A_137, %add3A_287 : i32
        %mul3A_289 = arith.constant 4 : i32
        %mul3A_290 = arith.muli %add3A_288, %mul3A_289 : i32
        %add3A_291 = arith.addi %mul3A_12, %mul3A_290 : i32
        %dma_wait3A_292 = arith.constant 1 : i32
        %dma_wait3A_293 = arith.constant 0 : i32
        %dma_wait3A_294 = arith.constant 0 : i32
        %dma_wait3A_295 = tpu.memref_slice %arg7[%sub3A_150, %dma_wait3A_293, %dma_wait3A_294] : memref<2x4x128xi32, #tpu.memory_space<vmem>> -> memref<1x4x128xi32, #tpu.memory_space<vmem>>
        %dma_wait3A_296 = tpu.memref_squeeze %dma_wait3A_295 : memref<1x4x128xi32, #tpu.memory_space<vmem>> -> memref<4x128xi32, #tpu.memory_space<vmem>>
        %dma_wait3A_297 = arith.constant 0 : i32
        %dma_wait3A_298 = tpu.memref_slice %arg3[%dma_wait3A_292, %add3A_291, %dma_wait3A_297] : memref<2x2500x128xi32, #tpu.memory_space<hbm>> -> memref<1x4x128xi32, #tpu.memory_space<hbm>>
        %dma_wait3A_299 = tpu.memref_squeeze %dma_wait3A_298 : memref<1x4x128xi32, #tpu.memory_space<hbm>> -> memref<4x128xi32, #tpu.memory_space<hbm>>
        %dma_wait3A_300 = tpu.memref_slice %arg11[%sub3A_150] : memref<2x!tpu.dma_semaphore, #tpu.memory_space<semaphore_mem>> -> memref<1x!tpu.dma_semaphore, #tpu.memory_space<semaphore_mem>>
        %dma_wait3A_301 = tpu.memref_squeeze %dma_wait3A_300 : memref<1x!tpu.dma_semaphore, #tpu.memory_space<semaphore_mem>> -> memref<!tpu.dma_semaphore, #tpu.memory_space<semaphore_mem>>
        %dma_wait3A_302 = arith.constant 0 : i32
        %dma_wait3A_303 = arith.constant 0 : i32
        %dma_wait3A_304 = tpu.memref_slice %arg7[%sub3A_150, %dma_wait3A_302, %dma_wait3A_303] : memref<2x4x128xi32, #tpu.memory_space<vmem>> -> memref<1x4x128xi32, #tpu.memory_space<vmem>>
        %dma_wait3A_305 = tpu.memref_squeeze %dma_wait3A_304 : memref<1x4x128xi32, #tpu.memory_space<vmem>> -> memref<4x128xi32, #tpu.memory_space<vmem>>
        %dma_wait3A_306 = arith.constant 0 : i32
        %dma_wait3A_307 = tpu.memref_slice %arg3[%dma_wait3A_292, %add3A_291, %dma_wait3A_306] : memref<2x2500x128xi32, #tpu.memory_space<hbm>> -> memref<1x4x128xi32, #tpu.memory_space<hbm>>
        %dma_wait3A_308 = tpu.memref_squeeze %dma_wait3A_307 : memref<1x4x128xi32, #tpu.memory_space<hbm>> -> memref<4x128xi32, #tpu.memory_space<hbm>>
        tpu.wait_dma2 semaphore(%dma_wait3A_301 : memref<!tpu.dma_semaphore, #tpu.memory_space<semaphore_mem>>) src(%dma_wait3A_308 : memref<4x128xi32, #tpu.memory_space<hbm>>) dst(%dma_wait3A_305 : memref<4x128xi32, #tpu.memory_space<vmem>>)
        %dma_start3A_309 = arith.constant 0 : i32
        %dma_start3A_310 = arith.constant 0 : i32
        %dma_start3A_311 = arith.constant 0 : i32
        %dma_start3A_312 = arith.constant 0 : i32
        %dma_start3A_313 = arith.constant 0 : i32
        %dma_start3A_314 = tpu.memref_slice %arg8[%dma_start3A_310, %dma_start3A_312, %dma_start3A_313] : memref<2x128x128xf32, #tpu.memory_space<vmem>> -> memref<1x128x128xf32, #tpu.memory_space<vmem>>
        %dma_start3A_315 = tpu.memref_squeeze %dma_start3A_314 : memref<1x128x128xf32, #tpu.memory_space<vmem>> -> memref<128x128xf32, #tpu.memory_space<vmem>>
        %dma_start3A_316 = arith.constant 0 : i32
        %dma_start3A_317 = tpu.memref_slice %arg6[%sub3A_150, %dma_start3A_309, %dma_start3A_316] : memref<2x4x128xi32, #tpu.memory_space<vmem>> -> memref<1x1x128xi32, #tpu.memory_space<vmem>>
        %dma_start3A_318 = tpu.memref_squeeze %dma_start3A_317 : memref<1x1x128xi32, #tpu.memory_space<vmem>> -> memref<128xi32, #tpu.memory_space<vmem>>
        %dma_start3A_319 = arith.constant 0 : i32
        %dma_start3A_320 = arith.constant 0 : i32
        %dma_start3A_321 = tpu.memref_slice %arg2[%dma_start3A_319, %dma_start3A_320] : memref<10000x128xf32, #tpu.memory_space<hbm>> -> memref<10000x128xf32, #tpu.memory_space<hbm>>
        %dma_start3A_322 = tpu.memref_slice %arg10[%dma_start3A_311] : memref<2x!tpu.dma_semaphore, #tpu.memory_space<semaphore_mem>> -> memref<1x!tpu.dma_semaphore, #tpu.memory_space<semaphore_mem>>
        %dma_start3A_323 = tpu.memref_squeeze %dma_start3A_322 : memref<1x!tpu.dma_semaphore, #tpu.memory_space<semaphore_mem>> -> memref<!tpu.dma_semaphore, #tpu.memory_space<semaphore_mem>>
        tpu.enqueue_indirect_dma source(%dma_start3A_321 : memref<10000x128xf32, #tpu.memory_space<hbm>>) target(%dma_start3A_315 : memref<128x128xf32, #tpu.memory_space<vmem>>) offsets(%dma_start3A_318 : memref<128xi32, #tpu.memory_space<vmem>>) semaphore(%dma_start3A_323 : memref<!tpu.dma_semaphore, #tpu.memory_space<semaphore_mem>>)
      } else {
      }
      %dma_wait3A_236 = arith.constant 3 : i32
      %dma_wait3A_237 = arith.constant 1 : i32
      %dma_wait3A_238 = arith.constant 1 : i32
      %dma_wait3A_239 = arith.constant 0 : i32
      %dma_wait3A_240 = arith.constant 0 : i32
      %dma_wait3A_241 = tpu.memref_slice %arg8[%dma_wait3A_237, %dma_wait3A_239, %dma_wait3A_240] : memref<2x128x128xf32, #tpu.memory_space<vmem>> -> memref<1x128x128xf32, #tpu.memory_space<vmem>>
      %dma_wait3A_242 = tpu.memref_squeeze %dma_wait3A_241 : memref<1x128x128xf32, #tpu.memory_space<vmem>> -> memref<128x128xf32, #tpu.memory_space<vmem>>
      %dma_wait3A_243 = arith.constant 0 : i32
      %dma_wait3A_244 = tpu.memref_slice %arg6[%select_n3A_149, %dma_wait3A_236, %dma_wait3A_243] : memref<2x4x128xi32, #tpu.memory_space<vmem>> -> memref<1x1x128xi32, #tpu.memory_space<vmem>>
      %dma_wait3A_245 = tpu.memref_squeeze %dma_wait3A_244 : memref<1x1x128xi32, #tpu.memory_space<vmem>> -> memref<128xi32, #tpu.memory_space<vmem>>
      %dma_wait3A_246 = arith.constant 0 : i32
      %dma_wait3A_247 = arith.constant 0 : i32
      %dma_wait3A_248 = tpu.memref_slice %arg2[%dma_wait3A_246, %dma_wait3A_247] : memref<10000x128xf32, #tpu.memory_space<hbm>> -> memref<10000x128xf32, #tpu.memory_space<hbm>>
      %dma_wait3A_249 = tpu.memref_slice %arg10[%dma_wait3A_238] : memref<2x!tpu.dma_semaphore, #tpu.memory_space<semaphore_mem>> -> memref<1x!tpu.dma_semaphore, #tpu.memory_space<semaphore_mem>>
      %dma_wait3A_250 = tpu.memref_squeeze %dma_wait3A_249 : memref<1x!tpu.dma_semaphore, #tpu.memory_space<semaphore_mem>> -> memref<!tpu.dma_semaphore, #tpu.memory_space<semaphore_mem>>
      tpu.wait_indirect_dma semaphore(%dma_wait3A_250 : memref<!tpu.dma_semaphore, #tpu.memory_space<semaphore_mem>>) src(%dma_wait3A_248 : memref<10000x128xf32, #tpu.memory_space<hbm>>) dst(%dma_wait3A_242 : memref<128x128xf32, #tpu.memory_space<vmem>>)
      %run_scoped3A_251 = arith.constant 1 : i32
      %run_scoped3A_252 = arith.constant 3 : i32
      "tpu.region"() ({
        %run_scoped3A_265 = tpu.sem_alloc : memref<!tpu.dma_semaphore, #tpu.memory_space<semaphore_mem>>
        %dma_start3A_266 = arith.constant 0 : i32
        %dma_start3A_267 = arith.constant 0 : i32
        %dma_start3A_268 = tpu.memref_slice %arg8[%run_scoped3A_251, %dma_start3A_266, %dma_start3A_267] : memref<2x128x128xf32, #tpu.memory_space<vmem>> -> memref<1x128x128xf32, #tpu.memory_space<vmem>>
        %dma_start3A_269 = tpu.memref_squeeze %dma_start3A_268 : memref<1x128x128xf32, #tpu.memory_space<vmem>> -> memref<128x128xf32, #tpu.memory_space<vmem>>
        %dma_start3A_270 = arith.constant 0 : i32
        %dma_start3A_271 = tpu.memref_slice %arg7[%select_n3A_149, %run_scoped3A_252, %dma_start3A_270] : memref<2x4x128xi32, #tpu.memory_space<vmem>> -> memref<1x1x128xi32, #tpu.memory_space<vmem>>
        %dma_start3A_272 = tpu.memref_squeeze %dma_start3A_271 : memref<1x1x128xi32, #tpu.memory_space<vmem>> -> memref<128xi32, #tpu.memory_space<vmem>>
        %dma_start3A_273 = arith.constant 0 : i32
        %dma_start3A_274 = arith.constant 0 : i32
        %dma_start3A_275 = tpu.memref_slice %arg9[%dma_start3A_273, %dma_start3A_274] : memref<10112x128xf32, #tpu.memory_space<vmem_shared>> -> memref<10112x128xf32, #tpu.memory_space<vmem_shared>>
        tpu.enqueue_indirect_dma source(%dma_start3A_269 : memref<128x128xf32, #tpu.memory_space<vmem>>) target(%dma_start3A_275 : memref<10112x128xf32, #tpu.memory_space<vmem_shared>>) offsets(%dma_start3A_272 : memref<128xi32, #tpu.memory_space<vmem>>) semaphore(%run_scoped3A_265 : memref<!tpu.dma_semaphore, #tpu.memory_space<semaphore_mem>>) {add = true}
        %dma_wait3A_276 = arith.constant 0 : i32
        %dma_wait3A_277 = arith.constant 0 : i32
        %dma_wait3A_278 = tpu.memref_slice %arg8[%run_scoped3A_251, %dma_wait3A_276, %dma_wait3A_277] : memref<2x128x128xf32, #tpu.memory_space<vmem>> -> memref<1x128x128xf32, #tpu.memory_space<vmem>>
        %dma_wait3A_279 = tpu.memref_squeeze %dma_wait3A_278 : memref<1x128x128xf32, #tpu.memory_space<vmem>> -> memref<128x128xf32, #tpu.memory_space<vmem>>
        %dma_wait3A_280 = arith.constant 0 : i32
        %dma_wait3A_281 = tpu.memref_slice %arg7[%select_n3A_149, %run_scoped3A_252, %dma_wait3A_280] : memref<2x4x128xi32, #tpu.memory_space<vmem>> -> memref<1x1x128xi32, #tpu.memory_space<vmem>>
        %dma_wait3A_282 = tpu.memref_squeeze %dma_wait3A_281 : memref<1x1x128xi32, #tpu.memory_space<vmem>> -> memref<128xi32, #tpu.memory_space<vmem>>
        %dma_wait3A_283 = arith.constant 0 : i32
        %dma_wait3A_284 = arith.constant 0 : i32
        %dma_wait3A_285 = tpu.memref_slice %arg9[%dma_wait3A_283, %dma_wait3A_284] : memref<10112x128xf32, #tpu.memory_space<vmem_shared>> -> memref<10112x128xf32, #tpu.memory_space<vmem_shared>>
        tpu.wait_indirect_dma semaphore(%run_scoped3A_265 : memref<!tpu.dma_semaphore, #tpu.memory_space<semaphore_mem>>) src(%dma_wait3A_279 : memref<128x128xf32, #tpu.memory_space<vmem>>) dst(%dma_wait3A_285 : memref<10112x128xf32, #tpu.memory_space<vmem_shared>>)
        tpu.yield
      }) : () -> ()
      %add3A_253 = arith.constant 1 : i32
      %add3A_254 = arith.addi %while3A_137, %add3A_253 : i32
      %lt3A_255 = arith.cmpi slt, %add3A_254, %add3A_6 : i32
      %convert_element_type3A_256 = arith.extui %lt3A_255 : i1 to i32
      %cond3A_257 = arith.constant 0 : i32
      %cond3A_258 = arith.cmpi ne, %convert_element_type3A_256, %cond3A_257 : i32
      scf.if %cond3A_258 {
        %dma_start3A_265 = arith.constant 1 : i32
        %dma_start3A_266 = arith.constant 1 : i32
        %dma_start3A_267 = arith.constant 1 : i32
        %dma_start3A_268 = arith.constant 0 : i32
        %dma_start3A_269 = arith.constant 0 : i32
        %dma_start3A_270 = tpu.memref_slice %arg8[%dma_start3A_266, %dma_start3A_268, %dma_start3A_269] : memref<2x128x128xf32, #tpu.memory_space<vmem>> -> memref<1x128x128xf32, #tpu.memory_space<vmem>>
        %dma_start3A_271 = tpu.memref_squeeze %dma_start3A_270 : memref<1x128x128xf32, #tpu.memory_space<vmem>> -> memref<128x128xf32, #tpu.memory_space<vmem>>
        %dma_start3A_272 = arith.constant 0 : i32
        %dma_start3A_273 = tpu.memref_slice %arg6[%sub3A_150, %dma_start3A_265, %dma_start3A_272] : memref<2x4x128xi32, #tpu.memory_space<vmem>> -> memref<1x1x128xi32, #tpu.memory_space<vmem>>
        %dma_start3A_274 = tpu.memref_squeeze %dma_start3A_273 : memref<1x1x128xi32, #tpu.memory_space<vmem>> -> memref<128xi32, #tpu.memory_space<vmem>>
        %dma_start3A_275 = arith.constant 0 : i32
        %dma_start3A_276 = arith.constant 0 : i32
        %dma_start3A_277 = tpu.memref_slice %arg2[%dma_start3A_275, %dma_start3A_276] : memref<10000x128xf32, #tpu.memory_space<hbm>> -> memref<10000x128xf32, #tpu.memory_space<hbm>>
        %dma_start3A_278 = tpu.memref_slice %arg10[%dma_start3A_267] : memref<2x!tpu.dma_semaphore, #tpu.memory_space<semaphore_mem>> -> memref<1x!tpu.dma_semaphore, #tpu.memory_space<semaphore_mem>>
        %dma_start3A_279 = tpu.memref_squeeze %dma_start3A_278 : memref<1x!tpu.dma_semaphore, #tpu.memory_space<semaphore_mem>> -> memref<!tpu.dma_semaphore, #tpu.memory_space<semaphore_mem>>
        tpu.enqueue_indirect_dma source(%dma_start3A_277 : memref<10000x128xf32, #tpu.memory_space<hbm>>) target(%dma_start3A_271 : memref<128x128xf32, #tpu.memory_space<vmem>>) offsets(%dma_start3A_274 : memref<128xi32, #tpu.memory_space<vmem>>) semaphore(%dma_start3A_279 : memref<!tpu.dma_semaphore, #tpu.memory_space<semaphore_mem>>)
      } else {
      }
      %add3A_259 = arith.constant 2 : i32
      %add3A_260 = arith.addi %while3A_137, %add3A_259 : i32
      %lt3A_261 = arith.cmpi slt, %add3A_260, %add3A_6 : i32
      %convert_element_type3A_262 = arith.extui %lt3A_261 : i1 to i32
      %cond3A_263 = arith.constant 0 : i32
      %cond3A_264 = arith.cmpi ne, %convert_element_type3A_262, %cond3A_263 : i32
      scf.if %cond3A_264 {
        %add3A_265 = arith.constant 2 : i32
        %add3A_266 = arith.addi %while3A_137, %add3A_265 : i32
        %mul3A_267 = arith.constant 4 : i32
        %mul3A_268 = arith.muli %add3A_266, %mul3A_267 : i32
        %add3A_269 = arith.addi %mul3A_12, %mul3A_268 : i32
        %dma_start3A_270 = arith.constant 0 : i32
        %dma_start3A_271 = arith.constant 0 : i32
        %dma_start3A_272 = arith.constant 0 : i32
        %dma_start3A_273 = tpu.memref_slice %arg6[%select_n3A_149, %dma_start3A_271, %dma_start3A_272] : memref<2x4x128xi32, #tpu.memory_space<vmem>> -> memref<1x4x128xi32, #tpu.memory_space<vmem>>
        %dma_start3A_274 = tpu.memref_squeeze %dma_start3A_273 : memref<1x4x128xi32, #tpu.memory_space<vmem>> -> memref<4x128xi32, #tpu.memory_space<vmem>>
        %dma_start3A_275 = arith.constant 0 : i32
        %dma_start3A_276 = tpu.memref_slice %arg3[%dma_start3A_270, %add3A_269, %dma_start3A_275] : memref<2x2500x128xi32, #tpu.memory_space<hbm>> -> memref<1x4x128xi32, #tpu.memory_space<hbm>>
        %dma_start3A_277 = tpu.memref_squeeze %dma_start3A_276 : memref<1x4x128xi32, #tpu.memory_space<hbm>> -> memref<4x128xi32, #tpu.memory_space<hbm>>
        %dma_start3A_278 = tpu.memref_slice %arg11[%select_n3A_149] : memref<2x!tpu.dma_semaphore, #tpu.memory_space<semaphore_mem>> -> memref<1x!tpu.dma_semaphore, #tpu.memory_space<semaphore_mem>>
        %dma_start3A_279 = tpu.memref_squeeze %dma_start3A_278 : memref<1x!tpu.dma_semaphore, #tpu.memory_space<semaphore_mem>> -> memref<!tpu.dma_semaphore, #tpu.memory_space<semaphore_mem>>
        %dma_start3A_280 = arith.constant 0 : i32
        %dma_start3A_281 = arith.constant 0 : i32
        %dma_start3A_282 = tpu.memref_slice %arg6[%select_n3A_149, %dma_start3A_280, %dma_start3A_281] : memref<2x4x128xi32, #tpu.memory_space<vmem>> -> memref<1x4x128xi32, #tpu.memory_space<vmem>>
        %dma_start3A_283 = tpu.memref_squeeze %dma_start3A_282 : memref<1x4x128xi32, #tpu.memory_space<vmem>> -> memref<4x128xi32, #tpu.memory_space<vmem>>
        %dma_start3A_284 = arith.constant 0 : i32
        %dma_start3A_285 = tpu.memref_slice %arg3[%dma_start3A_270, %add3A_269, %dma_start3A_284] : memref<2x2500x128xi32, #tpu.memory_space<hbm>> -> memref<1x4x128xi32, #tpu.memory_space<hbm>>
        %dma_start3A_286 = tpu.memref_squeeze %dma_start3A_285 : memref<1x4x128xi32, #tpu.memory_space<hbm>> -> memref<4x128xi32, #tpu.memory_space<hbm>>
        tpu.enqueue_dma source(%dma_start3A_286 : memref<4x128xi32, #tpu.memory_space<hbm>>) target(%dma_start3A_283 : memref<4x128xi32, #tpu.memory_space<vmem>>) target_semaphore(%dma_start3A_279 : memref<!tpu.dma_semaphore, #tpu.memory_space<semaphore_mem>>)
        %add3A_287 = arith.constant 2 : i32
        %add3A_288 = arith.addi %while3A_137, %add3A_287 : i32
        %mul3A_289 = arith.constant 4 : i32
        %mul3A_290 = arith.muli %add3A_288, %mul3A_289 : i32
        %add3A_291 = arith.addi %mul3A_12, %mul3A_290 : i32
        %dma_start3A_292 = arith.constant 1 : i32
        %dma_start3A_293 = arith.constant 0 : i32
        %dma_start3A_294 = arith.constant 0 : i32
        %dma_start3A_295 = tpu.memref_slice %arg7[%select_n3A_149, %dma_start3A_293, %dma_start3A_294] : memref<2x4x128xi32, #tpu.memory_space<vmem>> -> memref<1x4x128xi32, #tpu.memory_space<vmem>>
        %dma_start3A_296 = tpu.memref_squeeze %dma_start3A_295 : memref<1x4x128xi32, #tpu.memory_space<vmem>> -> memref<4x128xi32, #tpu.memory_space<vmem>>
        %dma_start3A_297 = arith.constant 0 : i32
        %dma_start3A_298 = tpu.memref_slice %arg3[%dma_start3A_292, %add3A_291, %dma_start3A_297] : memref<2x2500x128xi32, #tpu.memory_space<hbm>> -> memref<1x4x128xi32, #tpu.memory_space<hbm>>
        %dma_start3A_299 = tpu.memref_squeeze %dma_start3A_298 : memref<1x4x128xi32, #tpu.memory_space<hbm>> -> memref<4x128xi32, #tpu.memory_space<hbm>>
        %dma_start3A_300 = tpu.memref_slice %arg11[%select_n3A_149] : memref<2x!tpu.dma_semaphore, #tpu.memory_space<semaphore_mem>> -> memref<1x!tpu.dma_semaphore, #tpu.memory_space<semaphore_mem>>
        %dma_start3A_301 = tpu.memref_squeeze %dma_start3A_300 : memref<1x!tpu.dma_semaphore, #tpu.memory_space<semaphore_mem>> -> memref<!tpu.dma_semaphore, #tpu.memory_space<semaphore_mem>>
        %dma_start3A_302 = arith.constant 0 : i32
        %dma_start3A_303 = arith.constant 0 : i32
        %dma_start3A_304 = tpu.memref_slice %arg7[%select_n3A_149, %dma_start3A_302, %dma_start3A_303] : memref<2x4x128xi32, #tpu.memory_space<vmem>> -> memref<1x4x128xi32, #tpu.memory_space<vmem>>
        %dma_start3A_305 = tpu.memref_squeeze %dma_start3A_304 : memref<1x4x128xi32, #tpu.memory_space<vmem>> -> memref<4x128xi32, #tpu.memory_space<vmem>>
        %dma_start3A_306 = arith.constant 0 : i32
        %dma_start3A_307 = tpu.memref_slice %arg3[%dma_start3A_292, %add3A_291, %dma_start3A_306] : memref<2x2500x128xi32, #tpu.memory_space<hbm>> -> memref<1x4x128xi32, #tpu.memory_space<hbm>>
        %dma_start3A_308 = tpu.memref_squeeze %dma_start3A_307 : memref<1x4x128xi32, #tpu.memory_space<hbm>> -> memref<4x128xi32, #tpu.memory_space<hbm>>
        tpu.enqueue_dma source(%dma_start3A_308 : memref<4x128xi32, #tpu.memory_space<hbm>>) target(%dma_start3A_305 : memref<4x128xi32, #tpu.memory_space<vmem>>) target_semaphore(%dma_start3A_301 : memref<!tpu.dma_semaphore, #tpu.memory_space<semaphore_mem>>)
      } else {
      }
    }
    %while3A_135 = arith.constant 1 : i32
    scf.for %while3A_137 = %while3A_133 to %while3A_129 step %while3A_135  : i32 {
      %jit3A_138 = arith.constant 2 : i32
      %eq3A = arith.constant 0 : i32
      %eq3A_139 = arith.cmpi eq, %jit3A_138, %eq3A : i32
      %jit3A_140 = arith.constant 1 : i32
      %select_n3A_141 = arith.select %eq3A_139, %jit3A_140, %jit3A_138 : i32
      %rem3A = arith.remsi %while3A_137, %select_n3A_141 : i32
      %ne3A = arith.constant 0 : i32
      %ne3A_142 = arith.cmpi ne, %rem3A, %ne3A : i32
      %lt3A_143 = arith.constant 0 : i32
      %lt3A_144 = arith.cmpi slt, %rem3A, %lt3A_143 : i32
      %lt3A_145 = arith.constant 0 : i32
      %lt3A_146 = arith.cmpi slt, %select_n3A_141, %lt3A_145 : i32
      %ne3A_147 = arith.xori %lt3A_144, %lt3A_146 : i1
      %and3A = arith.andi %ne3A_147, %ne3A_142 : i1
      %add3A_148 = arith.addi %rem3A, %select_n3A_141 : i32
      %select_n3A_149 = arith.select %and3A, %add3A_148, %rem3A : i32
      %sub3A = arith.constant 1 : i32
      %sub3A_150 = arith.subi %sub3A, %select_n3A_149 : i32
      %dma_wait3A_151 = arith.constant 0 : i32
      %dma_wait3A_152 = arith.constant 0 : i32
      %dma_wait3A_153 = arith.constant 0 : i32
      %dma_wait3A_154 = arith.constant 0 : i32
      %dma_wait3A_155 = arith.constant 0 : i32
      %dma_wait3A_156 = tpu.memref_slice %arg8[%dma_wait3A_152, %dma_wait3A_154, %dma_wait3A_155] : memref<2x128x128xf32, #tpu.memory_space<vmem>> -> memref<1x128x128xf32, #tpu.memory_space<vmem>>
      %dma_wait3A_157 = tpu.memref_squeeze %dma_wait3A_156 : memref<1x128x128xf32, #tpu.memory_space<vmem>> -> memref<128x128xf32, #tpu.memory_space<vmem>>
      %dma_wait3A_158 = arith.constant 0 : i32
      %dma_wait3A_159 = tpu.memref_slice %arg6[%select_n3A_149, %dma_wait3A_151, %dma_wait3A_158] : memref<2x4x128xi32, #tpu.memory_space<vmem>> -> memref<1x1x128xi32, #tpu.memory_space<vmem>>
      %dma_wait3A_160 = tpu.memref_squeeze %dma_wait3A_159 : memref<1x1x128xi32, #tpu.memory_space<vmem>> -> memref<128xi32, #tpu.memory_space<vmem>>
      %dma_wait3A_161 = arith.constant 0 : i32
      %dma_wait3A_162 = arith.constant 0 : i32
      %dma_wait3A_163 = tpu.memref_slice %arg2[%dma_wait3A_161, %dma_wait3A_162] : memref<10000x128xf32, #tpu.memory_space<hbm>> -> memref<10000x128xf32, #tpu.memory_space<hbm>>
      %dma_wait3A_164 = tpu.memref_slice %arg10[%dma_wait3A_153] : memref<2x!tpu.dma_semaphore, #tpu.memory_space<semaphore_mem>> -> memref<1x!tpu.dma_semaphore, #tpu.memory_space<semaphore_mem>>
      %dma_wait3A_165 = tpu.memref_squeeze %dma_wait3A_164 : memref<1x!tpu.dma_semaphore, #tpu.memory_space<semaphore_mem>> -> memref<!tpu.dma_semaphore, #tpu.memory_space<semaphore_mem>>
      tpu.wait_indirect_dma semaphore(%dma_wait3A_165 : memref<!tpu.dma_semaphore, #tpu.memory_space<semaphore_mem>>) src(%dma_wait3A_163 : memref<10000x128xf32, #tpu.memory_space<hbm>>) dst(%dma_wait3A_157 : memref<128x128xf32, #tpu.memory_space<vmem>>)
      %run_scoped3A_166 = arith.constant 0 : i32
      %run_scoped3A_167 = arith.constant 0 : i32
      "tpu.region"() ({
        %run_scoped3A_265 = tpu.sem_alloc : memref<!tpu.dma_semaphore, #tpu.memory_space<semaphore_mem>>
        %dma_start3A_266 = arith.constant 0 : i32
        %dma_start3A_267 = arith.constant 0 : i32
        %dma_start3A_268 = tpu.memref_slice %arg8[%run_scoped3A_166, %dma_start3A_266, %dma_start3A_267] : memref<2x128x128xf32, #tpu.memory_space<vmem>> -> memref<1x128x128xf32, #tpu.memory_space<vmem>>
        %dma_start3A_269 = tpu.memref_squeeze %dma_start3A_268 : memref<1x128x128xf32, #tpu.memory_space<vmem>> -> memref<128x128xf32, #tpu.memory_space<vmem>>
        %dma_start3A_270 = arith.constant 0 : i32
        %dma_start3A_271 = tpu.memref_slice %arg7[%select_n3A_149, %run_scoped3A_167, %dma_start3A_270] : memref<2x4x128xi32, #tpu.memory_space<vmem>> -> memref<1x1x128xi32, #tpu.memory_space<vmem>>
        %dma_start3A_272 = tpu.memref_squeeze %dma_start3A_271 : memref<1x1x128xi32, #tpu.memory_space<vmem>> -> memref<128xi32, #tpu.memory_space<vmem>>
        %dma_start3A_273 = arith.constant 0 : i32
        %dma_start3A_274 = arith.constant 0 : i32
        %dma_start3A_275 = tpu.memref_slice %arg9[%dma_start3A_273, %dma_start3A_274] : memref<10112x128xf32, #tpu.memory_space<vmem_shared>> -> memref<10112x128xf32, #tpu.memory_space<vmem_shared>>
        tpu.enqueue_indirect_dma source(%dma_start3A_269 : memref<128x128xf32, #tpu.memory_space<vmem>>) target(%dma_start3A_275 : memref<10112x128xf32, #tpu.memory_space<vmem_shared>>) offsets(%dma_start3A_272 : memref<128xi32, #tpu.memory_space<vmem>>) semaphore(%run_scoped3A_265 : memref<!tpu.dma_semaphore, #tpu.memory_space<semaphore_mem>>) {add = true}
        %dma_wait3A_276 = arith.constant 0 : i32
        %dma_wait3A_277 = arith.constant 0 : i32
        %dma_wait3A_278 = tpu.memref_slice %arg8[%run_scoped3A_166, %dma_wait3A_276, %dma_wait3A_277] : memref<2x128x128xf32, #tpu.memory_space<vmem>> -> memref<1x128x128xf32, #tpu.memory_space<vmem>>
        %dma_wait3A_279 = tpu.memref_squeeze %dma_wait3A_278 : memref<1x128x128xf32, #tpu.memory_space<vmem>> -> memref<128x128xf32, #tpu.memory_space<vmem>>
        %dma_wait3A_280 = arith.constant 0 : i32
        %dma_wait3A_281 = tpu.memref_slice %arg7[%select_n3A_149, %run_scoped3A_167, %dma_wait3A_280] : memref<2x4x128xi32, #tpu.memory_space<vmem>> -> memref<1x1x128xi32, #tpu.memory_space<vmem>>
        %dma_wait3A_282 = tpu.memref_squeeze %dma_wait3A_281 : memref<1x1x128xi32, #tpu.memory_space<vmem>> -> memref<128xi32, #tpu.memory_space<vmem>>
        %dma_wait3A_283 = arith.constant 0 : i32
        %dma_wait3A_284 = arith.constant 0 : i32
        %dma_wait3A_285 = tpu.memref_slice %arg9[%dma_wait3A_283, %dma_wait3A_284] : memref<10112x128xf32, #tpu.memory_space<vmem_shared>> -> memref<10112x128xf32, #tpu.memory_space<vmem_shared>>
        tpu.wait_indirect_dma semaphore(%run_scoped3A_265 : memref<!tpu.dma_semaphore, #tpu.memory_space<semaphore_mem>>) src(%dma_wait3A_279 : memref<128x128xf32, #tpu.memory_space<vmem>>) dst(%dma_wait3A_285 : memref<10112x128xf32, #tpu.memory_space<vmem_shared>>)
        tpu.yield
      }) : () -> ()
      %dma_start3A_168 = arith.constant 2 : i32
      %dma_start3A_169 = arith.constant 0 : i32
      %dma_start3A_170 = arith.constant 0 : i32
      %dma_start3A_171 = arith.constant 0 : i32
      %dma_start3A_172 = arith.constant 0 : i32
      %dma_start3A_173 = tpu.memref_slice %arg8[%dma_start3A_169, %dma_start3A_171, %dma_start3A_172] : memref<2x128x128xf32, #tpu.memory_space<vmem>> -> memref<1x128x128xf32, #tpu.memory_space<vmem>>
      %dma_start3A_174 = tpu.memref_squeeze %dma_start3A_173 : memref<1x128x128xf32, #tpu.memory_space<vmem>> -> memref<128x128xf32, #tpu.memory_space<vmem>>
      %dma_start3A_175 = arith.constant 0 : i32
      %dma_start3A_176 = tpu.memref_slice %arg6[%select_n3A_149, %dma_start3A_168, %dma_start3A_175] : memref<2x4x128xi32, #tpu.memory_space<vmem>> -> memref<1x1x128xi32, #tpu.memory_space<vmem>>
      %dma_start3A_177 = tpu.memref_squeeze %dma_start3A_176 : memref<1x1x128xi32, #tpu.memory_space<vmem>> -> memref<128xi32, #tpu.memory_space<vmem>>
      %dma_start3A_178 = arith.constant 0 : i32
      %dma_start3A_179 = arith.constant 0 : i32
      %dma_start3A_180 = tpu.memref_slice %arg2[%dma_start3A_178, %dma_start3A_179] : memref<10000x128xf32, #tpu.memory_space<hbm>> -> memref<10000x128xf32, #tpu.memory_space<hbm>>
      %dma_start3A_181 = tpu.memref_slice %arg10[%dma_start3A_170] : memref<2x!tpu.dma_semaphore, #tpu.memory_space<semaphore_mem>> -> memref<1x!tpu.dma_semaphore, #tpu.memory_space<semaphore_mem>>
      %dma_start3A_182 = tpu.memref_squeeze %dma_start3A_181 : memref<1x!tpu.dma_semaphore, #tpu.memory_space<semaphore_mem>> -> memref<!tpu.dma_semaphore, #tpu.memory_space<semaphore_mem>>
      tpu.enqueue_indirect_dma source(%dma_start3A_180 : memref<10000x128xf32, #tpu.memory_space<hbm>>) target(%dma_start3A_174 : memref<128x128xf32, #tpu.memory_space<vmem>>) offsets(%dma_start3A_177 : memref<128xi32, #tpu.memory_space<vmem>>) semaphore(%dma_start3A_182 : memref<!tpu.dma_semaphore, #tpu.memory_space<semaphore_mem>>)
      %dma_wait3A_183 = arith.constant 1 : i32
      %dma_wait3A_184 = arith.constant 1 : i32
      %dma_wait3A_185 = arith.constant 1 : i32
      %dma_wait3A_186 = arith.constant 0 : i32
      %dma_wait3A_187 = arith.constant 0 : i32
      %dma_wait3A_188 = tpu.memref_slice %arg8[%dma_wait3A_184, %dma_wait3A_186, %dma_wait3A_187] : memref<2x128x128xf32, #tpu.memory_space<vmem>> -> memref<1x128x128xf32, #tpu.memory_space<vmem>>
      %dma_wait3A_189 = tpu.memref_squeeze %dma_wait3A_188 : memref<1x128x128xf32, #tpu.memory_space<vmem>> -> memref<128x128xf32, #tpu.memory_space<vmem>>
      %dma_wait3A_190 = arith.constant 0 : i32
      %dma_wait3A_191 = tpu.memref_slice %arg6[%select_n3A_149, %dma_wait3A_183, %dma_wait3A_190] : memref<2x4x128xi32, #tpu.memory_space<vmem>> -> memref<1x1x128xi32, #tpu.memory_space<vmem>>
      %dma_wait3A_192 = tpu.memref_squeeze %dma_wait3A_191 : memref<1x1x128xi32, #tpu.memory_space<vmem>> -> memref<128xi32, #tpu.memory_space<vmem>>
      %dma_wait3A_193 = arith.constant 0 : i32
      %dma_wait3A_194 = arith.constant 0 : i32
      %dma_wait3A_195 = tpu.memref_slice %arg2[%dma_wait3A_193, %dma_wait3A_194] : memref<10000x128xf32, #tpu.memory_space<hbm>> -> memref<10000x128xf32, #tpu.memory_space<hbm>>
      %dma_wait3A_196 = tpu.memref_slice %arg10[%dma_wait3A_185] : memref<2x!tpu.dma_semaphore, #tpu.memory_space<semaphore_mem>> -> memref<1x!tpu.dma_semaphore, #tpu.memory_space<semaphore_mem>>
      %dma_wait3A_197 = tpu.memref_squeeze %dma_wait3A_196 : memref<1x!tpu.dma_semaphore, #tpu.memory_space<semaphore_mem>> -> memref<!tpu.dma_semaphore, #tpu.memory_space<semaphore_mem>>
      tpu.wait_indirect_dma semaphore(%dma_wait3A_197 : memref<!tpu.dma_semaphore, #tpu.memory_space<semaphore_mem>>) src(%dma_wait3A_195 : memref<10000x128xf32, #tpu.memory_space<hbm>>) dst(%dma_wait3A_189 : memref<128x128xf32, #tpu.memory_space<vmem>>)
      %run_scoped3A_198 = arith.constant 1 : i32
      %run_scoped3A_199 = arith.constant 1 : i32
      "tpu.region"() ({
        %run_scoped3A_265 = tpu.sem_alloc : memref<!tpu.dma_semaphore, #tpu.memory_space<semaphore_mem>>
        %dma_start3A_266 = arith.constant 0 : i32
        %dma_start3A_267 = arith.constant 0 : i32
        %dma_start3A_268 = tpu.memref_slice %arg8[%run_scoped3A_198, %dma_start3A_266, %dma_start3A_267] : memref<2x128x128xf32, #tpu.memory_space<vmem>> -> memref<1x128x128xf32, #tpu.memory_space<vmem>>
        %dma_start3A_269 = tpu.memref_squeeze %dma_start3A_268 : memref<1x128x128xf32, #tpu.memory_space<vmem>> -> memref<128x128xf32, #tpu.memory_space<vmem>>
        %dma_start3A_270 = arith.constant 0 : i32
        %dma_start3A_271 = tpu.memref_slice %arg7[%select_n3A_149, %run_scoped3A_199, %dma_start3A_270] : memref<2x4x128xi32, #tpu.memory_space<vmem>> -> memref<1x1x128xi32, #tpu.memory_space<vmem>>
        %dma_start3A_272 = tpu.memref_squeeze %dma_start3A_271 : memref<1x1x128xi32, #tpu.memory_space<vmem>> -> memref<128xi32, #tpu.memory_space<vmem>>
        %dma_start3A_273 = arith.constant 0 : i32
        %dma_start3A_274 = arith.constant 0 : i32
        %dma_start3A_275 = tpu.memref_slice %arg9[%dma_start3A_273, %dma_start3A_274] : memref<10112x128xf32, #tpu.memory_space<vmem_shared>> -> memref<10112x128xf32, #tpu.memory_space<vmem_shared>>
        tpu.enqueue_indirect_dma source(%dma_start3A_269 : memref<128x128xf32, #tpu.memory_space<vmem>>) target(%dma_start3A_275 : memref<10112x128xf32, #tpu.memory_space<vmem_shared>>) offsets(%dma_start3A_272 : memref<128xi32, #tpu.memory_space<vmem>>) semaphore(%run_scoped3A_265 : memref<!tpu.dma_semaphore, #tpu.memory_space<semaphore_mem>>) {add = true}
        %dma_wait3A_276 = arith.constant 0 : i32
        %dma_wait3A_277 = arith.constant 0 : i32
        %dma_wait3A_278 = tpu.memref_slice %arg8[%run_scoped3A_198, %dma_wait3A_276, %dma_wait3A_277] : memref<2x128x128xf32, #tpu.memory_space<vmem>> -> memref<1x128x128xf32, #tpu.memory_space<vmem>>
        %dma_wait3A_279 = tpu.memref_squeeze %dma_wait3A_278 : memref<1x128x128xf32, #tpu.memory_space<vmem>> -> memref<128x128xf32, #tpu.memory_space<vmem>>
        %dma_wait3A_280 = arith.constant 0 : i32
        %dma_wait3A_281 = tpu.memref_slice %arg7[%select_n3A_149, %run_scoped3A_199, %dma_wait3A_280] : memref<2x4x128xi32, #tpu.memory_space<vmem>> -> memref<1x1x128xi32, #tpu.memory_space<vmem>>
        %dma_wait3A_282 = tpu.memref_squeeze %dma_wait3A_281 : memref<1x1x128xi32, #tpu.memory_space<vmem>> -> memref<128xi32, #tpu.memory_space<vmem>>
        %dma_wait3A_283 = arith.constant 0 : i32
        %dma_wait3A_284 = arith.constant 0 : i32
        %dma_wait3A_285 = tpu.memref_slice %arg9[%dma_wait3A_283, %dma_wait3A_284] : memref<10112x128xf32, #tpu.memory_space<vmem_shared>> -> memref<10112x128xf32, #tpu.memory_space<vmem_shared>>
        tpu.wait_indirect_dma semaphore(%run_scoped3A_265 : memref<!tpu.dma_semaphore, #tpu.memory_space<semaphore_mem>>) src(%dma_wait3A_279 : memref<128x128xf32, #tpu.memory_space<vmem>>) dst(%dma_wait3A_285 : memref<10112x128xf32, #tpu.memory_space<vmem_shared>>)
        tpu.yield
      }) : () -> ()
      %dma_start3A_200 = arith.constant 3 : i32
      %dma_start3A_201 = arith.constant 1 : i32
      %dma_start3A_202 = arith.constant 1 : i32
      %dma_start3A_203 = arith.constant 0 : i32
      %dma_start3A_204 = arith.constant 0 : i32
      %dma_start3A_205 = tpu.memref_slice %arg8[%dma_start3A_201, %dma_start3A_203, %dma_start3A_204] : memref<2x128x128xf32, #tpu.memory_space<vmem>> -> memref<1x128x128xf32, #tpu.memory_space<vmem>>
      %dma_start3A_206 = tpu.memref_squeeze %dma_start3A_205 : memref<1x128x128xf32, #tpu.memory_space<vmem>> -> memref<128x128xf32, #tpu.memory_space<vmem>>
      %dma_start3A_207 = arith.constant 0 : i32
      %dma_start3A_208 = tpu.memref_slice %arg6[%select_n3A_149, %dma_start3A_200, %dma_start3A_207] : memref<2x4x128xi32, #tpu.memory_space<vmem>> -> memref<1x1x128xi32, #tpu.memory_space<vmem>>
      %dma_start3A_209 = tpu.memref_squeeze %dma_start3A_208 : memref<1x1x128xi32, #tpu.memory_space<vmem>> -> memref<128xi32, #tpu.memory_space<vmem>>
      %dma_start3A_210 = arith.constant 0 : i32
      %dma_start3A_211 = arith.constant 0 : i32
      %dma_start3A_212 = tpu.memref_slice %arg2[%dma_start3A_210, %dma_start3A_211] : memref<10000x128xf32, #tpu.memory_space<hbm>> -> memref<10000x128xf32, #tpu.memory_space<hbm>>
      %dma_start3A_213 = tpu.memref_slice %arg10[%dma_start3A_202] : memref<2x!tpu.dma_semaphore, #tpu.memory_space<semaphore_mem>> -> memref<1x!tpu.dma_semaphore, #tpu.memory_space<semaphore_mem>>
      %dma_start3A_214 = tpu.memref_squeeze %dma_start3A_213 : memref<1x!tpu.dma_semaphore, #tpu.memory_space<semaphore_mem>> -> memref<!tpu.dma_semaphore, #tpu.memory_space<semaphore_mem>>
      tpu.enqueue_indirect_dma source(%dma_start3A_212 : memref<10000x128xf32, #tpu.memory_space<hbm>>) target(%dma_start3A_206 : memref<128x128xf32, #tpu.memory_space<vmem>>) offsets(%dma_start3A_209 : memref<128xi32, #tpu.memory_space<vmem>>) semaphore(%dma_start3A_214 : memref<!tpu.dma_semaphore, #tpu.memory_space<semaphore_mem>>)
      %dma_wait3A_215 = arith.constant 2 : i32
      %dma_wait3A_216 = arith.constant 0 : i32
      %dma_wait3A_217 = arith.constant 0 : i32
      %dma_wait3A_218 = arith.constant 0 : i32
      %dma_wait3A_219 = arith.constant 0 : i32
      %dma_wait3A_220 = tpu.memref_slice %arg8[%dma_wait3A_216, %dma_wait3A_218, %dma_wait3A_219] : memref<2x128x128xf32, #tpu.memory_space<vmem>> -> memref<1x128x128xf32, #tpu.memory_space<vmem>>
      %dma_wait3A_221 = tpu.memref_squeeze %dma_wait3A_220 : memref<1x128x128xf32, #tpu.memory_space<vmem>> -> memref<128x128xf32, #tpu.memory_space<vmem>>
      %dma_wait3A_222 = arith.constant 0 : i32
      %dma_wait3A_223 = tpu.memref_slice %arg6[%select_n3A_149, %dma_wait3A_215, %dma_wait3A_222] : memref<2x4x128xi32, #tpu.memory_space<vmem>> -> memref<1x1x128xi32, #tpu.memory_space<vmem>>
      %dma_wait3A_224 = tpu.memref_squeeze %dma_wait3A_223 : memref<1x1x128xi32, #tpu.memory_space<vmem>> -> memref<128xi32, #tpu.memory_space<vmem>>
      %dma_wait3A_225 = arith.constant 0 : i32
      %dma_wait3A_226 = arith.constant 0 : i32
      %dma_wait3A_227 = tpu.memref_slice %arg2[%dma_wait3A_225, %dma_wait3A_226] : memref<10000x128xf32, #tpu.memory_space<hbm>> -> memref<10000x128xf32, #tpu.memory_space<hbm>>
      %dma_wait3A_228 = tpu.memref_slice %arg10[%dma_wait3A_217] : memref<2x!tpu.dma_semaphore, #tpu.memory_space<semaphore_mem>> -> memref<1x!tpu.dma_semaphore, #tpu.memory_space<semaphore_mem>>
      %dma_wait3A_229 = tpu.memref_squeeze %dma_wait3A_228 : memref<1x!tpu.dma_semaphore, #tpu.memory_space<semaphore_mem>> -> memref<!tpu.dma_semaphore, #tpu.memory_space<semaphore_mem>>
      tpu.wait_indirect_dma semaphore(%dma_wait3A_229 : memref<!tpu.dma_semaphore, #tpu.memory_space<semaphore_mem>>) src(%dma_wait3A_227 : memref<10000x128xf32, #tpu.memory_space<hbm>>) dst(%dma_wait3A_221 : memref<128x128xf32, #tpu.memory_space<vmem>>)
      %run_scoped3A_230 = arith.constant 0 : i32
      %run_scoped3A_231 = arith.constant 2 : i32
      "tpu.region"() ({
        %run_scoped3A_265 = tpu.sem_alloc : memref<!tpu.dma_semaphore, #tpu.memory_space<semaphore_mem>>
        %dma_start3A_266 = arith.constant 0 : i32
        %dma_start3A_267 = arith.constant 0 : i32
        %dma_start3A_268 = tpu.memref_slice %arg8[%run_scoped3A_230, %dma_start3A_266, %dma_start3A_267] : memref<2x128x128xf32, #tpu.memory_space<vmem>> -> memref<1x128x128xf32, #tpu.memory_space<vmem>>
        %dma_start3A_269 = tpu.memref_squeeze %dma_start3A_268 : memref<1x128x128xf32, #tpu.memory_space<vmem>> -> memref<128x128xf32, #tpu.memory_space<vmem>>
        %dma_start3A_270 = arith.constant 0 : i32
        %dma_start3A_271 = tpu.memref_slice %arg7[%select_n3A_149, %run_scoped3A_231, %dma_start3A_270] : memref<2x4x128xi32, #tpu.memory_space<vmem>> -> memref<1x1x128xi32, #tpu.memory_space<vmem>>
        %dma_start3A_272 = tpu.memref_squeeze %dma_start3A_271 : memref<1x1x128xi32, #tpu.memory_space<vmem>> -> memref<128xi32, #tpu.memory_space<vmem>>
        %dma_start3A_273 = arith.constant 0 : i32
        %dma_start3A_274 = arith.constant 0 : i32
        %dma_start3A_275 = tpu.memref_slice %arg9[%dma_start3A_273, %dma_start3A_274] : memref<10112x128xf32, #tpu.memory_space<vmem_shared>> -> memref<10112x128xf32, #tpu.memory_space<vmem_shared>>
        tpu.enqueue_indirect_dma source(%dma_start3A_269 : memref<128x128xf32, #tpu.memory_space<vmem>>) target(%dma_start3A_275 : memref<10112x128xf32, #tpu.memory_space<vmem_shared>>) offsets(%dma_start3A_272 : memref<128xi32, #tpu.memory_space<vmem>>) semaphore(%run_scoped3A_265 : memref<!tpu.dma_semaphore, #tpu.memory_space<semaphore_mem>>) {add = true}
        %dma_wait3A_276 = arith.constant 0 : i32
        %dma_wait3A_277 = arith.constant 0 : i32
        %dma_wait3A_278 = tpu.memref_slice %arg8[%run_scoped3A_230, %dma_wait3A_276, %dma_wait3A_277] : memref<2x128x128xf32, #tpu.memory_space<vmem>> -> memref<1x128x128xf32, #tpu.memory_space<vmem>>
        %dma_wait3A_279 = tpu.memref_squeeze %dma_wait3A_278 : memref<1x128x128xf32, #tpu.memory_space<vmem>> -> memref<128x128xf32, #tpu.memory_space<vmem>>
        %dma_wait3A_280 = arith.constant 0 : i32
        %dma_wait3A_281 = tpu.memref_slice %arg7[%select_n3A_149, %run_scoped3A_231, %dma_wait3A_280] : memref<2x4x128xi32, #tpu.memory_space<vmem>> -> memref<1x1x128xi32, #tpu.memory_space<vmem>>
        %dma_wait3A_282 = tpu.memref_squeeze %dma_wait3A_281 : memref<1x1x128xi32, #tpu.memory_space<vmem>> -> memref<128xi32, #tpu.memory_space<vmem>>
        %dma_wait3A_283 = arith.constant 0 : i32
        %dma_wait3A_284 = arith.constant 0 : i32
        %dma_wait3A_285 = tpu.memref_slice %arg9[%dma_wait3A_283, %dma_wait3A_284] : memref<10112x128xf32, #tpu.memory_space<vmem_shared>> -> memref<10112x128xf32, #tpu.memory_space<vmem_shared>>
        tpu.wait_indirect_dma semaphore(%run_scoped3A_265 : memref<!tpu.dma_semaphore, #tpu.memory_space<semaphore_mem>>) src(%dma_wait3A_279 : memref<128x128xf32, #tpu.memory_space<vmem>>) dst(%dma_wait3A_285 : memref<10112x128xf32, #tpu.memory_space<vmem_shared>>)
        tpu.yield
      }) : () -> ()
      %add3A_232 = arith.constant 1 : i32
      %add3A_233 = arith.addi %while3A_137, %add3A_232 : i32
      %lt3A_234 = arith.cmpi slt, %add3A_233, %add3A_6 : i32
      %convert_element_type3A = arith.extui %lt3A_234 : i1 to i32
      %cond3A = arith.constant 0 : i32
      %cond3A_235 = arith.cmpi ne, %convert_element_type3A, %cond3A : i32
      scf.if %cond3A_235 {
        %add3A_265 = arith.constant 1 : i32
        %add3A_266 = arith.addi %while3A_137, %add3A_265 : i32
        %mul3A_267 = arith.constant 4 : i32
        %mul3A_268 = arith.muli %add3A_266, %mul3A_267 : i32
        %add3A_269 = arith.addi %mul3A_12, %mul3A_268 : i32
        %dma_wait3A_270 = arith.constant 0 : i32
        %dma_wait3A_271 = arith.constant 0 : i32
        %dma_wait3A_272 = arith.constant 0 : i32
        %dma_wait3A_273 = tpu.memref_slice %arg6[%sub3A_150, %dma_wait3A_271, %dma_wait3A_272] : memref<2x4x128xi32, #tpu.memory_space<vmem>> -> memref<1x4x128xi32, #tpu.memory_space<vmem>>
        %dma_wait3A_274 = tpu.memref_squeeze %dma_wait3A_273 : memref<1x4x128xi32, #tpu.memory_space<vmem>> -> memref<4x128xi32, #tpu.memory_space<vmem>>
        %dma_wait3A_275 = arith.constant 0 : i32
        %dma_wait3A_276 = tpu.memref_slice %arg3[%dma_wait3A_270, %add3A_269, %dma_wait3A_275] : memref<2x2500x128xi32, #tpu.memory_space<hbm>> -> memref<1x4x128xi32, #tpu.memory_space<hbm>>
        %dma_wait3A_277 = tpu.memref_squeeze %dma_wait3A_276 : memref<1x4x128xi32, #tpu.memory_space<hbm>> -> memref<4x128xi32, #tpu.memory_space<hbm>>
        %dma_wait3A_278 = tpu.memref_slice %arg11[%sub3A_150] : memref<2x!tpu.dma_semaphore, #tpu.memory_space<semaphore_mem>> -> memref<1x!tpu.dma_semaphore, #tpu.memory_space<semaphore_mem>>
        %dma_wait3A_279 = tpu.memref_squeeze %dma_wait3A_278 : memref<1x!tpu.dma_semaphore, #tpu.memory_space<semaphore_mem>> -> memref<!tpu.dma_semaphore, #tpu.memory_space<semaphore_mem>>
        %dma_wait3A_280 = arith.constant 0 : i32
        %dma_wait3A_281 = arith.constant 0 : i32
        %dma_wait3A_282 = tpu.memref_slice %arg6[%sub3A_150, %dma_wait3A_280, %dma_wait3A_281] : memref<2x4x128xi32, #tpu.memory_space<vmem>> -> memref<1x4x128xi32, #tpu.memory_space<vmem>>
        %dma_wait3A_283 = tpu.memref_squeeze %dma_wait3A_282 : memref<1x4x128xi32, #tpu.memory_space<vmem>> -> memref<4x128xi32, #tpu.memory_space<vmem>>
        %dma_wait3A_284 = arith.constant 0 : i32
        %dma_wait3A_285 = tpu.memref_slice %arg3[%dma_wait3A_270, %add3A_269, %dma_wait3A_284] : memref<2x2500x128xi32, #tpu.memory_space<hbm>> -> memref<1x4x128xi32, #tpu.memory_space<hbm>>
        %dma_wait3A_286 = tpu.memref_squeeze %dma_wait3A_285 : memref<1x4x128xi32, #tpu.memory_space<hbm>> -> memref<4x128xi32, #tpu.memory_space<hbm>>
        tpu.wait_dma2 semaphore(%dma_wait3A_279 : memref<!tpu.dma_semaphore, #tpu.memory_space<semaphore_mem>>) src(%dma_wait3A_286 : memref<4x128xi32, #tpu.memory_space<hbm>>) dst(%dma_wait3A_283 : memref<4x128xi32, #tpu.memory_space<vmem>>)
        %add3A_287 = arith.constant 1 : i32
        %add3A_288 = arith.addi %while3A_137, %add3A_287 : i32
        %mul3A_289 = arith.constant 4 : i32
        %mul3A_290 = arith.muli %add3A_288, %mul3A_289 : i32
        %add3A_291 = arith.addi %mul3A_12, %mul3A_290 : i32
        %dma_wait3A_292 = arith.constant 1 : i32
        %dma_wait3A_293 = arith.constant 0 : i32
        %dma_wait3A_294 = arith.constant 0 : i32
        %dma_wait3A_295 = tpu.memref_slice %arg7[%sub3A_150, %dma_wait3A_293, %dma_wait3A_294] : memref<2x4x128xi32, #tpu.memory_space<vmem>> -> memref<1x4x128xi32, #tpu.memory_space<vmem>>
        %dma_wait3A_296 = tpu.memref_squeeze %dma_wait3A_295 : memref<1x4x128xi32, #tpu.memory_space<vmem>> -> memref<4x128xi32, #tpu.memory_space<vmem>>
        %dma_wait3A_297 = arith.constant 0 : i32
        %dma_wait3A_298 = tpu.memref_slice %arg3[%dma_wait3A_292, %add3A_291, %dma_wait3A_297] : memref<2x2500x128xi32, #tpu.memory_space<hbm>> -> memref<1x4x128xi32, #tpu.memory_space<hbm>>
        %dma_wait3A_299 = tpu.memref_squeeze %dma_wait3A_298 : memref<1x4x128xi32, #tpu.memory_space<hbm>> -> memref<4x128xi32, #tpu.memory_space<hbm>>
        %dma_wait3A_300 = tpu.memref_slice %arg11[%sub3A_150] : memref<2x!tpu.dma_semaphore, #tpu.memory_space<semaphore_mem>> -> memref<1x!tpu.dma_semaphore, #tpu.memory_space<semaphore_mem>>
        %dma_wait3A_301 = tpu.memref_squeeze %dma_wait3A_300 : memref<1x!tpu.dma_semaphore, #tpu.memory_space<semaphore_mem>> -> memref<!tpu.dma_semaphore, #tpu.memory_space<semaphore_mem>>
        %dma_wait3A_302 = arith.constant 0 : i32
        %dma_wait3A_303 = arith.constant 0 : i32
        %dma_wait3A_304 = tpu.memref_slice %arg7[%sub3A_150, %dma_wait3A_302, %dma_wait3A_303] : memref<2x4x128xi32, #tpu.memory_space<vmem>> -> memref<1x4x128xi32, #tpu.memory_space<vmem>>
        %dma_wait3A_305 = tpu.memref_squeeze %dma_wait3A_304 : memref<1x4x128xi32, #tpu.memory_space<vmem>> -> memref<4x128xi32, #tpu.memory_space<vmem>>
        %dma_wait3A_306 = arith.constant 0 : i32
        %dma_wait3A_307 = tpu.memref_slice %arg3[%dma_wait3A_292, %add3A_291, %dma_wait3A_306] : memref<2x2500x128xi32, #tpu.memory_space<hbm>> -> memref<1x4x128xi32, #tpu.memory_space<hbm>>
        %dma_wait3A_308 = tpu.memref_squeeze %dma_wait3A_307 : memref<1x4x128xi32, #tpu.memory_space<hbm>> -> memref<4x128xi32, #tpu.memory_space<hbm>>
        tpu.wait_dma2 semaphore(%dma_wait3A_301 : memref<!tpu.dma_semaphore, #tpu.memory_space<semaphore_mem>>) src(%dma_wait3A_308 : memref<4x128xi32, #tpu.memory_space<hbm>>) dst(%dma_wait3A_305 : memref<4x128xi32, #tpu.memory_space<vmem>>)
        %dma_start3A_309 = arith.constant 0 : i32
        %dma_start3A_310 = arith.constant 0 : i32
        %dma_start3A_311 = arith.constant 0 : i32
        %dma_start3A_312 = arith.constant 0 : i32
        %dma_start3A_313 = arith.constant 0 : i32
        %dma_start3A_314 = tpu.memref_slice %arg8[%dma_start3A_310, %dma_start3A_312, %dma_start3A_313] : memref<2x128x128xf32, #tpu.memory_space<vmem>> -> memref<1x128x128xf32, #tpu.memory_space<vmem>>
        %dma_start3A_315 = tpu.memref_squeeze %dma_start3A_314 : memref<1x128x128xf32, #tpu.memory_space<vmem>> -> memref<128x128xf32, #tpu.memory_space<vmem>>
        %dma_start3A_316 = arith.constant 0 : i32
        %dma_start3A_317 = tpu.memref_slice %arg6[%sub3A_150, %dma_start3A_309, %dma_start3A_316] : memref<2x4x128xi32, #tpu.memory_space<vmem>> -> memref<1x1x128xi32, #tpu.memory_space<vmem>>
        %dma_start3A_318 = tpu.memref_squeeze %dma_start3A_317 : memref<1x1x128xi32, #tpu.memory_space<vmem>> -> memref<128xi32, #tpu.memory_space<vmem>>
        %dma_start3A_319 = arith.constant 0 : i32
        %dma_start3A_320 = arith.constant 0 : i32
        %dma_start3A_321 = tpu.memref_slice %arg2[%dma_start3A_319, %dma_start3A_320] : memref<10000x128xf32, #tpu.memory_space<hbm>> -> memref<10000x128xf32, #tpu.memory_space<hbm>>
        %dma_start3A_322 = tpu.memref_slice %arg10[%dma_start3A_311] : memref<2x!tpu.dma_semaphore, #tpu.memory_space<semaphore_mem>> -> memref<1x!tpu.dma_semaphore, #tpu.memory_space<semaphore_mem>>
        %dma_start3A_323 = tpu.memref_squeeze %dma_start3A_322 : memref<1x!tpu.dma_semaphore, #tpu.memory_space<semaphore_mem>> -> memref<!tpu.dma_semaphore, #tpu.memory_space<semaphore_mem>>
        tpu.enqueue_indirect_dma source(%dma_start3A_321 : memref<10000x128xf32, #tpu.memory_space<hbm>>) target(%dma_start3A_315 : memref<128x128xf32, #tpu.memory_space<vmem>>) offsets(%dma_start3A_318 : memref<128xi32, #tpu.memory_space<vmem>>) semaphore(%dma_start3A_323 : memref<!tpu.dma_semaphore, #tpu.memory_space<semaphore_mem>>)
      } else {
      }
      %dma_wait3A_236 = arith.constant 3 : i32
      %dma_wait3A_237 = arith.constant 1 : i32
      %dma_wait3A_238 = arith.constant 1 : i32
      %dma_wait3A_239 = arith.constant 0 : i32
      %dma_wait3A_240 = arith.constant 0 : i32
      %dma_wait3A_241 = tpu.memref_slice %arg8[%dma_wait3A_237, %dma_wait3A_239, %dma_wait3A_240] : memref<2x128x128xf32, #tpu.memory_space<vmem>> -> memref<1x128x128xf32, #tpu.memory_space<vmem>>
      %dma_wait3A_242 = tpu.memref_squeeze %dma_wait3A_241 : memref<1x128x128xf32, #tpu.memory_space<vmem>> -> memref<128x128xf32, #tpu.memory_space<vmem>>
      %dma_wait3A_243 = arith.constant 0 : i32
      %dma_wait3A_244 = tpu.memref_slice %arg6[%select_n3A_149, %dma_wait3A_236, %dma_wait3A_243] : memref<2x4x128xi32, #tpu.memory_space<vmem>> -> memref<1x1x128xi32, #tpu.memory_space<vmem>>
      %dma_wait3A_245 = tpu.memref_squeeze %dma_wait3A_244 : memref<1x1x128xi32, #tpu.memory_space<vmem>> -> memref<128xi32, #tpu.memory_space<vmem>>
      %dma_wait3A_246 = arith.constant 0 : i32
      %dma_wait3A_247 = arith.constant 0 : i32
      %dma_wait3A_248 = tpu.memref_slice %arg2[%dma_wait3A_246, %dma_wait3A_247] : memref<10000x128xf32, #tpu.memory_space<hbm>> -> memref<10000x128xf32, #tpu.memory_space<hbm>>
      %dma_wait3A_249 = tpu.memref_slice %arg10[%dma_wait3A_238] : memref<2x!tpu.dma_semaphore, #tpu.memory_space<semaphore_mem>> -> memref<1x!tpu.dma_semaphore, #tpu.memory_space<semaphore_mem>>
      %dma_wait3A_250 = tpu.memref_squeeze %dma_wait3A_249 : memref<1x!tpu.dma_semaphore, #tpu.memory_space<semaphore_mem>> -> memref<!tpu.dma_semaphore, #tpu.memory_space<semaphore_mem>>
      tpu.wait_indirect_dma semaphore(%dma_wait3A_250 : memref<!tpu.dma_semaphore, #tpu.memory_space<semaphore_mem>>) src(%dma_wait3A_248 : memref<10000x128xf32, #tpu.memory_space<hbm>>) dst(%dma_wait3A_242 : memref<128x128xf32, #tpu.memory_space<vmem>>)
      %run_scoped3A_251 = arith.constant 1 : i32
      %run_scoped3A_252 = arith.constant 3 : i32
      "tpu.region"() ({
        %run_scoped3A_265 = tpu.sem_alloc : memref<!tpu.dma_semaphore, #tpu.memory_space<semaphore_mem>>
        %dma_start3A_266 = arith.constant 0 : i32
        %dma_start3A_267 = arith.constant 0 : i32
        %dma_start3A_268 = tpu.memref_slice %arg8[%run_scoped3A_251, %dma_start3A_266, %dma_start3A_267] : memref<2x128x128xf32, #tpu.memory_space<vmem>> -> memref<1x128x128xf32, #tpu.memory_space<vmem>>
        %dma_start3A_269 = tpu.memref_squeeze %dma_start3A_268 : memref<1x128x128xf32, #tpu.memory_space<vmem>> -> memref<128x128xf32, #tpu.memory_space<vmem>>
        %dma_start3A_270 = arith.constant 0 : i32
        %dma_start3A_271 = tpu.memref_slice %arg7[%select_n3A_149, %run_scoped3A_252, %dma_start3A_270] : memref<2x4x128xi32, #tpu.memory_space<vmem>> -> memref<1x1x128xi32, #tpu.memory_space<vmem>>
        %dma_start3A_272 = tpu.memref_squeeze %dma_start3A_271 : memref<1x1x128xi32, #tpu.memory_space<vmem>> -> memref<128xi32, #tpu.memory_space<vmem>>
        %dma_start3A_273 = arith.constant 0 : i32
        %dma_start3A_274 = arith.constant 0 : i32
        %dma_start3A_275 = tpu.memref_slice %arg9[%dma_start3A_273, %dma_start3A_274] : memref<10112x128xf32, #tpu.memory_space<vmem_shared>> -> memref<10112x128xf32, #tpu.memory_space<vmem_shared>>
        tpu.enqueue_indirect_dma source(%dma_start3A_269 : memref<128x128xf32, #tpu.memory_space<vmem>>) target(%dma_start3A_275 : memref<10112x128xf32, #tpu.memory_space<vmem_shared>>) offsets(%dma_start3A_272 : memref<128xi32, #tpu.memory_space<vmem>>) semaphore(%run_scoped3A_265 : memref<!tpu.dma_semaphore, #tpu.memory_space<semaphore_mem>>) {add = true}
        %dma_wait3A_276 = arith.constant 0 : i32
        %dma_wait3A_277 = arith.constant 0 : i32
        %dma_wait3A_278 = tpu.memref_slice %arg8[%run_scoped3A_251, %dma_wait3A_276, %dma_wait3A_277] : memref<2x128x128xf32, #tpu.memory_space<vmem>> -> memref<1x128x128xf32, #tpu.memory_space<vmem>>
        %dma_wait3A_279 = tpu.memref_squeeze %dma_wait3A_278 : memref<1x128x128xf32, #tpu.memory_space<vmem>> -> memref<128x128xf32, #tpu.memory_space<vmem>>
        %dma_wait3A_280 = arith.constant 0 : i32
        %dma_wait3A_281 = tpu.memref_slice %arg7[%select_n3A_149, %run_scoped3A_252, %dma_wait3A_280] : memref<2x4x128xi32, #tpu.memory_space<vmem>> -> memref<1x1x128xi32, #tpu.memory_space<vmem>>
        %dma_wait3A_282 = tpu.memref_squeeze %dma_wait3A_281 : memref<1x1x128xi32, #tpu.memory_space<vmem>> -> memref<128xi32, #tpu.memory_space<vmem>>
        %dma_wait3A_283 = arith.constant 0 : i32
        %dma_wait3A_284 = arith.constant 0 : i32
        %dma_wait3A_285 = tpu.memref_slice %arg9[%dma_wait3A_283, %dma_wait3A_284] : memref<10112x128xf32, #tpu.memory_space<vmem_shared>> -> memref<10112x128xf32, #tpu.memory_space<vmem_shared>>
        tpu.wait_indirect_dma semaphore(%run_scoped3A_265 : memref<!tpu.dma_semaphore, #tpu.memory_space<semaphore_mem>>) src(%dma_wait3A_279 : memref<128x128xf32, #tpu.memory_space<vmem>>) dst(%dma_wait3A_285 : memref<10112x128xf32, #tpu.memory_space<vmem_shared>>)
        tpu.yield
      }) : () -> ()
      %add3A_253 = arith.constant 1 : i32
      %add3A_254 = arith.addi %while3A_137, %add3A_253 : i32
      %lt3A_255 = arith.cmpi slt, %add3A_254, %add3A_6 : i32
      %convert_element_type3A_256 = arith.extui %lt3A_255 : i1 to i32
      %cond3A_257 = arith.constant 0 : i32
      %cond3A_258 = arith.cmpi ne, %convert_element_type3A_256, %cond3A_257 : i32
      scf.if %cond3A_258 {
        %dma_start3A_265 = arith.constant 1 : i32
        %dma_start3A_266 = arith.constant 1 : i32
        %dma_start3A_267 = arith.constant 1 : i32
        %dma_start3A_268 = arith.constant 0 : i32
        %dma_start3A_269 = arith.constant 0 : i32
        %dma_start3A_270 = tpu.memref_slice %arg8[%dma_start3A_266, %dma_start3A_268, %dma_start3A_269] : memref<2x128x128xf32, #tpu.memory_space<vmem>> -> memref<1x128x128xf32, #tpu.memory_space<vmem>>
        %dma_start3A_271 = tpu.memref_squeeze %dma_start3A_270 : memref<1x128x128xf32, #tpu.memory_space<vmem>> -> memref<128x128xf32, #tpu.memory_space<vmem>>
        %dma_start3A_272 = arith.constant 0 : i32
        %dma_start3A_273 = tpu.memref_slice %arg6[%sub3A_150, %dma_start3A_265, %dma_start3A_272] : memref<2x4x128xi32, #tpu.memory_space<vmem>> -> memref<1x1x128xi32, #tpu.memory_space<vmem>>
        %dma_start3A_274 = tpu.memref_squeeze %dma_start3A_273 : memref<1x1x128xi32, #tpu.memory_space<vmem>> -> memref<128xi32, #tpu.memory_space<vmem>>
        %dma_start3A_275 = arith.constant 0 : i32
        %dma_start3A_276 = arith.constant 0 : i32
        %dma_start3A_277 = tpu.memref_slice %arg2[%dma_start3A_275, %dma_start3A_276] : memref<10000x128xf32, #tpu.memory_space<hbm>> -> memref<10000x128xf32, #tpu.memory_space<hbm>>
        %dma_start3A_278 = tpu.memref_slice %arg10[%dma_start3A_267] : memref<2x!tpu.dma_semaphore, #tpu.memory_space<semaphore_mem>> -> memref<1x!tpu.dma_semaphore, #tpu.memory_space<semaphore_mem>>
        %dma_start3A_279 = tpu.memref_squeeze %dma_start3A_278 : memref<1x!tpu.dma_semaphore, #tpu.memory_space<semaphore_mem>> -> memref<!tpu.dma_semaphore, #tpu.memory_space<semaphore_mem>>
        tpu.enqueue_indirect_dma source(%dma_start3A_277 : memref<10000x128xf32, #tpu.memory_space<hbm>>) target(%dma_start3A_271 : memref<128x128xf32, #tpu.memory_space<vmem>>) offsets(%dma_start3A_274 : memref<128xi32, #tpu.memory_space<vmem>>) semaphore(%dma_start3A_279 : memref<!tpu.dma_semaphore, #tpu.memory_space<semaphore_mem>>)
      } else {
      }
      %add3A_259 = arith.constant 2 : i32
      %add3A_260 = arith.addi %while3A_137, %add3A_259 : i32
      %lt3A_261 = arith.cmpi slt, %add3A_260, %add3A_6 : i32
      %convert_element_type3A_262 = arith.extui %lt3A_261 : i1 to i32
      %cond3A_263 = arith.constant 0 : i32
      %cond3A_264 = arith.cmpi ne, %convert_element_type3A_262, %cond3A_263 : i32
      scf.if %cond3A_264 {
        %add3A_265 = arith.constant 2 : i32
        %add3A_266 = arith.addi %while3A_137, %add3A_265 : i32
        %mul3A_267 = arith.constant 4 : i32
        %mul3A_268 = arith.muli %add3A_266, %mul3A_267 : i32
        %add3A_269 = arith.addi %mul3A_12, %mul3A_268 : i32
        %dma_start3A_270 = arith.constant 0 : i32
        %dma_start3A_271 = arith.constant 0 : i32
        %dma_start3A_272 = arith.constant 0 : i32
        %dma_start3A_273 = tpu.memref_slice %arg6[%select_n3A_149, %dma_start3A_271, %dma_start3A_272] : memref<2x4x128xi32, #tpu.memory_space<vmem>> -> memref<1x4x128xi32, #tpu.memory_space<vmem>>
        %dma_start3A_274 = tpu.memref_squeeze %dma_start3A_273 : memref<1x4x128xi32, #tpu.memory_space<vmem>> -> memref<4x128xi32, #tpu.memory_space<vmem>>
        %dma_start3A_275 = arith.constant 0 : i32
        %dma_start3A_276 = tpu.memref_slice %arg3[%dma_start3A_270, %add3A_269, %dma_start3A_275] : memref<2x2500x128xi32, #tpu.memory_space<hbm>> -> memref<1x4x128xi32, #tpu.memory_space<hbm>>
        %dma_start3A_277 = tpu.memref_squeeze %dma_start3A_276 : memref<1x4x128xi32, #tpu.memory_space<hbm>> -> memref<4x128xi32, #tpu.memory_space<hbm>>
        %dma_start3A_278 = tpu.memref_slice %arg11[%select_n3A_149] : memref<2x!tpu.dma_semaphore, #tpu.memory_space<semaphore_mem>> -> memref<1x!tpu.dma_semaphore, #tpu.memory_space<semaphore_mem>>
        %dma_start3A_279 = tpu.memref_squeeze %dma_start3A_278 : memref<1x!tpu.dma_semaphore, #tpu.memory_space<semaphore_mem>> -> memref<!tpu.dma_semaphore, #tpu.memory_space<semaphore_mem>>
        %dma_start3A_280 = arith.constant 0 : i32
        %dma_start3A_281 = arith.constant 0 : i32
        %dma_start3A_282 = tpu.memref_slice %arg6[%select_n3A_149, %dma_start3A_280, %dma_start3A_281] : memref<2x4x128xi32, #tpu.memory_space<vmem>> -> memref<1x4x128xi32, #tpu.memory_space<vmem>>
        %dma_start3A_283 = tpu.memref_squeeze %dma_start3A_282 : memref<1x4x128xi32, #tpu.memory_space<vmem>> -> memref<4x128xi32, #tpu.memory_space<vmem>>
        %dma_start3A_284 = arith.constant 0 : i32
        %dma_start3A_285 = tpu.memref_slice %arg3[%dma_start3A_270, %add3A_269, %dma_start3A_284] : memref<2x2500x128xi32, #tpu.memory_space<hbm>> -> memref<1x4x128xi32, #tpu.memory_space<hbm>>
        %dma_start3A_286 = tpu.memref_squeeze %dma_start3A_285 : memref<1x4x128xi32, #tpu.memory_space<hbm>> -> memref<4x128xi32, #tpu.memory_space<hbm>>
        tpu.enqueue_dma source(%dma_start3A_286 : memref<4x128xi32, #tpu.memory_space<hbm>>) target(%dma_start3A_283 : memref<4x128xi32, #tpu.memory_space<vmem>>) target_semaphore(%dma_start3A_279 : memref<!tpu.dma_semaphore, #tpu.memory_space<semaphore_mem>>)
        %add3A_287 = arith.constant 2 : i32
        %add3A_288 = arith.addi %while3A_137, %add3A_287 : i32
        %mul3A_289 = arith.constant 4 : i32
        %mul3A_290 = arith.muli %add3A_288, %mul3A_289 : i32
        %add3A_291 = arith.addi %mul3A_12, %mul3A_290 : i32
        %dma_start3A_292 = arith.constant 1 : i32
        %dma_start3A_293 = arith.constant 0 : i32
        %dma_start3A_294 = arith.constant 0 : i32
        %dma_start3A_295 = tpu.memref_slice %arg7[%select_n3A_149, %dma_start3A_293, %dma_start3A_294] : memref<2x4x128xi32, #tpu.memory_space<vmem>> -> memref<1x4x128xi32, #tpu.memory_space<vmem>>
        %dma_start3A_296 = tpu.memref_squeeze %dma_start3A_295 : memref<1x4x128xi32, #tpu.memory_space<vmem>> -> memref<4x128xi32, #tpu.memory_space<vmem>>
        %dma_start3A_297 = arith.constant 0 : i32
        %dma_start3A_298 = tpu.memref_slice %arg3[%dma_start3A_292, %add3A_291, %dma_start3A_297] : memref<2x2500x128xi32, #tpu.memory_space<hbm>> -> memref<1x4x128xi32, #tpu.memory_space<hbm>>
        %dma_start3A_299 = tpu.memref_squeeze %dma_start3A_298 : memref<1x4x128xi32, #tpu.memory_space<hbm>> -> memref<4x128xi32, #tpu.memory_space<hbm>>
        %dma_start3A_300 = tpu.memref_slice %arg11[%select_n3A_149] : memref<2x!tpu.dma_semaphore, #tpu.memory_space<semaphore_mem>> -> memref<1x!tpu.dma_semaphore, #tpu.memory_space<semaphore_mem>>
        %dma_start3A_301 = tpu.memref_squeeze %dma_start3A_300 : memref<1x!tpu.dma_semaphore, #tpu.memory_space<semaphore_mem>> -> memref<!tpu.dma_semaphore, #tpu.memory_space<semaphore_mem>>
        %dma_start3A_302 = arith.constant 0 : i32
        %dma_start3A_303 = arith.constant 0 : i32
        %dma_start3A_304 = tpu.memref_slice %arg7[%select_n3A_149, %dma_start3A_302, %dma_start3A_303] : memref<2x4x128xi32, #tpu.memory_space<vmem>> -> memref<1x4x128xi32, #tpu.memory_space<vmem>>
        %dma_start3A_305 = tpu.memref_squeeze %dma_start3A_304 : memref<1x4x128xi32, #tpu.memory_space<vmem>> -> memref<4x128xi32, #tpu.memory_space<vmem>>
        %dma_start3A_306 = arith.constant 0 : i32
        %dma_start3A_307 = tpu.memref_slice %arg3[%dma_start3A_292, %add3A_291, %dma_start3A_306] : memref<2x2500x128xi32, #tpu.memory_space<hbm>> -> memref<1x4x128xi32, #tpu.memory_space<hbm>>
        %dma_start3A_308 = tpu.memref_squeeze %dma_start3A_307 : memref<1x4x128xi32, #tpu.memory_space<hbm>> -> memref<4x128xi32, #tpu.memory_space<hbm>>
        tpu.enqueue_dma source(%dma_start3A_308 : memref<4x128xi32, #tpu.memory_space<hbm>>) target(%dma_start3A_305 : memref<4x128xi32, #tpu.memory_space<vmem>>) target_semaphore(%dma_start3A_301 : memref<!tpu.dma_semaphore, #tpu.memory_space<semaphore_mem>>)
      } else {
      }
    }
    %barrier3A_136 = arith.constant 0 : index
    tpu.barrier barrier_id(%barrier3A_136)
    "tpu.region"() ({
      %run_scoped3A_137 = tpu.sem_alloc : memref<!tpu.dma_semaphore, #tpu.memory_space<semaphore_mem>>
      %dma_start3A_138 = arith.constant 0 : i32
      %dma_start3A_139 = arith.constant 0 : i32
      %dma_start3A_140 = tpu.memref_slice %arg5[%arg0, %dma_start3A_138, %dma_start3A_139] : memref<2x10112x128xf32, #tpu.memory_space<hbm>> -> memref<1x10112x128xf32, #tpu.memory_space<hbm>>
      %dma_start3A_141 = tpu.memref_squeeze %dma_start3A_140 : memref<1x10112x128xf32, #tpu.memory_space<hbm>> -> memref<10112x128xf32, #tpu.memory_space<hbm>>
      %dma_start3A_142 = arith.constant 0 : i32
      %dma_start3A_143 = tpu.memref_slice %dma_start3A_141[%mul3A_2, %dma_start3A_142] : memref<10112x128xf32, #tpu.memory_space<hbm>> -> memref<632x128xf32, #tpu.memory_space<hbm>>
      %dma_start3A_144 = arith.constant 0 : i32
      %dma_start3A_145 = tpu.memref_slice %arg9[%mul3A_2, %dma_start3A_144] : memref<10112x128xf32, #tpu.memory_space<vmem_shared>> -> memref<632x128xf32, #tpu.memory_space<vmem_shared>>
      tpu.enqueue_dma source(%dma_start3A_145 : memref<632x128xf32, #tpu.memory_space<vmem_shared>>) target(%dma_start3A_143 : memref<632x128xf32, #tpu.memory_space<hbm>>) target_semaphore(%run_scoped3A_137 : memref<!tpu.dma_semaphore, #tpu.memory_space<semaphore_mem>>)
      %dma_wait3A_146 = arith.constant 0 : i32
      %dma_wait3A_147 = arith.constant 0 : i32
      %dma_wait3A_148 = tpu.memref_slice %arg5[%arg0, %dma_wait3A_146, %dma_wait3A_147] : memref<2x10112x128xf32, #tpu.memory_space<hbm>> -> memref<1x10112x128xf32, #tpu.memory_space<hbm>>
      %dma_wait3A_149 = tpu.memref_squeeze %dma_wait3A_148 : memref<1x10112x128xf32, #tpu.memory_space<hbm>> -> memref<10112x128xf32, #tpu.memory_space<hbm>>
      %dma_wait3A_150 = arith.constant 0 : i32
      %dma_wait3A_151 = tpu.memref_slice %dma_wait3A_149[%mul3A_2, %dma_wait3A_150] : memref<10112x128xf32, #tpu.memory_space<hbm>> -> memref<632x128xf32, #tpu.memory_space<hbm>>
      %dma_wait3A_152 = arith.constant 0 : i32
      %dma_wait3A_153 = tpu.memref_slice %arg9[%mul3A_2, %dma_wait3A_152] : memref<10112x128xf32, #tpu.memory_space<vmem_shared>> -> memref<632x128xf32, #tpu.memory_space<vmem_shared>>
      tpu.wait_dma2 semaphore(%run_scoped3A_137 : memref<!tpu.dma_semaphore, #tpu.memory_space<semaphore_mem>>) src(%dma_wait3A_153 : memref<632x128xf32, #tpu.memory_space<vmem_shared>>) dst(%dma_wait3A_151 : memref<632x128xf32, #tpu.memory_space<hbm>>)
      tpu.yield
    }) : () -> ()
    return
  }
}

#map = affine_map<(d0, d1) -> (0, 0)>
#map1 = affine_map<(d0, d1) -> (0, 0, 0)>
module attributes {stable_mosaic.version = 14 : i64} {
  func.func @_sc_agg_body(%arg0: i32, %arg1: i32, %arg2: memref<10000x128xf32, #tpu.memory_space<hbm>>, %arg3: memref<2x2500x128xi32, #tpu.memory_space<hbm>>, %arg4: memref<128x128xf32, #tpu.memory_space<hbm>>, %arg5: memref<2x10112x128xf32, #tpu.memory_space<hbm>>, %arg6: memref<2x4x128xi32, #tpu.memory_space<vmem>>, %arg7: memref<2x4x128xi32, #tpu.memory_space<vmem>>, %arg8: memref<2x128x128xf32, #tpu.memory_space<vmem>>, %arg9: memref<10112x128xf32, #tpu.memory_space<vmem_shared>>, %arg10: memref<2x!tpu.dma_semaphore, #tpu.memory_space<semaphore_mem>>, %arg11: memref<2x!tpu.dma_semaphore, #tpu.memory_space<semaphore_mem>>) attributes {dimension_semantics = [#tpu.dimension_semantics<core_parallel>, #tpu.dimension_semantics<subcore_parallel>], iteration_bounds = array<i64: 2, 16>, scalar_prefetch = 0 : i64, scratch_operands = 6 : i64, tpu.core_type = #tpu.core_type<sc_vector_subcore>, window_params = [{transform_indices = #map}, {transform_indices = #map1}, {transform_indices = #map}, {transform_indices = #map1}]} {
    %mul3A = arith.constant 16 : i32
    %mul3A_0 = arith.muli %arg0, %mul3A : i32
    %add3A = arith.addi %mul3A_0, %arg1 : i32
    %mul3A_1 = arith.constant 632 : i32
    %mul3A_2 = arith.muli %arg1, %mul3A_1 : i32
    %lt3A = arith.constant 17 : i32
    %lt3A_3 = arith.cmpi slt, %add3A, %lt3A : i32
    %jit3A = arith.constant 1 : i32
    %jit3A_4 = arith.constant 0 : i32
    %select_n3A = arith.select %lt3A_3, %jit3A, %jit3A_4 : i32
    %add3A_5 = arith.constant 19 : i32
    %add3A_6 = arith.addi %add3A_5, %select_n3A : i32
    %mul3A_7 = arith.constant 19 : i32
    %mul3A_8 = arith.muli %add3A, %mul3A_7 : i32
    %min3A = arith.constant 17 : i32
    %min3A_9 = arith.minsi %add3A, %min3A : i32
    %add3A_10 = arith.addi %mul3A_8, %min3A_9 : i32
    %mul3A_11 = arith.constant 4 : i32
    %mul3A_12 = arith.muli %add3A_10, %mul3A_11 : i32
    %run_scoped3A = arith.constant 0 : i32
    %run_scoped3A_13 = arith.constant 0 : i32
    "tpu.region"() ({
      %run_scoped3A_137 = tpu.sem_alloc : memref<!tpu.dma_semaphore, #tpu.memory_space<semaphore_mem>>
      %dma_start3A_138 = arith.constant 0 : i32
      %dma_start3A_139 = arith.constant 0 : i32
      %dma_start3A_140 = tpu.memref_slice %arg6[%run_scoped3A_13, %dma_start3A_138, %dma_start3A_139] : memref<2x4x128xi32, #tpu.memory_space<vmem>> -> memref<1x4x128xi32, #tpu.memory_space<vmem>>
      %dma_start3A_141 = tpu.memref_squeeze %dma_start3A_140 : memref<1x4x128xi32, #tpu.memory_space<vmem>> -> memref<4x128xi32, #tpu.memory_space<vmem>>
      %dma_start3A_142 = arith.constant 0 : i32
      %dma_start3A_143 = tpu.memref_slice %arg3[%run_scoped3A, %mul3A_12, %dma_start3A_142] : memref<2x2500x128xi32, #tpu.memory_space<hbm>> -> memref<1x4x128xi32, #tpu.memory_space<hbm>>
      %dma_start3A_144 = tpu.memref_squeeze %dma_start3A_143 : memref<1x4x128xi32, #tpu.memory_space<hbm>> -> memref<4x128xi32, #tpu.memory_space<hbm>>
      %dma_start3A_145 = arith.constant 0 : i32
      %dma_start3A_146 = arith.constant 0 : i32
      %dma_start3A_147 = tpu.memref_slice %arg6[%run_scoped3A_13, %dma_start3A_145, %dma_start3A_146] : memref<2x4x128xi32, #tpu.memory_space<vmem>> -> memref<1x4x128xi32, #tpu.memory_space<vmem>>
      %dma_start3A_148 = tpu.memref_squeeze %dma_start3A_147 : memref<1x4x128xi32, #tpu.memory_space<vmem>> -> memref<4x128xi32, #tpu.memory_space<vmem>>
      %dma_start3A_149 = arith.constant 0 : i32
      %dma_start3A_150 = tpu.memref_slice %arg3[%run_scoped3A, %mul3A_12, %dma_start3A_149] : memref<2x2500x128xi32, #tpu.memory_space<hbm>> -> memref<1x4x128xi32, #tpu.memory_space<hbm>>
      %dma_start3A_151 = tpu.memref_squeeze %dma_start3A_150 : memref<1x4x128xi32, #tpu.memory_space<hbm>> -> memref<4x128xi32, #tpu.memory_space<hbm>>
      tpu.enqueue_dma source(%dma_start3A_151 : memref<4x128xi32, #tpu.memory_space<hbm>>) target(%dma_start3A_148 : memref<4x128xi32, #tpu.memory_space<vmem>>) target_semaphore(%run_scoped3A_137 : memref<!tpu.dma_semaphore, #tpu.memory_space<semaphore_mem>>)
      %dma_wait3A_152 = arith.constant 0 : i32
      %dma_wait3A_153 = arith.constant 0 : i32
      %dma_wait3A_154 = tpu.memref_slice %arg6[%run_scoped3A_13, %dma_wait3A_152, %dma_wait3A_153] : memref<2x4x128xi32, #tpu.memory_space<vmem>> -> memref<1x4x128xi32, #tpu.memory_space<vmem>>
      %dma_wait3A_155 = tpu.memref_squeeze %dma_wait3A_154 : memref<1x4x128xi32, #tpu.memory_space<vmem>> -> memref<4x128xi32, #tpu.memory_space<vmem>>
      %dma_wait3A_156 = arith.constant 0 : i32
      %dma_wait3A_157 = tpu.memref_slice %arg3[%run_scoped3A, %mul3A_12, %dma_wait3A_156] : memref<2x2500x128xi32, #tpu.memory_space<hbm>> -> memref<1x4x128xi32, #tpu.memory_space<hbm>>
      %dma_wait3A_158 = tpu.memref_squeeze %dma_wait3A_157 : memref<1x4x128xi32, #tpu.memory_space<hbm>> -> memref<4x128xi32, #tpu.memory_space<hbm>>
      %dma_wait3A_159 = arith.constant 0 : i32
      %dma_wait3A_160 = arith.constant 0 : i32
      %dma_wait3A_161 = tpu.memref_slice %arg6[%run_scoped3A_13, %dma_wait3A_159, %dma_wait3A_160] : memref<2x4x128xi32, #tpu.memory_space<vmem>> -> memref<1x4x128xi32, #tpu.memory_space<vmem>>
      %dma_wait3A_162 = tpu.memref_squeeze %dma_wait3A_161 : memref<1x4x128xi32, #tpu.memory_space<vmem>> -> memref<4x128xi32, #tpu.memory_space<vmem>>
      %dma_wait3A_163 = arith.constant 0 : i32
      %dma_wait3A_164 = tpu.memref_slice %arg3[%run_scoped3A, %mul3A_12, %dma_wait3A_163] : memref<2x2500x128xi32, #tpu.memory_space<hbm>> -> memref<1x4x128xi32, #tpu.memory_space<hbm>>
      %dma_wait3A_165 = tpu.memref_squeeze %dma_wait3A_164 : memref<1x4x128xi32, #tpu.memory_space<hbm>> -> memref<4x128xi32, #tpu.memory_space<hbm>>
      tpu.wait_dma2 semaphore(%run_scoped3A_137 : memref<!tpu.dma_semaphore, #tpu.memory_space<semaphore_mem>>) src(%dma_wait3A_165 : memref<4x128xi32, #tpu.memory_space<hbm>>) dst(%dma_wait3A_162 : memref<4x128xi32, #tpu.memory_space<vmem>>)
      tpu.yield
    }) : () -> ()
    %run_scoped3A_14 = arith.constant 1 : i32
    %run_scoped3A_15 = arith.constant 0 : i32
    "tpu.region"() ({
      %run_scoped3A_137 = tpu.sem_alloc : memref<!tpu.dma_semaphore, #tpu.memory_space<semaphore_mem>>
      %dma_start3A_138 = arith.constant 0 : i32
      %dma_start3A_139 = arith.constant 0 : i32
      %dma_start3A_140 = tpu.memref_slice %arg7[%run_scoped3A_15, %dma_start3A_138, %dma_start3A_139] : memref<2x4x128xi32, #tpu.memory_space<vmem>> -> memref<1x4x128xi32, #tpu.memory_space<vmem>>
      %dma_start3A_141 = tpu.memref_squeeze %dma_start3A_140 : memref<1x4x128xi32, #tpu.memory_space<vmem>> -> memref<4x128xi32, #tpu.memory_space<vmem>>
      %dma_start3A_142 = arith.constant 0 : i32
      %dma_start3A_143 = tpu.memref_slice %arg3[%run_scoped3A_14, %mul3A_12, %dma_start3A_142] : memref<2x2500x128xi32, #tpu.memory_space<hbm>> -> memref<1x4x128xi32, #tpu.memory_space<hbm>>
      %dma_start3A_144 = tpu.memref_squeeze %dma_start3A_143 : memref<1x4x128xi32, #tpu.memory_space<hbm>> -> memref<4x128xi32, #tpu.memory_space<hbm>>
      %dma_start3A_145 = arith.constant 0 : i32
      %dma_start3A_146 = arith.constant 0 : i32
      %dma_start3A_147 = tpu.memref_slice %arg7[%run_scoped3A_15, %dma_start3A_145, %dma_start3A_146] : memref<2x4x128xi32, #tpu.memory_space<vmem>> -> memref<1x4x128xi32, #tpu.memory_space<vmem>>
      %dma_start3A_148 = tpu.memref_squeeze %dma_start3A_147 : memref<1x4x128xi32, #tpu.memory_space<vmem>> -> memref<4x128xi32, #tpu.memory_space<vmem>>
      %dma_start3A_149 = arith.constant 0 : i32
      %dma_start3A_150 = tpu.memref_slice %arg3[%run_scoped3A_14, %mul3A_12, %dma_start3A_149] : memref<2x2500x128xi32, #tpu.memory_space<hbm>> -> memref<1x4x128xi32, #tpu.memory_space<hbm>>
      %dma_start3A_151 = tpu.memref_squeeze %dma_start3A_150 : memref<1x4x128xi32, #tpu.memory_space<hbm>> -> memref<4x128xi32, #tpu.memory_space<hbm>>
      tpu.enqueue_dma source(%dma_start3A_151 : memref<4x128xi32, #tpu.memory_space<hbm>>) target(%dma_start3A_148 : memref<4x128xi32, #tpu.memory_space<vmem>>) target_semaphore(%run_scoped3A_137 : memref<!tpu.dma_semaphore, #tpu.memory_space<semaphore_mem>>)
      %dma_wait3A_152 = arith.constant 0 : i32
      %dma_wait3A_153 = arith.constant 0 : i32
      %dma_wait3A_154 = tpu.memref_slice %arg7[%run_scoped3A_15, %dma_wait3A_152, %dma_wait3A_153] : memref<2x4x128xi32, #tpu.memory_space<vmem>> -> memref<1x4x128xi32, #tpu.memory_space<vmem>>
      %dma_wait3A_155 = tpu.memref_squeeze %dma_wait3A_154 : memref<1x4x128xi32, #tpu.memory_space<vmem>> -> memref<4x128xi32, #tpu.memory_space<vmem>>
      %dma_wait3A_156 = arith.constant 0 : i32
      %dma_wait3A_157 = tpu.memref_slice %arg3[%run_scoped3A_14, %mul3A_12, %dma_wait3A_156] : memref<2x2500x128xi32, #tpu.memory_space<hbm>> -> memref<1x4x128xi32, #tpu.memory_space<hbm>>
      %dma_wait3A_158 = tpu.memref_squeeze %dma_wait3A_157 : memref<1x4x128xi32, #tpu.memory_space<hbm>> -> memref<4x128xi32, #tpu.memory_space<hbm>>
      %dma_wait3A_159 = arith.constant 0 : i32
      %dma_wait3A_160 = arith.constant 0 : i32
      %dma_wait3A_161 = tpu.memref_slice %arg7[%run_scoped3A_15, %dma_wait3A_159, %dma_wait3A_160] : memref<2x4x128xi32, #tpu.memory_space<vmem>> -> memref<1x4x128xi32, #tpu.memory_space<vmem>>
      %dma_wait3A_162 = tpu.memref_squeeze %dma_wait3A_161 : memref<1x4x128xi32, #tpu.memory_space<vmem>> -> memref<4x128xi32, #tpu.memory_space<vmem>>
      %dma_wait3A_163 = arith.constant 0 : i32
      %dma_wait3A_164 = tpu.memref_slice %arg3[%run_scoped3A_14, %mul3A_12, %dma_wait3A_163] : memref<2x2500x128xi32, #tpu.memory_space<hbm>> -> memref<1x4x128xi32, #tpu.memory_space<hbm>>
      %dma_wait3A_165 = tpu.memref_squeeze %dma_wait3A_164 : memref<1x4x128xi32, #tpu.memory_space<hbm>> -> memref<4x128xi32, #tpu.memory_space<hbm>>
      tpu.wait_dma2 semaphore(%run_scoped3A_137 : memref<!tpu.dma_semaphore, #tpu.memory_space<semaphore_mem>>) src(%dma_wait3A_165 : memref<4x128xi32, #tpu.memory_space<hbm>>) dst(%dma_wait3A_162 : memref<4x128xi32, #tpu.memory_space<vmem>>)
      tpu.yield
    }) : () -> ()
    %add3A_16 = arith.constant 4 : i32
    %add3A_17 = arith.addi %mul3A_12, %add3A_16 : i32
    %dma_start3A = arith.constant 0 : i32
    %dma_start3A_18 = arith.constant 1 : i32
    %dma_start3A_19 = arith.constant 1 : i32
    %dma_start3A_20 = arith.constant 0 : i32
    %dma_start3A_21 = arith.constant 0 : i32
    %dma_start3A_22 = tpu.memref_slice %arg6[%dma_start3A_18, %dma_start3A_20, %dma_start3A_21] : memref<2x4x128xi32, #tpu.memory_space<vmem>> -> memref<1x4x128xi32, #tpu.memory_space<vmem>>
    %dma_start3A_23 = tpu.memref_squeeze %dma_start3A_22 : memref<1x4x128xi32, #tpu.memory_space<vmem>> -> memref<4x128xi32, #tpu.memory_space<vmem>>
    %dma_start3A_24 = arith.constant 0 : i32
    %dma_start3A_25 = tpu.memref_slice %arg3[%dma_start3A, %add3A_17, %dma_start3A_24] : memref<2x2500x128xi32, #tpu.memory_space<hbm>> -> memref<1x4x128xi32, #tpu.memory_space<hbm>>
    %dma_start3A_26 = tpu.memref_squeeze %dma_start3A_25 : memref<1x4x128xi32, #tpu.memory_space<hbm>> -> memref<4x128xi32, #tpu.memory_space<hbm>>
    %dma_start3A_27 = tpu.memref_slice %arg11[%dma_start3A_19] : memref<2x!tpu.dma_semaphore, #tpu.memory_space<semaphore_mem>> -> memref<1x!tpu.dma_semaphore, #tpu.memory_space<semaphore_mem>>
    %dma_start3A_28 = tpu.memref_squeeze %dma_start3A_27 : memref<1x!tpu.dma_semaphore, #tpu.memory_space<semaphore_mem>> -> memref<!tpu.dma_semaphore, #tpu.memory_space<semaphore_mem>>
    %dma_start3A_29 = arith.constant 0 : i32
    %dma_start3A_30 = arith.constant 0 : i32
    %dma_start3A_31 = tpu.memref_slice %arg6[%dma_start3A_18, %dma_start3A_29, %dma_start3A_30] : memref<2x4x128xi32, #tpu.memory_space<vmem>> -> memref<1x4x128xi32, #tpu.memory_space<vmem>>
    %dma_start3A_32 = tpu.memref_squeeze %dma_start3A_31 : memref<1x4x128xi32, #tpu.memory_space<vmem>> -> memref<4x128xi32, #tpu.memory_space<vmem>>
    %dma_start3A_33 = arith.constant 0 : i32
    %dma_start3A_34 = tpu.memref_slice %arg3[%dma_start3A, %add3A_17, %dma_start3A_33] : memref<2x2500x128xi32, #tpu.memory_space<hbm>> -> memref<1x4x128xi32, #tpu.memory_space<hbm>>
    %dma_start3A_35 = tpu.memref_squeeze %dma_start3A_34 : memref<1x4x128xi32, #tpu.memory_space<hbm>> -> memref<4x128xi32, #tpu.memory_space<hbm>>
    tpu.enqueue_dma source(%dma_start3A_35 : memref<4x128xi32, #tpu.memory_space<hbm>>) target(%dma_start3A_32 : memref<4x128xi32, #tpu.memory_space<vmem>>) target_semaphore(%dma_start3A_28 : memref<!tpu.dma_semaphore, #tpu.memory_space<semaphore_mem>>)
    %add3A_36 = arith.constant 4 : i32
    %add3A_37 = arith.addi %mul3A_12, %add3A_36 : i32
    %dma_start3A_38 = arith.constant 1 : i32
    %dma_start3A_39 = arith.constant 1 : i32
    %dma_start3A_40 = arith.constant 1 : i32
    %dma_start3A_41 = arith.constant 0 : i32
    %dma_start3A_42 = arith.constant 0 : i32
    %dma_start3A_43 = tpu.memref_slice %arg7[%dma_start3A_39, %dma_start3A_41, %dma_start3A_42] : memref<2x4x128xi32, #tpu.memory_space<vmem>> -> memref<1x4x128xi32, #tpu.memory_space<vmem>>
    %dma_start3A_44 = tpu.memref_squeeze %dma_start3A_43 : memref<1x4x128xi32, #tpu.memory_space<vmem>> -> memref<4x128xi32, #tpu.memory_space<vmem>>
    %dma_start3A_45 = arith.constant 0 : i32
    %dma_start3A_46 = tpu.memref_slice %arg3[%dma_start3A_38, %add3A_37, %dma_start3A_45] : memref<2x2500x128xi32, #tpu.memory_space<hbm>> -> memref<1x4x128xi32, #tpu.memory_space<hbm>>
    %dma_start3A_47 = tpu.memref_squeeze %dma_start3A_46 : memref<1x4x128xi32, #tpu.memory_space<hbm>> -> memref<4x128xi32, #tpu.memory_space<hbm>>
    %dma_start3A_48 = tpu.memref_slice %arg11[%dma_start3A_40] : memref<2x!tpu.dma_semaphore, #tpu.memory_space<semaphore_mem>> -> memref<1x!tpu.dma_semaphore, #tpu.memory_space<semaphore_mem>>
    %dma_start3A_49 = tpu.memref_squeeze %dma_start3A_48 : memref<1x!tpu.dma_semaphore, #tpu.memory_space<semaphore_mem>> -> memref<!tpu.dma_semaphore, #tpu.memory_space<semaphore_mem>>
    %dma_start3A_50 = arith.constant 0 : i32
    %dma_start3A_51 = arith.constant 0 : i32
    %dma_start3A_52 = tpu.memref_slice %arg7[%dma_start3A_39, %dma_start3A_50, %dma_start3A_51] : memref<2x4x128xi32, #tpu.memory_space<vmem>> -> memref<1x4x128xi32, #tpu.memory_space<vmem>>
    %dma_start3A_53 = tpu.memref_squeeze %dma_start3A_52 : memref<1x4x128xi32, #tpu.memory_space<vmem>> -> memref<4x128xi32, #tpu.memory_space<vmem>>
    %dma_start3A_54 = arith.constant 0 : i32
    %dma_start3A_55 = tpu.memref_slice %arg3[%dma_start3A_38, %add3A_37, %dma_start3A_54] : memref<2x2500x128xi32, #tpu.memory_space<hbm>> -> memref<1x4x128xi32, #tpu.memory_space<hbm>>
    %dma_start3A_56 = tpu.memref_squeeze %dma_start3A_55 : memref<1x4x128xi32, #tpu.memory_space<hbm>> -> memref<4x128xi32, #tpu.memory_space<hbm>>
    tpu.enqueue_dma source(%dma_start3A_56 : memref<4x128xi32, #tpu.memory_space<hbm>>) target(%dma_start3A_53 : memref<4x128xi32, #tpu.memory_space<vmem>>) target_semaphore(%dma_start3A_49 : memref<!tpu.dma_semaphore, #tpu.memory_space<semaphore_mem>>)
    %dma_start3A_57 = arith.constant 1 : i32
    %dma_start3A_58 = arith.constant 1 : i32
    %dma_start3A_59 = arith.constant 0 : i32
    %dma_start3A_60 = arith.constant 0 : i32
    %dma_start3A_61 = tpu.memref_slice %arg8[%dma_start3A_57, %dma_start3A_59, %dma_start3A_60] : memref<2x128x128xf32, #tpu.memory_space<vmem>> -> memref<1x128x128xf32, #tpu.memory_space<vmem>>
    %dma_start3A_62 = tpu.memref_squeeze %dma_start3A_61 : memref<1x128x128xf32, #tpu.memory_space<vmem>> -> memref<128x128xf32, #tpu.memory_space<vmem>>
    %dma_start3A_63 = tpu.memref_slice %arg10[%dma_start3A_58] : memref<2x!tpu.dma_semaphore, #tpu.memory_space<semaphore_mem>> -> memref<1x!tpu.dma_semaphore, #tpu.memory_space<semaphore_mem>>
    %dma_start3A_64 = tpu.memref_squeeze %dma_start3A_63 : memref<1x!tpu.dma_semaphore, #tpu.memory_space<semaphore_mem>> -> memref<!tpu.dma_semaphore, #tpu.memory_space<semaphore_mem>>
    %dma_start3A_65 = arith.constant 0 : i32
    %dma_start3A_66 = arith.constant 0 : i32
    %dma_start3A_67 = tpu.memref_slice %arg8[%dma_start3A_57, %dma_start3A_65, %dma_start3A_66] : memref<2x128x128xf32, #tpu.memory_space<vmem>> -> memref<1x128x128xf32, #tpu.memory_space<vmem>>
    %dma_start3A_68 = tpu.memref_squeeze %dma_start3A_67 : memref<1x128x128xf32, #tpu.memory_space<vmem>> -> memref<128x128xf32, #tpu.memory_space<vmem>>
    tpu.enqueue_dma source(%arg4 : memref<128x128xf32, #tpu.memory_space<hbm>>) target(%dma_start3A_68 : memref<128x128xf32, #tpu.memory_space<vmem>>) target_semaphore(%dma_start3A_64 : memref<!tpu.dma_semaphore, #tpu.memory_space<semaphore_mem>>)
    %dma_start3A_69 = arith.constant 0 : i32
    %dma_start3A_70 = arith.constant 0 : i32
    %dma_start3A_71 = arith.constant 0 : i32
    %dma_start3A_72 = arith.constant 0 : i32
    %dma_start3A_73 = arith.constant 0 : i32
    %dma_start3A_74 = arith.constant 0 : i32
    %dma_start3A_75 = tpu.memref_slice %arg8[%dma_start3A_71, %dma_start3A_73, %dma_start3A_74] : memref<2x128x128xf32, #tpu.memory_space<vmem>> -> memref<1x128x128xf32, #tpu.memory_space<vmem>>
    %dma_start3A_76 = tpu.memref_squeeze %dma_start3A_75 : memref<1x128x128xf32, #tpu.memory_space<vmem>> -> memref<128x128xf32, #tpu.memory_space<vmem>>
    %dma_start3A_77 = arith.constant 0 : i32
    %dma_start3A_78 = tpu.memref_slice %arg6[%dma_start3A_69, %dma_start3A_70, %dma_start3A_77] : memref<2x4x128xi32, #tpu.memory_space<vmem>> -> memref<1x1x128xi32, #tpu.memory_space<vmem>>
    %dma_start3A_79 = tpu.memref_squeeze %dma_start3A_78 : memref<1x1x128xi32, #tpu.memory_space<vmem>> -> memref<128xi32, #tpu.memory_space<vmem>>
    %dma_start3A_80 = arith.constant 0 : i32
    %dma_start3A_81 = arith.constant 0 : i32
    %dma_start3A_82 = tpu.memref_slice %arg2[%dma_start3A_80, %dma_start3A_81] : memref<10000x128xf32, #tpu.memory_space<hbm>> -> memref<10000x128xf32, #tpu.memory_space<hbm>>
    %dma_start3A_83 = tpu.memref_slice %arg10[%dma_start3A_72] : memref<2x!tpu.dma_semaphore, #tpu.memory_space<semaphore_mem>> -> memref<1x!tpu.dma_semaphore, #tpu.memory_space<semaphore_mem>>
    %dma_start3A_84 = tpu.memref_squeeze %dma_start3A_83 : memref<1x!tpu.dma_semaphore, #tpu.memory_space<semaphore_mem>> -> memref<!tpu.dma_semaphore, #tpu.memory_space<semaphore_mem>>
    tpu.enqueue_indirect_dma source(%dma_start3A_82 : memref<10000x128xf32, #tpu.memory_space<hbm>>) target(%dma_start3A_76 : memref<128x128xf32, #tpu.memory_space<vmem>>) offsets(%dma_start3A_79 : memref<128xi32, #tpu.memory_space<vmem>>) semaphore(%dma_start3A_84 : memref<!tpu.dma_semaphore, #tpu.memory_space<semaphore_mem>>)
    %dma_wait3A = arith.constant 1 : i32
    %dma_wait3A_85 = arith.constant 1 : i32
    %dma_wait3A_86 = arith.constant 0 : i32
    %dma_wait3A_87 = arith.constant 0 : i32
    %dma_wait3A_88 = tpu.memref_slice %arg8[%dma_wait3A, %dma_wait3A_86, %dma_wait3A_87] : memref<2x128x128xf32, #tpu.memory_space<vmem>> -> memref<1x128x128xf32, #tpu.memory_space<vmem>>
    %dma_wait3A_89 = tpu.memref_squeeze %dma_wait3A_88 : memref<1x128x128xf32, #tpu.memory_space<vmem>> -> memref<128x128xf32, #tpu.memory_space<vmem>>
    %dma_wait3A_90 = tpu.memref_slice %arg10[%dma_wait3A_85] : memref<2x!tpu.dma_semaphore, #tpu.memory_space<semaphore_mem>> -> memref<1x!tpu.dma_semaphore, #tpu.memory_space<semaphore_mem>>
    %dma_wait3A_91 = tpu.memref_squeeze %dma_wait3A_90 : memref<1x!tpu.dma_semaphore, #tpu.memory_space<semaphore_mem>> -> memref<!tpu.dma_semaphore, #tpu.memory_space<semaphore_mem>>
    %dma_wait3A_92 = arith.constant 0 : i32
    %dma_wait3A_93 = arith.constant 0 : i32
    %dma_wait3A_94 = tpu.memref_slice %arg8[%dma_wait3A, %dma_wait3A_92, %dma_wait3A_93] : memref<2x128x128xf32, #tpu.memory_space<vmem>> -> memref<1x128x128xf32, #tpu.memory_space<vmem>>
    %dma_wait3A_95 = tpu.memref_squeeze %dma_wait3A_94 : memref<1x128x128xf32, #tpu.memory_space<vmem>> -> memref<128x128xf32, #tpu.memory_space<vmem>>
    tpu.wait_dma2 semaphore(%dma_wait3A_91 : memref<!tpu.dma_semaphore, #tpu.memory_space<semaphore_mem>>) src(%arg4 : memref<128x128xf32, #tpu.memory_space<hbm>>) dst(%dma_wait3A_95 : memref<128x128xf32, #tpu.memory_space<vmem>>)
    %add3A_96 = arith.constant 0 : i32
    %add3A_97 = arith.addi %mul3A_2, %add3A_96 : i32
    %run_scoped3A_98 = arith.constant 1 : i32
    "tpu.region"() ({
      %run_scoped3A_137 = tpu.sem_alloc : memref<!tpu.dma_semaphore, #tpu.memory_space<semaphore_mem>>
      %dma_start3A_138 = arith.constant 0 : i32
      %dma_start3A_139 = arith.constant 0 : i32
      %dma_start3A_140 = tpu.memref_slice %arg8[%run_scoped3A_98, %dma_start3A_138, %dma_start3A_139] : memref<2x128x128xf32, #tpu.memory_space<vmem>> -> memref<1x128x128xf32, #tpu.memory_space<vmem>>
      %dma_start3A_141 = tpu.memref_squeeze %dma_start3A_140 : memref<1x128x128xf32, #tpu.memory_space<vmem>> -> memref<128x128xf32, #tpu.memory_space<vmem>>
      %dma_start3A_142 = arith.constant 0 : i32
      %dma_start3A_143 = tpu.memref_slice %arg9[%add3A_97, %dma_start3A_142] : memref<10112x128xf32, #tpu.memory_space<vmem_shared>> -> memref<128x128xf32, #tpu.memory_space<vmem_shared>>
      %dma_start3A_144 = arith.constant 0 : i32
      %dma_start3A_145 = tpu.memref_slice %arg9[%add3A_97, %dma_start3A_144] : memref<10112x128xf32, #tpu.memory_space<vmem_shared>> -> memref<128x128xf32, #tpu.memory_space<vmem_shared>>
      %dma_start3A_146 = arith.constant 0 : i32
      %dma_start3A_147 = arith.constant 0 : i32
      %dma_start3A_148 = tpu.memref_slice %arg8[%run_scoped3A_98, %dma_start3A_146, %dma_start3A_147] : memref<2x128x128xf32, #tpu.memory_space<vmem>> -> memref<1x128x128xf32, #tpu.memory_space<vmem>>
      %dma_start3A_149 = tpu.memref_squeeze %dma_start3A_148 : memref<1x128x128xf32, #tpu.memory_space<vmem>> -> memref<128x128xf32, #tpu.memory_space<vmem>>
      tpu.enqueue_dma source(%dma_start3A_149 : memref<128x128xf32, #tpu.memory_space<vmem>>) target(%dma_start3A_145 : memref<128x128xf32, #tpu.memory_space<vmem_shared>>) target_semaphore(%run_scoped3A_137 : memref<!tpu.dma_semaphore, #tpu.memory_space<semaphore_mem>>)
      %dma_wait3A_150 = arith.constant 0 : i32
      %dma_wait3A_151 = arith.constant 0 : i32
      %dma_wait3A_152 = tpu.memref_slice %arg8[%run_scoped3A_98, %dma_wait3A_150, %dma_wait3A_151] : memref<2x128x128xf32, #tpu.memory_space<vmem>> -> memref<1x128x128xf32, #tpu.memory_space<vmem>>
      %dma_wait3A_153 = tpu.memref_squeeze %dma_wait3A_152 : memref<1x128x128xf32, #tpu.memory_space<vmem>> -> memref<128x128xf32, #tpu.memory_space<vmem>>
      %dma_wait3A_154 = arith.constant 0 : i32
      %dma_wait3A_155 = tpu.memref_slice %arg9[%add3A_97, %dma_wait3A_154] : memref<10112x128xf32, #tpu.memory_space<vmem_shared>> -> memref<128x128xf32, #tpu.memory_space<vmem_shared>>
      %dma_wait3A_156 = arith.constant 0 : i32
      %dma_wait3A_157 = tpu.memref_slice %arg9[%add3A_97, %dma_wait3A_156] : memref<10112x128xf32, #tpu.memory_space<vmem_shared>> -> memref<128x128xf32, #tpu.memory_space<vmem_shared>>
      %dma_wait3A_158 = arith.constant 0 : i32
      %dma_wait3A_159 = arith.constant 0 : i32
      %dma_wait3A_160 = tpu.memref_slice %arg8[%run_scoped3A_98, %dma_wait3A_158, %dma_wait3A_159] : memref<2x128x128xf32, #tpu.memory_space<vmem>> -> memref<1x128x128xf32, #tpu.memory_space<vmem>>
      %dma_wait3A_161 = tpu.memref_squeeze %dma_wait3A_160 : memref<1x128x128xf32, #tpu.memory_space<vmem>> -> memref<128x128xf32, #tpu.memory_space<vmem>>
      tpu.wait_dma2 semaphore(%run_scoped3A_137 : memref<!tpu.dma_semaphore, #tpu.memory_space<semaphore_mem>>) src(%dma_wait3A_161 : memref<128x128xf32, #tpu.memory_space<vmem>>) dst(%dma_wait3A_157 : memref<128x128xf32, #tpu.memory_space<vmem_shared>>)
      tpu.yield
    }) : () -> ()
    %add3A_99 = arith.constant 128 : i32
    %add3A_100 = arith.addi %mul3A_2, %add3A_99 : i32
    %run_scoped3A_101 = arith.constant 1 : i32
    "tpu.region"() ({
      %run_scoped3A_137 = tpu.sem_alloc : memref<!tpu.dma_semaphore, #tpu.memory_space<semaphore_mem>>
      %dma_start3A_138 = arith.constant 0 : i32
      %dma_start3A_139 = arith.constant 0 : i32
      %dma_start3A_140 = tpu.memref_slice %arg8[%run_scoped3A_101, %dma_start3A_138, %dma_start3A_139] : memref<2x128x128xf32, #tpu.memory_space<vmem>> -> memref<1x128x128xf32, #tpu.memory_space<vmem>>
      %dma_start3A_141 = tpu.memref_squeeze %dma_start3A_140 : memref<1x128x128xf32, #tpu.memory_space<vmem>> -> memref<128x128xf32, #tpu.memory_space<vmem>>
      %dma_start3A_142 = arith.constant 0 : i32
      %dma_start3A_143 = tpu.memref_slice %arg9[%add3A_100, %dma_start3A_142] : memref<10112x128xf32, #tpu.memory_space<vmem_shared>> -> memref<128x128xf32, #tpu.memory_space<vmem_shared>>
      %dma_start3A_144 = arith.constant 0 : i32
      %dma_start3A_145 = tpu.memref_slice %arg9[%add3A_100, %dma_start3A_144] : memref<10112x128xf32, #tpu.memory_space<vmem_shared>> -> memref<128x128xf32, #tpu.memory_space<vmem_shared>>
      %dma_start3A_146 = arith.constant 0 : i32
      %dma_start3A_147 = arith.constant 0 : i32
      %dma_start3A_148 = tpu.memref_slice %arg8[%run_scoped3A_101, %dma_start3A_146, %dma_start3A_147] : memref<2x128x128xf32, #tpu.memory_space<vmem>> -> memref<1x128x128xf32, #tpu.memory_space<vmem>>
      %dma_start3A_149 = tpu.memref_squeeze %dma_start3A_148 : memref<1x128x128xf32, #tpu.memory_space<vmem>> -> memref<128x128xf32, #tpu.memory_space<vmem>>
      tpu.enqueue_dma source(%dma_start3A_149 : memref<128x128xf32, #tpu.memory_space<vmem>>) target(%dma_start3A_145 : memref<128x128xf32, #tpu.memory_space<vmem_shared>>) target_semaphore(%run_scoped3A_137 : memref<!tpu.dma_semaphore, #tpu.memory_space<semaphore_mem>>)
      %dma_wait3A_150 = arith.constant 0 : i32
      %dma_wait3A_151 = arith.constant 0 : i32
      %dma_wait3A_152 = tpu.memref_slice %arg8[%run_scoped3A_101, %dma_wait3A_150, %dma_wait3A_151] : memref<2x128x128xf32, #tpu.memory_space<vmem>> -> memref<1x128x128xf32, #tpu.memory_space<vmem>>
      %dma_wait3A_153 = tpu.memref_squeeze %dma_wait3A_152 : memref<1x128x128xf32, #tpu.memory_space<vmem>> -> memref<128x128xf32, #tpu.memory_space<vmem>>
      %dma_wait3A_154 = arith.constant 0 : i32
      %dma_wait3A_155 = tpu.memref_slice %arg9[%add3A_100, %dma_wait3A_154] : memref<10112x128xf32, #tpu.memory_space<vmem_shared>> -> memref<128x128xf32, #tpu.memory_space<vmem_shared>>
      %dma_wait3A_156 = arith.constant 0 : i32
      %dma_wait3A_157 = tpu.memref_slice %arg9[%add3A_100, %dma_wait3A_156] : memref<10112x128xf32, #tpu.memory_space<vmem_shared>> -> memref<128x128xf32, #tpu.memory_space<vmem_shared>>
      %dma_wait3A_158 = arith.constant 0 : i32
      %dma_wait3A_159 = arith.constant 0 : i32
      %dma_wait3A_160 = tpu.memref_slice %arg8[%run_scoped3A_101, %dma_wait3A_158, %dma_wait3A_159] : memref<2x128x128xf32, #tpu.memory_space<vmem>> -> memref<1x128x128xf32, #tpu.memory_space<vmem>>
      %dma_wait3A_161 = tpu.memref_squeeze %dma_wait3A_160 : memref<1x128x128xf32, #tpu.memory_space<vmem>> -> memref<128x128xf32, #tpu.memory_space<vmem>>
      tpu.wait_dma2 semaphore(%run_scoped3A_137 : memref<!tpu.dma_semaphore, #tpu.memory_space<semaphore_mem>>) src(%dma_wait3A_161 : memref<128x128xf32, #tpu.memory_space<vmem>>) dst(%dma_wait3A_157 : memref<128x128xf32, #tpu.memory_space<vmem_shared>>)
      tpu.yield
    }) : () -> ()
    %add3A_102 = arith.constant 256 : i32
    %add3A_103 = arith.addi %mul3A_2, %add3A_102 : i32
    %run_scoped3A_104 = arith.constant 1 : i32
    "tpu.region"() ({
      %run_scoped3A_137 = tpu.sem_alloc : memref<!tpu.dma_semaphore, #tpu.memory_space<semaphore_mem>>
      %dma_start3A_138 = arith.constant 0 : i32
      %dma_start3A_139 = arith.constant 0 : i32
      %dma_start3A_140 = tpu.memref_slice %arg8[%run_scoped3A_104, %dma_start3A_138, %dma_start3A_139] : memref<2x128x128xf32, #tpu.memory_space<vmem>> -> memref<1x128x128xf32, #tpu.memory_space<vmem>>
      %dma_start3A_141 = tpu.memref_squeeze %dma_start3A_140 : memref<1x128x128xf32, #tpu.memory_space<vmem>> -> memref<128x128xf32, #tpu.memory_space<vmem>>
      %dma_start3A_142 = arith.constant 0 : i32
      %dma_start3A_143 = tpu.memref_slice %arg9[%add3A_103, %dma_start3A_142] : memref<10112x128xf32, #tpu.memory_space<vmem_shared>> -> memref<128x128xf32, #tpu.memory_space<vmem_shared>>
      %dma_start3A_144 = arith.constant 0 : i32
      %dma_start3A_145 = tpu.memref_slice %arg9[%add3A_103, %dma_start3A_144] : memref<10112x128xf32, #tpu.memory_space<vmem_shared>> -> memref<128x128xf32, #tpu.memory_space<vmem_shared>>
      %dma_start3A_146 = arith.constant 0 : i32
      %dma_start3A_147 = arith.constant 0 : i32
      %dma_start3A_148 = tpu.memref_slice %arg8[%run_scoped3A_104, %dma_start3A_146, %dma_start3A_147] : memref<2x128x128xf32, #tpu.memory_space<vmem>> -> memref<1x128x128xf32, #tpu.memory_space<vmem>>
      %dma_start3A_149 = tpu.memref_squeeze %dma_start3A_148 : memref<1x128x128xf32, #tpu.memory_space<vmem>> -> memref<128x128xf32, #tpu.memory_space<vmem>>
      tpu.enqueue_dma source(%dma_start3A_149 : memref<128x128xf32, #tpu.memory_space<vmem>>) target(%dma_start3A_145 : memref<128x128xf32, #tpu.memory_space<vmem_shared>>) target_semaphore(%run_scoped3A_137 : memref<!tpu.dma_semaphore, #tpu.memory_space<semaphore_mem>>)
      %dma_wait3A_150 = arith.constant 0 : i32
      %dma_wait3A_151 = arith.constant 0 : i32
      %dma_wait3A_152 = tpu.memref_slice %arg8[%run_scoped3A_104, %dma_wait3A_150, %dma_wait3A_151] : memref<2x128x128xf32, #tpu.memory_space<vmem>> -> memref<1x128x128xf32, #tpu.memory_space<vmem>>
      %dma_wait3A_153 = tpu.memref_squeeze %dma_wait3A_152 : memref<1x128x128xf32, #tpu.memory_space<vmem>> -> memref<128x128xf32, #tpu.memory_space<vmem>>
      %dma_wait3A_154 = arith.constant 0 : i32
      %dma_wait3A_155 = tpu.memref_slice %arg9[%add3A_103, %dma_wait3A_154] : memref<10112x128xf32, #tpu.memory_space<vmem_shared>> -> memref<128x128xf32, #tpu.memory_space<vmem_shared>>
      %dma_wait3A_156 = arith.constant 0 : i32
      %dma_wait3A_157 = tpu.memref_slice %arg9[%add3A_103, %dma_wait3A_156] : memref<10112x128xf32, #tpu.memory_space<vmem_shared>> -> memref<128x128xf32, #tpu.memory_space<vmem_shared>>
      %dma_wait3A_158 = arith.constant 0 : i32
      %dma_wait3A_159 = arith.constant 0 : i32
      %dma_wait3A_160 = tpu.memref_slice %arg8[%run_scoped3A_104, %dma_wait3A_158, %dma_wait3A_159] : memref<2x128x128xf32, #tpu.memory_space<vmem>> -> memref<1x128x128xf32, #tpu.memory_space<vmem>>
      %dma_wait3A_161 = tpu.memref_squeeze %dma_wait3A_160 : memref<1x128x128xf32, #tpu.memory_space<vmem>> -> memref<128x128xf32, #tpu.memory_space<vmem>>
      tpu.wait_dma2 semaphore(%run_scoped3A_137 : memref<!tpu.dma_semaphore, #tpu.memory_space<semaphore_mem>>) src(%dma_wait3A_161 : memref<128x128xf32, #tpu.memory_space<vmem>>) dst(%dma_wait3A_157 : memref<128x128xf32, #tpu.memory_space<vmem_shared>>)
      tpu.yield
    }) : () -> ()
    %add3A_105 = arith.constant 384 : i32
    %add3A_106 = arith.addi %mul3A_2, %add3A_105 : i32
    %run_scoped3A_107 = arith.constant 1 : i32
    "tpu.region"() ({
      %run_scoped3A_137 = tpu.sem_alloc : memref<!tpu.dma_semaphore, #tpu.memory_space<semaphore_mem>>
      %dma_start3A_138 = arith.constant 0 : i32
      %dma_start3A_139 = arith.constant 0 : i32
      %dma_start3A_140 = tpu.memref_slice %arg8[%run_scoped3A_107, %dma_start3A_138, %dma_start3A_139] : memref<2x128x128xf32, #tpu.memory_space<vmem>> -> memref<1x128x128xf32, #tpu.memory_space<vmem>>
      %dma_start3A_141 = tpu.memref_squeeze %dma_start3A_140 : memref<1x128x128xf32, #tpu.memory_space<vmem>> -> memref<128x128xf32, #tpu.memory_space<vmem>>
      %dma_start3A_142 = arith.constant 0 : i32
      %dma_start3A_143 = tpu.memref_slice %arg9[%add3A_106, %dma_start3A_142] : memref<10112x128xf32, #tpu.memory_space<vmem_shared>> -> memref<128x128xf32, #tpu.memory_space<vmem_shared>>
      %dma_start3A_144 = arith.constant 0 : i32
      %dma_start3A_145 = tpu.memref_slice %arg9[%add3A_106, %dma_start3A_144] : memref<10112x128xf32, #tpu.memory_space<vmem_shared>> -> memref<128x128xf32, #tpu.memory_space<vmem_shared>>
      %dma_start3A_146 = arith.constant 0 : i32
      %dma_start3A_147 = arith.constant 0 : i32
      %dma_start3A_148 = tpu.memref_slice %arg8[%run_scoped3A_107, %dma_start3A_146, %dma_start3A_147] : memref<2x128x128xf32, #tpu.memory_space<vmem>> -> memref<1x128x128xf32, #tpu.memory_space<vmem>>
      %dma_start3A_149 = tpu.memref_squeeze %dma_start3A_148 : memref<1x128x128xf32, #tpu.memory_space<vmem>> -> memref<128x128xf32, #tpu.memory_space<vmem>>
      tpu.enqueue_dma source(%dma_start3A_149 : memref<128x128xf32, #tpu.memory_space<vmem>>) target(%dma_start3A_145 : memref<128x128xf32, #tpu.memory_space<vmem_shared>>) target_semaphore(%run_scoped3A_137 : memref<!tpu.dma_semaphore, #tpu.memory_space<semaphore_mem>>)
      %dma_wait3A_150 = arith.constant 0 : i32
      %dma_wait3A_151 = arith.constant 0 : i32
      %dma_wait3A_152 = tpu.memref_slice %arg8[%run_scoped3A_107, %dma_wait3A_150, %dma_wait3A_151] : memref<2x128x128xf32, #tpu.memory_space<vmem>> -> memref<1x128x128xf32, #tpu.memory_space<vmem>>
      %dma_wait3A_153 = tpu.memref_squeeze %dma_wait3A_152 : memref<1x128x128xf32, #tpu.memory_space<vmem>> -> memref<128x128xf32, #tpu.memory_space<vmem>>
      %dma_wait3A_154 = arith.constant 0 : i32
      %dma_wait3A_155 = tpu.memref_slice %arg9[%add3A_106, %dma_wait3A_154] : memref<10112x128xf32, #tpu.memory_space<vmem_shared>> -> memref<128x128xf32, #tpu.memory_space<vmem_shared>>
      %dma_wait3A_156 = arith.constant 0 : i32
      %dma_wait3A_157 = tpu.memref_slice %arg9[%add3A_106, %dma_wait3A_156] : memref<10112x128xf32, #tpu.memory_space<vmem_shared>> -> memref<128x128xf32, #tpu.memory_space<vmem_shared>>
      %dma_wait3A_158 = arith.constant 0 : i32
      %dma_wait3A_159 = arith.constant 0 : i32
      %dma_wait3A_160 = tpu.memref_slice %arg8[%run_scoped3A_107, %dma_wait3A_158, %dma_wait3A_159] : memref<2x128x128xf32, #tpu.memory_space<vmem>> -> memref<1x128x128xf32, #tpu.memory_space<vmem>>
      %dma_wait3A_161 = tpu.memref_squeeze %dma_wait3A_160 : memref<1x128x128xf32, #tpu.memory_space<vmem>> -> memref<128x128xf32, #tpu.memory_space<vmem>>
      tpu.wait_dma2 semaphore(%run_scoped3A_137 : memref<!tpu.dma_semaphore, #tpu.memory_space<semaphore_mem>>) src(%dma_wait3A_161 : memref<128x128xf32, #tpu.memory_space<vmem>>) dst(%dma_wait3A_157 : memref<128x128xf32, #tpu.memory_space<vmem_shared>>)
      tpu.yield
    }) : () -> ()
    %add3A_108 = arith.constant 512 : i32
    %add3A_109 = arith.addi %mul3A_2, %add3A_108 : i32
    %run_scoped3A_110 = arith.constant 1 : i32
    "tpu.region"() ({
      %run_scoped3A_137 = tpu.sem_alloc : memref<!tpu.dma_semaphore, #tpu.memory_space<semaphore_mem>>
      %dma_start3A_138 = arith.constant 0 : i32
      %dma_start3A_139 = arith.constant 0 : i32
      %dma_start3A_140 = tpu.memref_slice %arg8[%run_scoped3A_110, %dma_start3A_138, %dma_start3A_139] : memref<2x128x128xf32, #tpu.memory_space<vmem>> -> memref<1x120x128xf32, #tpu.memory_space<vmem>>
      %dma_start3A_141 = tpu.memref_squeeze %dma_start3A_140 : memref<1x120x128xf32, #tpu.memory_space<vmem>> -> memref<120x128xf32, #tpu.memory_space<vmem>>
      %dma_start3A_142 = arith.constant 0 : i32
      %dma_start3A_143 = tpu.memref_slice %arg9[%add3A_109, %dma_start3A_142] : memref<10112x128xf32, #tpu.memory_space<vmem_shared>> -> memref<120x128xf32, #tpu.memory_space<vmem_shared>>
      %dma_start3A_144 = arith.constant 0 : i32
      %dma_start3A_145 = tpu.memref_slice %arg9[%add3A_109, %dma_start3A_144] : memref<10112x128xf32, #tpu.memory_space<vmem_shared>> -> memref<120x128xf32, #tpu.memory_space<vmem_shared>>
      %dma_start3A_146 = arith.constant 0 : i32
      %dma_start3A_147 = arith.constant 0 : i32
      %dma_start3A_148 = tpu.memref_slice %arg8[%run_scoped3A_110, %dma_start3A_146, %dma_start3A_147] : memref<2x128x128xf32, #tpu.memory_space<vmem>> -> memref<1x120x128xf32, #tpu.memory_space<vmem>>
      %dma_start3A_149 = tpu.memref_squeeze %dma_start3A_148 : memref<1x120x128xf32, #tpu.memory_space<vmem>> -> memref<120x128xf32, #tpu.memory_space<vmem>>
      tpu.enqueue_dma source(%dma_start3A_149 : memref<120x128xf32, #tpu.memory_space<vmem>>) target(%dma_start3A_145 : memref<120x128xf32, #tpu.memory_space<vmem_shared>>) target_semaphore(%run_scoped3A_137 : memref<!tpu.dma_semaphore, #tpu.memory_space<semaphore_mem>>)
      %dma_wait3A_150 = arith.constant 0 : i32
      %dma_wait3A_151 = arith.constant 0 : i32
      %dma_wait3A_152 = tpu.memref_slice %arg8[%run_scoped3A_110, %dma_wait3A_150, %dma_wait3A_151] : memref<2x128x128xf32, #tpu.memory_space<vmem>> -> memref<1x120x128xf32, #tpu.memory_space<vmem>>
      %dma_wait3A_153 = tpu.memref_squeeze %dma_wait3A_152 : memref<1x120x128xf32, #tpu.memory_space<vmem>> -> memref<120x128xf32, #tpu.memory_space<vmem>>
      %dma_wait3A_154 = arith.constant 0 : i32
      %dma_wait3A_155 = tpu.memref_slice %arg9[%add3A_109, %dma_wait3A_154] : memref<10112x128xf32, #tpu.memory_space<vmem_shared>> -> memref<120x128xf32, #tpu.memory_space<vmem_shared>>
      %dma_wait3A_156 = arith.constant 0 : i32
      %dma_wait3A_157 = tpu.memref_slice %arg9[%add3A_109, %dma_wait3A_156] : memref<10112x128xf32, #tpu.memory_space<vmem_shared>> -> memref<120x128xf32, #tpu.memory_space<vmem_shared>>
      %dma_wait3A_158 = arith.constant 0 : i32
      %dma_wait3A_159 = arith.constant 0 : i32
      %dma_wait3A_160 = tpu.memref_slice %arg8[%run_scoped3A_110, %dma_wait3A_158, %dma_wait3A_159] : memref<2x128x128xf32, #tpu.memory_space<vmem>> -> memref<1x120x128xf32, #tpu.memory_space<vmem>>
      %dma_wait3A_161 = tpu.memref_squeeze %dma_wait3A_160 : memref<1x120x128xf32, #tpu.memory_space<vmem>> -> memref<120x128xf32, #tpu.memory_space<vmem>>
      tpu.wait_dma2 semaphore(%run_scoped3A_137 : memref<!tpu.dma_semaphore, #tpu.memory_space<semaphore_mem>>) src(%dma_wait3A_161 : memref<120x128xf32, #tpu.memory_space<vmem>>) dst(%dma_wait3A_157 : memref<120x128xf32, #tpu.memory_space<vmem_shared>>)
      tpu.yield
    }) : () -> ()
    %dma_start3A_111 = arith.constant 0 : i32
    %dma_start3A_112 = arith.constant 1 : i32
    %dma_start3A_113 = arith.constant 1 : i32
    %dma_start3A_114 = arith.constant 1 : i32
    %dma_start3A_115 = arith.constant 0 : i32
    %dma_start3A_116 = arith.constant 0 : i32
    %dma_start3A_117 = tpu.memref_slice %arg8[%dma_start3A_113, %dma_start3A_115, %dma_start3A_116] : memref<2x128x128xf32, #tpu.memory_space<vmem>> -> memref<1x128x128xf32, #tpu.memory_space<vmem>>
    %dma_start3A_118 = tpu.memref_squeeze %dma_start3A_117 : memref<1x128x128xf32, #tpu.memory_space<vmem>> -> memref<128x128xf32, #tpu.memory_space<vmem>>
    %dma_start3A_119 = arith.constant 0 : i32
    %dma_start3A_120 = tpu.memref_slice %arg6[%dma_start3A_111, %dma_start3A_112, %dma_start3A_119] : memref<2x4x128xi32, #tpu.memory_space<vmem>> -> memref<1x1x128xi32, #tpu.memory_space<vmem>>
    %dma_start3A_121 = tpu.memref_squeeze %dma_start3A_120 : memref<1x1x128xi32, #tpu.memory_space<vmem>> -> memref<128xi32, #tpu.memory_space<vmem>>
    %dma_start3A_122 = arith.constant 0 : i32
    %dma_start3A_123 = arith.constant 0 : i32
    %dma_start3A_124 = tpu.memref_slice %arg2[%dma_start3A_122, %dma_start3A_123] : memref<10000x128xf32, #tpu.memory_space<hbm>> -> memref<10000x128xf32, #tpu.memory_space<hbm>>
    %dma_start3A_125 = tpu.memref_slice %arg10[%dma_start3A_114] : memref<2x!tpu.dma_semaphore, #tpu.memory_space<semaphore_mem>> -> memref<1x!tpu.dma_semaphore, #tpu.memory_space<semaphore_mem>>
    %dma_start3A_126 = tpu.memref_squeeze %dma_start3A_125 : memref<1x!tpu.dma_semaphore, #tpu.memory_space<semaphore_mem>> -> memref<!tpu.dma_semaphore, #tpu.memory_space<semaphore_mem>>
    tpu.enqueue_indirect_dma source(%dma_start3A_124 : memref<10000x128xf32, #tpu.memory_space<hbm>>) target(%dma_start3A_118 : memref<128x128xf32, #tpu.memory_space<vmem>>) offsets(%dma_start3A_121 : memref<128xi32, #tpu.memory_space<vmem>>) semaphore(%dma_start3A_126 : memref<!tpu.dma_semaphore, #tpu.memory_space<semaphore_mem>>)
    %barrier3A = arith.constant 0 : index
    tpu.barrier barrier_id(%barrier3A)
    %while3A = arith.constant 0 : i32
    %while3A_127 = arith.constant 0 : i32
    %while3A_128 = arith.subi %add3A_6, %while3A_127 : i32
    %while3A_129 = arith.addi %while3A_127, %while3A_128 : i32
    %while3A_130 = arith.constant 1 : i32
    %while3A_131 = arith.divsi %while3A_128, %while3A_130 : i32
    %while3A_132 = arith.muli %while3A_131, %while3A_130 : i32
    %while3A_133 = arith.addi %while3A_127, %while3A_132 : i32
    %while3A_134 = arith.constant 1 : i32
    scf.for %while3A_137 = %while3A_127 to %while3A_133 step %while3A_134  : i32 {
      %jit3A_138 = arith.constant 2 : i32
      %eq3A = arith.constant 0 : i32
      %eq3A_139 = arith.cmpi eq, %jit3A_138, %eq3A : i32
      %jit3A_140 = arith.constant 1 : i32
      %select_n3A_141 = arith.select %eq3A_139, %jit3A_140, %jit3A_138 : i32
      %rem3A = arith.remsi %while3A_137, %select_n3A_141 : i32
      %ne3A = arith.constant 0 : i32
      %ne3A_142 = arith.cmpi ne, %rem3A, %ne3A : i32
      %lt3A_143 = arith.constant 0 : i32
      %lt3A_144 = arith.cmpi slt, %rem3A, %lt3A_143 : i32
      %lt3A_145 = arith.constant 0 : i32
      %lt3A_146 = arith.cmpi slt, %select_n3A_141, %lt3A_145 : i32
      %ne3A_147 = arith.xori %lt3A_144, %lt3A_146 : i1
      %and3A = arith.andi %ne3A_147, %ne3A_142 : i1
      %add3A_148 = arith.addi %rem3A, %select_n3A_141 : i32
      %select_n3A_149 = arith.select %and3A, %add3A_148, %rem3A : i32
      %sub3A = arith.constant 1 : i32
      %sub3A_150 = arith.subi %sub3A, %select_n3A_149 : i32
      %dma_wait3A_151 = arith.constant 0 : i32
      %dma_wait3A_152 = arith.constant 0 : i32
      %dma_wait3A_153 = arith.constant 0 : i32
      %dma_wait3A_154 = arith.constant 0 : i32
      %dma_wait3A_155 = arith.constant 0 : i32
      %dma_wait3A_156 = tpu.memref_slice %arg8[%dma_wait3A_152, %dma_wait3A_154, %dma_wait3A_155] : memref<2x128x128xf32, #tpu.memory_space<vmem>> -> memref<1x128x128xf32, #tpu.memory_space<vmem>>
      %dma_wait3A_157 = tpu.memref_squeeze %dma_wait3A_156 : memref<1x128x128xf32, #tpu.memory_space<vmem>> -> memref<128x128xf32, #tpu.memory_space<vmem>>
      %dma_wait3A_158 = arith.constant 0 : i32
      %dma_wait3A_159 = tpu.memref_slice %arg6[%select_n3A_149, %dma_wait3A_151, %dma_wait3A_158] : memref<2x4x128xi32, #tpu.memory_space<vmem>> -> memref<1x1x128xi32, #tpu.memory_space<vmem>>
      %dma_wait3A_160 = tpu.memref_squeeze %dma_wait3A_159 : memref<1x1x128xi32, #tpu.memory_space<vmem>> -> memref<128xi32, #tpu.memory_space<vmem>>
      %dma_wait3A_161 = arith.constant 0 : i32
      %dma_wait3A_162 = arith.constant 0 : i32
      %dma_wait3A_163 = tpu.memref_slice %arg2[%dma_wait3A_161, %dma_wait3A_162] : memref<10000x128xf32, #tpu.memory_space<hbm>> -> memref<10000x128xf32, #tpu.memory_space<hbm>>
      %dma_wait3A_164 = tpu.memref_slice %arg10[%dma_wait3A_153] : memref<2x!tpu.dma_semaphore, #tpu.memory_space<semaphore_mem>> -> memref<1x!tpu.dma_semaphore, #tpu.memory_space<semaphore_mem>>
      %dma_wait3A_165 = tpu.memref_squeeze %dma_wait3A_164 : memref<1x!tpu.dma_semaphore, #tpu.memory_space<semaphore_mem>> -> memref<!tpu.dma_semaphore, #tpu.memory_space<semaphore_mem>>
      tpu.wait_indirect_dma semaphore(%dma_wait3A_165 : memref<!tpu.dma_semaphore, #tpu.memory_space<semaphore_mem>>) src(%dma_wait3A_163 : memref<10000x128xf32, #tpu.memory_space<hbm>>) dst(%dma_wait3A_157 : memref<128x128xf32, #tpu.memory_space<vmem>>)
      %run_scoped3A_166 = arith.constant 0 : i32
      %run_scoped3A_167 = arith.constant 0 : i32
      "tpu.region"() ({
        %run_scoped3A_265 = tpu.sem_alloc : memref<!tpu.dma_semaphore, #tpu.memory_space<semaphore_mem>>
        %dma_start3A_266 = arith.constant 0 : i32
        %dma_start3A_267 = arith.constant 0 : i32
        %dma_start3A_268 = tpu.memref_slice %arg8[%run_scoped3A_166, %dma_start3A_266, %dma_start3A_267] : memref<2x128x128xf32, #tpu.memory_space<vmem>> -> memref<1x128x128xf32, #tpu.memory_space<vmem>>
        %dma_start3A_269 = tpu.memref_squeeze %dma_start3A_268 : memref<1x128x128xf32, #tpu.memory_space<vmem>> -> memref<128x128xf32, #tpu.memory_space<vmem>>
        %dma_start3A_270 = arith.constant 0 : i32
        %dma_start3A_271 = tpu.memref_slice %arg7[%select_n3A_149, %run_scoped3A_167, %dma_start3A_270] : memref<2x4x128xi32, #tpu.memory_space<vmem>> -> memref<1x1x128xi32, #tpu.memory_space<vmem>>
        %dma_start3A_272 = tpu.memref_squeeze %dma_start3A_271 : memref<1x1x128xi32, #tpu.memory_space<vmem>> -> memref<128xi32, #tpu.memory_space<vmem>>
        %dma_start3A_273 = arith.constant 0 : i32
        %dma_start3A_274 = arith.constant 0 : i32
        %dma_start3A_275 = tpu.memref_slice %arg9[%dma_start3A_273, %dma_start3A_274] : memref<10112x128xf32, #tpu.memory_space<vmem_shared>> -> memref<10112x128xf32, #tpu.memory_space<vmem_shared>>
        tpu.enqueue_indirect_dma source(%dma_start3A_269 : memref<128x128xf32, #tpu.memory_space<vmem>>) target(%dma_start3A_275 : memref<10112x128xf32, #tpu.memory_space<vmem_shared>>) offsets(%dma_start3A_272 : memref<128xi32, #tpu.memory_space<vmem>>) semaphore(%run_scoped3A_265 : memref<!tpu.dma_semaphore, #tpu.memory_space<semaphore_mem>>) {add = true}
        %dma_wait3A_276 = arith.constant 0 : i32
        %dma_wait3A_277 = arith.constant 0 : i32
        %dma_wait3A_278 = tpu.memref_slice %arg8[%run_scoped3A_166, %dma_wait3A_276, %dma_wait3A_277] : memref<2x128x128xf32, #tpu.memory_space<vmem>> -> memref<1x128x128xf32, #tpu.memory_space<vmem>>
        %dma_wait3A_279 = tpu.memref_squeeze %dma_wait3A_278 : memref<1x128x128xf32, #tpu.memory_space<vmem>> -> memref<128x128xf32, #tpu.memory_space<vmem>>
        %dma_wait3A_280 = arith.constant 0 : i32
        %dma_wait3A_281 = tpu.memref_slice %arg7[%select_n3A_149, %run_scoped3A_167, %dma_wait3A_280] : memref<2x4x128xi32, #tpu.memory_space<vmem>> -> memref<1x1x128xi32, #tpu.memory_space<vmem>>
        %dma_wait3A_282 = tpu.memref_squeeze %dma_wait3A_281 : memref<1x1x128xi32, #tpu.memory_space<vmem>> -> memref<128xi32, #tpu.memory_space<vmem>>
        %dma_wait3A_283 = arith.constant 0 : i32
        %dma_wait3A_284 = arith.constant 0 : i32
        %dma_wait3A_285 = tpu.memref_slice %arg9[%dma_wait3A_283, %dma_wait3A_284] : memref<10112x128xf32, #tpu.memory_space<vmem_shared>> -> memref<10112x128xf32, #tpu.memory_space<vmem_shared>>
        tpu.wait_indirect_dma semaphore(%run_scoped3A_265 : memref<!tpu.dma_semaphore, #tpu.memory_space<semaphore_mem>>) src(%dma_wait3A_279 : memref<128x128xf32, #tpu.memory_space<vmem>>) dst(%dma_wait3A_285 : memref<10112x128xf32, #tpu.memory_space<vmem_shared>>)
        tpu.yield
      }) : () -> ()
      %dma_start3A_168 = arith.constant 2 : i32
      %dma_start3A_169 = arith.constant 0 : i32
      %dma_start3A_170 = arith.constant 0 : i32
      %dma_start3A_171 = arith.constant 0 : i32
      %dma_start3A_172 = arith.constant 0 : i32
      %dma_start3A_173 = tpu.memref_slice %arg8[%dma_start3A_169, %dma_start3A_171, %dma_start3A_172] : memref<2x128x128xf32, #tpu.memory_space<vmem>> -> memref<1x128x128xf32, #tpu.memory_space<vmem>>
      %dma_start3A_174 = tpu.memref_squeeze %dma_start3A_173 : memref<1x128x128xf32, #tpu.memory_space<vmem>> -> memref<128x128xf32, #tpu.memory_space<vmem>>
      %dma_start3A_175 = arith.constant 0 : i32
      %dma_start3A_176 = tpu.memref_slice %arg6[%select_n3A_149, %dma_start3A_168, %dma_start3A_175] : memref<2x4x128xi32, #tpu.memory_space<vmem>> -> memref<1x1x128xi32, #tpu.memory_space<vmem>>
      %dma_start3A_177 = tpu.memref_squeeze %dma_start3A_176 : memref<1x1x128xi32, #tpu.memory_space<vmem>> -> memref<128xi32, #tpu.memory_space<vmem>>
      %dma_start3A_178 = arith.constant 0 : i32
      %dma_start3A_179 = arith.constant 0 : i32
      %dma_start3A_180 = tpu.memref_slice %arg2[%dma_start3A_178, %dma_start3A_179] : memref<10000x128xf32, #tpu.memory_space<hbm>> -> memref<10000x128xf32, #tpu.memory_space<hbm>>
      %dma_start3A_181 = tpu.memref_slice %arg10[%dma_start3A_170] : memref<2x!tpu.dma_semaphore, #tpu.memory_space<semaphore_mem>> -> memref<1x!tpu.dma_semaphore, #tpu.memory_space<semaphore_mem>>
      %dma_start3A_182 = tpu.memref_squeeze %dma_start3A_181 : memref<1x!tpu.dma_semaphore, #tpu.memory_space<semaphore_mem>> -> memref<!tpu.dma_semaphore, #tpu.memory_space<semaphore_mem>>
      tpu.enqueue_indirect_dma source(%dma_start3A_180 : memref<10000x128xf32, #tpu.memory_space<hbm>>) target(%dma_start3A_174 : memref<128x128xf32, #tpu.memory_space<vmem>>) offsets(%dma_start3A_177 : memref<128xi32, #tpu.memory_space<vmem>>) semaphore(%dma_start3A_182 : memref<!tpu.dma_semaphore, #tpu.memory_space<semaphore_mem>>)
      %dma_wait3A_183 = arith.constant 1 : i32
      %dma_wait3A_184 = arith.constant 1 : i32
      %dma_wait3A_185 = arith.constant 1 : i32
      %dma_wait3A_186 = arith.constant 0 : i32
      %dma_wait3A_187 = arith.constant 0 : i32
      %dma_wait3A_188 = tpu.memref_slice %arg8[%dma_wait3A_184, %dma_wait3A_186, %dma_wait3A_187] : memref<2x128x128xf32, #tpu.memory_space<vmem>> -> memref<1x128x128xf32, #tpu.memory_space<vmem>>
      %dma_wait3A_189 = tpu.memref_squeeze %dma_wait3A_188 : memref<1x128x128xf32, #tpu.memory_space<vmem>> -> memref<128x128xf32, #tpu.memory_space<vmem>>
      %dma_wait3A_190 = arith.constant 0 : i32
      %dma_wait3A_191 = tpu.memref_slice %arg6[%select_n3A_149, %dma_wait3A_183, %dma_wait3A_190] : memref<2x4x128xi32, #tpu.memory_space<vmem>> -> memref<1x1x128xi32, #tpu.memory_space<vmem>>
      %dma_wait3A_192 = tpu.memref_squeeze %dma_wait3A_191 : memref<1x1x128xi32, #tpu.memory_space<vmem>> -> memref<128xi32, #tpu.memory_space<vmem>>
      %dma_wait3A_193 = arith.constant 0 : i32
      %dma_wait3A_194 = arith.constant 0 : i32
      %dma_wait3A_195 = tpu.memref_slice %arg2[%dma_wait3A_193, %dma_wait3A_194] : memref<10000x128xf32, #tpu.memory_space<hbm>> -> memref<10000x128xf32, #tpu.memory_space<hbm>>
      %dma_wait3A_196 = tpu.memref_slice %arg10[%dma_wait3A_185] : memref<2x!tpu.dma_semaphore, #tpu.memory_space<semaphore_mem>> -> memref<1x!tpu.dma_semaphore, #tpu.memory_space<semaphore_mem>>
      %dma_wait3A_197 = tpu.memref_squeeze %dma_wait3A_196 : memref<1x!tpu.dma_semaphore, #tpu.memory_space<semaphore_mem>> -> memref<!tpu.dma_semaphore, #tpu.memory_space<semaphore_mem>>
      tpu.wait_indirect_dma semaphore(%dma_wait3A_197 : memref<!tpu.dma_semaphore, #tpu.memory_space<semaphore_mem>>) src(%dma_wait3A_195 : memref<10000x128xf32, #tpu.memory_space<hbm>>) dst(%dma_wait3A_189 : memref<128x128xf32, #tpu.memory_space<vmem>>)
      %run_scoped3A_198 = arith.constant 1 : i32
      %run_scoped3A_199 = arith.constant 1 : i32
      "tpu.region"() ({
        %run_scoped3A_265 = tpu.sem_alloc : memref<!tpu.dma_semaphore, #tpu.memory_space<semaphore_mem>>
        %dma_start3A_266 = arith.constant 0 : i32
        %dma_start3A_267 = arith.constant 0 : i32
        %dma_start3A_268 = tpu.memref_slice %arg8[%run_scoped3A_198, %dma_start3A_266, %dma_start3A_267] : memref<2x128x128xf32, #tpu.memory_space<vmem>> -> memref<1x128x128xf32, #tpu.memory_space<vmem>>
        %dma_start3A_269 = tpu.memref_squeeze %dma_start3A_268 : memref<1x128x128xf32, #tpu.memory_space<vmem>> -> memref<128x128xf32, #tpu.memory_space<vmem>>
        %dma_start3A_270 = arith.constant 0 : i32
        %dma_start3A_271 = tpu.memref_slice %arg7[%select_n3A_149, %run_scoped3A_199, %dma_start3A_270] : memref<2x4x128xi32, #tpu.memory_space<vmem>> -> memref<1x1x128xi32, #tpu.memory_space<vmem>>
        %dma_start3A_272 = tpu.memref_squeeze %dma_start3A_271 : memref<1x1x128xi32, #tpu.memory_space<vmem>> -> memref<128xi32, #tpu.memory_space<vmem>>
        %dma_start3A_273 = arith.constant 0 : i32
        %dma_start3A_274 = arith.constant 0 : i32
        %dma_start3A_275 = tpu.memref_slice %arg9[%dma_start3A_273, %dma_start3A_274] : memref<10112x128xf32, #tpu.memory_space<vmem_shared>> -> memref<10112x128xf32, #tpu.memory_space<vmem_shared>>
        tpu.enqueue_indirect_dma source(%dma_start3A_269 : memref<128x128xf32, #tpu.memory_space<vmem>>) target(%dma_start3A_275 : memref<10112x128xf32, #tpu.memory_space<vmem_shared>>) offsets(%dma_start3A_272 : memref<128xi32, #tpu.memory_space<vmem>>) semaphore(%run_scoped3A_265 : memref<!tpu.dma_semaphore, #tpu.memory_space<semaphore_mem>>) {add = true}
        %dma_wait3A_276 = arith.constant 0 : i32
        %dma_wait3A_277 = arith.constant 0 : i32
        %dma_wait3A_278 = tpu.memref_slice %arg8[%run_scoped3A_198, %dma_wait3A_276, %dma_wait3A_277] : memref<2x128x128xf32, #tpu.memory_space<vmem>> -> memref<1x128x128xf32, #tpu.memory_space<vmem>>
        %dma_wait3A_279 = tpu.memref_squeeze %dma_wait3A_278 : memref<1x128x128xf32, #tpu.memory_space<vmem>> -> memref<128x128xf32, #tpu.memory_space<vmem>>
        %dma_wait3A_280 = arith.constant 0 : i32
        %dma_wait3A_281 = tpu.memref_slice %arg7[%select_n3A_149, %run_scoped3A_199, %dma_wait3A_280] : memref<2x4x128xi32, #tpu.memory_space<vmem>> -> memref<1x1x128xi32, #tpu.memory_space<vmem>>
        %dma_wait3A_282 = tpu.memref_squeeze %dma_wait3A_281 : memref<1x1x128xi32, #tpu.memory_space<vmem>> -> memref<128xi32, #tpu.memory_space<vmem>>
        %dma_wait3A_283 = arith.constant 0 : i32
        %dma_wait3A_284 = arith.constant 0 : i32
        %dma_wait3A_285 = tpu.memref_slice %arg9[%dma_wait3A_283, %dma_wait3A_284] : memref<10112x128xf32, #tpu.memory_space<vmem_shared>> -> memref<10112x128xf32, #tpu.memory_space<vmem_shared>>
        tpu.wait_indirect_dma semaphore(%run_scoped3A_265 : memref<!tpu.dma_semaphore, #tpu.memory_space<semaphore_mem>>) src(%dma_wait3A_279 : memref<128x128xf32, #tpu.memory_space<vmem>>) dst(%dma_wait3A_285 : memref<10112x128xf32, #tpu.memory_space<vmem_shared>>)
        tpu.yield
      }) : () -> ()
      %dma_start3A_200 = arith.constant 3 : i32
      %dma_start3A_201 = arith.constant 1 : i32
      %dma_start3A_202 = arith.constant 1 : i32
      %dma_start3A_203 = arith.constant 0 : i32
      %dma_start3A_204 = arith.constant 0 : i32
      %dma_start3A_205 = tpu.memref_slice %arg8[%dma_start3A_201, %dma_start3A_203, %dma_start3A_204] : memref<2x128x128xf32, #tpu.memory_space<vmem>> -> memref<1x128x128xf32, #tpu.memory_space<vmem>>
      %dma_start3A_206 = tpu.memref_squeeze %dma_start3A_205 : memref<1x128x128xf32, #tpu.memory_space<vmem>> -> memref<128x128xf32, #tpu.memory_space<vmem>>
      %dma_start3A_207 = arith.constant 0 : i32
      %dma_start3A_208 = tpu.memref_slice %arg6[%select_n3A_149, %dma_start3A_200, %dma_start3A_207] : memref<2x4x128xi32, #tpu.memory_space<vmem>> -> memref<1x1x128xi32, #tpu.memory_space<vmem>>
      %dma_start3A_209 = tpu.memref_squeeze %dma_start3A_208 : memref<1x1x128xi32, #tpu.memory_space<vmem>> -> memref<128xi32, #tpu.memory_space<vmem>>
      %dma_start3A_210 = arith.constant 0 : i32
      %dma_start3A_211 = arith.constant 0 : i32
      %dma_start3A_212 = tpu.memref_slice %arg2[%dma_start3A_210, %dma_start3A_211] : memref<10000x128xf32, #tpu.memory_space<hbm>> -> memref<10000x128xf32, #tpu.memory_space<hbm>>
      %dma_start3A_213 = tpu.memref_slice %arg10[%dma_start3A_202] : memref<2x!tpu.dma_semaphore, #tpu.memory_space<semaphore_mem>> -> memref<1x!tpu.dma_semaphore, #tpu.memory_space<semaphore_mem>>
      %dma_start3A_214 = tpu.memref_squeeze %dma_start3A_213 : memref<1x!tpu.dma_semaphore, #tpu.memory_space<semaphore_mem>> -> memref<!tpu.dma_semaphore, #tpu.memory_space<semaphore_mem>>
      tpu.enqueue_indirect_dma source(%dma_start3A_212 : memref<10000x128xf32, #tpu.memory_space<hbm>>) target(%dma_start3A_206 : memref<128x128xf32, #tpu.memory_space<vmem>>) offsets(%dma_start3A_209 : memref<128xi32, #tpu.memory_space<vmem>>) semaphore(%dma_start3A_214 : memref<!tpu.dma_semaphore, #tpu.memory_space<semaphore_mem>>)
      %dma_wait3A_215 = arith.constant 2 : i32
      %dma_wait3A_216 = arith.constant 0 : i32
      %dma_wait3A_217 = arith.constant 0 : i32
      %dma_wait3A_218 = arith.constant 0 : i32
      %dma_wait3A_219 = arith.constant 0 : i32
      %dma_wait3A_220 = tpu.memref_slice %arg8[%dma_wait3A_216, %dma_wait3A_218, %dma_wait3A_219] : memref<2x128x128xf32, #tpu.memory_space<vmem>> -> memref<1x128x128xf32, #tpu.memory_space<vmem>>
      %dma_wait3A_221 = tpu.memref_squeeze %dma_wait3A_220 : memref<1x128x128xf32, #tpu.memory_space<vmem>> -> memref<128x128xf32, #tpu.memory_space<vmem>>
      %dma_wait3A_222 = arith.constant 0 : i32
      %dma_wait3A_223 = tpu.memref_slice %arg6[%select_n3A_149, %dma_wait3A_215, %dma_wait3A_222] : memref<2x4x128xi32, #tpu.memory_space<vmem>> -> memref<1x1x128xi32, #tpu.memory_space<vmem>>
      %dma_wait3A_224 = tpu.memref_squeeze %dma_wait3A_223 : memref<1x1x128xi32, #tpu.memory_space<vmem>> -> memref<128xi32, #tpu.memory_space<vmem>>
      %dma_wait3A_225 = arith.constant 0 : i32
      %dma_wait3A_226 = arith.constant 0 : i32
      %dma_wait3A_227 = tpu.memref_slice %arg2[%dma_wait3A_225, %dma_wait3A_226] : memref<10000x128xf32, #tpu.memory_space<hbm>> -> memref<10000x128xf32, #tpu.memory_space<hbm>>
      %dma_wait3A_228 = tpu.memref_slice %arg10[%dma_wait3A_217] : memref<2x!tpu.dma_semaphore, #tpu.memory_space<semaphore_mem>> -> memref<1x!tpu.dma_semaphore, #tpu.memory_space<semaphore_mem>>
      %dma_wait3A_229 = tpu.memref_squeeze %dma_wait3A_228 : memref<1x!tpu.dma_semaphore, #tpu.memory_space<semaphore_mem>> -> memref<!tpu.dma_semaphore, #tpu.memory_space<semaphore_mem>>
      tpu.wait_indirect_dma semaphore(%dma_wait3A_229 : memref<!tpu.dma_semaphore, #tpu.memory_space<semaphore_mem>>) src(%dma_wait3A_227 : memref<10000x128xf32, #tpu.memory_space<hbm>>) dst(%dma_wait3A_221 : memref<128x128xf32, #tpu.memory_space<vmem>>)
      %run_scoped3A_230 = arith.constant 0 : i32
      %run_scoped3A_231 = arith.constant 2 : i32
      "tpu.region"() ({
        %run_scoped3A_265 = tpu.sem_alloc : memref<!tpu.dma_semaphore, #tpu.memory_space<semaphore_mem>>
        %dma_start3A_266 = arith.constant 0 : i32
        %dma_start3A_267 = arith.constant 0 : i32
        %dma_start3A_268 = tpu.memref_slice %arg8[%run_scoped3A_230, %dma_start3A_266, %dma_start3A_267] : memref<2x128x128xf32, #tpu.memory_space<vmem>> -> memref<1x128x128xf32, #tpu.memory_space<vmem>>
        %dma_start3A_269 = tpu.memref_squeeze %dma_start3A_268 : memref<1x128x128xf32, #tpu.memory_space<vmem>> -> memref<128x128xf32, #tpu.memory_space<vmem>>
        %dma_start3A_270 = arith.constant 0 : i32
        %dma_start3A_271 = tpu.memref_slice %arg7[%select_n3A_149, %run_scoped3A_231, %dma_start3A_270] : memref<2x4x128xi32, #tpu.memory_space<vmem>> -> memref<1x1x128xi32, #tpu.memory_space<vmem>>
        %dma_start3A_272 = tpu.memref_squeeze %dma_start3A_271 : memref<1x1x128xi32, #tpu.memory_space<vmem>> -> memref<128xi32, #tpu.memory_space<vmem>>
        %dma_start3A_273 = arith.constant 0 : i32
        %dma_start3A_274 = arith.constant 0 : i32
        %dma_start3A_275 = tpu.memref_slice %arg9[%dma_start3A_273, %dma_start3A_274] : memref<10112x128xf32, #tpu.memory_space<vmem_shared>> -> memref<10112x128xf32, #tpu.memory_space<vmem_shared>>
        tpu.enqueue_indirect_dma source(%dma_start3A_269 : memref<128x128xf32, #tpu.memory_space<vmem>>) target(%dma_start3A_275 : memref<10112x128xf32, #tpu.memory_space<vmem_shared>>) offsets(%dma_start3A_272 : memref<128xi32, #tpu.memory_space<vmem>>) semaphore(%run_scoped3A_265 : memref<!tpu.dma_semaphore, #tpu.memory_space<semaphore_mem>>) {add = true}
        %dma_wait3A_276 = arith.constant 0 : i32
        %dma_wait3A_277 = arith.constant 0 : i32
        %dma_wait3A_278 = tpu.memref_slice %arg8[%run_scoped3A_230, %dma_wait3A_276, %dma_wait3A_277] : memref<2x128x128xf32, #tpu.memory_space<vmem>> -> memref<1x128x128xf32, #tpu.memory_space<vmem>>
        %dma_wait3A_279 = tpu.memref_squeeze %dma_wait3A_278 : memref<1x128x128xf32, #tpu.memory_space<vmem>> -> memref<128x128xf32, #tpu.memory_space<vmem>>
        %dma_wait3A_280 = arith.constant 0 : i32
        %dma_wait3A_281 = tpu.memref_slice %arg7[%select_n3A_149, %run_scoped3A_231, %dma_wait3A_280] : memref<2x4x128xi32, #tpu.memory_space<vmem>> -> memref<1x1x128xi32, #tpu.memory_space<vmem>>
        %dma_wait3A_282 = tpu.memref_squeeze %dma_wait3A_281 : memref<1x1x128xi32, #tpu.memory_space<vmem>> -> memref<128xi32, #tpu.memory_space<vmem>>
        %dma_wait3A_283 = arith.constant 0 : i32
        %dma_wait3A_284 = arith.constant 0 : i32
        %dma_wait3A_285 = tpu.memref_slice %arg9[%dma_wait3A_283, %dma_wait3A_284] : memref<10112x128xf32, #tpu.memory_space<vmem_shared>> -> memref<10112x128xf32, #tpu.memory_space<vmem_shared>>
        tpu.wait_indirect_dma semaphore(%run_scoped3A_265 : memref<!tpu.dma_semaphore, #tpu.memory_space<semaphore_mem>>) src(%dma_wait3A_279 : memref<128x128xf32, #tpu.memory_space<vmem>>) dst(%dma_wait3A_285 : memref<10112x128xf32, #tpu.memory_space<vmem_shared>>)
        tpu.yield
      }) : () -> ()
      %add3A_232 = arith.constant 1 : i32
      %add3A_233 = arith.addi %while3A_137, %add3A_232 : i32
      %lt3A_234 = arith.cmpi slt, %add3A_233, %add3A_6 : i32
      %convert_element_type3A = arith.extui %lt3A_234 : i1 to i32
      %cond3A = arith.constant 0 : i32
      %cond3A_235 = arith.cmpi ne, %convert_element_type3A, %cond3A : i32
      scf.if %cond3A_235 {
        %add3A_265 = arith.constant 1 : i32
        %add3A_266 = arith.addi %while3A_137, %add3A_265 : i32
        %mul3A_267 = arith.constant 4 : i32
        %mul3A_268 = arith.muli %add3A_266, %mul3A_267 : i32
        %add3A_269 = arith.addi %mul3A_12, %mul3A_268 : i32
        %dma_wait3A_270 = arith.constant 0 : i32
        %dma_wait3A_271 = arith.constant 0 : i32
        %dma_wait3A_272 = arith.constant 0 : i32
        %dma_wait3A_273 = tpu.memref_slice %arg6[%sub3A_150, %dma_wait3A_271, %dma_wait3A_272] : memref<2x4x128xi32, #tpu.memory_space<vmem>> -> memref<1x4x128xi32, #tpu.memory_space<vmem>>
        %dma_wait3A_274 = tpu.memref_squeeze %dma_wait3A_273 : memref<1x4x128xi32, #tpu.memory_space<vmem>> -> memref<4x128xi32, #tpu.memory_space<vmem>>
        %dma_wait3A_275 = arith.constant 0 : i32
        %dma_wait3A_276 = tpu.memref_slice %arg3[%dma_wait3A_270, %add3A_269, %dma_wait3A_275] : memref<2x2500x128xi32, #tpu.memory_space<hbm>> -> memref<1x4x128xi32, #tpu.memory_space<hbm>>
        %dma_wait3A_277 = tpu.memref_squeeze %dma_wait3A_276 : memref<1x4x128xi32, #tpu.memory_space<hbm>> -> memref<4x128xi32, #tpu.memory_space<hbm>>
        %dma_wait3A_278 = tpu.memref_slice %arg11[%sub3A_150] : memref<2x!tpu.dma_semaphore, #tpu.memory_space<semaphore_mem>> -> memref<1x!tpu.dma_semaphore, #tpu.memory_space<semaphore_mem>>
        %dma_wait3A_279 = tpu.memref_squeeze %dma_wait3A_278 : memref<1x!tpu.dma_semaphore, #tpu.memory_space<semaphore_mem>> -> memref<!tpu.dma_semaphore, #tpu.memory_space<semaphore_mem>>
        %dma_wait3A_280 = arith.constant 0 : i32
        %dma_wait3A_281 = arith.constant 0 : i32
        %dma_wait3A_282 = tpu.memref_slice %arg6[%sub3A_150, %dma_wait3A_280, %dma_wait3A_281] : memref<2x4x128xi32, #tpu.memory_space<vmem>> -> memref<1x4x128xi32, #tpu.memory_space<vmem>>
        %dma_wait3A_283 = tpu.memref_squeeze %dma_wait3A_282 : memref<1x4x128xi32, #tpu.memory_space<vmem>> -> memref<4x128xi32, #tpu.memory_space<vmem>>
        %dma_wait3A_284 = arith.constant 0 : i32
        %dma_wait3A_285 = tpu.memref_slice %arg3[%dma_wait3A_270, %add3A_269, %dma_wait3A_284] : memref<2x2500x128xi32, #tpu.memory_space<hbm>> -> memref<1x4x128xi32, #tpu.memory_space<hbm>>
        %dma_wait3A_286 = tpu.memref_squeeze %dma_wait3A_285 : memref<1x4x128xi32, #tpu.memory_space<hbm>> -> memref<4x128xi32, #tpu.memory_space<hbm>>
        tpu.wait_dma2 semaphore(%dma_wait3A_279 : memref<!tpu.dma_semaphore, #tpu.memory_space<semaphore_mem>>) src(%dma_wait3A_286 : memref<4x128xi32, #tpu.memory_space<hbm>>) dst(%dma_wait3A_283 : memref<4x128xi32, #tpu.memory_space<vmem>>)
        %add3A_287 = arith.constant 1 : i32
        %add3A_288 = arith.addi %while3A_137, %add3A_287 : i32
        %mul3A_289 = arith.constant 4 : i32
        %mul3A_290 = arith.muli %add3A_288, %mul3A_289 : i32
        %add3A_291 = arith.addi %mul3A_12, %mul3A_290 : i32
        %dma_wait3A_292 = arith.constant 1 : i32
        %dma_wait3A_293 = arith.constant 0 : i32
        %dma_wait3A_294 = arith.constant 0 : i32
        %dma_wait3A_295 = tpu.memref_slice %arg7[%sub3A_150, %dma_wait3A_293, %dma_wait3A_294] : memref<2x4x128xi32, #tpu.memory_space<vmem>> -> memref<1x4x128xi32, #tpu.memory_space<vmem>>
        %dma_wait3A_296 = tpu.memref_squeeze %dma_wait3A_295 : memref<1x4x128xi32, #tpu.memory_space<vmem>> -> memref<4x128xi32, #tpu.memory_space<vmem>>
        %dma_wait3A_297 = arith.constant 0 : i32
        %dma_wait3A_298 = tpu.memref_slice %arg3[%dma_wait3A_292, %add3A_291, %dma_wait3A_297] : memref<2x2500x128xi32, #tpu.memory_space<hbm>> -> memref<1x4x128xi32, #tpu.memory_space<hbm>>
        %dma_wait3A_299 = tpu.memref_squeeze %dma_wait3A_298 : memref<1x4x128xi32, #tpu.memory_space<hbm>> -> memref<4x128xi32, #tpu.memory_space<hbm>>
        %dma_wait3A_300 = tpu.memref_slice %arg11[%sub3A_150] : memref<2x!tpu.dma_semaphore, #tpu.memory_space<semaphore_mem>> -> memref<1x!tpu.dma_semaphore, #tpu.memory_space<semaphore_mem>>
        %dma_wait3A_301 = tpu.memref_squeeze %dma_wait3A_300 : memref<1x!tpu.dma_semaphore, #tpu.memory_space<semaphore_mem>> -> memref<!tpu.dma_semaphore, #tpu.memory_space<semaphore_mem>>
        %dma_wait3A_302 = arith.constant 0 : i32
        %dma_wait3A_303 = arith.constant 0 : i32
        %dma_wait3A_304 = tpu.memref_slice %arg7[%sub3A_150, %dma_wait3A_302, %dma_wait3A_303] : memref<2x4x128xi32, #tpu.memory_space<vmem>> -> memref<1x4x128xi32, #tpu.memory_space<vmem>>
        %dma_wait3A_305 = tpu.memref_squeeze %dma_wait3A_304 : memref<1x4x128xi32, #tpu.memory_space<vmem>> -> memref<4x128xi32, #tpu.memory_space<vmem>>
        %dma_wait3A_306 = arith.constant 0 : i32
        %dma_wait3A_307 = tpu.memref_slice %arg3[%dma_wait3A_292, %add3A_291, %dma_wait3A_306] : memref<2x2500x128xi32, #tpu.memory_space<hbm>> -> memref<1x4x128xi32, #tpu.memory_space<hbm>>
        %dma_wait3A_308 = tpu.memref_squeeze %dma_wait3A_307 : memref<1x4x128xi32, #tpu.memory_space<hbm>> -> memref<4x128xi32, #tpu.memory_space<hbm>>
        tpu.wait_dma2 semaphore(%dma_wait3A_301 : memref<!tpu.dma_semaphore, #tpu.memory_space<semaphore_mem>>) src(%dma_wait3A_308 : memref<4x128xi32, #tpu.memory_space<hbm>>) dst(%dma_wait3A_305 : memref<4x128xi32, #tpu.memory_space<vmem>>)
        %dma_start3A_309 = arith.constant 0 : i32
        %dma_start3A_310 = arith.constant 0 : i32
        %dma_start3A_311 = arith.constant 0 : i32
        %dma_start3A_312 = arith.constant 0 : i32
        %dma_start3A_313 = arith.constant 0 : i32
        %dma_start3A_314 = tpu.memref_slice %arg8[%dma_start3A_310, %dma_start3A_312, %dma_start3A_313] : memref<2x128x128xf32, #tpu.memory_space<vmem>> -> memref<1x128x128xf32, #tpu.memory_space<vmem>>
        %dma_start3A_315 = tpu.memref_squeeze %dma_start3A_314 : memref<1x128x128xf32, #tpu.memory_space<vmem>> -> memref<128x128xf32, #tpu.memory_space<vmem>>
        %dma_start3A_316 = arith.constant 0 : i32
        %dma_start3A_317 = tpu.memref_slice %arg6[%sub3A_150, %dma_start3A_309, %dma_start3A_316] : memref<2x4x128xi32, #tpu.memory_space<vmem>> -> memref<1x1x128xi32, #tpu.memory_space<vmem>>
        %dma_start3A_318 = tpu.memref_squeeze %dma_start3A_317 : memref<1x1x128xi32, #tpu.memory_space<vmem>> -> memref<128xi32, #tpu.memory_space<vmem>>
        %dma_start3A_319 = arith.constant 0 : i32
        %dma_start3A_320 = arith.constant 0 : i32
        %dma_start3A_321 = tpu.memref_slice %arg2[%dma_start3A_319, %dma_start3A_320] : memref<10000x128xf32, #tpu.memory_space<hbm>> -> memref<10000x128xf32, #tpu.memory_space<hbm>>
        %dma_start3A_322 = tpu.memref_slice %arg10[%dma_start3A_311] : memref<2x!tpu.dma_semaphore, #tpu.memory_space<semaphore_mem>> -> memref<1x!tpu.dma_semaphore, #tpu.memory_space<semaphore_mem>>
        %dma_start3A_323 = tpu.memref_squeeze %dma_start3A_322 : memref<1x!tpu.dma_semaphore, #tpu.memory_space<semaphore_mem>> -> memref<!tpu.dma_semaphore, #tpu.memory_space<semaphore_mem>>
        tpu.enqueue_indirect_dma source(%dma_start3A_321 : memref<10000x128xf32, #tpu.memory_space<hbm>>) target(%dma_start3A_315 : memref<128x128xf32, #tpu.memory_space<vmem>>) offsets(%dma_start3A_318 : memref<128xi32, #tpu.memory_space<vmem>>) semaphore(%dma_start3A_323 : memref<!tpu.dma_semaphore, #tpu.memory_space<semaphore_mem>>)
      } else {
      }
      %dma_wait3A_236 = arith.constant 3 : i32
      %dma_wait3A_237 = arith.constant 1 : i32
      %dma_wait3A_238 = arith.constant 1 : i32
      %dma_wait3A_239 = arith.constant 0 : i32
      %dma_wait3A_240 = arith.constant 0 : i32
      %dma_wait3A_241 = tpu.memref_slice %arg8[%dma_wait3A_237, %dma_wait3A_239, %dma_wait3A_240] : memref<2x128x128xf32, #tpu.memory_space<vmem>> -> memref<1x128x128xf32, #tpu.memory_space<vmem>>
      %dma_wait3A_242 = tpu.memref_squeeze %dma_wait3A_241 : memref<1x128x128xf32, #tpu.memory_space<vmem>> -> memref<128x128xf32, #tpu.memory_space<vmem>>
      %dma_wait3A_243 = arith.constant 0 : i32
      %dma_wait3A_244 = tpu.memref_slice %arg6[%select_n3A_149, %dma_wait3A_236, %dma_wait3A_243] : memref<2x4x128xi32, #tpu.memory_space<vmem>> -> memref<1x1x128xi32, #tpu.memory_space<vmem>>
      %dma_wait3A_245 = tpu.memref_squeeze %dma_wait3A_244 : memref<1x1x128xi32, #tpu.memory_space<vmem>> -> memref<128xi32, #tpu.memory_space<vmem>>
      %dma_wait3A_246 = arith.constant 0 : i32
      %dma_wait3A_247 = arith.constant 0 : i32
      %dma_wait3A_248 = tpu.memref_slice %arg2[%dma_wait3A_246, %dma_wait3A_247] : memref<10000x128xf32, #tpu.memory_space<hbm>> -> memref<10000x128xf32, #tpu.memory_space<hbm>>
      %dma_wait3A_249 = tpu.memref_slice %arg10[%dma_wait3A_238] : memref<2x!tpu.dma_semaphore, #tpu.memory_space<semaphore_mem>> -> memref<1x!tpu.dma_semaphore, #tpu.memory_space<semaphore_mem>>
      %dma_wait3A_250 = tpu.memref_squeeze %dma_wait3A_249 : memref<1x!tpu.dma_semaphore, #tpu.memory_space<semaphore_mem>> -> memref<!tpu.dma_semaphore, #tpu.memory_space<semaphore_mem>>
      tpu.wait_indirect_dma semaphore(%dma_wait3A_250 : memref<!tpu.dma_semaphore, #tpu.memory_space<semaphore_mem>>) src(%dma_wait3A_248 : memref<10000x128xf32, #tpu.memory_space<hbm>>) dst(%dma_wait3A_242 : memref<128x128xf32, #tpu.memory_space<vmem>>)
      %run_scoped3A_251 = arith.constant 1 : i32
      %run_scoped3A_252 = arith.constant 3 : i32
      "tpu.region"() ({
        %run_scoped3A_265 = tpu.sem_alloc : memref<!tpu.dma_semaphore, #tpu.memory_space<semaphore_mem>>
        %dma_start3A_266 = arith.constant 0 : i32
        %dma_start3A_267 = arith.constant 0 : i32
        %dma_start3A_268 = tpu.memref_slice %arg8[%run_scoped3A_251, %dma_start3A_266, %dma_start3A_267] : memref<2x128x128xf32, #tpu.memory_space<vmem>> -> memref<1x128x128xf32, #tpu.memory_space<vmem>>
        %dma_start3A_269 = tpu.memref_squeeze %dma_start3A_268 : memref<1x128x128xf32, #tpu.memory_space<vmem>> -> memref<128x128xf32, #tpu.memory_space<vmem>>
        %dma_start3A_270 = arith.constant 0 : i32
        %dma_start3A_271 = tpu.memref_slice %arg7[%select_n3A_149, %run_scoped3A_252, %dma_start3A_270] : memref<2x4x128xi32, #tpu.memory_space<vmem>> -> memref<1x1x128xi32, #tpu.memory_space<vmem>>
        %dma_start3A_272 = tpu.memref_squeeze %dma_start3A_271 : memref<1x1x128xi32, #tpu.memory_space<vmem>> -> memref<128xi32, #tpu.memory_space<vmem>>
        %dma_start3A_273 = arith.constant 0 : i32
        %dma_start3A_274 = arith.constant 0 : i32
        %dma_start3A_275 = tpu.memref_slice %arg9[%dma_start3A_273, %dma_start3A_274] : memref<10112x128xf32, #tpu.memory_space<vmem_shared>> -> memref<10112x128xf32, #tpu.memory_space<vmem_shared>>
        tpu.enqueue_indirect_dma source(%dma_start3A_269 : memref<128x128xf32, #tpu.memory_space<vmem>>) target(%dma_start3A_275 : memref<10112x128xf32, #tpu.memory_space<vmem_shared>>) offsets(%dma_start3A_272 : memref<128xi32, #tpu.memory_space<vmem>>) semaphore(%run_scoped3A_265 : memref<!tpu.dma_semaphore, #tpu.memory_space<semaphore_mem>>) {add = true}
        %dma_wait3A_276 = arith.constant 0 : i32
        %dma_wait3A_277 = arith.constant 0 : i32
        %dma_wait3A_278 = tpu.memref_slice %arg8[%run_scoped3A_251, %dma_wait3A_276, %dma_wait3A_277] : memref<2x128x128xf32, #tpu.memory_space<vmem>> -> memref<1x128x128xf32, #tpu.memory_space<vmem>>
        %dma_wait3A_279 = tpu.memref_squeeze %dma_wait3A_278 : memref<1x128x128xf32, #tpu.memory_space<vmem>> -> memref<128x128xf32, #tpu.memory_space<vmem>>
        %dma_wait3A_280 = arith.constant 0 : i32
        %dma_wait3A_281 = tpu.memref_slice %arg7[%select_n3A_149, %run_scoped3A_252, %dma_wait3A_280] : memref<2x4x128xi32, #tpu.memory_space<vmem>> -> memref<1x1x128xi32, #tpu.memory_space<vmem>>
        %dma_wait3A_282 = tpu.memref_squeeze %dma_wait3A_281 : memref<1x1x128xi32, #tpu.memory_space<vmem>> -> memref<128xi32, #tpu.memory_space<vmem>>
        %dma_wait3A_283 = arith.constant 0 : i32
        %dma_wait3A_284 = arith.constant 0 : i32
        %dma_wait3A_285 = tpu.memref_slice %arg9[%dma_wait3A_283, %dma_wait3A_284] : memref<10112x128xf32, #tpu.memory_space<vmem_shared>> -> memref<10112x128xf32, #tpu.memory_space<vmem_shared>>
        tpu.wait_indirect_dma semaphore(%run_scoped3A_265 : memref<!tpu.dma_semaphore, #tpu.memory_space<semaphore_mem>>) src(%dma_wait3A_279 : memref<128x128xf32, #tpu.memory_space<vmem>>) dst(%dma_wait3A_285 : memref<10112x128xf32, #tpu.memory_space<vmem_shared>>)
        tpu.yield
      }) : () -> ()
      %add3A_253 = arith.constant 1 : i32
      %add3A_254 = arith.addi %while3A_137, %add3A_253 : i32
      %lt3A_255 = arith.cmpi slt, %add3A_254, %add3A_6 : i32
      %convert_element_type3A_256 = arith.extui %lt3A_255 : i1 to i32
      %cond3A_257 = arith.constant 0 : i32
      %cond3A_258 = arith.cmpi ne, %convert_element_type3A_256, %cond3A_257 : i32
      scf.if %cond3A_258 {
        %dma_start3A_265 = arith.constant 1 : i32
        %dma_start3A_266 = arith.constant 1 : i32
        %dma_start3A_267 = arith.constant 1 : i32
        %dma_start3A_268 = arith.constant 0 : i32
        %dma_start3A_269 = arith.constant 0 : i32
        %dma_start3A_270 = tpu.memref_slice %arg8[%dma_start3A_266, %dma_start3A_268, %dma_start3A_269] : memref<2x128x128xf32, #tpu.memory_space<vmem>> -> memref<1x128x128xf32, #tpu.memory_space<vmem>>
        %dma_start3A_271 = tpu.memref_squeeze %dma_start3A_270 : memref<1x128x128xf32, #tpu.memory_space<vmem>> -> memref<128x128xf32, #tpu.memory_space<vmem>>
        %dma_start3A_272 = arith.constant 0 : i32
        %dma_start3A_273 = tpu.memref_slice %arg6[%sub3A_150, %dma_start3A_265, %dma_start3A_272] : memref<2x4x128xi32, #tpu.memory_space<vmem>> -> memref<1x1x128xi32, #tpu.memory_space<vmem>>
        %dma_start3A_274 = tpu.memref_squeeze %dma_start3A_273 : memref<1x1x128xi32, #tpu.memory_space<vmem>> -> memref<128xi32, #tpu.memory_space<vmem>>
        %dma_start3A_275 = arith.constant 0 : i32
        %dma_start3A_276 = arith.constant 0 : i32
        %dma_start3A_277 = tpu.memref_slice %arg2[%dma_start3A_275, %dma_start3A_276] : memref<10000x128xf32, #tpu.memory_space<hbm>> -> memref<10000x128xf32, #tpu.memory_space<hbm>>
        %dma_start3A_278 = tpu.memref_slice %arg10[%dma_start3A_267] : memref<2x!tpu.dma_semaphore, #tpu.memory_space<semaphore_mem>> -> memref<1x!tpu.dma_semaphore, #tpu.memory_space<semaphore_mem>>
        %dma_start3A_279 = tpu.memref_squeeze %dma_start3A_278 : memref<1x!tpu.dma_semaphore, #tpu.memory_space<semaphore_mem>> -> memref<!tpu.dma_semaphore, #tpu.memory_space<semaphore_mem>>
        tpu.enqueue_indirect_dma source(%dma_start3A_277 : memref<10000x128xf32, #tpu.memory_space<hbm>>) target(%dma_start3A_271 : memref<128x128xf32, #tpu.memory_space<vmem>>) offsets(%dma_start3A_274 : memref<128xi32, #tpu.memory_space<vmem>>) semaphore(%dma_start3A_279 : memref<!tpu.dma_semaphore, #tpu.memory_space<semaphore_mem>>)
      } else {
      }
      %add3A_259 = arith.constant 2 : i32
      %add3A_260 = arith.addi %while3A_137, %add3A_259 : i32
      %lt3A_261 = arith.cmpi slt, %add3A_260, %add3A_6 : i32
      %convert_element_type3A_262 = arith.extui %lt3A_261 : i1 to i32
      %cond3A_263 = arith.constant 0 : i32
      %cond3A_264 = arith.cmpi ne, %convert_element_type3A_262, %cond3A_263 : i32
      scf.if %cond3A_264 {
        %add3A_265 = arith.constant 2 : i32
        %add3A_266 = arith.addi %while3A_137, %add3A_265 : i32
        %mul3A_267 = arith.constant 4 : i32
        %mul3A_268 = arith.muli %add3A_266, %mul3A_267 : i32
        %add3A_269 = arith.addi %mul3A_12, %mul3A_268 : i32
        %dma_start3A_270 = arith.constant 0 : i32
        %dma_start3A_271 = arith.constant 0 : i32
        %dma_start3A_272 = arith.constant 0 : i32
        %dma_start3A_273 = tpu.memref_slice %arg6[%select_n3A_149, %dma_start3A_271, %dma_start3A_272] : memref<2x4x128xi32, #tpu.memory_space<vmem>> -> memref<1x4x128xi32, #tpu.memory_space<vmem>>
        %dma_start3A_274 = tpu.memref_squeeze %dma_start3A_273 : memref<1x4x128xi32, #tpu.memory_space<vmem>> -> memref<4x128xi32, #tpu.memory_space<vmem>>
        %dma_start3A_275 = arith.constant 0 : i32
        %dma_start3A_276 = tpu.memref_slice %arg3[%dma_start3A_270, %add3A_269, %dma_start3A_275] : memref<2x2500x128xi32, #tpu.memory_space<hbm>> -> memref<1x4x128xi32, #tpu.memory_space<hbm>>
        %dma_start3A_277 = tpu.memref_squeeze %dma_start3A_276 : memref<1x4x128xi32, #tpu.memory_space<hbm>> -> memref<4x128xi32, #tpu.memory_space<hbm>>
        %dma_start3A_278 = tpu.memref_slice %arg11[%select_n3A_149] : memref<2x!tpu.dma_semaphore, #tpu.memory_space<semaphore_mem>> -> memref<1x!tpu.dma_semaphore, #tpu.memory_space<semaphore_mem>>
        %dma_start3A_279 = tpu.memref_squeeze %dma_start3A_278 : memref<1x!tpu.dma_semaphore, #tpu.memory_space<semaphore_mem>> -> memref<!tpu.dma_semaphore, #tpu.memory_space<semaphore_mem>>
        %dma_start3A_280 = arith.constant 0 : i32
        %dma_start3A_281 = arith.constant 0 : i32
        %dma_start3A_282 = tpu.memref_slice %arg6[%select_n3A_149, %dma_start3A_280, %dma_start3A_281] : memref<2x4x128xi32, #tpu.memory_space<vmem>> -> memref<1x4x128xi32, #tpu.memory_space<vmem>>
        %dma_start3A_283 = tpu.memref_squeeze %dma_start3A_282 : memref<1x4x128xi32, #tpu.memory_space<vmem>> -> memref<4x128xi32, #tpu.memory_space<vmem>>
        %dma_start3A_284 = arith.constant 0 : i32
        %dma_start3A_285 = tpu.memref_slice %arg3[%dma_start3A_270, %add3A_269, %dma_start3A_284] : memref<2x2500x128xi32, #tpu.memory_space<hbm>> -> memref<1x4x128xi32, #tpu.memory_space<hbm>>
        %dma_start3A_286 = tpu.memref_squeeze %dma_start3A_285 : memref<1x4x128xi32, #tpu.memory_space<hbm>> -> memref<4x128xi32, #tpu.memory_space<hbm>>
        tpu.enqueue_dma source(%dma_start3A_286 : memref<4x128xi32, #tpu.memory_space<hbm>>) target(%dma_start3A_283 : memref<4x128xi32, #tpu.memory_space<vmem>>) target_semaphore(%dma_start3A_279 : memref<!tpu.dma_semaphore, #tpu.memory_space<semaphore_mem>>)
        %add3A_287 = arith.constant 2 : i32
        %add3A_288 = arith.addi %while3A_137, %add3A_287 : i32
        %mul3A_289 = arith.constant 4 : i32
        %mul3A_290 = arith.muli %add3A_288, %mul3A_289 : i32
        %add3A_291 = arith.addi %mul3A_12, %mul3A_290 : i32
        %dma_start3A_292 = arith.constant 1 : i32
        %dma_start3A_293 = arith.constant 0 : i32
        %dma_start3A_294 = arith.constant 0 : i32
        %dma_start3A_295 = tpu.memref_slice %arg7[%select_n3A_149, %dma_start3A_293, %dma_start3A_294] : memref<2x4x128xi32, #tpu.memory_space<vmem>> -> memref<1x4x128xi32, #tpu.memory_space<vmem>>
        %dma_start3A_296 = tpu.memref_squeeze %dma_start3A_295 : memref<1x4x128xi32, #tpu.memory_space<vmem>> -> memref<4x128xi32, #tpu.memory_space<vmem>>
        %dma_start3A_297 = arith.constant 0 : i32
        %dma_start3A_298 = tpu.memref_slice %arg3[%dma_start3A_292, %add3A_291, %dma_start3A_297] : memref<2x2500x128xi32, #tpu.memory_space<hbm>> -> memref<1x4x128xi32, #tpu.memory_space<hbm>>
        %dma_start3A_299 = tpu.memref_squeeze %dma_start3A_298 : memref<1x4x128xi32, #tpu.memory_space<hbm>> -> memref<4x128xi32, #tpu.memory_space<hbm>>
        %dma_start3A_300 = tpu.memref_slice %arg11[%select_n3A_149] : memref<2x!tpu.dma_semaphore, #tpu.memory_space<semaphore_mem>> -> memref<1x!tpu.dma_semaphore, #tpu.memory_space<semaphore_mem>>
        %dma_start3A_301 = tpu.memref_squeeze %dma_start3A_300 : memref<1x!tpu.dma_semaphore, #tpu.memory_space<semaphore_mem>> -> memref<!tpu.dma_semaphore, #tpu.memory_space<semaphore_mem>>
        %dma_start3A_302 = arith.constant 0 : i32
        %dma_start3A_303 = arith.constant 0 : i32
        %dma_start3A_304 = tpu.memref_slice %arg7[%select_n3A_149, %dma_start3A_302, %dma_start3A_303] : memref<2x4x128xi32, #tpu.memory_space<vmem>> -> memref<1x4x128xi32, #tpu.memory_space<vmem>>
        %dma_start3A_305 = tpu.memref_squeeze %dma_start3A_304 : memref<1x4x128xi32, #tpu.memory_space<vmem>> -> memref<4x128xi32, #tpu.memory_space<vmem>>
        %dma_start3A_306 = arith.constant 0 : i32
        %dma_start3A_307 = tpu.memref_slice %arg3[%dma_start3A_292, %add3A_291, %dma_start3A_306] : memref<2x2500x128xi32, #tpu.memory_space<hbm>> -> memref<1x4x128xi32, #tpu.memory_space<hbm>>
        %dma_start3A_308 = tpu.memref_squeeze %dma_start3A_307 : memref<1x4x128xi32, #tpu.memory_space<hbm>> -> memref<4x128xi32, #tpu.memory_space<hbm>>
        tpu.enqueue_dma source(%dma_start3A_308 : memref<4x128xi32, #tpu.memory_space<hbm>>) target(%dma_start3A_305 : memref<4x128xi32, #tpu.memory_space<vmem>>) target_semaphore(%dma_start3A_301 : memref<!tpu.dma_semaphore, #tpu.memory_space<semaphore_mem>>)
      } else {
      }
    }
    %while3A_135 = arith.constant 1 : i32
    scf.for %while3A_137 = %while3A_133 to %while3A_129 step %while3A_135  : i32 {
      %jit3A_138 = arith.constant 2 : i32
      %eq3A = arith.constant 0 : i32
      %eq3A_139 = arith.cmpi eq, %jit3A_138, %eq3A : i32
      %jit3A_140 = arith.constant 1 : i32
      %select_n3A_141 = arith.select %eq3A_139, %jit3A_140, %jit3A_138 : i32
      %rem3A = arith.remsi %while3A_137, %select_n3A_141 : i32
      %ne3A = arith.constant 0 : i32
      %ne3A_142 = arith.cmpi ne, %rem3A, %ne3A : i32
      %lt3A_143 = arith.constant 0 : i32
      %lt3A_144 = arith.cmpi slt, %rem3A, %lt3A_143 : i32
      %lt3A_145 = arith.constant 0 : i32
      %lt3A_146 = arith.cmpi slt, %select_n3A_141, %lt3A_145 : i32
      %ne3A_147 = arith.xori %lt3A_144, %lt3A_146 : i1
      %and3A = arith.andi %ne3A_147, %ne3A_142 : i1
      %add3A_148 = arith.addi %rem3A, %select_n3A_141 : i32
      %select_n3A_149 = arith.select %and3A, %add3A_148, %rem3A : i32
      %sub3A = arith.constant 1 : i32
      %sub3A_150 = arith.subi %sub3A, %select_n3A_149 : i32
      %dma_wait3A_151 = arith.constant 0 : i32
      %dma_wait3A_152 = arith.constant 0 : i32
      %dma_wait3A_153 = arith.constant 0 : i32
      %dma_wait3A_154 = arith.constant 0 : i32
      %dma_wait3A_155 = arith.constant 0 : i32
      %dma_wait3A_156 = tpu.memref_slice %arg8[%dma_wait3A_152, %dma_wait3A_154, %dma_wait3A_155] : memref<2x128x128xf32, #tpu.memory_space<vmem>> -> memref<1x128x128xf32, #tpu.memory_space<vmem>>
      %dma_wait3A_157 = tpu.memref_squeeze %dma_wait3A_156 : memref<1x128x128xf32, #tpu.memory_space<vmem>> -> memref<128x128xf32, #tpu.memory_space<vmem>>
      %dma_wait3A_158 = arith.constant 0 : i32
      %dma_wait3A_159 = tpu.memref_slice %arg6[%select_n3A_149, %dma_wait3A_151, %dma_wait3A_158] : memref<2x4x128xi32, #tpu.memory_space<vmem>> -> memref<1x1x128xi32, #tpu.memory_space<vmem>>
      %dma_wait3A_160 = tpu.memref_squeeze %dma_wait3A_159 : memref<1x1x128xi32, #tpu.memory_space<vmem>> -> memref<128xi32, #tpu.memory_space<vmem>>
      %dma_wait3A_161 = arith.constant 0 : i32
      %dma_wait3A_162 = arith.constant 0 : i32
      %dma_wait3A_163 = tpu.memref_slice %arg2[%dma_wait3A_161, %dma_wait3A_162] : memref<10000x128xf32, #tpu.memory_space<hbm>> -> memref<10000x128xf32, #tpu.memory_space<hbm>>
      %dma_wait3A_164 = tpu.memref_slice %arg10[%dma_wait3A_153] : memref<2x!tpu.dma_semaphore, #tpu.memory_space<semaphore_mem>> -> memref<1x!tpu.dma_semaphore, #tpu.memory_space<semaphore_mem>>
      %dma_wait3A_165 = tpu.memref_squeeze %dma_wait3A_164 : memref<1x!tpu.dma_semaphore, #tpu.memory_space<semaphore_mem>> -> memref<!tpu.dma_semaphore, #tpu.memory_space<semaphore_mem>>
      tpu.wait_indirect_dma semaphore(%dma_wait3A_165 : memref<!tpu.dma_semaphore, #tpu.memory_space<semaphore_mem>>) src(%dma_wait3A_163 : memref<10000x128xf32, #tpu.memory_space<hbm>>) dst(%dma_wait3A_157 : memref<128x128xf32, #tpu.memory_space<vmem>>)
      %run_scoped3A_166 = arith.constant 0 : i32
      %run_scoped3A_167 = arith.constant 0 : i32
      "tpu.region"() ({
        %run_scoped3A_265 = tpu.sem_alloc : memref<!tpu.dma_semaphore, #tpu.memory_space<semaphore_mem>>
        %dma_start3A_266 = arith.constant 0 : i32
        %dma_start3A_267 = arith.constant 0 : i32
        %dma_start3A_268 = tpu.memref_slice %arg8[%run_scoped3A_166, %dma_start3A_266, %dma_start3A_267] : memref<2x128x128xf32, #tpu.memory_space<vmem>> -> memref<1x128x128xf32, #tpu.memory_space<vmem>>
        %dma_start3A_269 = tpu.memref_squeeze %dma_start3A_268 : memref<1x128x128xf32, #tpu.memory_space<vmem>> -> memref<128x128xf32, #tpu.memory_space<vmem>>
        %dma_start3A_270 = arith.constant 0 : i32
        %dma_start3A_271 = tpu.memref_slice %arg7[%select_n3A_149, %run_scoped3A_167, %dma_start3A_270] : memref<2x4x128xi32, #tpu.memory_space<vmem>> -> memref<1x1x128xi32, #tpu.memory_space<vmem>>
        %dma_start3A_272 = tpu.memref_squeeze %dma_start3A_271 : memref<1x1x128xi32, #tpu.memory_space<vmem>> -> memref<128xi32, #tpu.memory_space<vmem>>
        %dma_start3A_273 = arith.constant 0 : i32
        %dma_start3A_274 = arith.constant 0 : i32
        %dma_start3A_275 = tpu.memref_slice %arg9[%dma_start3A_273, %dma_start3A_274] : memref<10112x128xf32, #tpu.memory_space<vmem_shared>> -> memref<10112x128xf32, #tpu.memory_space<vmem_shared>>
        tpu.enqueue_indirect_dma source(%dma_start3A_269 : memref<128x128xf32, #tpu.memory_space<vmem>>) target(%dma_start3A_275 : memref<10112x128xf32, #tpu.memory_space<vmem_shared>>) offsets(%dma_start3A_272 : memref<128xi32, #tpu.memory_space<vmem>>) semaphore(%run_scoped3A_265 : memref<!tpu.dma_semaphore, #tpu.memory_space<semaphore_mem>>) {add = true}
        %dma_wait3A_276 = arith.constant 0 : i32
        %dma_wait3A_277 = arith.constant 0 : i32
        %dma_wait3A_278 = tpu.memref_slice %arg8[%run_scoped3A_166, %dma_wait3A_276, %dma_wait3A_277] : memref<2x128x128xf32, #tpu.memory_space<vmem>> -> memref<1x128x128xf32, #tpu.memory_space<vmem>>
        %dma_wait3A_279 = tpu.memref_squeeze %dma_wait3A_278 : memref<1x128x128xf32, #tpu.memory_space<vmem>> -> memref<128x128xf32, #tpu.memory_space<vmem>>
        %dma_wait3A_280 = arith.constant 0 : i32
        %dma_wait3A_281 = tpu.memref_slice %arg7[%select_n3A_149, %run_scoped3A_167, %dma_wait3A_280] : memref<2x4x128xi32, #tpu.memory_space<vmem>> -> memref<1x1x128xi32, #tpu.memory_space<vmem>>
        %dma_wait3A_282 = tpu.memref_squeeze %dma_wait3A_281 : memref<1x1x128xi32, #tpu.memory_space<vmem>> -> memref<128xi32, #tpu.memory_space<vmem>>
        %dma_wait3A_283 = arith.constant 0 : i32
        %dma_wait3A_284 = arith.constant 0 : i32
        %dma_wait3A_285 = tpu.memref_slice %arg9[%dma_wait3A_283, %dma_wait3A_284] : memref<10112x128xf32, #tpu.memory_space<vmem_shared>> -> memref<10112x128xf32, #tpu.memory_space<vmem_shared>>
        tpu.wait_indirect_dma semaphore(%run_scoped3A_265 : memref<!tpu.dma_semaphore, #tpu.memory_space<semaphore_mem>>) src(%dma_wait3A_279 : memref<128x128xf32, #tpu.memory_space<vmem>>) dst(%dma_wait3A_285 : memref<10112x128xf32, #tpu.memory_space<vmem_shared>>)
        tpu.yield
      }) : () -> ()
      %dma_start3A_168 = arith.constant 2 : i32
      %dma_start3A_169 = arith.constant 0 : i32
      %dma_start3A_170 = arith.constant 0 : i32
      %dma_start3A_171 = arith.constant 0 : i32
      %dma_start3A_172 = arith.constant 0 : i32
      %dma_start3A_173 = tpu.memref_slice %arg8[%dma_start3A_169, %dma_start3A_171, %dma_start3A_172] : memref<2x128x128xf32, #tpu.memory_space<vmem>> -> memref<1x128x128xf32, #tpu.memory_space<vmem>>
      %dma_start3A_174 = tpu.memref_squeeze %dma_start3A_173 : memref<1x128x128xf32, #tpu.memory_space<vmem>> -> memref<128x128xf32, #tpu.memory_space<vmem>>
      %dma_start3A_175 = arith.constant 0 : i32
      %dma_start3A_176 = tpu.memref_slice %arg6[%select_n3A_149, %dma_start3A_168, %dma_start3A_175] : memref<2x4x128xi32, #tpu.memory_space<vmem>> -> memref<1x1x128xi32, #tpu.memory_space<vmem>>
      %dma_start3A_177 = tpu.memref_squeeze %dma_start3A_176 : memref<1x1x128xi32, #tpu.memory_space<vmem>> -> memref<128xi32, #tpu.memory_space<vmem>>
      %dma_start3A_178 = arith.constant 0 : i32
      %dma_start3A_179 = arith.constant 0 : i32
      %dma_start3A_180 = tpu.memref_slice %arg2[%dma_start3A_178, %dma_start3A_179] : memref<10000x128xf32, #tpu.memory_space<hbm>> -> memref<10000x128xf32, #tpu.memory_space<hbm>>
      %dma_start3A_181 = tpu.memref_slice %arg10[%dma_start3A_170] : memref<2x!tpu.dma_semaphore, #tpu.memory_space<semaphore_mem>> -> memref<1x!tpu.dma_semaphore, #tpu.memory_space<semaphore_mem>>
      %dma_start3A_182 = tpu.memref_squeeze %dma_start3A_181 : memref<1x!tpu.dma_semaphore, #tpu.memory_space<semaphore_mem>> -> memref<!tpu.dma_semaphore, #tpu.memory_space<semaphore_mem>>
      tpu.enqueue_indirect_dma source(%dma_start3A_180 : memref<10000x128xf32, #tpu.memory_space<hbm>>) target(%dma_start3A_174 : memref<128x128xf32, #tpu.memory_space<vmem>>) offsets(%dma_start3A_177 : memref<128xi32, #tpu.memory_space<vmem>>) semaphore(%dma_start3A_182 : memref<!tpu.dma_semaphore, #tpu.memory_space<semaphore_mem>>)
      %dma_wait3A_183 = arith.constant 1 : i32
      %dma_wait3A_184 = arith.constant 1 : i32
      %dma_wait3A_185 = arith.constant 1 : i32
      %dma_wait3A_186 = arith.constant 0 : i32
      %dma_wait3A_187 = arith.constant 0 : i32
      %dma_wait3A_188 = tpu.memref_slice %arg8[%dma_wait3A_184, %dma_wait3A_186, %dma_wait3A_187] : memref<2x128x128xf32, #tpu.memory_space<vmem>> -> memref<1x128x128xf32, #tpu.memory_space<vmem>>
      %dma_wait3A_189 = tpu.memref_squeeze %dma_wait3A_188 : memref<1x128x128xf32, #tpu.memory_space<vmem>> -> memref<128x128xf32, #tpu.memory_space<vmem>>
      %dma_wait3A_190 = arith.constant 0 : i32
      %dma_wait3A_191 = tpu.memref_slice %arg6[%select_n3A_149, %dma_wait3A_183, %dma_wait3A_190] : memref<2x4x128xi32, #tpu.memory_space<vmem>> -> memref<1x1x128xi32, #tpu.memory_space<vmem>>
      %dma_wait3A_192 = tpu.memref_squeeze %dma_wait3A_191 : memref<1x1x128xi32, #tpu.memory_space<vmem>> -> memref<128xi32, #tpu.memory_space<vmem>>
      %dma_wait3A_193 = arith.constant 0 : i32
      %dma_wait3A_194 = arith.constant 0 : i32
      %dma_wait3A_195 = tpu.memref_slice %arg2[%dma_wait3A_193, %dma_wait3A_194] : memref<10000x128xf32, #tpu.memory_space<hbm>> -> memref<10000x128xf32, #tpu.memory_space<hbm>>
      %dma_wait3A_196 = tpu.memref_slice %arg10[%dma_wait3A_185] : memref<2x!tpu.dma_semaphore, #tpu.memory_space<semaphore_mem>> -> memref<1x!tpu.dma_semaphore, #tpu.memory_space<semaphore_mem>>
      %dma_wait3A_197 = tpu.memref_squeeze %dma_wait3A_196 : memref<1x!tpu.dma_semaphore, #tpu.memory_space<semaphore_mem>> -> memref<!tpu.dma_semaphore, #tpu.memory_space<semaphore_mem>>
      tpu.wait_indirect_dma semaphore(%dma_wait3A_197 : memref<!tpu.dma_semaphore, #tpu.memory_space<semaphore_mem>>) src(%dma_wait3A_195 : memref<10000x128xf32, #tpu.memory_space<hbm>>) dst(%dma_wait3A_189 : memref<128x128xf32, #tpu.memory_space<vmem>>)
      %run_scoped3A_198 = arith.constant 1 : i32
      %run_scoped3A_199 = arith.constant 1 : i32
      "tpu.region"() ({
        %run_scoped3A_265 = tpu.sem_alloc : memref<!tpu.dma_semaphore, #tpu.memory_space<semaphore_mem>>
        %dma_start3A_266 = arith.constant 0 : i32
        %dma_start3A_267 = arith.constant 0 : i32
        %dma_start3A_268 = tpu.memref_slice %arg8[%run_scoped3A_198, %dma_start3A_266, %dma_start3A_267] : memref<2x128x128xf32, #tpu.memory_space<vmem>> -> memref<1x128x128xf32, #tpu.memory_space<vmem>>
        %dma_start3A_269 = tpu.memref_squeeze %dma_start3A_268 : memref<1x128x128xf32, #tpu.memory_space<vmem>> -> memref<128x128xf32, #tpu.memory_space<vmem>>
        %dma_start3A_270 = arith.constant 0 : i32
        %dma_start3A_271 = tpu.memref_slice %arg7[%select_n3A_149, %run_scoped3A_199, %dma_start3A_270] : memref<2x4x128xi32, #tpu.memory_space<vmem>> -> memref<1x1x128xi32, #tpu.memory_space<vmem>>
        %dma_start3A_272 = tpu.memref_squeeze %dma_start3A_271 : memref<1x1x128xi32, #tpu.memory_space<vmem>> -> memref<128xi32, #tpu.memory_space<vmem>>
        %dma_start3A_273 = arith.constant 0 : i32
        %dma_start3A_274 = arith.constant 0 : i32
        %dma_start3A_275 = tpu.memref_slice %arg9[%dma_start3A_273, %dma_start3A_274] : memref<10112x128xf32, #tpu.memory_space<vmem_shared>> -> memref<10112x128xf32, #tpu.memory_space<vmem_shared>>
        tpu.enqueue_indirect_dma source(%dma_start3A_269 : memref<128x128xf32, #tpu.memory_space<vmem>>) target(%dma_start3A_275 : memref<10112x128xf32, #tpu.memory_space<vmem_shared>>) offsets(%dma_start3A_272 : memref<128xi32, #tpu.memory_space<vmem>>) semaphore(%run_scoped3A_265 : memref<!tpu.dma_semaphore, #tpu.memory_space<semaphore_mem>>) {add = true}
        %dma_wait3A_276 = arith.constant 0 : i32
        %dma_wait3A_277 = arith.constant 0 : i32
        %dma_wait3A_278 = tpu.memref_slice %arg8[%run_scoped3A_198, %dma_wait3A_276, %dma_wait3A_277] : memref<2x128x128xf32, #tpu.memory_space<vmem>> -> memref<1x128x128xf32, #tpu.memory_space<vmem>>
        %dma_wait3A_279 = tpu.memref_squeeze %dma_wait3A_278 : memref<1x128x128xf32, #tpu.memory_space<vmem>> -> memref<128x128xf32, #tpu.memory_space<vmem>>
        %dma_wait3A_280 = arith.constant 0 : i32
        %dma_wait3A_281 = tpu.memref_slice %arg7[%select_n3A_149, %run_scoped3A_199, %dma_wait3A_280] : memref<2x4x128xi32, #tpu.memory_space<vmem>> -> memref<1x1x128xi32, #tpu.memory_space<vmem>>
        %dma_wait3A_282 = tpu.memref_squeeze %dma_wait3A_281 : memref<1x1x128xi32, #tpu.memory_space<vmem>> -> memref<128xi32, #tpu.memory_space<vmem>>
        %dma_wait3A_283 = arith.constant 0 : i32
        %dma_wait3A_284 = arith.constant 0 : i32
        %dma_wait3A_285 = tpu.memref_slice %arg9[%dma_wait3A_283, %dma_wait3A_284] : memref<10112x128xf32, #tpu.memory_space<vmem_shared>> -> memref<10112x128xf32, #tpu.memory_space<vmem_shared>>
        tpu.wait_indirect_dma semaphore(%run_scoped3A_265 : memref<!tpu.dma_semaphore, #tpu.memory_space<semaphore_mem>>) src(%dma_wait3A_279 : memref<128x128xf32, #tpu.memory_space<vmem>>) dst(%dma_wait3A_285 : memref<10112x128xf32, #tpu.memory_space<vmem_shared>>)
        tpu.yield
      }) : () -> ()
      %dma_start3A_200 = arith.constant 3 : i32
      %dma_start3A_201 = arith.constant 1 : i32
      %dma_start3A_202 = arith.constant 1 : i32
      %dma_start3A_203 = arith.constant 0 : i32
      %dma_start3A_204 = arith.constant 0 : i32
      %dma_start3A_205 = tpu.memref_slice %arg8[%dma_start3A_201, %dma_start3A_203, %dma_start3A_204] : memref<2x128x128xf32, #tpu.memory_space<vmem>> -> memref<1x128x128xf32, #tpu.memory_space<vmem>>
      %dma_start3A_206 = tpu.memref_squeeze %dma_start3A_205 : memref<1x128x128xf32, #tpu.memory_space<vmem>> -> memref<128x128xf32, #tpu.memory_space<vmem>>
      %dma_start3A_207 = arith.constant 0 : i32
      %dma_start3A_208 = tpu.memref_slice %arg6[%select_n3A_149, %dma_start3A_200, %dma_start3A_207] : memref<2x4x128xi32, #tpu.memory_space<vmem>> -> memref<1x1x128xi32, #tpu.memory_space<vmem>>
      %dma_start3A_209 = tpu.memref_squeeze %dma_start3A_208 : memref<1x1x128xi32, #tpu.memory_space<vmem>> -> memref<128xi32, #tpu.memory_space<vmem>>
      %dma_start3A_210 = arith.constant 0 : i32
      %dma_start3A_211 = arith.constant 0 : i32
      %dma_start3A_212 = tpu.memref_slice %arg2[%dma_start3A_210, %dma_start3A_211] : memref<10000x128xf32, #tpu.memory_space<hbm>> -> memref<10000x128xf32, #tpu.memory_space<hbm>>
      %dma_start3A_213 = tpu.memref_slice %arg10[%dma_start3A_202] : memref<2x!tpu.dma_semaphore, #tpu.memory_space<semaphore_mem>> -> memref<1x!tpu.dma_semaphore, #tpu.memory_space<semaphore_mem>>
      %dma_start3A_214 = tpu.memref_squeeze %dma_start3A_213 : memref<1x!tpu.dma_semaphore, #tpu.memory_space<semaphore_mem>> -> memref<!tpu.dma_semaphore, #tpu.memory_space<semaphore_mem>>
      tpu.enqueue_indirect_dma source(%dma_start3A_212 : memref<10000x128xf32, #tpu.memory_space<hbm>>) target(%dma_start3A_206 : memref<128x128xf32, #tpu.memory_space<vmem>>) offsets(%dma_start3A_209 : memref<128xi32, #tpu.memory_space<vmem>>) semaphore(%dma_start3A_214 : memref<!tpu.dma_semaphore, #tpu.memory_space<semaphore_mem>>)
      %dma_wait3A_215 = arith.constant 2 : i32
      %dma_wait3A_216 = arith.constant 0 : i32
      %dma_wait3A_217 = arith.constant 0 : i32
      %dma_wait3A_218 = arith.constant 0 : i32
      %dma_wait3A_219 = arith.constant 0 : i32
      %dma_wait3A_220 = tpu.memref_slice %arg8[%dma_wait3A_216, %dma_wait3A_218, %dma_wait3A_219] : memref<2x128x128xf32, #tpu.memory_space<vmem>> -> memref<1x128x128xf32, #tpu.memory_space<vmem>>
      %dma_wait3A_221 = tpu.memref_squeeze %dma_wait3A_220 : memref<1x128x128xf32, #tpu.memory_space<vmem>> -> memref<128x128xf32, #tpu.memory_space<vmem>>
      %dma_wait3A_222 = arith.constant 0 : i32
      %dma_wait3A_223 = tpu.memref_slice %arg6[%select_n3A_149, %dma_wait3A_215, %dma_wait3A_222] : memref<2x4x128xi32, #tpu.memory_space<vmem>> -> memref<1x1x128xi32, #tpu.memory_space<vmem>>
      %dma_wait3A_224 = tpu.memref_squeeze %dma_wait3A_223 : memref<1x1x128xi32, #tpu.memory_space<vmem>> -> memref<128xi32, #tpu.memory_space<vmem>>
      %dma_wait3A_225 = arith.constant 0 : i32
      %dma_wait3A_226 = arith.constant 0 : i32
      %dma_wait3A_227 = tpu.memref_slice %arg2[%dma_wait3A_225, %dma_wait3A_226] : memref<10000x128xf32, #tpu.memory_space<hbm>> -> memref<10000x128xf32, #tpu.memory_space<hbm>>
      %dma_wait3A_228 = tpu.memref_slice %arg10[%dma_wait3A_217] : memref<2x!tpu.dma_semaphore, #tpu.memory_space<semaphore_mem>> -> memref<1x!tpu.dma_semaphore, #tpu.memory_space<semaphore_mem>>
      %dma_wait3A_229 = tpu.memref_squeeze %dma_wait3A_228 : memref<1x!tpu.dma_semaphore, #tpu.memory_space<semaphore_mem>> -> memref<!tpu.dma_semaphore, #tpu.memory_space<semaphore_mem>>
      tpu.wait_indirect_dma semaphore(%dma_wait3A_229 : memref<!tpu.dma_semaphore, #tpu.memory_space<semaphore_mem>>) src(%dma_wait3A_227 : memref<10000x128xf32, #tpu.memory_space<hbm>>) dst(%dma_wait3A_221 : memref<128x128xf32, #tpu.memory_space<vmem>>)
      %run_scoped3A_230 = arith.constant 0 : i32
      %run_scoped3A_231 = arith.constant 2 : i32
      "tpu.region"() ({
        %run_scoped3A_265 = tpu.sem_alloc : memref<!tpu.dma_semaphore, #tpu.memory_space<semaphore_mem>>
        %dma_start3A_266 = arith.constant 0 : i32
        %dma_start3A_267 = arith.constant 0 : i32
        %dma_start3A_268 = tpu.memref_slice %arg8[%run_scoped3A_230, %dma_start3A_266, %dma_start3A_267] : memref<2x128x128xf32, #tpu.memory_space<vmem>> -> memref<1x128x128xf32, #tpu.memory_space<vmem>>
        %dma_start3A_269 = tpu.memref_squeeze %dma_start3A_268 : memref<1x128x128xf32, #tpu.memory_space<vmem>> -> memref<128x128xf32, #tpu.memory_space<vmem>>
        %dma_start3A_270 = arith.constant 0 : i32
        %dma_start3A_271 = tpu.memref_slice %arg7[%select_n3A_149, %run_scoped3A_231, %dma_start3A_270] : memref<2x4x128xi32, #tpu.memory_space<vmem>> -> memref<1x1x128xi32, #tpu.memory_space<vmem>>
        %dma_start3A_272 = tpu.memref_squeeze %dma_start3A_271 : memref<1x1x128xi32, #tpu.memory_space<vmem>> -> memref<128xi32, #tpu.memory_space<vmem>>
        %dma_start3A_273 = arith.constant 0 : i32
        %dma_start3A_274 = arith.constant 0 : i32
        %dma_start3A_275 = tpu.memref_slice %arg9[%dma_start3A_273, %dma_start3A_274] : memref<10112x128xf32, #tpu.memory_space<vmem_shared>> -> memref<10112x128xf32, #tpu.memory_space<vmem_shared>>
        tpu.enqueue_indirect_dma source(%dma_start3A_269 : memref<128x128xf32, #tpu.memory_space<vmem>>) target(%dma_start3A_275 : memref<10112x128xf32, #tpu.memory_space<vmem_shared>>) offsets(%dma_start3A_272 : memref<128xi32, #tpu.memory_space<vmem>>) semaphore(%run_scoped3A_265 : memref<!tpu.dma_semaphore, #tpu.memory_space<semaphore_mem>>) {add = true}
        %dma_wait3A_276 = arith.constant 0 : i32
        %dma_wait3A_277 = arith.constant 0 : i32
        %dma_wait3A_278 = tpu.memref_slice %arg8[%run_scoped3A_230, %dma_wait3A_276, %dma_wait3A_277] : memref<2x128x128xf32, #tpu.memory_space<vmem>> -> memref<1x128x128xf32, #tpu.memory_space<vmem>>
        %dma_wait3A_279 = tpu.memref_squeeze %dma_wait3A_278 : memref<1x128x128xf32, #tpu.memory_space<vmem>> -> memref<128x128xf32, #tpu.memory_space<vmem>>
        %dma_wait3A_280 = arith.constant 0 : i32
        %dma_wait3A_281 = tpu.memref_slice %arg7[%select_n3A_149, %run_scoped3A_231, %dma_wait3A_280] : memref<2x4x128xi32, #tpu.memory_space<vmem>> -> memref<1x1x128xi32, #tpu.memory_space<vmem>>
        %dma_wait3A_282 = tpu.memref_squeeze %dma_wait3A_281 : memref<1x1x128xi32, #tpu.memory_space<vmem>> -> memref<128xi32, #tpu.memory_space<vmem>>
        %dma_wait3A_283 = arith.constant 0 : i32
        %dma_wait3A_284 = arith.constant 0 : i32
        %dma_wait3A_285 = tpu.memref_slice %arg9[%dma_wait3A_283, %dma_wait3A_284] : memref<10112x128xf32, #tpu.memory_space<vmem_shared>> -> memref<10112x128xf32, #tpu.memory_space<vmem_shared>>
        tpu.wait_indirect_dma semaphore(%run_scoped3A_265 : memref<!tpu.dma_semaphore, #tpu.memory_space<semaphore_mem>>) src(%dma_wait3A_279 : memref<128x128xf32, #tpu.memory_space<vmem>>) dst(%dma_wait3A_285 : memref<10112x128xf32, #tpu.memory_space<vmem_shared>>)
        tpu.yield
      }) : () -> ()
      %add3A_232 = arith.constant 1 : i32
      %add3A_233 = arith.addi %while3A_137, %add3A_232 : i32
      %lt3A_234 = arith.cmpi slt, %add3A_233, %add3A_6 : i32
      %convert_element_type3A = arith.extui %lt3A_234 : i1 to i32
      %cond3A = arith.constant 0 : i32
      %cond3A_235 = arith.cmpi ne, %convert_element_type3A, %cond3A : i32
      scf.if %cond3A_235 {
        %add3A_265 = arith.constant 1 : i32
        %add3A_266 = arith.addi %while3A_137, %add3A_265 : i32
        %mul3A_267 = arith.constant 4 : i32
        %mul3A_268 = arith.muli %add3A_266, %mul3A_267 : i32
        %add3A_269 = arith.addi %mul3A_12, %mul3A_268 : i32
        %dma_wait3A_270 = arith.constant 0 : i32
        %dma_wait3A_271 = arith.constant 0 : i32
        %dma_wait3A_272 = arith.constant 0 : i32
        %dma_wait3A_273 = tpu.memref_slice %arg6[%sub3A_150, %dma_wait3A_271, %dma_wait3A_272] : memref<2x4x128xi32, #tpu.memory_space<vmem>> -> memref<1x4x128xi32, #tpu.memory_space<vmem>>
        %dma_wait3A_274 = tpu.memref_squeeze %dma_wait3A_273 : memref<1x4x128xi32, #tpu.memory_space<vmem>> -> memref<4x128xi32, #tpu.memory_space<vmem>>
        %dma_wait3A_275 = arith.constant 0 : i32
        %dma_wait3A_276 = tpu.memref_slice %arg3[%dma_wait3A_270, %add3A_269, %dma_wait3A_275] : memref<2x2500x128xi32, #tpu.memory_space<hbm>> -> memref<1x4x128xi32, #tpu.memory_space<hbm>>
        %dma_wait3A_277 = tpu.memref_squeeze %dma_wait3A_276 : memref<1x4x128xi32, #tpu.memory_space<hbm>> -> memref<4x128xi32, #tpu.memory_space<hbm>>
        %dma_wait3A_278 = tpu.memref_slice %arg11[%sub3A_150] : memref<2x!tpu.dma_semaphore, #tpu.memory_space<semaphore_mem>> -> memref<1x!tpu.dma_semaphore, #tpu.memory_space<semaphore_mem>>
        %dma_wait3A_279 = tpu.memref_squeeze %dma_wait3A_278 : memref<1x!tpu.dma_semaphore, #tpu.memory_space<semaphore_mem>> -> memref<!tpu.dma_semaphore, #tpu.memory_space<semaphore_mem>>
        %dma_wait3A_280 = arith.constant 0 : i32
        %dma_wait3A_281 = arith.constant 0 : i32
        %dma_wait3A_282 = tpu.memref_slice %arg6[%sub3A_150, %dma_wait3A_280, %dma_wait3A_281] : memref<2x4x128xi32, #tpu.memory_space<vmem>> -> memref<1x4x128xi32, #tpu.memory_space<vmem>>
        %dma_wait3A_283 = tpu.memref_squeeze %dma_wait3A_282 : memref<1x4x128xi32, #tpu.memory_space<vmem>> -> memref<4x128xi32, #tpu.memory_space<vmem>>
        %dma_wait3A_284 = arith.constant 0 : i32
        %dma_wait3A_285 = tpu.memref_slice %arg3[%dma_wait3A_270, %add3A_269, %dma_wait3A_284] : memref<2x2500x128xi32, #tpu.memory_space<hbm>> -> memref<1x4x128xi32, #tpu.memory_space<hbm>>
        %dma_wait3A_286 = tpu.memref_squeeze %dma_wait3A_285 : memref<1x4x128xi32, #tpu.memory_space<hbm>> -> memref<4x128xi32, #tpu.memory_space<hbm>>
        tpu.wait_dma2 semaphore(%dma_wait3A_279 : memref<!tpu.dma_semaphore, #tpu.memory_space<semaphore_mem>>) src(%dma_wait3A_286 : memref<4x128xi32, #tpu.memory_space<hbm>>) dst(%dma_wait3A_283 : memref<4x128xi32, #tpu.memory_space<vmem>>)
        %add3A_287 = arith.constant 1 : i32
        %add3A_288 = arith.addi %while3A_137, %add3A_287 : i32
        %mul3A_289 = arith.constant 4 : i32
        %mul3A_290 = arith.muli %add3A_288, %mul3A_289 : i32
        %add3A_291 = arith.addi %mul3A_12, %mul3A_290 : i32
        %dma_wait3A_292 = arith.constant 1 : i32
        %dma_wait3A_293 = arith.constant 0 : i32
        %dma_wait3A_294 = arith.constant 0 : i32
        %dma_wait3A_295 = tpu.memref_slice %arg7[%sub3A_150, %dma_wait3A_293, %dma_wait3A_294] : memref<2x4x128xi32, #tpu.memory_space<vmem>> -> memref<1x4x128xi32, #tpu.memory_space<vmem>>
        %dma_wait3A_296 = tpu.memref_squeeze %dma_wait3A_295 : memref<1x4x128xi32, #tpu.memory_space<vmem>> -> memref<4x128xi32, #tpu.memory_space<vmem>>
        %dma_wait3A_297 = arith.constant 0 : i32
        %dma_wait3A_298 = tpu.memref_slice %arg3[%dma_wait3A_292, %add3A_291, %dma_wait3A_297] : memref<2x2500x128xi32, #tpu.memory_space<hbm>> -> memref<1x4x128xi32, #tpu.memory_space<hbm>>
        %dma_wait3A_299 = tpu.memref_squeeze %dma_wait3A_298 : memref<1x4x128xi32, #tpu.memory_space<hbm>> -> memref<4x128xi32, #tpu.memory_space<hbm>>
        %dma_wait3A_300 = tpu.memref_slice %arg11[%sub3A_150] : memref<2x!tpu.dma_semaphore, #tpu.memory_space<semaphore_mem>> -> memref<1x!tpu.dma_semaphore, #tpu.memory_space<semaphore_mem>>
        %dma_wait3A_301 = tpu.memref_squeeze %dma_wait3A_300 : memref<1x!tpu.dma_semaphore, #tpu.memory_space<semaphore_mem>> -> memref<!tpu.dma_semaphore, #tpu.memory_space<semaphore_mem>>
        %dma_wait3A_302 = arith.constant 0 : i32
        %dma_wait3A_303 = arith.constant 0 : i32
        %dma_wait3A_304 = tpu.memref_slice %arg7[%sub3A_150, %dma_wait3A_302, %dma_wait3A_303] : memref<2x4x128xi32, #tpu.memory_space<vmem>> -> memref<1x4x128xi32, #tpu.memory_space<vmem>>
        %dma_wait3A_305 = tpu.memref_squeeze %dma_wait3A_304 : memref<1x4x128xi32, #tpu.memory_space<vmem>> -> memref<4x128xi32, #tpu.memory_space<vmem>>
        %dma_wait3A_306 = arith.constant 0 : i32
        %dma_wait3A_307 = tpu.memref_slice %arg3[%dma_wait3A_292, %add3A_291, %dma_wait3A_306] : memref<2x2500x128xi32, #tpu.memory_space<hbm>> -> memref<1x4x128xi32, #tpu.memory_space<hbm>>
        %dma_wait3A_308 = tpu.memref_squeeze %dma_wait3A_307 : memref<1x4x128xi32, #tpu.memory_space<hbm>> -> memref<4x128xi32, #tpu.memory_space<hbm>>
        tpu.wait_dma2 semaphore(%dma_wait3A_301 : memref<!tpu.dma_semaphore, #tpu.memory_space<semaphore_mem>>) src(%dma_wait3A_308 : memref<4x128xi32, #tpu.memory_space<hbm>>) dst(%dma_wait3A_305 : memref<4x128xi32, #tpu.memory_space<vmem>>)
        %dma_start3A_309 = arith.constant 0 : i32
        %dma_start3A_310 = arith.constant 0 : i32
        %dma_start3A_311 = arith.constant 0 : i32
        %dma_start3A_312 = arith.constant 0 : i32
        %dma_start3A_313 = arith.constant 0 : i32
        %dma_start3A_314 = tpu.memref_slice %arg8[%dma_start3A_310, %dma_start3A_312, %dma_start3A_313] : memref<2x128x128xf32, #tpu.memory_space<vmem>> -> memref<1x128x128xf32, #tpu.memory_space<vmem>>
        %dma_start3A_315 = tpu.memref_squeeze %dma_start3A_314 : memref<1x128x128xf32, #tpu.memory_space<vmem>> -> memref<128x128xf32, #tpu.memory_space<vmem>>
        %dma_start3A_316 = arith.constant 0 : i32
        %dma_start3A_317 = tpu.memref_slice %arg6[%sub3A_150, %dma_start3A_309, %dma_start3A_316] : memref<2x4x128xi32, #tpu.memory_space<vmem>> -> memref<1x1x128xi32, #tpu.memory_space<vmem>>
        %dma_start3A_318 = tpu.memref_squeeze %dma_start3A_317 : memref<1x1x128xi32, #tpu.memory_space<vmem>> -> memref<128xi32, #tpu.memory_space<vmem>>
        %dma_start3A_319 = arith.constant 0 : i32
        %dma_start3A_320 = arith.constant 0 : i32
        %dma_start3A_321 = tpu.memref_slice %arg2[%dma_start3A_319, %dma_start3A_320] : memref<10000x128xf32, #tpu.memory_space<hbm>> -> memref<10000x128xf32, #tpu.memory_space<hbm>>
        %dma_start3A_322 = tpu.memref_slice %arg10[%dma_start3A_311] : memref<2x!tpu.dma_semaphore, #tpu.memory_space<semaphore_mem>> -> memref<1x!tpu.dma_semaphore, #tpu.memory_space<semaphore_mem>>
        %dma_start3A_323 = tpu.memref_squeeze %dma_start3A_322 : memref<1x!tpu.dma_semaphore, #tpu.memory_space<semaphore_mem>> -> memref<!tpu.dma_semaphore, #tpu.memory_space<semaphore_mem>>
        tpu.enqueue_indirect_dma source(%dma_start3A_321 : memref<10000x128xf32, #tpu.memory_space<hbm>>) target(%dma_start3A_315 : memref<128x128xf32, #tpu.memory_space<vmem>>) offsets(%dma_start3A_318 : memref<128xi32, #tpu.memory_space<vmem>>) semaphore(%dma_start3A_323 : memref<!tpu.dma_semaphore, #tpu.memory_space<semaphore_mem>>)
      } else {
      }
      %dma_wait3A_236 = arith.constant 3 : i32
      %dma_wait3A_237 = arith.constant 1 : i32
      %dma_wait3A_238 = arith.constant 1 : i32
      %dma_wait3A_239 = arith.constant 0 : i32
      %dma_wait3A_240 = arith.constant 0 : i32
      %dma_wait3A_241 = tpu.memref_slice %arg8[%dma_wait3A_237, %dma_wait3A_239, %dma_wait3A_240] : memref<2x128x128xf32, #tpu.memory_space<vmem>> -> memref<1x128x128xf32, #tpu.memory_space<vmem>>
      %dma_wait3A_242 = tpu.memref_squeeze %dma_wait3A_241 : memref<1x128x128xf32, #tpu.memory_space<vmem>> -> memref<128x128xf32, #tpu.memory_space<vmem>>
      %dma_wait3A_243 = arith.constant 0 : i32
      %dma_wait3A_244 = tpu.memref_slice %arg6[%select_n3A_149, %dma_wait3A_236, %dma_wait3A_243] : memref<2x4x128xi32, #tpu.memory_space<vmem>> -> memref<1x1x128xi32, #tpu.memory_space<vmem>>
      %dma_wait3A_245 = tpu.memref_squeeze %dma_wait3A_244 : memref<1x1x128xi32, #tpu.memory_space<vmem>> -> memref<128xi32, #tpu.memory_space<vmem>>
      %dma_wait3A_246 = arith.constant 0 : i32
      %dma_wait3A_247 = arith.constant 0 : i32
      %dma_wait3A_248 = tpu.memref_slice %arg2[%dma_wait3A_246, %dma_wait3A_247] : memref<10000x128xf32, #tpu.memory_space<hbm>> -> memref<10000x128xf32, #tpu.memory_space<hbm>>
      %dma_wait3A_249 = tpu.memref_slice %arg10[%dma_wait3A_238] : memref<2x!tpu.dma_semaphore, #tpu.memory_space<semaphore_mem>> -> memref<1x!tpu.dma_semaphore, #tpu.memory_space<semaphore_mem>>
      %dma_wait3A_250 = tpu.memref_squeeze %dma_wait3A_249 : memref<1x!tpu.dma_semaphore, #tpu.memory_space<semaphore_mem>> -> memref<!tpu.dma_semaphore, #tpu.memory_space<semaphore_mem>>
      tpu.wait_indirect_dma semaphore(%dma_wait3A_250 : memref<!tpu.dma_semaphore, #tpu.memory_space<semaphore_mem>>) src(%dma_wait3A_248 : memref<10000x128xf32, #tpu.memory_space<hbm>>) dst(%dma_wait3A_242 : memref<128x128xf32, #tpu.memory_space<vmem>>)
      %run_scoped3A_251 = arith.constant 1 : i32
      %run_scoped3A_252 = arith.constant 3 : i32
      "tpu.region"() ({
        %run_scoped3A_265 = tpu.sem_alloc : memref<!tpu.dma_semaphore, #tpu.memory_space<semaphore_mem>>
        %dma_start3A_266 = arith.constant 0 : i32
        %dma_start3A_267 = arith.constant 0 : i32
        %dma_start3A_268 = tpu.memref_slice %arg8[%run_scoped3A_251, %dma_start3A_266, %dma_start3A_267] : memref<2x128x128xf32, #tpu.memory_space<vmem>> -> memref<1x128x128xf32, #tpu.memory_space<vmem>>
        %dma_start3A_269 = tpu.memref_squeeze %dma_start3A_268 : memref<1x128x128xf32, #tpu.memory_space<vmem>> -> memref<128x128xf32, #tpu.memory_space<vmem>>
        %dma_start3A_270 = arith.constant 0 : i32
        %dma_start3A_271 = tpu.memref_slice %arg7[%select_n3A_149, %run_scoped3A_252, %dma_start3A_270] : memref<2x4x128xi32, #tpu.memory_space<vmem>> -> memref<1x1x128xi32, #tpu.memory_space<vmem>>
        %dma_start3A_272 = tpu.memref_squeeze %dma_start3A_271 : memref<1x1x128xi32, #tpu.memory_space<vmem>> -> memref<128xi32, #tpu.memory_space<vmem>>
        %dma_start3A_273 = arith.constant 0 : i32
        %dma_start3A_274 = arith.constant 0 : i32
        %dma_start3A_275 = tpu.memref_slice %arg9[%dma_start3A_273, %dma_start3A_274] : memref<10112x128xf32, #tpu.memory_space<vmem_shared>> -> memref<10112x128xf32, #tpu.memory_space<vmem_shared>>
        tpu.enqueue_indirect_dma source(%dma_start3A_269 : memref<128x128xf32, #tpu.memory_space<vmem>>) target(%dma_start3A_275 : memref<10112x128xf32, #tpu.memory_space<vmem_shared>>) offsets(%dma_start3A_272 : memref<128xi32, #tpu.memory_space<vmem>>) semaphore(%run_scoped3A_265 : memref<!tpu.dma_semaphore, #tpu.memory_space<semaphore_mem>>) {add = true}
        %dma_wait3A_276 = arith.constant 0 : i32
        %dma_wait3A_277 = arith.constant 0 : i32
        %dma_wait3A_278 = tpu.memref_slice %arg8[%run_scoped3A_251, %dma_wait3A_276, %dma_wait3A_277] : memref<2x128x128xf32, #tpu.memory_space<vmem>> -> memref<1x128x128xf32, #tpu.memory_space<vmem>>
        %dma_wait3A_279 = tpu.memref_squeeze %dma_wait3A_278 : memref<1x128x128xf32, #tpu.memory_space<vmem>> -> memref<128x128xf32, #tpu.memory_space<vmem>>
        %dma_wait3A_280 = arith.constant 0 : i32
        %dma_wait3A_281 = tpu.memref_slice %arg7[%select_n3A_149, %run_scoped3A_252, %dma_wait3A_280] : memref<2x4x128xi32, #tpu.memory_space<vmem>> -> memref<1x1x128xi32, #tpu.memory_space<vmem>>
        %dma_wait3A_282 = tpu.memref_squeeze %dma_wait3A_281 : memref<1x1x128xi32, #tpu.memory_space<vmem>> -> memref<128xi32, #tpu.memory_space<vmem>>
        %dma_wait3A_283 = arith.constant 0 : i32
        %dma_wait3A_284 = arith.constant 0 : i32
        %dma_wait3A_285 = tpu.memref_slice %arg9[%dma_wait3A_283, %dma_wait3A_284] : memref<10112x128xf32, #tpu.memory_space<vmem_shared>> -> memref<10112x128xf32, #tpu.memory_space<vmem_shared>>
        tpu.wait_indirect_dma semaphore(%run_scoped3A_265 : memref<!tpu.dma_semaphore, #tpu.memory_space<semaphore_mem>>) src(%dma_wait3A_279 : memref<128x128xf32, #tpu.memory_space<vmem>>) dst(%dma_wait3A_285 : memref<10112x128xf32, #tpu.memory_space<vmem_shared>>)
        tpu.yield
      }) : () -> ()
      %add3A_253 = arith.constant 1 : i32
      %add3A_254 = arith.addi %while3A_137, %add3A_253 : i32
      %lt3A_255 = arith.cmpi slt, %add3A_254, %add3A_6 : i32
      %convert_element_type3A_256 = arith.extui %lt3A_255 : i1 to i32
      %cond3A_257 = arith.constant 0 : i32
      %cond3A_258 = arith.cmpi ne, %convert_element_type3A_256, %cond3A_257 : i32
      scf.if %cond3A_258 {
        %dma_start3A_265 = arith.constant 1 : i32
        %dma_start3A_266 = arith.constant 1 : i32
        %dma_start3A_267 = arith.constant 1 : i32
        %dma_start3A_268 = arith.constant 0 : i32
        %dma_start3A_269 = arith.constant 0 : i32
        %dma_start3A_270 = tpu.memref_slice %arg8[%dma_start3A_266, %dma_start3A_268, %dma_start3A_269] : memref<2x128x128xf32, #tpu.memory_space<vmem>> -> memref<1x128x128xf32, #tpu.memory_space<vmem>>
        %dma_start3A_271 = tpu.memref_squeeze %dma_start3A_270 : memref<1x128x128xf32, #tpu.memory_space<vmem>> -> memref<128x128xf32, #tpu.memory_space<vmem>>
        %dma_start3A_272 = arith.constant 0 : i32
        %dma_start3A_273 = tpu.memref_slice %arg6[%sub3A_150, %dma_start3A_265, %dma_start3A_272] : memref<2x4x128xi32, #tpu.memory_space<vmem>> -> memref<1x1x128xi32, #tpu.memory_space<vmem>>
        %dma_start3A_274 = tpu.memref_squeeze %dma_start3A_273 : memref<1x1x128xi32, #tpu.memory_space<vmem>> -> memref<128xi32, #tpu.memory_space<vmem>>
        %dma_start3A_275 = arith.constant 0 : i32
        %dma_start3A_276 = arith.constant 0 : i32
        %dma_start3A_277 = tpu.memref_slice %arg2[%dma_start3A_275, %dma_start3A_276] : memref<10000x128xf32, #tpu.memory_space<hbm>> -> memref<10000x128xf32, #tpu.memory_space<hbm>>
        %dma_start3A_278 = tpu.memref_slice %arg10[%dma_start3A_267] : memref<2x!tpu.dma_semaphore, #tpu.memory_space<semaphore_mem>> -> memref<1x!tpu.dma_semaphore, #tpu.memory_space<semaphore_mem>>
        %dma_start3A_279 = tpu.memref_squeeze %dma_start3A_278 : memref<1x!tpu.dma_semaphore, #tpu.memory_space<semaphore_mem>> -> memref<!tpu.dma_semaphore, #tpu.memory_space<semaphore_mem>>
        tpu.enqueue_indirect_dma source(%dma_start3A_277 : memref<10000x128xf32, #tpu.memory_space<hbm>>) target(%dma_start3A_271 : memref<128x128xf32, #tpu.memory_space<vmem>>) offsets(%dma_start3A_274 : memref<128xi32, #tpu.memory_space<vmem>>) semaphore(%dma_start3A_279 : memref<!tpu.dma_semaphore, #tpu.memory_space<semaphore_mem>>)
      } else {
      }
      %add3A_259 = arith.constant 2 : i32
      %add3A_260 = arith.addi %while3A_137, %add3A_259 : i32
      %lt3A_261 = arith.cmpi slt, %add3A_260, %add3A_6 : i32
      %convert_element_type3A_262 = arith.extui %lt3A_261 : i1 to i32
      %cond3A_263 = arith.constant 0 : i32
      %cond3A_264 = arith.cmpi ne, %convert_element_type3A_262, %cond3A_263 : i32
      scf.if %cond3A_264 {
        %add3A_265 = arith.constant 2 : i32
        %add3A_266 = arith.addi %while3A_137, %add3A_265 : i32
        %mul3A_267 = arith.constant 4 : i32
        %mul3A_268 = arith.muli %add3A_266, %mul3A_267 : i32
        %add3A_269 = arith.addi %mul3A_12, %mul3A_268 : i32
        %dma_start3A_270 = arith.constant 0 : i32
        %dma_start3A_271 = arith.constant 0 : i32
        %dma_start3A_272 = arith.constant 0 : i32
        %dma_start3A_273 = tpu.memref_slice %arg6[%select_n3A_149, %dma_start3A_271, %dma_start3A_272] : memref<2x4x128xi32, #tpu.memory_space<vmem>> -> memref<1x4x128xi32, #tpu.memory_space<vmem>>
        %dma_start3A_274 = tpu.memref_squeeze %dma_start3A_273 : memref<1x4x128xi32, #tpu.memory_space<vmem>> -> memref<4x128xi32, #tpu.memory_space<vmem>>
        %dma_start3A_275 = arith.constant 0 : i32
        %dma_start3A_276 = tpu.memref_slice %arg3[%dma_start3A_270, %add3A_269, %dma_start3A_275] : memref<2x2500x128xi32, #tpu.memory_space<hbm>> -> memref<1x4x128xi32, #tpu.memory_space<hbm>>
        %dma_start3A_277 = tpu.memref_squeeze %dma_start3A_276 : memref<1x4x128xi32, #tpu.memory_space<hbm>> -> memref<4x128xi32, #tpu.memory_space<hbm>>
        %dma_start3A_278 = tpu.memref_slice %arg11[%select_n3A_149] : memref<2x!tpu.dma_semaphore, #tpu.memory_space<semaphore_mem>> -> memref<1x!tpu.dma_semaphore, #tpu.memory_space<semaphore_mem>>
        %dma_start3A_279 = tpu.memref_squeeze %dma_start3A_278 : memref<1x!tpu.dma_semaphore, #tpu.memory_space<semaphore_mem>> -> memref<!tpu.dma_semaphore, #tpu.memory_space<semaphore_mem>>
        %dma_start3A_280 = arith.constant 0 : i32
        %dma_start3A_281 = arith.constant 0 : i32
        %dma_start3A_282 = tpu.memref_slice %arg6[%select_n3A_149, %dma_start3A_280, %dma_start3A_281] : memref<2x4x128xi32, #tpu.memory_space<vmem>> -> memref<1x4x128xi32, #tpu.memory_space<vmem>>
        %dma_start3A_283 = tpu.memref_squeeze %dma_start3A_282 : memref<1x4x128xi32, #tpu.memory_space<vmem>> -> memref<4x128xi32, #tpu.memory_space<vmem>>
        %dma_start3A_284 = arith.constant 0 : i32
        %dma_start3A_285 = tpu.memref_slice %arg3[%dma_start3A_270, %add3A_269, %dma_start3A_284] : memref<2x2500x128xi32, #tpu.memory_space<hbm>> -> memref<1x4x128xi32, #tpu.memory_space<hbm>>
        %dma_start3A_286 = tpu.memref_squeeze %dma_start3A_285 : memref<1x4x128xi32, #tpu.memory_space<hbm>> -> memref<4x128xi32, #tpu.memory_space<hbm>>
        tpu.enqueue_dma source(%dma_start3A_286 : memref<4x128xi32, #tpu.memory_space<hbm>>) target(%dma_start3A_283 : memref<4x128xi32, #tpu.memory_space<vmem>>) target_semaphore(%dma_start3A_279 : memref<!tpu.dma_semaphore, #tpu.memory_space<semaphore_mem>>)
        %add3A_287 = arith.constant 2 : i32
        %add3A_288 = arith.addi %while3A_137, %add3A_287 : i32
        %mul3A_289 = arith.constant 4 : i32
        %mul3A_290 = arith.muli %add3A_288, %mul3A_289 : i32
        %add3A_291 = arith.addi %mul3A_12, %mul3A_290 : i32
        %dma_start3A_292 = arith.constant 1 : i32
        %dma_start3A_293 = arith.constant 0 : i32
        %dma_start3A_294 = arith.constant 0 : i32
        %dma_start3A_295 = tpu.memref_slice %arg7[%select_n3A_149, %dma_start3A_293, %dma_start3A_294] : memref<2x4x128xi32, #tpu.memory_space<vmem>> -> memref<1x4x128xi32, #tpu.memory_space<vmem>>
        %dma_start3A_296 = tpu.memref_squeeze %dma_start3A_295 : memref<1x4x128xi32, #tpu.memory_space<vmem>> -> memref<4x128xi32, #tpu.memory_space<vmem>>
        %dma_start3A_297 = arith.constant 0 : i32
        %dma_start3A_298 = tpu.memref_slice %arg3[%dma_start3A_292, %add3A_291, %dma_start3A_297] : memref<2x2500x128xi32, #tpu.memory_space<hbm>> -> memref<1x4x128xi32, #tpu.memory_space<hbm>>
        %dma_start3A_299 = tpu.memref_squeeze %dma_start3A_298 : memref<1x4x128xi32, #tpu.memory_space<hbm>> -> memref<4x128xi32, #tpu.memory_space<hbm>>
        %dma_start3A_300 = tpu.memref_slice %arg11[%select_n3A_149] : memref<2x!tpu.dma_semaphore, #tpu.memory_space<semaphore_mem>> -> memref<1x!tpu.dma_semaphore, #tpu.memory_space<semaphore_mem>>
        %dma_start3A_301 = tpu.memref_squeeze %dma_start3A_300 : memref<1x!tpu.dma_semaphore, #tpu.memory_space<semaphore_mem>> -> memref<!tpu.dma_semaphore, #tpu.memory_space<semaphore_mem>>
        %dma_start3A_302 = arith.constant 0 : i32
        %dma_start3A_303 = arith.constant 0 : i32
        %dma_start3A_304 = tpu.memref_slice %arg7[%select_n3A_149, %dma_start3A_302, %dma_start3A_303] : memref<2x4x128xi32, #tpu.memory_space<vmem>> -> memref<1x4x128xi32, #tpu.memory_space<vmem>>
        %dma_start3A_305 = tpu.memref_squeeze %dma_start3A_304 : memref<1x4x128xi32, #tpu.memory_space<vmem>> -> memref<4x128xi32, #tpu.memory_space<vmem>>
        %dma_start3A_306 = arith.constant 0 : i32
        %dma_start3A_307 = tpu.memref_slice %arg3[%dma_start3A_292, %add3A_291, %dma_start3A_306] : memref<2x2500x128xi32, #tpu.memory_space<hbm>> -> memref<1x4x128xi32, #tpu.memory_space<hbm>>
        %dma_start3A_308 = tpu.memref_squeeze %dma_start3A_307 : memref<1x4x128xi32, #tpu.memory_space<hbm>> -> memref<4x128xi32, #tpu.memory_space<hbm>>
        tpu.enqueue_dma source(%dma_start3A_308 : memref<4x128xi32, #tpu.memory_space<hbm>>) target(%dma_start3A_305 : memref<4x128xi32, #tpu.memory_space<vmem>>) target_semaphore(%dma_start3A_301 : memref<!tpu.dma_semaphore, #tpu.memory_space<semaphore_mem>>)
      } else {
      }
    }
    %barrier3A_136 = arith.constant 0 : index
    tpu.barrier barrier_id(%barrier3A_136)
    "tpu.region"() ({
      %run_scoped3A_137 = tpu.sem_alloc : memref<!tpu.dma_semaphore, #tpu.memory_space<semaphore_mem>>
      %dma_start3A_138 = arith.constant 0 : i32
      %dma_start3A_139 = arith.constant 0 : i32
      %dma_start3A_140 = tpu.memref_slice %arg5[%arg0, %dma_start3A_138, %dma_start3A_139] : memref<2x10112x128xf32, #tpu.memory_space<hbm>> -> memref<1x10112x128xf32, #tpu.memory_space<hbm>>
      %dma_start3A_141 = tpu.memref_squeeze %dma_start3A_140 : memref<1x10112x128xf32, #tpu.memory_space<hbm>> -> memref<10112x128xf32, #tpu.memory_space<hbm>>
      %dma_start3A_142 = arith.constant 0 : i32
      %dma_start3A_143 = tpu.memref_slice %dma_start3A_141[%mul3A_2, %dma_start3A_142] : memref<10112x128xf32, #tpu.memory_space<hbm>> -> memref<632x128xf32, #tpu.memory_space<hbm>>
      %dma_start3A_144 = arith.constant 0 : i32
      %dma_start3A_145 = tpu.memref_slice %arg9[%mul3A_2, %dma_start3A_144] : memref<10112x128xf32, #tpu.memory_space<vmem_shared>> -> memref<632x128xf32, #tpu.memory_space<vmem_shared>>
      tpu.enqueue_dma source(%dma_start3A_145 : memref<632x128xf32, #tpu.memory_space<vmem_shared>>) target(%dma_start3A_143 : memref<632x128xf32, #tpu.memory_space<hbm>>) target_semaphore(%run_scoped3A_137 : memref<!tpu.dma_semaphore, #tpu.memory_space<semaphore_mem>>)
      %dma_wait3A_146 = arith.constant 0 : i32
      %dma_wait3A_147 = arith.constant 0 : i32
      %dma_wait3A_148 = tpu.memref_slice %arg5[%arg0, %dma_wait3A_146, %dma_wait3A_147] : memref<2x10112x128xf32, #tpu.memory_space<hbm>> -> memref<1x10112x128xf32, #tpu.memory_space<hbm>>
      %dma_wait3A_149 = tpu.memref_squeeze %dma_wait3A_148 : memref<1x10112x128xf32, #tpu.memory_space<hbm>> -> memref<10112x128xf32, #tpu.memory_space<hbm>>
      %dma_wait3A_150 = arith.constant 0 : i32
      %dma_wait3A_151 = tpu.memref_slice %dma_wait3A_149[%mul3A_2, %dma_wait3A_150] : memref<10112x128xf32, #tpu.memory_space<hbm>> -> memref<632x128xf32, #tpu.memory_space<hbm>>
      %dma_wait3A_152 = arith.constant 0 : i32
      %dma_wait3A_153 = tpu.memref_slice %arg9[%mul3A_2, %dma_wait3A_152] : memref<10112x128xf32, #tpu.memory_space<vmem_shared>> -> memref<632x128xf32, #tpu.memory_space<vmem_shared>>
      tpu.wait_dma2 semaphore(%run_scoped3A_137 : memref<!tpu.dma_semaphore, #tpu.memory_space<semaphore_mem>>) src(%dma_wait3A_153 : memref<632x128xf32, #tpu.memory_space<vmem_shared>>) dst(%dma_wait3A_151 : memref<632x128xf32, #tpu.memory_space<hbm>>)
      tpu.yield
    }) : () -> ()
    return
  }
}

module attributes {stable_mosaic.version = 14 : i64} {
  func.func @_dense2_body(%arg0: memref<2x10112x128xf32, #tpu.memory_space<vmem>>, %arg1: memref<10000x128xf32, #tpu.memory_space<vmem>>, %arg2: memref<1x10000xi32, #tpu.memory_space<vmem>>, %arg3: memref<128x128xf32, #tpu.memory_space<vmem>>, %arg4: memref<128xf32, #tpu.memory_space<vmem>>, %arg5: memref<128x128xf32, #tpu.memory_space<vmem>>, %arg6: memref<128xf32, #tpu.memory_space<vmem>>, %arg7: memref<128xf32, #tpu.memory_space<vmem>>, %arg8: memref<10x128xf32, #tpu.memory_space<vmem>>, %arg9: memref<10xf32, #tpu.memory_space<vmem>>, %arg10: memref<64x10xf32, #tpu.memory_space<vmem>>, %arg11: memref<10000x128xf32, #tpu.memory_space<vmem>>) attributes {dimension_semantics = [], scalar_prefetch = 0 : i64, scratch_operands = 0 : i64, tpu.core_type = #tpu.core_type<tc>} {
    %get3A = arith.constant 0 : index
    %get3A_0 = arith.constant 0 : index
    %get3A_1 = arith.constant 0 : index
    %get3A_2 = vector.load %arg0[%get3A, %get3A_0, %get3A_1] : memref<2x10112x128xf32, #tpu.memory_space<vmem>>, vector<1x10000x128xf32>
    %get3A_3 = vector.shape_cast %get3A_2 : vector<1x10000x128xf32> to vector<10000x128xf32>
    %get3A_4 = arith.constant 1 : index
    %get3A_5 = arith.constant 0 : index
    %get3A_6 = arith.constant 0 : index
    %get3A_7 = vector.load %arg0[%get3A_4, %get3A_5, %get3A_6] : memref<2x10112x128xf32, #tpu.memory_space<vmem>>, vector<1x10000x128xf32>
    %get3A_8 = vector.shape_cast %get3A_7 : vector<1x10000x128xf32> to vector<10000x128xf32>
    %add3A = arith.addf %get3A_3, %get3A_8 : vector<10000x128xf32>
    %get3A_9 = arith.constant 0 : index
    %get3A_10 = arith.constant 0 : index
    %get3A_11 = vector.load %arg1[%get3A_9, %get3A_10] : memref<10000x128xf32, #tpu.memory_space<vmem>>, vector<10000x128xf32>
    %get3A_12 = arith.constant 0 : index
    %get3A_13 = arith.constant 0 : index
    %get3A_14 = vector.load %arg3[%get3A_12, %get3A_13] : memref<128x128xf32, #tpu.memory_space<vmem>>, vector<128x128xf32>
    %dot_general3A = arith.constant dense<0.000000e+00> : vector<10000x128xf32>
    %dot_general3A_15 = tpu.matmul %add3A, %get3A_14, %dot_general3A {dimension_numbers = #tpu.dot_dimension_numbers<[1], [1], [0], [0], [0, 0, 1, 0], [], []>, transpose_lhs_hint = false} : vector<10000x128xf32>, vector<128x128xf32>, vector<10000x128xf32> -> vector<10000x128xf32>
    %get3A_16 = arith.constant 0 : index
    %get3A_17 = arith.constant 0 : index
    %get3A_18 = vector.load %arg5[%get3A_16, %get3A_17] : memref<128x128xf32, #tpu.memory_space<vmem>>, vector<128x128xf32>
    %dot_general3A_19 = arith.constant dense<0.000000e+00> : vector<10000x128xf32>
    %dot_general3A_20 = tpu.matmul %get3A_11, %get3A_18, %dot_general3A_19 {dimension_numbers = #tpu.dot_dimension_numbers<[1], [1], [0], [0], [0, 0, 1, 0], [], []>, transpose_lhs_hint = false} : vector<10000x128xf32>, vector<128x128xf32>, vector<10000x128xf32> -> vector<10000x128xf32>
    %add3A_21 = arith.addf %dot_general3A_15, %dot_general3A_20 : vector<10000x128xf32>
    %get3A_22 = arith.constant 0 : index
    %get3A_23 = vector.load %arg4[%get3A_22] : memref<128xf32, #tpu.memory_space<vmem>>, vector<128xf32>
    %broadcast_in_dim3A = vector.shape_cast %get3A_23 : vector<128xf32> to vector<1x128xf32>
    %add3A_24 = vector.broadcast %broadcast_in_dim3A : vector<1x128xf32> to vector<10000x128xf32>
    %add3A_25 = arith.addf %add3A_21, %add3A_24 : vector<10000x128xf32>
    %reduce_sum3A = arith.constant dense<0.000000e+00> : vector<128xf32>
    %reduce_sum3A_26 = vector.multi_reduction <add>, %add3A_25, %reduce_sum3A [0] : vector<10000x128xf32> to vector<128xf32>
    %broadcast_in_dim3A_27 = vector.shape_cast %reduce_sum3A_26 : vector<128xf32> to vector<1x128xf32>
    %div3A = arith.constant 1.000000e+04 : f32
    %div3A_28 = vector.broadcast %div3A : f32 to vector<1x128xf32>
    %div3A_29 = arith.divf %broadcast_in_dim3A_27, %div3A_28 : vector<1x128xf32>
    %sub3A = vector.broadcast %div3A_29 : vector<1x128xf32> to vector<10000x128xf32>
    %sub3A_30 = arith.subf %add3A_25, %sub3A : vector<10000x128xf32>
    %sub3A_31 = vector.broadcast %div3A_29 : vector<1x128xf32> to vector<10000x128xf32>
    %sub3A_32 = arith.subf %add3A_25, %sub3A_31 : vector<10000x128xf32>
    %mul3A = arith.mulf %sub3A_30, %sub3A_32 : vector<10000x128xf32>
    %reduce_sum3A_33 = arith.constant dense<0.000000e+00> : vector<128xf32>
    %reduce_sum3A_34 = vector.multi_reduction <add>, %mul3A, %reduce_sum3A_33 [0] : vector<10000x128xf32> to vector<128xf32>
    %broadcast_in_dim3A_35 = vector.shape_cast %reduce_sum3A_34 : vector<128xf32> to vector<1x128xf32>
    %div3A_36 = arith.constant 1.000000e+04 : f32
    %div3A_37 = vector.broadcast %div3A_36 : f32 to vector<1x128xf32>
    %div3A_38 = arith.divf %broadcast_in_dim3A_35, %div3A_37 : vector<1x128xf32>
    %sub3A_39 = vector.broadcast %div3A_29 : vector<1x128xf32> to vector<10000x128xf32>
    %sub3A_40 = arith.subf %add3A_25, %sub3A_39 : vector<10000x128xf32>
    %add3A_41 = arith.constant 9.99999974E-6 : f32
    %add3A_42 = vector.broadcast %add3A_41 : f32 to vector<1x128xf32>
    %add3A_43 = arith.addf %div3A_38, %add3A_42 : vector<1x128xf32>
    %rsqrt3A = math.rsqrt %add3A_43 : vector<1x128xf32>
    %mul3A_44 = vector.broadcast %rsqrt3A : vector<1x128xf32> to vector<10000x128xf32>
    %mul3A_45 = arith.mulf %sub3A_40, %mul3A_44 : vector<10000x128xf32>
    %get3A_46 = arith.constant 0 : index
    %get3A_47 = vector.load %arg6[%get3A_46] : memref<128xf32, #tpu.memory_space<vmem>>, vector<128xf32>
    %broadcast_in_dim3A_48 = vector.shape_cast %get3A_47 : vector<128xf32> to vector<1x128xf32>
    %mul3A_49 = vector.broadcast %broadcast_in_dim3A_48 : vector<1x128xf32> to vector<10000x128xf32>
    %mul3A_50 = arith.mulf %mul3A_45, %mul3A_49 : vector<10000x128xf32>
    %get3A_51 = arith.constant 0 : index
    %get3A_52 = vector.load %arg7[%get3A_51] : memref<128xf32, #tpu.memory_space<vmem>>, vector<128xf32>
    %broadcast_in_dim3A_53 = vector.shape_cast %get3A_52 : vector<128xf32> to vector<1x128xf32>
    %add3A_54 = vector.broadcast %broadcast_in_dim3A_53 : vector<1x128xf32> to vector<10000x128xf32>
    %add3A_55 = arith.addf %mul3A_50, %add3A_54 : vector<10000x128xf32>
    %max3A = arith.constant 0.000000e+00 : f32
    %max3A_56 = vector.broadcast %max3A : f32 to vector<10000x128xf32>
    %max3A_57 = arith.maximumf %add3A_55, %max3A_56 : vector<10000x128xf32>
    %swap3A = arith.constant 0 : index
    %swap3A_58 = arith.constant 0 : index
    %swap3A_59 = vector.load %arg11[%swap3A, %swap3A_58] : memref<10000x128xf32, #tpu.memory_space<vmem>>, vector<10000x128xf32>
    tpu.vector_store %arg11[%swap3A, %swap3A_58], %max3A_57 {strides = array<i32>} : memref<10000x128xf32, #tpu.memory_space<vmem>>, vector<10000x128xf32>,
    %iota3A = tpu.iota {dimensions = array<i32: 0>} : vector<64x10000xi32>
    %get3A_60 = arith.constant 0 : index
    %get3A_61 = arith.constant 0 : index
    %get3A_62 = vector.load %arg2[%get3A_60, %get3A_61] : memref<1x10000xi32, #tpu.memory_space<vmem>>, vector<1x10000xi32>
    %eq3A = vector.broadcast %get3A_62 : vector<1x10000xi32> to vector<64x10000xi32>
    %eq3A_63 = arith.cmpi eq, %eq3A, %iota3A : vector<64x10000xi32>
    %jit3A = arith.constant 1.000000e+00 : f32
    %jit3A_64 = arith.constant 0.000000e+00 : f32
    %broadcast_in_dim3A_65 = vector.broadcast %jit3A : f32 to vector<64x10000xf32>
    %broadcast_in_dim3A_66 = vector.broadcast %jit3A_64 : f32 to vector<64x10000xf32>
    %select_n3A = arith.select %eq3A_63, %broadcast_in_dim3A_65, %broadcast_in_dim3A_66 : vector<64x10000xi1>, vector<64x10000xf32>
    %dot_general3A_67 = arith.constant dense<0.000000e+00> : vector<64x128xf32>
    %dot_general3A_68 = tpu.matmul %select_n3A, %max3A_57, %dot_general3A_67 {dimension_numbers = #tpu.dot_dimension_numbers<[1], [0], [0], [1], [0, 0, 1, 1], [], []>, transpose_lhs_hint = false} : vector<64x10000xf32>, vector<10000x128xf32>, vector<64x128xf32> -> vector<64x128xf32>
    %get3A_69 = arith.constant 0 : index
    %get3A_70 = arith.constant 0 : index
    %get3A_71 = vector.load %arg8[%get3A_69, %get3A_70] : memref<10x128xf32, #tpu.memory_space<vmem>>, vector<10x128xf32>
    %dot_general3A_72 = arith.constant dense<0.000000e+00> : vector<64x10xf32>
    %dot_general3A_73 = tpu.matmul %dot_general3A_68, %get3A_71, %dot_general3A_72 {dimension_numbers = #tpu.dot_dimension_numbers<[1], [1], [0], [0], [0, 0, 1, 0], [], []>, transpose_lhs_hint = false} : vector<64x128xf32>, vector<10x128xf32>, vector<64x10xf32> -> vector<64x10xf32>
    %get3A_74 = arith.constant 0 : index
    %get3A_75 = vector.load %arg9[%get3A_74] : memref<10xf32, #tpu.memory_space<vmem>>, vector<10xf32>
    %broadcast_in_dim3A_76 = vector.shape_cast %get3A_75 : vector<10xf32> to vector<1x10xf32>
    %add3A_77 = vector.broadcast %broadcast_in_dim3A_76 : vector<1x10xf32> to vector<64x10xf32>
    %add3A_78 = arith.addf %dot_general3A_73, %add3A_77 : vector<64x10xf32>
    %swap3A_79 = arith.constant 0 : index
    %swap3A_80 = arith.constant 0 : index
    %swap3A_81 = vector.load %arg10[%swap3A_79, %swap3A_80] : memref<64x10xf32, #tpu.memory_space<vmem>>, vector<64x10xf32>
    tpu.vector_store %arg10[%swap3A_79, %swap3A_80], %add3A_78 {strides = array<i32>} : memref<64x10xf32, #tpu.memory_space<vmem>>, vector<64x10xf32>,
    return
  }
}

module attributes {stable_mosaic.version = 14 : i64} {
  func.func @_dense1_body(%arg0: memref<2x10112x128xf32, #tpu.memory_space<vmem>>, %arg1: memref<10000x128xf32, #tpu.memory_space<vmem>>, %arg2: memref<128x128xf32, #tpu.memory_space<vmem>>, %arg3: memref<128xf32, #tpu.memory_space<vmem>>, %arg4: memref<128x128xf32, #tpu.memory_space<vmem>>, %arg5: memref<128xf32, #tpu.memory_space<vmem>>, %arg6: memref<128xf32, #tpu.memory_space<vmem>>, %arg7: memref<10000x128xf32, #tpu.memory_space<vmem>>) attributes {dimension_semantics = [], scalar_prefetch = 0 : i64, scratch_operands = 0 : i64, tpu.core_type = #tpu.core_type<tc>} {
    %get3A = arith.constant 0 : index
    %get3A_0 = arith.constant 0 : index
    %get3A_1 = arith.constant 0 : index
    %get3A_2 = vector.load %arg0[%get3A, %get3A_0, %get3A_1] : memref<2x10112x128xf32, #tpu.memory_space<vmem>>, vector<1x10000x128xf32>
    %get3A_3 = vector.shape_cast %get3A_2 : vector<1x10000x128xf32> to vector<10000x128xf32>
    %get3A_4 = arith.constant 1 : index
    %get3A_5 = arith.constant 0 : index
    %get3A_6 = arith.constant 0 : index
    %get3A_7 = vector.load %arg0[%get3A_4, %get3A_5, %get3A_6] : memref<2x10112x128xf32, #tpu.memory_space<vmem>>, vector<1x10000x128xf32>
    %get3A_8 = vector.shape_cast %get3A_7 : vector<1x10000x128xf32> to vector<10000x128xf32>
    %add3A = arith.addf %get3A_3, %get3A_8 : vector<10000x128xf32>
    %get3A_9 = arith.constant 0 : index
    %get3A_10 = arith.constant 0 : index
    %get3A_11 = vector.load %arg1[%get3A_9, %get3A_10] : memref<10000x128xf32, #tpu.memory_space<vmem>>, vector<10000x128xf32>
    %get3A_12 = arith.constant 0 : index
    %get3A_13 = arith.constant 0 : index
    %get3A_14 = vector.load %arg2[%get3A_12, %get3A_13] : memref<128x128xf32, #tpu.memory_space<vmem>>, vector<128x128xf32>
    %dot_general3A = arith.constant dense<0.000000e+00> : vector<10000x128xf32>
    %dot_general3A_15 = tpu.matmul %add3A, %get3A_14, %dot_general3A {dimension_numbers = #tpu.dot_dimension_numbers<[1], [1], [0], [0], [0, 0, 1, 0], [], []>, transpose_lhs_hint = false} : vector<10000x128xf32>, vector<128x128xf32>, vector<10000x128xf32> -> vector<10000x128xf32>
    %get3A_16 = arith.constant 0 : index
    %get3A_17 = arith.constant 0 : index
    %get3A_18 = vector.load %arg4[%get3A_16, %get3A_17] : memref<128x128xf32, #tpu.memory_space<vmem>>, vector<128x128xf32>
    %dot_general3A_19 = arith.constant dense<0.000000e+00> : vector<10000x128xf32>
    %dot_general3A_20 = tpu.matmul %get3A_11, %get3A_18, %dot_general3A_19 {dimension_numbers = #tpu.dot_dimension_numbers<[1], [1], [0], [0], [0, 0, 1, 0], [], []>, transpose_lhs_hint = false} : vector<10000x128xf32>, vector<128x128xf32>, vector<10000x128xf32> -> vector<10000x128xf32>
    %add3A_21 = arith.addf %dot_general3A_15, %dot_general3A_20 : vector<10000x128xf32>
    %get3A_22 = arith.constant 0 : index
    %get3A_23 = vector.load %arg3[%get3A_22] : memref<128xf32, #tpu.memory_space<vmem>>, vector<128xf32>
    %broadcast_in_dim3A = vector.shape_cast %get3A_23 : vector<128xf32> to vector<1x128xf32>
    %add3A_24 = vector.broadcast %broadcast_in_dim3A : vector<1x128xf32> to vector<10000x128xf32>
    %add3A_25 = arith.addf %add3A_21, %add3A_24 : vector<10000x128xf32>
    %reduce_sum3A = arith.constant dense<0.000000e+00> : vector<128xf32>
    %reduce_sum3A_26 = vector.multi_reduction <add>, %add3A_25, %reduce_sum3A [0] : vector<10000x128xf32> to vector<128xf32>
    %broadcast_in_dim3A_27 = vector.shape_cast %reduce_sum3A_26 : vector<128xf32> to vector<1x128xf32>
    %div3A = arith.constant 1.000000e+04 : f32
    %div3A_28 = vector.broadcast %div3A : f32 to vector<1x128xf32>
    %div3A_29 = arith.divf %broadcast_in_dim3A_27, %div3A_28 : vector<1x128xf32>
    %sub3A = vector.broadcast %div3A_29 : vector<1x128xf32> to vector<10000x128xf32>
    %sub3A_30 = arith.subf %add3A_25, %sub3A : vector<10000x128xf32>
    %sub3A_31 = vector.broadcast %div3A_29 : vector<1x128xf32> to vector<10000x128xf32>
    %sub3A_32 = arith.subf %add3A_25, %sub3A_31 : vector<10000x128xf32>
    %mul3A = arith.mulf %sub3A_30, %sub3A_32 : vector<10000x128xf32>
    %reduce_sum3A_33 = arith.constant dense<0.000000e+00> : vector<128xf32>
    %reduce_sum3A_34 = vector.multi_reduction <add>, %mul3A, %reduce_sum3A_33 [0] : vector<10000x128xf32> to vector<128xf32>
    %broadcast_in_dim3A_35 = vector.shape_cast %reduce_sum3A_34 : vector<128xf32> to vector<1x128xf32>
    %div3A_36 = arith.constant 1.000000e+04 : f32
    %div3A_37 = vector.broadcast %div3A_36 : f32 to vector<1x128xf32>
    %div3A_38 = arith.divf %broadcast_in_dim3A_35, %div3A_37 : vector<1x128xf32>
    %sub3A_39 = vector.broadcast %div3A_29 : vector<1x128xf32> to vector<10000x128xf32>
    %sub3A_40 = arith.subf %add3A_25, %sub3A_39 : vector<10000x128xf32>
    %add3A_41 = arith.constant 9.99999974E-6 : f32
    %add3A_42 = vector.broadcast %add3A_41 : f32 to vector<1x128xf32>
    %add3A_43 = arith.addf %div3A_38, %add3A_42 : vector<1x128xf32>
    %rsqrt3A = math.rsqrt %add3A_43 : vector<1x128xf32>
    %mul3A_44 = vector.broadcast %rsqrt3A : vector<1x128xf32> to vector<10000x128xf32>
    %mul3A_45 = arith.mulf %sub3A_40, %mul3A_44 : vector<10000x128xf32>
    %get3A_46 = arith.constant 0 : index
    %get3A_47 = vector.load %arg5[%get3A_46] : memref<128xf32, #tpu.memory_space<vmem>>, vector<128xf32>
    %broadcast_in_dim3A_48 = vector.shape_cast %get3A_47 : vector<128xf32> to vector<1x128xf32>
    %mul3A_49 = vector.broadcast %broadcast_in_dim3A_48 : vector<1x128xf32> to vector<10000x128xf32>
    %mul3A_50 = arith.mulf %mul3A_45, %mul3A_49 : vector<10000x128xf32>
    %get3A_51 = arith.constant 0 : index
    %get3A_52 = vector.load %arg6[%get3A_51] : memref<128xf32, #tpu.memory_space<vmem>>, vector<128xf32>
    %broadcast_in_dim3A_53 = vector.shape_cast %get3A_52 : vector<128xf32> to vector<1x128xf32>
    %add3A_54 = vector.broadcast %broadcast_in_dim3A_53 : vector<1x128xf32> to vector<10000x128xf32>
    %add3A_55 = arith.addf %mul3A_50, %add3A_54 : vector<10000x128xf32>
    %max3A = arith.constant 0.000000e+00 : f32
    %max3A_56 = vector.broadcast %max3A : f32 to vector<10000x128xf32>
    %max3A_57 = arith.maximumf %add3A_55, %max3A_56 : vector<10000x128xf32>
    %swap3A = arith.constant 0 : index
    %swap3A_58 = arith.constant 0 : index
    %swap3A_59 = vector.load %arg7[%swap3A, %swap3A_58] : memref<10000x128xf32, #tpu.memory_space<vmem>>, vector<10000x128xf32>
    tpu.vector_store %arg7[%swap3A, %swap3A_58], %max3A_57 {strides = array<i32>} : memref<10000x128xf32, #tpu.memory_space<vmem>>, vector<10000x128xf32>,
    return
  }
}

</mosaic_0001>

<sc_bundles>
// kernel: kernel.6.cloned.1.call-start
scs
__scs_entry_jumppad:
0x0: {  	(pc) =	sbr.rel $0x88, $3  }
0x1: {  	(tag) =	ssettag $0x0;
	lr =	simm.s32 $0x1  }
0x2: {  	[smem:$0x3F92] =	sst lr;
	_ =	strace $0xD0000000  }
0x3: {  	_ = 	snop  }
0x4: {  	_ = 	snop  }
0x5: {  	_ = 	snop  }
0x6: {  	_ = 	snop  }
0x7: {  	_ = 	snop  }
__scs_overlays_trampoline_lowered:
0x8: {  	[smem:$0x3FA1] =	sst s0  }
0x9: {  	[smem:$0x3FA2] =	sst s1  }
0xa: {  	[smem:$0x3FA3] =	sst s2  }
0xb: {  	[smem:$0x3FA4] =	sst s3  }
0xc: {  	[smem:$0x3FA5] =	sst s4  }
0xd: {  	[smem:$0x3FA6] =	sst s5  }
0xe: {  	[smem:$0x3FA7] =	sst s6  }
0xf: {  	[smem:$0x3FA8] =	sst s7  }
0x10: {  	[smem:$0x3FA9] =	sst s8  }
0x11: {  	[smem:$0x3FAA] =	sst s9;
	s0 =	simm.s32 @!p0 $0x0  }
0x12: {  	s1 =	sld [smem:$0x3F90];
	s0 =	simm.s32 @p0 $0x1  }
0x13: {  	[smem:$0x3FAB] =	sst s0;
	s0 =	simm.s32 @!p1 $0x0  }
0x14: {  	s2 =	sld [smem:$0x3F8F];
	s0 =	simm.s32 @p1 $0x1  }
0x15: {  	[smem:$0x3FAC] =	sst s0;
	s0 =	simm.s32 @!p2 $0x0  }
0x16: {  	s3 =	sld [smem:$0x3FDB];
	s0 =	simm.s32 @p2 $0x1  }
0x17: {  	s4 =	simm.s32 $0x1BF5;
	[smem:$0x3FAE] =	sst s0  }
0x18: {  	s0 =	sld [smem:$0x3F91];
	_ =	swait.ge [sflag:s4], $0x0  }
0x19: {  	s7 =	sld [smem:$0x3F92]  }
0x1a: {  	s8 =	sadd.s32 $0xFFFFE003, lr  }
0x1b: {  	s9 =	sadd.s32 $0xFFFFFEF7, lr;
	s5 =	simm.s32 $0xFFFFFFFF;
	p2 =	slt.u32 s8, $0xFFFFF086  }
0x1c: {  	p1 =	slt.u32 s9, $0xF7A;
	s5 =	simm.s32 @!p2 $0x0  }
0x1d: {  	s5 =	simm.s32 @p1 $0x1;
	p0 =	seq.s32 s7, s2  }
0x1e: {  	s7 =	smul.u32 @!p0 $0xF7A, s2;
	p2 =	seq.s32 @!p0 s5, $0x0  }
0x1f: {  	s9 =	smul.u32 $0xF7A, s1;
	s8 =	simm.s32 @!p0 $0x1BF5;
	p2 =	por !p2, p0  }
0x20: {  	[sflag:s8] =	ssyncset.s32 @!p0 $0xFFFFF086;
	s6 =	sadd.s32 @!p0 s3, s7;
	s7 =	simm.s32 @!p0 $0x108  }
0x21: {  	s3 =	sadd.s32 s3, s9;
	s6 =	sadd.s32 @!p0 $0x88, s6;
	s7 =	simm.s32 @p2 $0x1082  }
0x22: {  	[simem:s7], [sflag:s8] =	dma.local @!p0 [hbm:s6], $0xF7A  }
0x23: {  	s9 =	sor.u32 $0xD0000000, s2;
	s6 =	simm.s32 $0x108;
	_ =	swait.ge @!p0 [sflag:s8], $0x0  }
0x24: {  	s3 =	sadd.s32 $0x88, s3;
	s6 =	simm.s32 @!p1 $0x1082;
	[sflag:s4] =	ssyncset.s32 $0xFFFFF086  }
0x25: {  	[simem:s6], [sflag:s4] =	dma.local [hbm:s3], $0xF7A  }
0x26: {  	[smem:$0x3F92] =	sst s1;
	(tag) =	ssettag s2;
	_ =	strace s9  }
0x27: {  	s1 =	sld [smem:$0x3FA2]  }
0x28: {  	s2 =	sld [smem:$0x3FA3]  }
0x29: {  	s4 =	sld [smem:$0x3FA5]  }
0x2a: {  	p0 =	seq.s32 s5, $0x0;
	s5 =	sld [smem:$0x3FA6]  }
0x2b: {  	s6 =	sld [smem:$0x3FA7]  }
0x2c: {  	s7 =	sld [smem:$0x3FA8]  }
0x2d: {  	s3 =	simm.s32 $0x108;
	s8 =	sld [smem:$0x3FA9]  }
0x2e: {  	s3 =	simm.s32 @!p0 $0x1082;
	s9 =	sld [smem:$0x3FAA]  }
0x2f: {  	lr =	sadd.s32 s0, s3;
	s0 =	sld [smem:$0x3FA1]  }
0x30: {  	s3 =	sld [smem:$0x3FA4]  }
0x31: {  	[smem:$0x3FAD] =	sst s10  }
0x32: {  	s10 =	sld [smem:$0x3FAB];
	_ =	sdelay $0x3  }
0x33: {  	p0 =	seq.s32 s10, $0x1;
	s10 =	sld [smem:$0x3FAD];
	_ =	sdelay $0x3  }
0x34: {  	[smem:$0x3FAD] =	sst s10  }
0x35: {  	s10 =	sld [smem:$0x3FAC];
	_ =	sdelay $0x3  }
0x36: {  	p1 =	seq.s32 s10, $0x1;
	s10 =	sld [smem:$0x3FAD];
	_ =	sdelay $0x3  }
0x37: {  	[smem:$0x3FAD] =	sst s10  }
0x38: {  	s10 =	sld [smem:$0x3FAE]  }
0x39: {  	_ = 	snop;
	(pc) =	sbr.ind lr, $3  }
0x3a: {  	_ = 	snop  }
0x3b: {  	_ = 	snop  }
0x3c: {  	p2 =	seq.s32 s10, $0x1;
	s10 =	sld [smem:$0x3FAD]  }
0x3d: {  	_ =	shalt  }
0x3e: {  	_ =	shalt  }
0x3f: {  	_ =	shalt  }
0x40: {  	_ =	shalt  }
0x41: {  	_ =	shalt  }
0x42: {  	_ =	shalt  }
0x43: {  	_ =	shalt  }
0x44: {  	_ =	shalt  }
0x45: {  	_ =	shalt  }
0x46: {  	_ =	shalt  }
0x47: {  	_ =	shalt  }
0x48: {  	_ =	shalt  }
0x49: {  	_ =	shalt  }
0x4a: {  	_ =	shalt  }
0x4b: {  	_ =	shalt  }
0x4c: {  	_ =	shalt  }
0x4d: {  	_ =	shalt  }
0x4e: {  	_ =	shalt  }
0x4f: {  	_ =	shalt  }
0x50: {  	_ =	shalt  }
0x51: {  	_ =	shalt  }
0x52: {  	_ =	shalt  }
0x53: {  	_ =	shalt  }
0x54: {  	_ =	shalt  }
0x55: {  	_ =	shalt  }
0x56: {  	_ =	shalt  }
0x57: {  	_ =	shalt  }
0x58: {  	_ =	shalt  }
0x59: {  	_ =	shalt  }
0x5a: {  	_ =	shalt  }
0x5b: {  	_ =	shalt  }
0x5c: {  	_ =	shalt  }
0x5d: {  	_ =	shalt  }
0x5e: {  	_ =	shalt  }
0x5f: {  	_ =	shalt  }
0x60: {  	_ =	shalt  }
0x61: {  	_ =	shalt  }
0x62: {  	_ =	shalt  }
0x63: {  	_ =	shalt  }
0x64: {  	_ =	shalt  }
0x65: {  	_ =	shalt  }
0x66: {  	_ =	shalt  }
0x67: {  	_ =	shalt  }
0x68: {  	_ =	shalt  }
0x69: {  	_ =	shalt  }
0x6a: {  	_ =	shalt  }
0x6b: {  	_ =	shalt  }
0x6c: {  	_ =	shalt  }
0x6d: {  	_ =	shalt  }
0x6e: {  	_ =	shalt  }
0x6f: {  	_ =	shalt  }
0x70: {  	_ =	shalt  }
0x71: {  	_ =	shalt  }
0x72: {  	_ =	shalt  }
0x73: {  	_ =	shalt  }
0x74: {  	_ =	shalt  }
0x75: {  	_ =	shalt  }
0x76: {  	_ =	shalt  }
0x77: {  	_ =	shalt  }
0x78: {  	_ =	shalt  }
0x79: {  	_ =	shalt  }
0x7a: {  	_ =	shalt  }
0x7b: {  	_ =	shalt  }
0x7c: {  	_ =	shalt  }
0x7d: {  	_ =	shalt  }
0x7e: {  	_ =	shalt  }
0x7f: {  	_ =	shalt  }
0x80: {  	_ =	shalt  }
0x81: {  	_ =	shalt  }
0x82: {  	_ =	shalt  }
0x83: {  	_ =	shalt  }
0x84: {  	_ =	shalt  }
0x85: {  	_ =	shalt  }
0x86: {  	_ =	shalt  }
0x87: {  	_ =	shalt  }
.Lfunc_end0:
.L_simem_size_0:
called_computation_lowered:
.L_overlay_start_0:
0x88: {  	s2 =	sld [smem:$0x3FD9]  }
0x89: {  	s3 =	sld [smem:$0x3FFE];
	_ =	sdelay $0x1  }
0x8a: {  	s1 =	srdreg.scid  }
0x8b: {  	s0 =	sand.u32 $0x1, s1  }
0x8c: {  	s17 =	sshll.u32 s0, $0xA;
	s2 =	sadd.s32 s3, s2  }
0x8d: {  	s2 =	sadd.s32 s2, s17  }
0x8e: {  	[smem:$0x3FB9] =	sst s2  }
0x8f: {  	_ = 	snop  }
0x90: {  	s2 =	sld [smem:$0x3FC9];
	(tm) =	ssettm $0x1  }
0x91: {  	s18 =	sld [smem:$0x3FFB];
	_ =	sdelay $0x3  }
0x92: {  	_ =	strace s18  }
0x93: {  	s3 =	sld [smem:$0x3FFC];
	_ =	sdelay $0x3  }
0x94: {  	_ =	strace s3  }
0x95: {  	s3 =	sld [smem:$0x3FFD];
	_ =	sdelay $0x3  }
0x96: {  	_ =	strace s3  }
0x97: {  	_ =	strace $0x8FFFFFFF  }
0x98: {  	s19 =	sld [smem:$0x3FDB];
	_ =	sdelay $0x1  }
0x99: {  	s4 =	simm.s32 $_scs_section_size  }
0x9a: {  	s5 =	simm.s32 $_size__tile_overlayer_lowered;
	s6 =	simm.s32 $_tile_overlayer_lowered  }
0x9b: {  	s22 =	simm.s32 $0x1BFF;
	s21 =	sshll.u32 s6, $0x1;
	s3 =	sadd.s32 s4, s19  }
0x9c: {  	s7 =	simm.s32 $0x0;
	s20 =	sshll.u32 s5, $0x1;
	s5 =	sadd.s32 s21, s3  }
0x9d: {  	[timem:s7], [sflag:s22] =	dma.local [hbm:s5], s20  }
0x9e: {  	_ =	swait.ge [sflag:s22], s20  }
0x9f: {  	s4 =	ssub.s32 $0x0, s20;
	[sflag:s22] =	ssyncset.done $0x0  }
0xa0: {  	[sflag:s22] =	ssyncadd.s32 s4;
	_ =	sdelay $0x1  }
0xa1: {  	s23 =	simm.s32 $0x1B8B  }
0xa2: {  	_ =	swait.ge [sflag:s23], $0x1  }
0xa3: {  	[sflag:s23] =	ssyncset.done $0x0  }
0xa4: {  	s25 =	simm.s32 $0x1B8E;
	s24 =	sld [smem:$0x3FFE];
	[sflag:s23] =	ssyncadd.s32 $0xFFFFFFFF  }
0xa5: {  	s26 =	simm.s32 $execute0_lowered;
	[smem:$0x3FD2] =	sst s25  }
0xa6: {  	s5 =	sshll.u32 s26, $0x1;
	_ =	strace $0x80000046;
	[dreg:$0x1] =	wrdreg $0xFFFFFFFF  }
0xa7: {  	s28 =	simm.s32 $_size_execute0_lowered;
	s3 =	sadd.s32 s3, s5;
	[dreg:$0x0] =	wrdreg $0x0  }
0xa8: {  	s5 =	sshll.u32 s28, $0x1;
	[dreg:$0x2] =	wrdreg s3  }
0xa9: {  	[dreg:$0x3] =	wrdreg s5  }
0xaa: {  	[dreg:$0x4] =	wrdreg $0xC0  }
0xab: {  	_ =	task [dreg:s7], $0x5FFFF  }
0xac: {  	[dreg:$0x1] =	wrdreg $0xFFFFFFFF  }
0xad: {  	[dreg:$0x0] =	wrdreg $0x60  }
0xae: {  	[dreg:$0x2] =	wrdreg s2  }
0xaf: {  	[dreg:$0x3] =	wrdreg s24  }
0xb0: {  	[dreg:$0x4] =	wrdreg $0x88000  }
0xb1: {  	[dreg:$0x5] =	wrdreg $0x9  }
0xb2: {  	_ =	task.clear_ibuf [dreg:s7], $0x6FFFF;
	_ =	strace $0x90000046  }
0xb3: {  	s29 =	simm.s32 $0x9;
	_ =	strace $0x80000048  }
0xb4: {  	_ =	swait.ge [sflag:s29], $0x1  }
0xb5: {  	[sflag:s29] =	ssyncadd.s32 $0xFFFFFFFF  }
0xb6: {  	_ =	strace $0x90000048  }
0xb7: {  	_ =	sfence  }
0xb8: {  	s30 =	sld [smem:$0x0];
	_ =	sdelay $0x2  }
0xb9: {  	s31 =	sshll.u32 s1, $0xD;
	s1 =	sshrl.u32 s1, $0x2  }
0xba: {  	s3 =	sand.u32 $0x4000, s31;
	s1 =	sadd.s32 s1, s30  }
0xbb: {  	s0 =	sor.u32 s3, s0;
	s1 =	sshll.u32 s1, $0x11  }
0xbc: {  	s0 =	sor.u32 s1, s0  }
0xbd: {  	s0 =	sadd.s32 $0x8F2B, s0  }
0xbe: {  	[sflag:s0] =	ssyncadd.remote.s32 $0x1  }
0xbf: {  	_ =	sfence.sel $0xFFFF  }
0xc0: {  	[dreg:$0x0] =	wrdreg $0xFFFFFFFF;
	(pc) =	sbr.abs _section_cstart, $3  }
0xc1: {  	[dreg:$0x1] =	wrdreg $0xFFFFFFFF  }
0xc2: {  	_ =	task.clear_ibuf [dreg:s7], $0x2FFFF;
	_ =	strace $0x9FFFFFFF  }
0xc3: {  	(tm) =	ssettm $0x7FFFFFFF  }
tec
execute0_lowered:
.L_overlay_start_1:
0x0: {  	(tag) =	ssettag $0x1  }
0x1: {  	s1 =	rddreg [dreg:$0x0]  }
0x2: {  	s0 =	rddreg [dreg:$0x1]  }
0x3: {  	s2 =	rddreg [dreg:$0x2];
	s3 =	simm.s32 $0x0  }
0x4: {  	s4 =	srdreg.scid;
	s13 =	stileid.u32;
	s28 =	simm.s32 $0x800  }
0x5: {  	s29 =	simm.s32 $0x2;
	s30 =	simm.s32 $0x1;
	s21 =	smul.u32 $0x4C0, s13  }
0x6: {  	s31 =	simm.s32 $0x0;
	[smem:$0x7FF] =	sst s3;
	s24 =	smul.u32 $0x13, s13  }
0x7: {  	s4 =	sand.u32 $0x1, s4;
	s5 =	sadd.s32 $0x3400, s0;
	s26 =	smul.u32 $0x2780, s13  }
0x8: {  	s8 =	sadd.s32 $0x16E00, s0;
	_ =	strace $0x80000047;
	s7 =	smul.u32 $0x27800, s4  }
0x9: {  	s6 =	sshll.u32 s4, $0x4;
	[dreg:$0x4] =	wrdreg s8;
	s19 =	smul.u32 $0x4C00, s4  }
0xa: {  	s11 =	ssub.s32 $0x2, s4;
	s4 =	smul.u32 $0x130, s4;
	s6 =	sor.u32 s13, s6  }
0xb: {  	s12 =	sshrl.u32 s11, $0x1;
	s9 =	smul.u32 $0x13, s6;
	s0 =	sadd.s32 s7, s0  }
0xc: {  	s10 =	smin.u32 s6, $0x11;
	p0 =	slt.u32 s6, $0x11;
	s7 =	simm.s32 $0x14  }
0xd: {  	s8 =	ssub.s32 s11, s12;
	s12 =	smul.u32 $0x4F000, s13;
	s7 =	simm.s32 @!p0 $0x13  }
0xe: {  	s0 =	sadd.s32 $0x17600, s0;
	s25 =	sshll.u32 s10, $0x6;
	s4 =	sadd.s32 s4, s10  }
0xf: {  	s8 =	smax.u32 s8, $0x1;
	s14 =	sadd.s32 s10, s9;
	s18 =	sshrl.u32 s12, $0x2  }
0x10: {  	s4 =	sadd.s32 s24, s4;
	[dreg:$0xd] =	wrdreg s8;
	s0 =	sadd.s32 s26, s0  }
0x11: {  	s26 =	simm.s32 $0x80;
	s9 =	sshll.u32 s14, $0x9;
	s6 =	sshll.u32 s14, $0x6  }
0x12: {  	s12 =	sadd.s32 s18, s2;
	s4 =	sshll.u32 s4, $0x9;
	[dreg:$0xf] =	wrdreg s0  }
0x13: {  	s6 =	sadd.s32 s5, s6;
	s15 =	sadd.s32 $0x4E400, s9;
	s11 =	sshrl.u32 s9, $0x3  }
0x14: {  	s9 =	sadd.s32 $0x4E600, s9;
	s20 =	sadd.s32 $0x8000, s12;
	[dreg:$0x5] =	wrdreg s6  }
0x15: {  	s22 =	sadd.s32 $0xC000, s12;
	s6 =	sshrl.u32 s15, $0x3;
	[dreg:$0xa] =	wrdreg s20  }
0x16: {  	s16 =	sadd.s32 s5, s11;
	[dreg:$0xb] =	wrdreg s22;
	s6 =	sadd.s32 s5, s6  }
0x17: {  	s17 =	sshrl.u32 s9, $0x3;
	[dreg:$0x6] =	wrdreg s6;
	s6 =	sadd.s32 $0x40, s16  }
0x18: {  	s23 =	sadd.s32 $0x10000, s12;
	[dreg:$0x7] =	wrdreg s6;
	s6 =	sadd.s32 s5, s17  }
0x19: {  	s4 =	sadd.s32 $0x400, s4;
	[dreg:$0x8] =	wrdreg s6;
	s6 =	sadd.s32 s19, s5  }
0x1a: {  	s9 =	sadd.s32 $0x4000, s12;
	[dreg:$0xc] =	wrdreg s23;
	s6 =	sadd.s32 s21, s6  }
0x1b: {  	[dreg:$0xe] =	wrdreg s4;
	s20 =	simm.s32 $0x5;
	s6 =	sadd.s32 s25, s6  }
0x1c: {  	[dreg:$0x9] =	wrdreg s9;
	s25 =	simm.s32 $0x4800;
	s6 =	sadd.s32 $0x80, s6  }
.LBB2_1:
0x1d: {  	s0 =	rddreg [dreg:$0x5]  }
0x1e: {  	[tilespmem:s3], [sflag:$0x5] =	stream.linear.gather [hbm4b:s0+s3], $0x200, $0x38;
	[tilespmem:$0x1C400] =	vst v63  }
0x1f: {  	_ =	swait.ge [sflag:s20], $0x200  }
0x20: {  	[sflag:s20] =	ssyncset.done $0x0  }
0x21: {  	s4 =	simm.s32 $0x400;
	s11 =	rddreg [dreg:$0x6];
	[sflag:s20] =	ssyncadd.s32 $0xFFFFFE00  }
0x22: {  	[tilespmem:s4], [sflag:$0x5] =	stream.linear.gather [hbm4b:s11+s3], $0x200, $0x38;
	[tilespmem:$0x1C400] =	vst v63  }
0x23: {  	_ =	swait.ge [sflag:s20], $0x200  }
0x24: {  	[sflag:s20] =	ssyncset.done $0x0  }
0x25: {  	s14 =	simm.s32 $0x200;
	s13 =	rddreg [dreg:$0x7];
	[sflag:s20] =	ssyncadd.s32 $0xFFFFFE00  }
0x26: {  	[tilespmem:s14], [sflag:$0x4] =	stream.linear.gather [hbm4b:s13+s3], $0x200, $0x38;
	[tilespmem:$0x1C400] =	vst v63  }
0x27: {  	s16 =	simm.s32 $0x600;
	s15 =	rddreg [dreg:$0x8]  }
0x28: {  	[tilespmem:s16], [sflag:$0x4] =	stream.linear.gather [hbm4b:s15+s3], $0x200, $0x38;
	[tilespmem:$0x1C400] =	vst v63  }
0x29: {  	s17 =	rddreg [dreg:$0x4]  }
0x2a: {  	[tilespmem:s25], [sflag:$0x2] =	stream.linear.gather [hbm4b:s17+s3], $0x4000, $0x38;
	[tilespmem:$0x1C400] =	vst v63  }
0x2b: {  	_ = 	snop  }
0x2c: {  	[tilespmem:s28], [sflag:$0x1] =	stream.indirect.gather [hbm4b:s1+s26], $0x80, s3, s26, $0xb8;
	[tilespmem:$0x1C400] =	vst v63  }
0x2d: {  	_ =	swait.ge [sflag:s29], $0x4000  }
0x2e: {  	[sflag:s29] =	ssyncset.done $0x0  }
0x2f: {  	[sflag:s29] =	ssyncadd.s32 $0xFFFFC000  }
0x30: {  	[spmem:s12] =	stream.linear.scatter [tilespmem:s25], [sflag:$0x5], $0x4000, $0x38;
	[tilespmem:$0x1C400] =	vst v63  }
0x31: {  	_ =	swait.ge [sflag:s20], $0x4000  }
0x32: {  	[sflag:s20] =	ssyncset.done $0x0  }
0x33: {  	s18 =	rddreg [dreg:$0x9];
	[sflag:s20] =	ssyncadd.s32 $0xFFFFC000  }
0x34: {  	[spmem:s18] =	stream.linear.scatter [tilespmem:s25], [sflag:$0x5], $0x4000, $0x38;
	[tilespmem:$0x1C400] =	vst v63  }
0x35: {  	_ =	swait.ge [sflag:s20], $0x4000  }
0x36: {  	[sflag:s20] =	ssyncset.done $0x0  }
0x37: {  	s21 =	rddreg [dreg:$0xa];
	[sflag:s20] =	ssyncadd.s32 $0xFFFFC000  }
0x38: {  	[spmem:s21] =	stream.linear.scatter [tilespmem:s25], [sflag:$0x5], $0x4000, $0x38;
	[tilespmem:$0x1C400] =	vst v63  }
0x39: {  	_ =	swait.ge [sflag:s20], $0x4000  }
0x3a: {  	[sflag:s20] =	ssyncset.done $0x0  }
0x3b: {  	s22 =	rddreg [dreg:$0xb];
	[sflag:s20] =	ssyncadd.s32 $0xFFFFC000  }
0x3c: {  	[spmem:s22] =	stream.linear.scatter [tilespmem:s25], [sflag:$0x5], $0x4000, $0x38;
	[tilespmem:$0x1C400] =	vst v63  }
0x3d: {  	_ =	swait.ge [sflag:s20], $0x4000  }
0x3e: {  	[sflag:s20] =	ssyncset.done $0x0  }
0x3f: {  	s23 =	rddreg [dreg:$0xc];
	[sflag:s20] =	ssyncadd.s32 $0xFFFFC000  }
0x40: {  	[spmem:s23] =	stream.linear.scatter [tilespmem:s25], [sflag:$0x5], $0x3C00, $0x38;
	[tilespmem:$0x1C400] =	vst v63  }
0x41: {  	_ =	swait.ge [sflag:s20], $0x3C00  }
0x42: {  	[sflag:s20] =	ssyncset.done $0x0  }
0x43: {  	[sflag:s20] =	ssyncadd.s32 $0xFFFFC400  }
0x44: {  	[tilespmem:s25], [sflag:$0x2] =	stream.indirect.gather [hbm4b:s1+s26], $0x80, s26, s26, $0xb8;
	[tilespmem:$0x1C400] =	vst v63  }
0x45: {  	[bflag:$0x0] =	sbarrier.arrive $0xFFFF  }
0x46: {  	s8 =	sand.u32 $0x1, s3;
	_ =	swait.ge [sflag:s30], $0x4000  }
0x47: {  	s0 =	sshll.u32 s8, $0x9;
	[sflag:s30] =	ssyncset.done $0x0  }
0x48: {  	s4 =	sor.u32 $0x400, s0;
	[sflag:s30] =	ssyncadd.s32 $0xFFFFC000  }
0x49: {  	[spmem:s2] =	stream.indirect.scatter.add.f32 [tilespmem:s28], [sflag:$0x5], $0x80, s4, s26, $0xb8;
	[tilespmem:$0x1C400] =	vst v63  }
0x4a: {  	_ =	swait.ge [sflag:s20], $0x4000  }
0x4b: {  	[sflag:s20] =	ssyncset.done $0x0  }
0x4c: {  	s9 =	sor.u32 $0x100, s0;
	[sflag:s20] =	ssyncadd.s32 $0xFFFFC000  }
0x4d: {  	[tilespmem:s28], [sflag:$0x1] =	stream.indirect.gather [hbm4b:s1+s26], $0x80, s9, s26, $0xb8;
	[tilespmem:$0x1C400] =	vst v63  }
0x4e: {  	_ =	swait.ge [sflag:s29], $0x4000  }
0x4f: {  	[sflag:s29] =	ssyncset.done $0x0  }
0x50: {  	s24 =	sor.u32 $0x480, s0;
	[sflag:s29] =	ssyncadd.s32 $0xFFFFC000  }
0x51: {  	[spmem:s2] =	stream.indirect.scatter.add.f32 [tilespmem:s25], [sflag:$0x5], $0x80, s24, s26, $0xb8;
	[tilespmem:$0x1C400] =	vst v63  }
0x52: {  	_ =	swait.ge [sflag:s20], $0x4000  }
0x53: {  	[sflag:s20] =	ssyncset.done $0x0  }
0x54: {  	s9 =	sor.u32 $0x180, s0;
	[sflag:s20] =	ssyncadd.s32 $0xFFFFC000  }
0x55: {  	[tilespmem:s25], [sflag:$0x2] =	stream.indirect.gather [hbm4b:s1+s26], $0x80, s9, s26, $0xb8;
	[tilespmem:$0x1C400] =	vst v63  }
0x56: {  	_ =	swait.ge [sflag:s30], $0x4000  }
0x57: {  	[sflag:s30] =	ssyncset.done $0x0  }
0x58: {  	s10 =	sor.u32 $0x500, s0;
	[sflag:s30] =	ssyncadd.s32 $0xFFFFC000  }
0x59: {  	[spmem:s2] =	stream.indirect.scatter.add.f32 [tilespmem:s28], [sflag:$0x5], $0x80, s10, s26, $0xb8;
	[tilespmem:$0x1C400] =	vst v63  }
0x5a: {  	_ =	swait.ge [sflag:s20], $0x4000  }
0x5b: {  	p0 =	sle.u32 s7, $0x1;
	[sflag:s20] =	ssyncset.done $0x0  }
0x5c: {  	s10 =	simm.s32 @p0 $0x2;
	[sflag:s20] =	ssyncadd.s32 $0xFFFFC000  }
0x5d: {  	_ =	swait.ge @p0 [sflag:s10], $0x4000  }
0x5e: {  	s11 =	simm.s32 @p0 $0x4800;
	s13 =	simm.s32 @p0 $0x5;
	[sflag:s10] =	ssyncset.done @p0 $0x0  }
0x5f: {  	s15 =	simm.s32 @p0 $0x80;
	s14 =	sor.u32 @p0 $0x400, s9;
	[sflag:s10] =	ssyncadd.s32 @p0 $0xFFFFC000  }
0x60: {  	[spmem:s2] =	stream.indirect.scatter.add.f32 @p0 [tilespmem:s11], [sflag:$0x5], $0x80, s14, s15, $0xb8;
	[tilespmem:$0x1C400] =	vst v63  }
0x61: {  	_ =	swait.ge @p0 [sflag:s13], $0x4000  }
0x62: {  	s10 =	sxor.u32 @!p0 $0x1, s8;
	[sflag:s13] =	ssyncset.done @p0 $0x0  }
0x63: {  	s14 =	sadd.s32 @!p0 $0x3, s10;
	[sflag:s13] =	ssyncadd.s32 @p0 $0xFFFFC000  }
0x64: {  	_ =	swait.ge @!p0 [sflag:s14], $0x200  }
0x65: {  	[sflag:s14] =	ssyncset.done @!p0 $0x0  }
0x66: {  	[sflag:s14] =	ssyncadd.s32 @!p0 $0xFFFFFE00  }
0x67: {  	_ =	swait.ge @!p0 [sflag:s14], $0x200  }
0x68: {  	s10 =	sshll.u32 @!p0 s10, $0x9;
	s15 =	simm.s32 @!p0 $0x2;
	[sflag:s14] =	ssyncset.done @!p0 $0x0  }
0x69: {  	s11 =	simm.s32 @!p0 $0x80;
	s13 =	simm.s32 @!p0 $0x800;
	[sflag:s14] =	ssyncadd.s32 @!p0 $0xFFFFFE00  }
0x6a: {  	[tilespmem:s13], [sflag:$0x1] =	stream.indirect.gather @!p0 [hbm4b:s1+s11], $0x80, s10, s11, $0xb8;
	[tilespmem:$0x1C400] =	vst v63  }
0x6b: {  	s19 =	smov.u32 s12;
	_ =	swait.ge @!p0 [sflag:s15], $0x4000  }
0x6c: {  	p1 =	sne.s32 s7, $0x1;
	p2 =	sle.u32 s7, $0x2;
	[sflag:s15] =	ssyncset.done @!p0 $0x0  }
0x6d: {  	s9 =	sor.u32 @!p0 $0x400, s9;
	s13 =	simm.s32 @!p0 $0x4800;
	[sflag:s15] =	ssyncadd.s32 @!p0 $0xFFFFC000  }
0x6e: {  	[spmem:s2] =	stream.indirect.scatter.add.f32 @!p0 [tilespmem:s13], [sflag:$0x5], $0x80, s9, s11, $0xb8;
	[tilespmem:$0x1C400] =	vst v63  }
.Ltmp0:
0x6f: {  	s16 =	simm.s32 @!p0 $0x5;
	s18 =	smov.u32 s6;
	(pc) =	sbr.rel @!p1 .LBB2_3-.Ltmp0, $4  }
0x70: {  	s21 =	simm.s32 $0x1;
	s22 =	sadd.s32 $0x40, s6;
	_ =	swait.ge @!p0 [sflag:s16], $0x4000  }
0x71: {  	s14 =	sadd.s32 @!p2 $0x3, s8;
	s10 =	sor.u32 @!p0 $0x80, s10;
	s9 =	rddreg [dreg:$0xe]  }
0x72: {  	s15 =	simm.s32 @!p2 $0x0;
	[sflag:s16] =	ssyncset.done @!p0 $0x0;
	s8 =	sand.u32 @!p2 $0x7FFFFE00, s9  }
0x73: {  	s23 =	sadd.s32 $0x200, s9;
	[sflag:s16] =	ssyncadd.s32 @!p0 $0xFFFFC000;
	s16 =	sadd.s32 @!p2 $0x4E400, s8  }
.LBB2_2:
0x74: {  	[tilespmem:s13], [sflag:$0x2] =	stream.indirect.gather @!p0 [hbm4b:s1+s11], $0x80, s10, s11, $0xb8;
	[tilespmem:$0x1C400] =	vst v63  }
0x75: {  	s9 =	smov.u32 s21  }
0x76: {  	s21 =	sadd.s32 $0x1, s21;
	s10 =	sshrl.u32 @!p2 s16, $0x3;
	s8 =	sand.u32 $0x1, s9  }
0x77: {  	[tilespmem:s0], [sflag:s14] =	stream.linear.gather @!p2 [hbm4b:s18+s15], $0x200, $0x38;
	[tilespmem:$0x1C400] =	vst v63  }
0x78: {  	p1 =	sne.s32 s7, s21;
	s10 =	sadd.s32 @!p2 s5, s10;
	s0 =	sshll.u32 s8, $0x9  }
0x79: {  	[tilespmem:s4], [sflag:s14] =	stream.linear.gather @!p2 [hbm4b:s10+s15], $0x200, $0x38;
	[tilespmem:$0x1C400] =	vst v63  }
0x7a: {  	s18 =	smov.u32 s22;
	_ =	swait.ge [sflag:s30], $0x4000  }
0x7b: {  	[sflag:s30] =	ssyncset.done $0x0  }
0x7c: {  	[sflag:s30] =	ssyncadd.s32 $0xFFFFC000  }
0x7d: {  	s4 =	sor.u32 $0x400, s0;
	s10 =	sor.u32 $0x100, s0  }
0x7e: {  	[spmem:s2] =	stream.indirect.scatter.add.f32 [tilespmem:s28], [sflag:$0x5], $0x80, s4, s26, $0xb8;
	[tilespmem:$0x1C400] =	vst v63  }
0x7f: {  	_ =	swait.ge [sflag:s20], $0x4000  }
0x80: {  	[sflag:s20] =	ssyncset.done $0x0  }
0x81: {  	s11 =	sor.u32 $0x480, s0;
	[sflag:s20] =	ssyncadd.s32 $0xFFFFC000  }
0x82: {  	[tilespmem:s28], [sflag:$0x1] =	stream.indirect.gather [hbm4b:s1+s26], $0x80, s10, s26, $0xb8;
	[tilespmem:$0x1C400] =	vst v63  }
0x83: {  	_ =	swait.ge [sflag:s29], $0x4000  }
0x84: {  	[sflag:s29] =	ssyncset.done $0x0  }
0x85: {  	s10 =	sor.u32 $0x180, s0;
	[sflag:s29] =	ssyncadd.s32 $0xFFFFC000  }
0x86: {  	[spmem:s2] =	stream.indirect.scatter.add.f32 [tilespmem:s25], [sflag:$0x5], $0x80, s11, s26, $0xb8;
	[tilespmem:$0x1C400] =	vst v63  }
0x87: {  	_ =	swait.ge [sflag:s20], $0x4000  }
0x88: {  	[sflag:s20] =	ssyncset.done $0x0  }
0x89: {  	s11 =	sor.u32 $0x500, s0;
	[sflag:s20] =	ssyncadd.s32 $0xFFFFC000  }
0x8a: {  	[tilespmem:s25], [sflag:$0x2] =	stream.indirect.gather [hbm4b:s1+s26], $0x80, s10, s26, $0xb8;
	[tilespmem:$0x1C400] =	vst v63  }
0x8b: {  	_ =	swait.ge [sflag:s30], $0x4000  }
0x8c: {  	p0 =	sge.u32 s21, s7;
	[sflag:s30] =	ssyncset.done $0x0  }
0x8d: {  	s13 =	simm.s32 @p0 $0x2;
	s14 =	sxor.u32 @!p0 $0x1, s8;
	[sflag:s30] =	ssyncadd.s32 $0xFFFFC000  }
0x8e: {  	[spmem:s2] =	stream.indirect.scatter.add.f32 [tilespmem:s28], [sflag:$0x5], $0x80, s11, s26, $0xb8;
	[tilespmem:$0x1C400] =	vst v63  }
0x8f: {  	s15 =	simm.s32 @p0 $0x5;
	s11 =	simm.s32 @p0 $0x4800;
	_ =	swait.ge [sflag:s20], $0x4000  }
0x90: {  	s17 =	simm.s32 @p0 $0x80;
	s16 =	sor.u32 @p0 $0x400, s10;
	[sflag:s20] =	ssyncset.done $0x0  }
0x91: {  	s24 =	sshll.u32 @!p0 s14, $0x9;
	s12 =	sor.u32 @!p0 $0x400, s10;
	[sflag:s20] =	ssyncadd.s32 $0xFFFFC000  }
0x92: {  	s10 =	sor.u32 @!p0 $0x80, s24;
	_ =	swait.ge @p0 [sflag:s13], $0x4000  }
0x93: {  	[sflag:s13] =	ssyncset.done @p0 $0x0  }
0x94: {  	[sflag:s13] =	ssyncadd.s32 @p0 $0xFFFFC000;
	s13 =	sadd.s32 @!p0 $0x3, s14  }
0x95: {  	[spmem:s2] =	stream.indirect.scatter.add.f32 @p0 [tilespmem:s11], [sflag:$0x5], $0x80, s16, s17, $0xb8;
	[tilespmem:$0x1C400] =	vst v63  }
0x96: {  	_ =	swait.ge @p0 [sflag:s15], $0x4000  }
0x97: {  	[sflag:s15] =	ssyncset.done @p0 $0x0  }
0x98: {  	[sflag:s15] =	ssyncadd.s32 @p0 $0xFFFFC000  }
0x99: {  	s14 =	simm.s32 @!p0 $0x2;
	_ =	swait.ge @!p0 [sflag:s13], $0x200  }
0x9a: {  	s11 =	simm.s32 @!p0 $0x80;
	s15 =	simm.s32 @!p0 $0x800;
	[sflag:s13] =	ssyncset.done @!p0 $0x0  }
0x9b: {  	[sflag:s13] =	ssyncadd.s32 @!p0 $0xFFFFFE00  }
0x9c: {  	_ =	swait.ge @!p0 [sflag:s13], $0x200  }
0x9d: {  	[sflag:s13] =	ssyncset.done @!p0 $0x0  }
0x9e: {  	s16 =	simm.s32 @!p0 $0x5;
	[sflag:s13] =	ssyncadd.s32 @!p0 $0xFFFFFE00;
	s13 =	simm.s32 @!p0 $0x4800  }
0x9f: {  	[tilespmem:s15], [sflag:$0x1] =	stream.indirect.gather @!p0 [hbm4b:s1+s11], $0x80, s24, s11, $0xb8;
	[tilespmem:$0x1C400] =	vst v63  }
0xa0: {  	_ =	swait.ge @!p0 [sflag:s14], $0x4000  }
0xa1: {  	s9 =	sadd.s32 $0x2, s9;
	[sflag:s14] =	ssyncset.done @!p0 $0x0  }
.Ltmp1:
0xa2: {  	p2 =	sge.u32 s9, s7;
	[sflag:s14] =	ssyncadd.s32 @!p0 $0xFFFFC000;
	(pc) =	sbr.rel @p1 .LBB2_2-.Ltmp1, $4  }
0xa3: {  	[spmem:s2] =	stream.indirect.scatter.add.f32 @!p0 [tilespmem:s13], [sflag:$0x5], $0x80, s12, s11, $0xb8;
	[tilespmem:$0x1C400] =	vst v63  }
0xa4: {  	s14 =	sadd.s32 @!p2 $0x3, s8;
	s8 =	sand.u32 @!p2 $0x7FFFFE00, s23;
	_ =	swait.ge @!p0 [sflag:s16], $0x4000  }
0xa5: {  	s22 =	sadd.s32 $0x40, s22;
	s23 =	sadd.s32 $0x200, s23;
	[sflag:s16] =	ssyncset.done @!p0 $0x0  }
0xa6: {  	s15 =	simm.s32 @!p2 $0x0;
	[sflag:s16] =	ssyncadd.s32 @!p0 $0xFFFFC000;
	s16 =	sadd.s32 @!p2 $0x4E400, s8  }
.LBB2_3:
0xa7: {  	[tilespmem:s13], [sflag:$0x2] =	stream.indirect.gather @!p0 [hbm4b:s1+s11], $0x80, s10, s11, $0xb8;
	[tilespmem:$0x1C400] =	vst v63  }
0xa8: {  	s8 =	sshrl.u32 @!p2 s16, $0x3  }
0xa9: {  	[tilespmem:s0], [sflag:s14] =	stream.linear.gather @!p2 [hbm4b:s18+s15], $0x200, $0x38;
	[tilespmem:$0x1C400] =	vst v63  }
0xaa: {  	s21 =	stileid.u32;
	s0 =	sadd.s32 @!p2 s5, s8  }
0xab: {  	[tilespmem:s4], [sflag:s14] =	stream.linear.gather @!p2 [hbm4b:s0+s15], $0x200, $0x38;
	[tilespmem:$0x1C400] =	vst v63  }
0xac: {  	s0 =	sshll.u32 s21, $0x6;
	[bflag:$0x0] =	sbarrier.arrive $0xFFFF  }
0xad: {  	s22 =	sshrl.u32 s19, $0x3;
	s0 =	sor.u32 $0x1C05, s0;
	s23 =	rddreg [dreg:$0xf]  }
0xae: {  	[hbm:s23], [sflag:s0] =	dma.local [spmem:s22], $0x2780  }
0xaf: {  	_ =	swait.ge [sflag:s20], $0x2780  }
0xb0: {  	s31 =	sadd.s32 $0x1, s31;
	s24 =	rddreg [dreg:$0xd]  }
0xb1: {  	p0 =	sne.s32 s31, s24  }
.Ltmp2:
0xb2: {  	_ = 	snop;
	(pc) =	sbr.rel @p0 .LBB2_1-.Ltmp2, $3  }
0xb3: {  	_ =	sdelay $0x1  }
0xb4: {  	[sflag:s20] =	ssyncset.done $0x0  }
0xb5: {  	s12 =	smov.u32 s19;
	[sflag:s20] =	ssyncadd.s32 $0xFFFFD880  }
0xb6: {  	_ =	sfence.sel $0x180000  }
0xb7: {  	[bflag:$0x0] =	sbarrier.arrive $0xFFFF  }
0xb8: {  	_ =	strace $0x90000047  }
0xb9: {  	s0 =	stileid.u32;
	[bflag:$0x2] =	sbarrier.arrive $0xFFFF  }
0xba: {  	p0 =	sne.s32 s0, $0x0;
	s0 =	rddreg [dreg:$0x3]  }
0xbb: {  	s0 =	sadd.s32 @!p0 $0x100000, s0  }
0xbc: {  	[sflag:s0] =	ssyncadd.tile.s32 @!p0 $0x1;
	_ =	shalt  }
.Lfunc_end2:
_tile_overlayer_lowered:
.L_overlay_start_2:
0xbd: {  	(tag) =	ssettag $0x2  }
0xbe: {  	s0 =	rddreg [dreg:$0x0];
	s2 =	stileid.u32  }
0xbf: {  	s1 =	rddreg [dreg:$0x1];
	p0 =	sne.s32 s2, $0x0  }
0xc0: {  	s3 =	rddreg [dreg:$0x2];
	[bflag:$0x3] =	sbarrier.arrive $0xFFFF;
	s2 =	simm.s32 @!p0 $0x1C05  }
0xc1: {  	[timem:s3], [sflag:s2] =	dma.local @!p0 [hbm:s0], s1  }
0xc2: {  	s0 =	simm.s32 @!p0 $0x5  }
0xc3: {  	_ =	swait.ge @!p0 [sflag:s0], s1  }
0xc4: {  	s1 =	ssub.s32 @!p0 $0x0, s1;
	[sflag:s0] =	ssyncset.done @!p0 $0x0  }
0xc5: {  	[sflag:s0] =	ssyncadd.s32 @!p0 s1  }
0xc6: {  	[bflag:$0x3] =	sbarrier.arrive $0xFFFF  }
0xc7: {  	_ =	shalt  }

// kernel: kernel.9.cloned.1.call-start
scs
__scs_entry_jumppad:
0x0: {  	(pc) =	sbr.rel $0x88, $3  }
0x1: {  	(tag) =	ssettag $0x0;
	lr =	simm.s32 $0x1  }
0x2: {  	[smem:$0x3F92] =	sst lr;
	_ =	strace $0xD0000000  }
0x3: {  	_ = 	snop  }
0x4: {  	_ = 	snop  }
0x5: {  	_ = 	snop  }
0x6: {  	_ = 	snop  }
0x7: {  	_ = 	snop  }
__scs_overlays_trampoline_lowered:
0x8: {  	[smem:$0x3FA1] =	sst s0  }
0x9: {  	[smem:$0x3FA2] =	sst s1  }
0xa: {  	[smem:$0x3FA3] =	sst s2  }
0xb: {  	[smem:$0x3FA4] =	sst s3  }
0xc: {  	[smem:$0x3FA5] =	sst s4  }
0xd: {  	[smem:$0x3FA6] =	sst s5  }
0xe: {  	[smem:$0x3FA7] =	sst s6  }
0xf: {  	[smem:$0x3FA8] =	sst s7  }
0x10: {  	[smem:$0x3FA9] =	sst s8  }
0x11: {  	[smem:$0x3FAA] =	sst s9;
	s0 =	simm.s32 @!p0 $0x0  }
0x12: {  	s1 =	sld [smem:$0x3F90];
	s0 =	simm.s32 @p0 $0x1  }
0x13: {  	[smem:$0x3FAB] =	sst s0;
	s0 =	simm.s32 @!p1 $0x0  }
0x14: {  	s2 =	sld [smem:$0x3F8F];
	s0 =	simm.s32 @p1 $0x1  }
0x15: {  	[smem:$0x3FAC] =	sst s0;
	s0 =	simm.s32 @!p2 $0x0  }
0x16: {  	s3 =	sld [smem:$0x3FDB];
	s0 =	simm.s32 @p2 $0x1  }
0x17: {  	s4 =	simm.s32 $0x1BF5;
	[smem:$0x3FAE] =	sst s0  }
0x18: {  	s0 =	sld [smem:$0x3F91];
	_ =	swait.ge [sflag:s4], $0x0  }
0x19: {  	s7 =	sld [smem:$0x3F92]  }
0x1a: {  	s8 =	sadd.s32 $0xFFFFE003, lr  }
0x1b: {  	s9 =	sadd.s32 $0xFFFFFEF7, lr;
	s5 =	simm.s32 $0xFFFFFFFF;
	p2 =	slt.u32 s8, $0xFFFFF086  }
0x1c: {  	p1 =	slt.u32 s9, $0xF7A;
	s5 =	simm.s32 @!p2 $0x0  }
0x1d: {  	s5 =	simm.s32 @p1 $0x1;
	p0 =	seq.s32 s7, s2  }
0x1e: {  	s7 =	smul.u32 @!p0 $0xF7A, s2;
	p2 =	seq.s32 @!p0 s5, $0x0  }
0x1f: {  	s9 =	smul.u32 $0xF7A, s1;
	s8 =	simm.s32 @!p0 $0x1BF5;
	p2 =	por !p2, p0  }
0x20: {  	[sflag:s8] =	ssyncset.s32 @!p0 $0xFFFFF086;
	s6 =	sadd.s32 @!p0 s3, s7;
	s7 =	simm.s32 @!p0 $0x108  }
0x21: {  	s3 =	sadd.s32 s3, s9;
	s6 =	sadd.s32 @!p0 $0x88, s6;
	s7 =	simm.s32 @p2 $0x1082  }
0x22: {  	[simem:s7], [sflag:s8] =	dma.local @!p0 [hbm:s6], $0xF7A  }
0x23: {  	s9 =	sor.u32 $0xD0000000, s2;
	s6 =	simm.s32 $0x108;
	_ =	swait.ge @!p0 [sflag:s8], $0x0  }
0x24: {  	s3 =	sadd.s32 $0x88, s3;
	s6 =	simm.s32 @!p1 $0x1082;
	[sflag:s4] =	ssyncset.s32 $0xFFFFF086  }
0x25: {  	[simem:s6], [sflag:s4] =	dma.local [hbm:s3], $0xF7A  }
0x26: {  	[smem:$0x3F92] =	sst s1;
	(tag) =	ssettag s2;
	_ =	strace s9  }
0x27: {  	s1 =	sld [smem:$0x3FA2]  }
0x28: {  	s2 =	sld [smem:$0x3FA3]  }
0x29: {  	s4 =	sld [smem:$0x3FA5]  }
0x2a: {  	p0 =	seq.s32 s5, $0x0;
	s5 =	sld [smem:$0x3FA6]  }
0x2b: {  	s6 =	sld [smem:$0x3FA7]  }
0x2c: {  	s7 =	sld [smem:$0x3FA8]  }
0x2d: {  	s3 =	simm.s32 $0x108;
	s8 =	sld [smem:$0x3FA9]  }
0x2e: {  	s3 =	simm.s32 @!p0 $0x1082;
	s9 =	sld [smem:$0x3FAA]  }
0x2f: {  	lr =	sadd.s32 s0, s3;
	s0 =	sld [smem:$0x3FA1]  }
0x30: {  	s3 =	sld [smem:$0x3FA4]  }
0x31: {  	[smem:$0x3FAD] =	sst s10  }
0x32: {  	s10 =	sld [smem:$0x3FAB];
	_ =	sdelay $0x3  }
0x33: {  	p0 =	seq.s32 s10, $0x1;
	s10 =	sld [smem:$0x3FAD];
	_ =	sdelay $0x3  }
0x34: {  	[smem:$0x3FAD] =	sst s10  }
0x35: {  	s10 =	sld [smem:$0x3FAC];
	_ =	sdelay $0x3  }
0x36: {  	p1 =	seq.s32 s10, $0x1;
	s10 =	sld [smem:$0x3FAD];
	_ =	sdelay $0x3  }
0x37: {  	[smem:$0x3FAD] =	sst s10  }
0x38: {  	s10 =	sld [smem:$0x3FAE]  }
0x39: {  	_ = 	snop;
	(pc) =	sbr.ind lr, $3  }
0x3a: {  	_ = 	snop  }
0x3b: {  	_ = 	snop  }
0x3c: {  	p2 =	seq.s32 s10, $0x1;
	s10 =	sld [smem:$0x3FAD]  }
0x3d: {  	_ =	shalt  }
0x3e: {  	_ =	shalt  }
0x3f: {  	_ =	shalt  }
0x40: {  	_ =	shalt  }
0x41: {  	_ =	shalt  }
0x42: {  	_ =	shalt  }
0x43: {  	_ =	shalt  }
0x44: {  	_ =	shalt  }
0x45: {  	_ =	shalt  }
0x46: {  	_ =	shalt  }
0x47: {  	_ =	shalt  }
0x48: {  	_ =	shalt  }
0x49: {  	_ =	shalt  }
0x4a: {  	_ =	shalt  }
0x4b: {  	_ =	shalt  }
0x4c: {  	_ =	shalt  }
0x4d: {  	_ =	shalt  }
0x4e: {  	_ =	shalt  }
0x4f: {  	_ =	shalt  }
0x50: {  	_ =	shalt  }
0x51: {  	_ =	shalt  }
0x52: {  	_ =	shalt  }
0x53: {  	_ =	shalt  }
0x54: {  	_ =	shalt  }
0x55: {  	_ =	shalt  }
0x56: {  	_ =	shalt  }
0x57: {  	_ =	shalt  }
0x58: {  	_ =	shalt  }
0x59: {  	_ =	shalt  }
0x5a: {  	_ =	shalt  }
0x5b: {  	_ =	shalt  }
0x5c: {  	_ =	shalt  }
0x5d: {  	_ =	shalt  }
0x5e: {  	_ =	shalt  }
0x5f: {  	_ =	shalt  }
0x60: {  	_ =	shalt  }
0x61: {  	_ =	shalt  }
0x62: {  	_ =	shalt  }
0x63: {  	_ =	shalt  }
0x64: {  	_ =	shalt  }
0x65: {  	_ =	shalt  }
0x66: {  	_ =	shalt  }
0x67: {  	_ =	shalt  }
0x68: {  	_ =	shalt  }
0x69: {  	_ =	shalt  }
0x6a: {  	_ =	shalt  }
0x6b: {  	_ =	shalt  }
0x6c: {  	_ =	shalt  }
0x6d: {  	_ =	shalt  }
0x6e: {  	_ =	shalt  }
0x6f: {  	_ =	shalt  }
0x70: {  	_ =	shalt  }
0x71: {  	_ =	shalt  }
0x72: {  	_ =	shalt  }
0x73: {  	_ =	shalt  }
0x74: {  	_ =	shalt  }
0x75: {  	_ =	shalt  }
0x76: {  	_ =	shalt  }
0x77: {  	_ =	shalt  }
0x78: {  	_ =	shalt  }
0x79: {  	_ =	shalt  }
0x7a: {  	_ =	shalt  }
0x7b: {  	_ =	shalt  }
0x7c: {  	_ =	shalt  }
0x7d: {  	_ =	shalt  }
0x7e: {  	_ =	shalt  }
0x7f: {  	_ =	shalt  }
0x80: {  	_ =	shalt  }
0x81: {  	_ =	shalt  }
0x82: {  	_ =	shalt  }
0x83: {  	_ =	shalt  }
0x84: {  	_ =	shalt  }
0x85: {  	_ =	shalt  }
0x86: {  	_ =	shalt  }
0x87: {  	_ =	shalt  }
.Lfunc_end0:
.L_simem_size_0:
called_computation.1_lowered:
.L_overlay_start_0:
0x88: {  	s2 =	sld [smem:$0x3FD9]  }
0x89: {  	s3 =	sld [smem:$0x3FFE];
	_ =	sdelay $0x1  }
0x8a: {  	s1 =	srdreg.scid  }
0x8b: {  	s0 =	sand.u32 $0x1, s1  }
0x8c: {  	s14 =	sshll.u32 s0, $0xA;
	s2 =	sadd.s32 s3, s2  }
0x8d: {  	s2 =	sadd.s32 s2, s14  }
0x8e: {  	[smem:$0x3FB9] =	sst s2  }
0x8f: {  	_ = 	snop  }
0x90: {  	s2 =	sld [smem:$0x3FD0];
	_ =	sdelay $0x2  }
0x91: {  	s15 =	simm.s32 $0xA;
	s4 =	simm.s32 $0x10  }
0x92: {  	[smem:s4], [sflag:s15] =	dma.local [hbm:s2], $0x1  }
0x93: {  	_ =	swait.eq [sflag:s15], $0x1  }
0x94: {  	[sflag:s15] =	ssyncset.done $0x0  }
0x95: {  	[sflag:s15] =	ssyncadd.s32 $0xFFFFFFFF  }
0x96: {  	s16 =	sld [smem:$0x11];
	(tm) =	ssettm $0x1  }
0x97: {  	s17 =	sld [smem:$0x3FFB];
	_ =	sdelay $0x3  }
0x98: {  	_ =	strace s17  }
0x99: {  	s3 =	sld [smem:$0x3FFC];
	_ =	sdelay $0x3  }
0x9a: {  	_ =	strace s3  }
0x9b: {  	s3 =	sld [smem:$0x3FFD];
	_ =	sdelay $0x3  }
0x9c: {  	_ =	strace s3  }
0x9d: {  	_ =	strace $0x8FFFFFFF  }
0x9e: {  	s18 =	sld [smem:$0x3FDB];
	_ =	sdelay $0x1  }
0x9f: {  	s19 =	simm.s32 $_scs_section_size  }
0xa0: {  	s5 =	simm.s32 $_size__tile_overlayer_lowered;
	s6 =	simm.s32 $_tile_overlayer_lowered  }
0xa1: {  	s22 =	simm.s32 $0x1BFF;
	s21 =	sshll.u32 s6, $0x1;
	s3 =	sadd.s32 s19, s18  }
0xa2: {  	s7 =	simm.s32 $0x0;
	s20 =	sshll.u32 s5, $0x1;
	s5 =	sadd.s32 s21, s3  }
0xa3: {  	[timem:s7], [sflag:s22] =	dma.local [hbm:s5], s20  }
0xa4: {  	_ =	swait.ge [sflag:s22], s20  }
0xa5: {  	s4 =	ssub.s32 $0x0, s20;
	[sflag:s22] =	ssyncset.done $0x0  }
0xa6: {  	[sflag:s22] =	ssyncadd.s32 s4;
	_ =	sdelay $0x1  }
0xa7: {  	s23 =	simm.s32 $0x1B8B  }
0xa8: {  	_ =	swait.ge [sflag:s23], $0x1  }
0xa9: {  	[sflag:s23] =	ssyncset.done $0x0  }
0xaa: {  	s25 =	simm.s32 $0x1B8E;
	s24 =	sld [smem:$0x3FFE];
	[sflag:s23] =	ssyncadd.s32 $0xFFFFFFFF  }
0xab: {  	s26 =	simm.s32 $execute0_lowered;
	[smem:$0x3FD2] =	sst s25  }
0xac: {  	s5 =	sshll.u32 s26, $0x1;
	_ =	strace $0x80000049;
	[dreg:$0x1] =	wrdreg $0xFFFFFFFF  }
0xad: {  	s28 =	simm.s32 $_size_execute0_lowered;
	s3 =	sadd.s32 s3, s5;
	[dreg:$0x0] =	wrdreg $0x0  }
0xae: {  	s5 =	sshll.u32 s28, $0x1;
	[dreg:$0x2] =	wrdreg s3  }
0xaf: {  	[dreg:$0x3] =	wrdreg s5  }
0xb0: {  	[dreg:$0x4] =	wrdreg $0xC0  }
0xb1: {  	_ =	task [dreg:s7], $0x5FFFF  }
0xb2: {  	[dreg:$0x1] =	wrdreg $0xFFFFFFFF  }
0xb3: {  	[dreg:$0x0] =	wrdreg $0x60  }
0xb4: {  	[dreg:$0x2] =	wrdreg s16  }
0xb5: {  	[dreg:$0x3] =	wrdreg s24  }
0xb6: {  	[dreg:$0x4] =	wrdreg $0x88000  }
0xb7: {  	[dreg:$0x5] =	wrdreg $0x9  }
0xb8: {  	_ =	task.clear_ibuf [dreg:s7], $0x6FFFF;
	_ =	strace $0x90000049  }
0xb9: {  	s29 =	simm.s32 $0x9;
	_ =	strace $0x8000004B  }
0xba: {  	_ =	swait.ge [sflag:s29], $0x1  }
0xbb: {  	[sflag:s29] =	ssyncadd.s32 $0xFFFFFFFF  }
0xbc: {  	_ =	strace $0x9000004B  }
0xbd: {  	_ =	sfence  }
0xbe: {  	s30 =	sld [smem:$0x0];
	_ =	sdelay $0x2  }
0xbf: {  	s31 =	sshll.u32 s1, $0xD;
	s1 =	sshrl.u32 s1, $0x2  }
0xc0: {  	s3 =	sand.u32 $0x4000, s31;
	s1 =	sadd.s32 s1, s30  }
0xc1: {  	s0 =	sor.u32 s3, s0;
	s1 =	sshll.u32 s1, $0x11  }
0xc2: {  	s0 =	sor.u32 s1, s0  }
0xc3: {  	s0 =	sadd.s32 $0x8F2B, s0  }
0xc4: {  	[sflag:s0] =	ssyncadd.remote.s32 $0x1  }
0xc5: {  	_ =	sfence.sel $0xFFFF  }
0xc6: {  	[dreg:$0x0] =	wrdreg $0xFFFFFFFF;
	(pc) =	sbr.abs _section_cstart, $3  }
0xc7: {  	[dreg:$0x1] =	wrdreg $0xFFFFFFFF  }
0xc8: {  	_ =	task.clear_ibuf [dreg:s7], $0x2FFFF;
	_ =	strace $0x9FFFFFFF  }
0xc9: {  	(tm) =	ssettm $0x7FFFFFFF  }
tec
execute0_lowered:
.L_overlay_start_1:
0x0: {  	(tag) =	ssettag $0x1  }
0x1: {  	s1 =	rddreg [dreg:$0x0]  }
0x2: {  	s0 =	rddreg [dreg:$0x1]  }
0x3: {  	s2 =	rddreg [dreg:$0x2];
	s3 =	simm.s32 $0x0  }
0x4: {  	s4 =	srdreg.scid;
	s13 =	stileid.u32;
	s28 =	simm.s32 $0x800  }
0x5: {  	s29 =	simm.s32 $0x2;
	s30 =	simm.s32 $0x1;
	s21 =	smul.u32 $0x4C0, s13  }
0x6: {  	s31 =	simm.s32 $0x0;
	[smem:$0x7FF] =	sst s3;
	s24 =	smul.u32 $0x13, s13  }
0x7: {  	s4 =	sand.u32 $0x1, s4;
	s5 =	sadd.s32 $0x3400, s0;
	s26 =	smul.u32 $0x2780, s13  }
0x8: {  	s8 =	sadd.s32 $0x16E00, s0;
	_ =	strace $0x8000004A;
	s7 =	smul.u32 $0x27800, s4  }
0x9: {  	s6 =	sshll.u32 s4, $0x4;
	[dreg:$0x4] =	wrdreg s8;
	s19 =	smul.u32 $0x4C00, s4  }
0xa: {  	s11 =	ssub.s32 $0x2, s4;
	s4 =	smul.u32 $0x130, s4;
	s6 =	sor.u32 s13, s6  }
0xb: {  	s12 =	sshrl.u32 s11, $0x1;
	s9 =	smul.u32 $0x13, s6;
	s0 =	sadd.s32 s7, s0  }
0xc: {  	s10 =	smin.u32 s6, $0x11;
	p0 =	slt.u32 s6, $0x11;
	s7 =	simm.s32 $0x14  }
0xd: {  	s8 =	ssub.s32 s11, s12;
	s12 =	smul.u32 $0x4F000, s13;
	s7 =	simm.s32 @!p0 $0x13  }
0xe: {  	s0 =	sadd.s32 $0x17600, s0;
	s25 =	sshll.u32 s10, $0x6;
	s4 =	sadd.s32 s4, s10  }
0xf: {  	s8 =	smax.u32 s8, $0x1;
	s14 =	sadd.s32 s10, s9;
	s18 =	sshrl.u32 s12, $0x2  }
0x10: {  	s4 =	sadd.s32 s24, s4;
	[dreg:$0xd] =	wrdreg s8;
	s0 =	sadd.s32 s26, s0  }
0x11: {  	s26 =	simm.s32 $0x80;
	s9 =	sshll.u32 s14, $0x9;
	s6 =	sshll.u32 s14, $0x6  }
0x12: {  	s12 =	sadd.s32 s18, s2;
	s4 =	sshll.u32 s4, $0x9;
	[dreg:$0xf] =	wrdreg s0  }
0x13: {  	s6 =	sadd.s32 s5, s6;
	s15 =	sadd.s32 $0x4E400, s9;
	s11 =	sshrl.u32 s9, $0x3  }
0x14: {  	s9 =	sadd.s32 $0x4E600, s9;
	s20 =	sadd.s32 $0x8000, s12;
	[dreg:$0x5] =	wrdreg s6  }
0x15: {  	s22 =	sadd.s32 $0xC000, s12;
	s6 =	sshrl.u32 s15, $0x3;
	[dreg:$0xa] =	wrdreg s20  }
0x16: {  	s16 =	sadd.s32 s5, s11;
	[dreg:$0xb] =	wrdreg s22;
	s6 =	sadd.s32 s5, s6  }
0x17: {  	s17 =	sshrl.u32 s9, $0x3;
	[dreg:$0x6] =	wrdreg s6;
	s6 =	sadd.s32 $0x40, s16  }
0x18: {  	s23 =	sadd.s32 $0x10000, s12;
	[dreg:$0x7] =	wrdreg s6;
	s6 =	sadd.s32 s5, s17  }
0x19: {  	s4 =	sadd.s32 $0x400, s4;
	[dreg:$0x8] =	wrdreg s6;
	s6 =	sadd.s32 s19, s5  }
0x1a: {  	s9 =	sadd.s32 $0x4000, s12;
	[dreg:$0xc] =	wrdreg s23;
	s6 =	sadd.s32 s21, s6  }
0x1b: {  	[dreg:$0xe] =	wrdreg s4;
	s20 =	simm.s32 $0x5;
	s6 =	sadd.s32 s25, s6  }
0x1c: {  	[dreg:$0x9] =	wrdreg s9;
	s25 =	simm.s32 $0x4800;
	s6 =	sadd.s32 $0x80, s6  }
.LBB2_1:
0x1d: {  	s0 =	rddreg [dreg:$0x5]  }
0x1e: {  	[tilespmem:s3], [sflag:$0x5] =	stream.linear.gather [hbm4b:s0+s3], $0x200, $0x38;
	[tilespmem:$0x1C400] =	vst v63  }
0x1f: {  	_ =	swait.ge [sflag:s20], $0x200  }
0x20: {  	[sflag:s20] =	ssyncset.done $0x0  }
0x21: {  	s4 =	simm.s32 $0x400;
	s11 =	rddreg [dreg:$0x6];
	[sflag:s20] =	ssyncadd.s32 $0xFFFFFE00  }
0x22: {  	[tilespmem:s4], [sflag:$0x5] =	stream.linear.gather [hbm4b:s11+s3], $0x200, $0x38;
	[tilespmem:$0x1C400] =	vst v63  }
0x23: {  	_ =	swait.ge [sflag:s20], $0x200  }
0x24: {  	[sflag:s20] =	ssyncset.done $0x0  }
0x25: {  	s14 =	simm.s32 $0x200;
	s13 =	rddreg [dreg:$0x7];
	[sflag:s20] =	ssyncadd.s32 $0xFFFFFE00  }
0x26: {  	[tilespmem:s14], [sflag:$0x4] =	stream.linear.gather [hbm4b:s13+s3], $0x200, $0x38;
	[tilespmem:$0x1C400] =	vst v63  }
0x27: {  	s16 =	simm.s32 $0x600;
	s15 =	rddreg [dreg:$0x8]  }
0x28: {  	[tilespmem:s16], [sflag:$0x4] =	stream.linear.gather [hbm4b:s15+s3], $0x200, $0x38;
	[tilespmem:$0x1C400] =	vst v63  }
0x29: {  	s17 =	rddreg [dreg:$0x4]  }
0x2a: {  	[tilespmem:s25], [sflag:$0x2] =	stream.linear.gather [hbm4b:s17+s3], $0x4000, $0x38;
	[tilespmem:$0x1C400] =	vst v63  }
0x2b: {  	_ = 	snop  }
0x2c: {  	[tilespmem:s28], [sflag:$0x1] =	stream.indirect.gather [hbm4b:s1+s26], $0x80, s3, s26, $0xb8;
	[tilespmem:$0x1C400] =	vst v63  }
0x2d: {  	_ =	swait.ge [sflag:s29], $0x4000  }
0x2e: {  	[sflag:s29] =	ssyncset.done $0x0  }
0x2f: {  	[sflag:s29] =	ssyncadd.s32 $0xFFFFC000  }
0x30: {  	[spmem:s12] =	stream.linear.scatter [tilespmem:s25], [sflag:$0x5], $0x4000, $0x38;
	[tilespmem:$0x1C400] =	vst v63  }
0x31: {  	_ =	swait.ge [sflag:s20], $0x4000  }
0x32: {  	[sflag:s20] =	ssyncset.done $0x0  }
0x33: {  	s18 =	rddreg [dreg:$0x9];
	[sflag:s20] =	ssyncadd.s32 $0xFFFFC000  }
0x34: {  	[spmem:s18] =	stream.linear.scatter [tilespmem:s25], [sflag:$0x5], $0x4000, $0x38;
	[tilespmem:$0x1C400] =	vst v63  }
0x35: {  	_ =	swait.ge [sflag:s20], $0x4000  }
0x36: {  	[sflag:s20] =	ssyncset.done $0x0  }
0x37: {  	s21 =	rddreg [dreg:$0xa];
	[sflag:s20] =	ssyncadd.s32 $0xFFFFC000  }
0x38: {  	[spmem:s21] =	stream.linear.scatter [tilespmem:s25], [sflag:$0x5], $0x4000, $0x38;
	[tilespmem:$0x1C400] =	vst v63  }
0x39: {  	_ =	swait.ge [sflag:s20], $0x4000  }
0x3a: {  	[sflag:s20] =	ssyncset.done $0x0  }
0x3b: {  	s22 =	rddreg [dreg:$0xb];
	[sflag:s20] =	ssyncadd.s32 $0xFFFFC000  }
0x3c: {  	[spmem:s22] =	stream.linear.scatter [tilespmem:s25], [sflag:$0x5], $0x4000, $0x38;
	[tilespmem:$0x1C400] =	vst v63  }
0x3d: {  	_ =	swait.ge [sflag:s20], $0x4000  }
0x3e: {  	[sflag:s20] =	ssyncset.done $0x0  }
0x3f: {  	s23 =	rddreg [dreg:$0xc];
	[sflag:s20] =	ssyncadd.s32 $0xFFFFC000  }
0x40: {  	[spmem:s23] =	stream.linear.scatter [tilespmem:s25], [sflag:$0x5], $0x3C00, $0x38;
	[tilespmem:$0x1C400] =	vst v63  }
0x41: {  	_ =	swait.ge [sflag:s20], $0x3C00  }
0x42: {  	[sflag:s20] =	ssyncset.done $0x0  }
0x43: {  	[sflag:s20] =	ssyncadd.s32 $0xFFFFC400  }
0x44: {  	[tilespmem:s25], [sflag:$0x2] =	stream.indirect.gather [hbm4b:s1+s26], $0x80, s26, s26, $0xb8;
	[tilespmem:$0x1C400] =	vst v63  }
0x45: {  	[bflag:$0x0] =	sbarrier.arrive $0xFFFF  }
0x46: {  	s8 =	sand.u32 $0x1, s3;
	_ =	swait.ge [sflag:s30], $0x4000  }
0x47: {  	s0 =	sshll.u32 s8, $0x9;
	[sflag:s30] =	ssyncset.done $0x0  }
0x48: {  	s4 =	sor.u32 $0x400, s0;
	[sflag:s30] =	ssyncadd.s32 $0xFFFFC000  }
0x49: {  	[spmem:s2] =	stream.indirect.scatter.add.f32 [tilespmem:s28], [sflag:$0x5], $0x80, s4, s26, $0xb8;
	[tilespmem:$0x1C400] =	vst v63  }
0x4a: {  	_ =	swait.ge [sflag:s20], $0x4000  }
0x4b: {  	[sflag:s20] =	ssyncset.done $0x0  }
0x4c: {  	s9 =	sor.u32 $0x100, s0;
	[sflag:s20] =	ssyncadd.s32 $0xFFFFC000  }
0x4d: {  	[tilespmem:s28], [sflag:$0x1] =	stream.indirect.gather [hbm4b:s1+s26], $0x80, s9, s26, $0xb8;
	[tilespmem:$0x1C400] =	vst v63  }
0x4e: {  	_ =	swait.ge [sflag:s29], $0x4000  }
0x4f: {  	[sflag:s29] =	ssyncset.done $0x0  }
0x50: {  	s24 =	sor.u32 $0x480, s0;
	[sflag:s29] =	ssyncadd.s32 $0xFFFFC000  }
0x51: {  	[spmem:s2] =	stream.indirect.scatter.add.f32 [tilespmem:s25], [sflag:$0x5], $0x80, s24, s26, $0xb8;
	[tilespmem:$0x1C400] =	vst v63  }
0x52: {  	_ =	swait.ge [sflag:s20], $0x4000  }
0x53: {  	[sflag:s20] =	ssyncset.done $0x0  }
0x54: {  	s9 =	sor.u32 $0x180, s0;
	[sflag:s20] =	ssyncadd.s32 $0xFFFFC000  }
0x55: {  	[tilespmem:s25], [sflag:$0x2] =	stream.indirect.gather [hbm4b:s1+s26], $0x80, s9, s26, $0xb8;
	[tilespmem:$0x1C400] =	vst v63  }
0x56: {  	_ =	swait.ge [sflag:s30], $0x4000  }
0x57: {  	[sflag:s30] =	ssyncset.done $0x0  }
0x58: {  	s10 =	sor.u32 $0x500, s0;
	[sflag:s30] =	ssyncadd.s32 $0xFFFFC000  }
0x59: {  	[spmem:s2] =	stream.indirect.scatter.add.f32 [tilespmem:s28], [sflag:$0x5], $0x80, s10, s26, $0xb8;
	[tilespmem:$0x1C400] =	vst v63  }
0x5a: {  	_ =	swait.ge [sflag:s20], $0x4000  }
0x5b: {  	p0 =	sle.u32 s7, $0x1;
	[sflag:s20] =	ssyncset.done $0x0  }
0x5c: {  	s10 =	simm.s32 @p0 $0x2;
	[sflag:s20] =	ssyncadd.s32 $0xFFFFC000  }
0x5d: {  	_ =	swait.ge @p0 [sflag:s10], $0x4000  }
0x5e: {  	s11 =	simm.s32 @p0 $0x4800;
	s13 =	simm.s32 @p0 $0x5;
	[sflag:s10] =	ssyncset.done @p0 $0x0  }
0x5f: {  	s15 =	simm.s32 @p0 $0x80;
	s14 =	sor.u32 @p0 $0x400, s9;
	[sflag:s10] =	ssyncadd.s32 @p0 $0xFFFFC000  }
0x60: {  	[spmem:s2] =	stream.indirect.scatter.add.f32 @p0 [tilespmem:s11], [sflag:$0x5], $0x80, s14, s15, $0xb8;
	[tilespmem:$0x1C400] =	vst v63  }
0x61: {  	_ =	swait.ge @p0 [sflag:s13], $0x4000  }
0x62: {  	s10 =	sxor.u32 @!p0 $0x1, s8;
	[sflag:s13] =	ssyncset.done @p0 $0x0  }
0x63: {  	s14 =	sadd.s32 @!p0 $0x3, s10;
	[sflag:s13] =	ssyncadd.s32 @p0 $0xFFFFC000  }
0x64: {  	_ =	swait.ge @!p0 [sflag:s14], $0x200  }
0x65: {  	[sflag:s14] =	ssyncset.done @!p0 $0x0  }
0x66: {  	[sflag:s14] =	ssyncadd.s32 @!p0 $0xFFFFFE00  }
0x67: {  	_ =	swait.ge @!p0 [sflag:s14], $0x200  }
0x68: {  	s10 =	sshll.u32 @!p0 s10, $0x9;
	s15 =	simm.s32 @!p0 $0x2;
	[sflag:s14] =	ssyncset.done @!p0 $0x0  }
0x69: {  	s11 =	simm.s32 @!p0 $0x80;
	s13 =	simm.s32 @!p0 $0x800;
	[sflag:s14] =	ssyncadd.s32 @!p0 $0xFFFFFE00  }
0x6a: {  	[tilespmem:s13], [sflag:$0x1] =	stream.indirect.gather @!p0 [hbm4b:s1+s11], $0x80, s10, s11, $0xb8;
	[tilespmem:$0x1C400] =	vst v63  }
0x6b: {  	s19 =	smov.u32 s12;
	_ =	swait.ge @!p0 [sflag:s15], $0x4000  }
0x6c: {  	p1 =	sne.s32 s7, $0x1;
	p2 =	sle.u32 s7, $0x2;
	[sflag:s15] =	ssyncset.done @!p0 $0x0  }
0x6d: {  	s9 =	sor.u32 @!p0 $0x400, s9;
	s13 =	simm.s32 @!p0 $0x4800;
	[sflag:s15] =	ssyncadd.s32 @!p0 $0xFFFFC000  }
0x6e: {  	[spmem:s2] =	stream.indirect.scatter.add.f32 @!p0 [tilespmem:s13], [sflag:$0x5], $0x80, s9, s11, $0xb8;
	[tilespmem:$0x1C400] =	vst v63  }
.Ltmp0:
0x6f: {  	s16 =	simm.s32 @!p0 $0x5;
	s18 =	smov.u32 s6;
	(pc) =	sbr.rel @!p1 .LBB2_3-.Ltmp0, $4  }
0x70: {  	s21 =	simm.s32 $0x1;
	s22 =	sadd.s32 $0x40, s6;
	_ =	swait.ge @!p0 [sflag:s16], $0x4000  }
0x71: {  	s14 =	sadd.s32 @!p2 $0x3, s8;
	s10 =	sor.u32 @!p0 $0x80, s10;
	s9 =	rddreg [dreg:$0xe]  }
0x72: {  	s15 =	simm.s32 @!p2 $0x0;
	[sflag:s16] =	ssyncset.done @!p0 $0x0;
	s8 =	sand.u32 @!p2 $0x7FFFFE00, s9  }
0x73: {  	s23 =	sadd.s32 $0x200, s9;
	[sflag:s16] =	ssyncadd.s32 @!p0 $0xFFFFC000;
	s16 =	sadd.s32 @!p2 $0x4E400, s8  }
.LBB2_2:
0x74: {  	[tilespmem:s13], [sflag:$0x2] =	stream.indirect.gather @!p0 [hbm4b:s1+s11], $0x80, s10, s11, $0xb8;
	[tilespmem:$0x1C400] =	vst v63  }
0x75: {  	s9 =	smov.u32 s21  }
0x76: {  	s21 =	sadd.s32 $0x1, s21;
	s10 =	sshrl.u32 @!p2 s16, $0x3;
	s8 =	sand.u32 $0x1, s9  }
0x77: {  	[tilespmem:s0], [sflag:s14] =	stream.linear.gather @!p2 [hbm4b:s18+s15], $0x200, $0x38;
	[tilespmem:$0x1C400] =	vst v63  }
0x78: {  	p1 =	sne.s32 s7, s21;
	s10 =	sadd.s32 @!p2 s5, s10;
	s0 =	sshll.u32 s8, $0x9  }
0x79: {  	[tilespmem:s4], [sflag:s14] =	stream.linear.gather @!p2 [hbm4b:s10+s15], $0x200, $0x38;
	[tilespmem:$0x1C400] =	vst v63  }
0x7a: {  	s18 =	smov.u32 s22;
	_ =	swait.ge [sflag:s30], $0x4000  }
0x7b: {  	[sflag:s30] =	ssyncset.done $0x0  }
0x7c: {  	[sflag:s30] =	ssyncadd.s32 $0xFFFFC000  }
0x7d: {  	s4 =	sor.u32 $0x400, s0;
	s10 =	sor.u32 $0x100, s0  }
0x7e: {  	[spmem:s2] =	stream.indirect.scatter.add.f32 [tilespmem:s28], [sflag:$0x5], $0x80, s4, s26, $0xb8;
	[tilespmem:$0x1C400] =	vst v63  }
0x7f: {  	_ =	swait.ge [sflag:s20], $0x4000  }
0x80: {  	[sflag:s20] =	ssyncset.done $0x0  }
0x81: {  	s11 =	sor.u32 $0x480, s0;
	[sflag:s20] =	ssyncadd.s32 $0xFFFFC000  }
0x82: {  	[tilespmem:s28], [sflag:$0x1] =	stream.indirect.gather [hbm4b:s1+s26], $0x80, s10, s26, $0xb8;
	[tilespmem:$0x1C400] =	vst v63  }
0x83: {  	_ =	swait.ge [sflag:s29], $0x4000  }
0x84: {  	[sflag:s29] =	ssyncset.done $0x0  }
0x85: {  	s10 =	sor.u32 $0x180, s0;
	[sflag:s29] =	ssyncadd.s32 $0xFFFFC000  }
0x86: {  	[spmem:s2] =	stream.indirect.scatter.add.f32 [tilespmem:s25], [sflag:$0x5], $0x80, s11, s26, $0xb8;
	[tilespmem:$0x1C400] =	vst v63  }
0x87: {  	_ =	swait.ge [sflag:s20], $0x4000  }
0x88: {  	[sflag:s20] =	ssyncset.done $0x0  }
0x89: {  	s11 =	sor.u32 $0x500, s0;
	[sflag:s20] =	ssyncadd.s32 $0xFFFFC000  }
0x8a: {  	[tilespmem:s25], [sflag:$0x2] =	stream.indirect.gather [hbm4b:s1+s26], $0x80, s10, s26, $0xb8;
	[tilespmem:$0x1C400] =	vst v63  }
0x8b: {  	_ =	swait.ge [sflag:s30], $0x4000  }
0x8c: {  	p0 =	sge.u32 s21, s7;
	[sflag:s30] =	ssyncset.done $0x0  }
0x8d: {  	s13 =	simm.s32 @p0 $0x2;
	s14 =	sxor.u32 @!p0 $0x1, s8;
	[sflag:s30] =	ssyncadd.s32 $0xFFFFC000  }
0x8e: {  	[spmem:s2] =	stream.indirect.scatter.add.f32 [tilespmem:s28], [sflag:$0x5], $0x80, s11, s26, $0xb8;
	[tilespmem:$0x1C400] =	vst v63  }
0x8f: {  	s15 =	simm.s32 @p0 $0x5;
	s11 =	simm.s32 @p0 $0x4800;
	_ =	swait.ge [sflag:s20], $0x4000  }
0x90: {  	s17 =	simm.s32 @p0 $0x80;
	s16 =	sor.u32 @p0 $0x400, s10;
	[sflag:s20] =	ssyncset.done $0x0  }
0x91: {  	s24 =	sshll.u32 @!p0 s14, $0x9;
	s12 =	sor.u32 @!p0 $0x400, s10;
	[sflag:s20] =	ssyncadd.s32 $0xFFFFC000  }
0x92: {  	s10 =	sor.u32 @!p0 $0x80, s24;
	_ =	swait.ge @p0 [sflag:s13], $0x4000  }
0x93: {  	[sflag:s13] =	ssyncset.done @p0 $0x0  }
0x94: {  	[sflag:s13] =	ssyncadd.s32 @p0 $0xFFFFC000;
	s13 =	sadd.s32 @!p0 $0x3, s14  }
0x95: {  	[spmem:s2] =	stream.indirect.scatter.add.f32 @p0 [tilespmem:s11], [sflag:$0x5], $0x80, s16, s17, $0xb8;
	[tilespmem:$0x1C400] =	vst v63  }
0x96: {  	_ =	swait.ge @p0 [sflag:s15], $0x4000  }
0x97: {  	[sflag:s15] =	ssyncset.done @p0 $0x0  }
0x98: {  	[sflag:s15] =	ssyncadd.s32 @p0 $0xFFFFC000  }
0x99: {  	s14 =	simm.s32 @!p0 $0x2;
	_ =	swait.ge @!p0 [sflag:s13], $0x200  }
0x9a: {  	s11 =	simm.s32 @!p0 $0x80;
	s15 =	simm.s32 @!p0 $0x800;
	[sflag:s13] =	ssyncset.done @!p0 $0x0  }
0x9b: {  	[sflag:s13] =	ssyncadd.s32 @!p0 $0xFFFFFE00  }
0x9c: {  	_ =	swait.ge @!p0 [sflag:s13], $0x200  }
0x9d: {  	[sflag:s13] =	ssyncset.done @!p0 $0x0  }
0x9e: {  	s16 =	simm.s32 @!p0 $0x5;
	[sflag:s13] =	ssyncadd.s32 @!p0 $0xFFFFFE00;
	s13 =	simm.s32 @!p0 $0x4800  }
0x9f: {  	[tilespmem:s15], [sflag:$0x1] =	stream.indirect.gather @!p0 [hbm4b:s1+s11], $0x80, s24, s11, $0xb8;
	[tilespmem:$0x1C400] =	vst v63  }
0xa0: {  	_ =	swait.ge @!p0 [sflag:s14], $0x4000  }
0xa1: {  	s9 =	sadd.s32 $0x2, s9;
	[sflag:s14] =	ssyncset.done @!p0 $0x0  }
.Ltmp1:
0xa2: {  	p2 =	sge.u32 s9, s7;
	[sflag:s14] =	ssyncadd.s32 @!p0 $0xFFFFC000;
	(pc) =	sbr.rel @p1 .LBB2_2-.Ltmp1, $4  }
0xa3: {  	[spmem:s2] =	stream.indirect.scatter.add.f32 @!p0 [tilespmem:s13], [sflag:$0x5], $0x80, s12, s11, $0xb8;
	[tilespmem:$0x1C400] =	vst v63  }
0xa4: {  	s14 =	sadd.s32 @!p2 $0x3, s8;
	s8 =	sand.u32 @!p2 $0x7FFFFE00, s23;
	_ =	swait.ge @!p0 [sflag:s16], $0x4000  }
0xa5: {  	s22 =	sadd.s32 $0x40, s22;
	s23 =	sadd.s32 $0x200, s23;
	[sflag:s16] =	ssyncset.done @!p0 $0x0  }
0xa6: {  	s15 =	simm.s32 @!p2 $0x0;
	[sflag:s16] =	ssyncadd.s32 @!p0 $0xFFFFC000;
	s16 =	sadd.s32 @!p2 $0x4E400, s8  }
.LBB2_3:
0xa7: {  	[tilespmem:s13], [sflag:$0x2] =	stream.indirect.gather @!p0 [hbm4b:s1+s11], $0x80, s10, s11, $0xb8;
	[tilespmem:$0x1C400] =	vst v63  }
0xa8: {  	s8 =	sshrl.u32 @!p2 s16, $0x3  }
0xa9: {  	[tilespmem:s0], [sflag:s14] =	stream.linear.gather @!p2 [hbm4b:s18+s15], $0x200, $0x38;
	[tilespmem:$0x1C400] =	vst v63  }
0xaa: {  	s21 =	stileid.u32;
	s0 =	sadd.s32 @!p2 s5, s8  }
0xab: {  	[tilespmem:s4], [sflag:s14] =	stream.linear.gather @!p2 [hbm4b:s0+s15], $0x200, $0x38;
	[tilespmem:$0x1C400] =	vst v63  }
0xac: {  	s0 =	sshll.u32 s21, $0x6;
	[bflag:$0x0] =	sbarrier.arrive $0xFFFF  }
0xad: {  	s22 =	sshrl.u32 s19, $0x3;
	s0 =	sor.u32 $0x1C05, s0;
	s23 =	rddreg [dreg:$0xf]  }
0xae: {  	[hbm:s23], [sflag:s0] =	dma.local [spmem:s22], $0x2780  }
0xaf: {  	_ =	swait.ge [sflag:s20], $0x2780  }
0xb0: {  	s31 =	sadd.s32 $0x1, s31;
	s24 =	rddreg [dreg:$0xd]  }
0xb1: {  	p0 =	sne.s32 s31, s24  }
.Ltmp2:
0xb2: {  	_ = 	snop;
	(pc) =	sbr.rel @p0 .LBB2_1-.Ltmp2, $3  }
0xb3: {  	_ =	sdelay $0x1  }
0xb4: {  	[sflag:s20] =	ssyncset.done $0x0  }
0xb5: {  	s12 =	smov.u32 s19;
	[sflag:s20] =	ssyncadd.s32 $0xFFFFD880  }
0xb6: {  	_ =	sfence.sel $0x180000  }
0xb7: {  	[bflag:$0x0] =	sbarrier.arrive $0xFFFF  }
0xb8: {  	_ =	strace $0x9000004A  }
0xb9: {  	s0 =	stileid.u32;
	[bflag:$0x2] =	sbarrier.arrive $0xFFFF  }
0xba: {  	p0 =	sne.s32 s0, $0x0;
	s0 =	rddreg [dreg:$0x3]  }
0xbb: {  	s0 =	sadd.s32 @!p0 $0x100000, s0  }
0xbc: {  	[sflag:s0] =	ssyncadd.tile.s32 @!p0 $0x1;
	_ =	shalt  }
.Lfunc_end2:
_tile_overlayer_lowered:
.L_overlay_start_2:
0xbd: {  	(tag) =	ssettag $0x2  }
0xbe: {  	s0 =	rddreg [dreg:$0x0];
	s2 =	stileid.u32  }
0xbf: {  	s1 =	rddreg [dreg:$0x1];
	p0 =	sne.s32 s2, $0x0  }
0xc0: {  	s3 =	rddreg [dreg:$0x2];
	[bflag:$0x3] =	sbarrier.arrive $0xFFFF;
	s2 =	simm.s32 @!p0 $0x1C05  }
0xc1: {  	[timem:s3], [sflag:s2] =	dma.local @!p0 [hbm:s0], s1  }
0xc2: {  	s0 =	simm.s32 @!p0 $0x5  }
0xc3: {  	_ =	swait.ge @!p0 [sflag:s0], s1  }
0xc4: {  	s1 =	ssub.s32 @!p0 $0x0, s1;
	[sflag:s0] =	ssyncset.done @!p0 $0x0  }
0xc5: {  	[sflag:s0] =	ssyncadd.s32 @!p0 s1  }
0xc6: {  	[bflag:$0x3] =	sbarrier.arrive $0xFFFF  }
0xc7: {  	_ =	shalt  }

</sc_bundles>
